<compile_context>
chip_gen: v7x
topology: tpu7x:2x2x1
jax: 0.10.2.dev20260603
libtpu: 0.0.44.dev20260713+nightly
codegen_flags: <defaults>
</compile_context>

<pallas_src>
import functools

import jax
import jax.numpy as jnp
from jax import lax
from jax.experimental import pallas as pl
from jax.experimental.pallas import tpu as pltpu
from jax.experimental.pallas import tpu_sc as plsc

V = 100000
D = 128
G = 50000
S = 2048

NC = 2
NS = 16
L = 16
NW = NC * NS

GP = 50176
BLK = 112
SROWS = S // NW
DV = D // L

RA, RB = 2016, 1120
BA, BB = RA // BLK, RB // BLK
NVA, NVB = RA // L, RB // L
CB = NS * RA
TAIL = G - CB - (NS - 1) * RB
NBUF = 7


def _sc_body(table, src_idx, mask1d, w_pad, sent, pc_rows, pc_tm,
             src_idx_v, sent_buf, mask_v, w_v, scale_v, rows2,
             acc_v, tm_v, cvec_v, loc_rows, loc_tm, acc2_v,
             shared_rows, shared_tm, sems, sem_s):
    c = lax.axis_index("c")
    s = lax.axis_index("s")
    wid = c * NS + s

    pltpu.sync_copy(src_idx.at[pl.ds(wid * SROWS, SROWS)], src_idx_v)
    sent_cp = pltpu.async_copy(table.at[src_idx_v], sent_buf, sem_s)

    @pl.when(c == 0)
    def _():
        pltpu.sync_copy(mask1d.at[pl.ds(s * RA, RA)], mask_v)
        pltpu.sync_copy(w_pad.at[pl.ds(s * RA, RA)], w_v)

    @pl.when((c == 1) & (s < NS - 1))
    def _():
        pltpu.sync_copy(mask1d.at[pl.ds(CB + s * RB, RB)],
                        mask_v.at[pl.ds(0, RB)])
        pltpu.sync_copy(w_pad.at[pl.ds(CB + s * RB, RB)],
                        w_v.at[pl.ds(0, RB)])

    @pl.when((c == 1) & (s == NS - 1))
    def _():
        pltpu.sync_copy(mask1d.at[pl.ds(G - TAIL, TAIL)],
                        mask_v.at[pl.ds(0, TAIL)])
        pltpu.sync_copy(w_pad.at[pl.ds(G - TAIL, TAIL)],
                        w_v.at[pl.ds(0, TAIL)])
        for i in range(TAIL // L, RB // L):
            mask_v[pl.ds(i * L, L)] = jnp.zeros((L,), jnp.int32)
            w_v[pl.ds(i * L, L)] = jnp.full((L,), -1e30, jnp.float32)

    nvec = jnp.where(c == 0, NVA, NVB)
    nblk = jnp.where(c == 0, BA, BB)

    def start(blk, p):
        idx = mask_v.at[pl.ds(pl.multiple_of(blk * BLK, 8), BLK)]
        pltpu.async_copy(table.at[idx], rows2.at[p], sems.at[p])

    for p in range(NBUF):
        start(p, p)

    def maxbody(i, mv):
        return jnp.maximum(mv, w_v[pl.ds(i * L, L)])
    mv = lax.fori_loop(1, nvec, maxbody, w_v[pl.ds(0, L)])
    m_w = jnp.max(mv)

    def expbody(i, t):
        sv = jnp.exp(w_v[pl.ds(i * L, L)] - m_w)
        scale_v[pl.ds(i * L, L)] = sv
        return t + sv
    tacc = lax.fori_loop(0, nvec, expbody, jnp.zeros((L,), jnp.float32))
    t_w = jnp.sum(tacc)

    acc = tuple(jnp.zeros((L,), jnp.float32) for _ in range(DV))

    def outer(b, a):
        p = lax.rem(b, NBUF)
        pltpu.make_async_copy(table.at[mask_v.at[pl.ds(0, BLK)]],
                              rows2.at[0], sems.at[p]).wait()

        def grp(g16, aa):
            base = b * BLK + g16 * L
            sv16 = scale_v[pl.ds(base, L)]
            for u in range(L):
                s_u = sv16[u]
                row = g16 * L + u
                aa = tuple(aa[j] + s_u * rows2[p, row, pl.ds(j * L, L)]
                           for j in range(DV))
            return aa

        a = lax.fori_loop(0, BLK // L, grp, a)

        @pl.when(b + NBUF < nblk)
        def _():
            start(b + NBUF, p)
        return a

    acc = lax.fori_loop(0, nblk, outer, acc)

    sent_cp.wait()
    pltpu.sync_copy(sent_buf, sent.at[pl.ds(wid * SROWS, SROWS)])

    for j in range(DV):
        acc_v[pl.ds(j * L, L)] = acc[j]
    lane = lax.broadcasted_iota(jnp.int32, (L,), 0)
    tm_v[...] = jnp.where(lane == 0, t_w, jnp.where(lane == 1, m_w, 0.0))
    pltpu.sync_copy(acc_v, shared_rows.at[s])
    pltpu.sync_copy(tm_v, shared_tm.at[s])
    plsc.subcore_barrier()

    @pl.when(s == 0)
    def _():
        pltpu.sync_copy(shared_rows, loc_rows)
        pltpu.sync_copy(shared_tm, loc_tm)
        iot = lax.broadcasted_iota(jnp.int32, (L,), 0)
        ones_col = jnp.full((L,), 1, jnp.int32)
        zero_col = jnp.full((L,), 0, jnp.int32)
        m_vec = plsc.load_gather(loc_tm, [iot, ones_col])
        t_vec = plsc.load_gather(loc_tm, [iot, zero_col])
        m_c = jnp.max(m_vec)
        c_vec = jnp.exp(m_vec - m_c)
        t_c = jnp.sum(c_vec * t_vec)
        cvec_v[...] = c_vec

        def comb(w, aa):
            cb = plsc.load_gather(cvec_v, [jnp.full((L,), w, jnp.int32)])
            return tuple(aa[j] + cb * loc_rows[w, pl.ds(j * L, L)]
                         for j in range(DV))
        acc2 = lax.fori_loop(
            0, NS, comb, tuple(jnp.zeros((L,), jnp.float32)
                               for _ in range(DV)))
        for j in range(DV):
            acc2_v[pl.ds(j * L, L)] = acc2[j]
        tm_v[...] = jnp.where(lane == 0, t_c, jnp.where(lane == 1, m_c, 0.0))
        pltpu.sync_copy(acc2_v, pc_rows.at[c])
        pltpu.sync_copy(tm_v, pc_tm.at[c])


assert TAIL % L == 0 and TAIL % 8 == 0 and (G - TAIL) % 8 == 0

_sc_call = functools.partial(
    pl.kernel,
    out_type=(
        jax.ShapeDtypeStruct((S, D), jnp.float32),
        jax.ShapeDtypeStruct((NC, D), jnp.float32),
        jax.ShapeDtypeStruct((NC, L), jnp.float32),
    ),
    mesh=plsc.VectorSubcoreMesh(core_axis_name="c", subcore_axis_name="s",
                                num_cores=NC, num_subcores=NS),
    compiler_params=pltpu.CompilerParams(needs_layout_passes=False),
    scratch_types=[
        pltpu.VMEM((SROWS,), jnp.int32),
        pltpu.VMEM((SROWS, D), jnp.float32),
        pltpu.VMEM((RA,), jnp.int32),
        pltpu.VMEM((RA,), jnp.float32),
        pltpu.VMEM((RA,), jnp.float32),
        pltpu.VMEM((NBUF, BLK, D), jnp.float32),
        pltpu.VMEM((D,), jnp.float32),
        pltpu.VMEM((L,), jnp.float32),
        pltpu.VMEM((L,), jnp.float32),
        pltpu.VMEM((NS, D), jnp.float32),
        pltpu.VMEM((NS, L), jnp.float32),
        pltpu.VMEM((D,), jnp.float32),
        pltpu.VMEM_SHARED((NS, D), jnp.float32),
        pltpu.VMEM_SHARED((NS, L), jnp.float32),
        pltpu.SemaphoreType.DMA((NBUF,)),
        pltpu.SemaphoreType.DMA,
    ],
)(_sc_body)


def _combine_body(sent_in, pr_ref, tm_ref, idx_ref, out_ref, row_v, sem):
    del sent_in
    t0 = tm_ref[0, 0]
    m0 = tm_ref[0, 1]
    t1 = tm_ref[1, 0]
    m1 = tm_ref[1, 1]
    m = jnp.maximum(m0, m1)
    c0 = jnp.exp(m0 - m)
    c1 = jnp.exp(m1 - m)
    denom = c0 * t0 + c1 * t1
    row_v[...] = (c0 * pr_ref[0:1, :] + c1 * pr_ref[1:2, :]) / denom
    cp = pltpu.make_async_copy(row_v, out_ref.at[pl.ds(idx_ref[0], 1)], sem)
    cp.start()
    cp.wait()


def _combine(sent, pc_rows, pc_tm, idx_arr):
    return pl.pallas_call(
        _combine_body,
        out_shape=jax.ShapeDtypeStruct((S, D), jnp.float32),
        in_specs=[
            pl.BlockSpec(memory_space=pl.ANY),
            pl.BlockSpec(memory_space=pltpu.MemorySpace.VMEM),
            pl.BlockSpec(memory_space=pltpu.MemorySpace.VMEM),
            pl.BlockSpec(memory_space=pltpu.MemorySpace.SMEM),
        ],
        out_specs=pl.BlockSpec(memory_space=pl.ANY),
        scratch_shapes=[pltpu.VMEM((1, D), jnp.float32),
                        pltpu.SemaphoreType.DMA],
        input_output_aliases={0: 0},
    )(sent, pc_rows, pc_tm, idx_arr)


def kernel(src, tgt, src_lengths, embed_weights, mask, weights, index):
    sent, pc_rows, pc_tm = _sc_call(embed_weights, src[:, 0], mask, weights)
    idx_arr = jnp.asarray(index, jnp.int32).reshape(1)
    sent = _combine(sent, pc_rows, pc_tm, idx_arr)
    return (sent, tgt, src_lengths)

# --- scband reference (transcript-rebuilt; emitter-appended) ---
"""Pipeline reference for scband-linear-combiner-36155034698240 (READ-ONLY COPY).

The authoritative reference and input builder live on the scoring server;
editing this copy changes nothing except your own understanding.
"""

import jax, jax.numpy as jnp
import numpy as np

V = 100000   # vocab size
D = 128      # embedding dim
G = 50000    # size of good_vocab subset
S = 2048     # source sentence length
INDEX = 5    # replace position


def setup_inputs(seed: int = 0) -> dict:
    key = jax.random.key(seed)
    k1, k2, k3, k4 = jax.random.split(key, 4)
    src = jax.random.randint(k1, (S, 1), 0, V, dtype=jnp.int32)
    tgt = jax.random.randint(k2, (S, 1), 0, V, dtype=jnp.int32)
    src_lengths = jnp.array([S], dtype=jnp.int32)
    # learned / buffered state sized per init config
    embed_weights = jax.random.normal(k3, (V, D), dtype=jnp.float32)          # model.encoder.embeddings.word_lut.weight
    mask = jnp.sort(jax.random.randint(k4, (G,), 0, V, dtype=jnp.int32))      # good_vocab indices (sorted)
    weights = jnp.ones((G,), dtype=jnp.float32)                               # self.weights Parameter
    return {
        "src": src,
        "tgt": tgt,
        "src_lengths": src_lengths,
        "embed_weights": embed_weights,
        "mask": mask,
        "weights": weights,
        "index": INDEX,
    }


def reference(src, tgt, src_lengths, embed_weights, mask, weights, index):
    # sentence_embedding = self.embed_weights[src.squeeze(1)]  (flag=True path)
    sentence_embedding = jnp.take(embed_weights, src[:, 0], axis=0)           # [S, D] gather
    # self.embed_param = self.embed_weights[self.mask]
    embed_param = jnp.take(embed_weights, mask, axis=0)                       # [G, D] gather
    # lc = self.wt_average(self.weights)  -> softmax over last dim
    lc = jax.nn.softmax(weights, axis=-1)                                     # [G]
    # linear_combination = (embed_param * lc.view(-1,1)).sum(dim=0, keepdim=True)
    linear_combination = jnp.sum(embed_param * lc[:, None], axis=0, keepdims=True)  # [1, D]
    # sentence_embedding[self.index] = linear_combination  (scatter-overwrite one row)
    sentence_embedding = sentence_embedding.at[index].set(linear_combination[0])
    return (sentence_embedding, tgt, src_lengths)

if __name__ == "__main__":
    import jax
    _d = setup_inputs()
    print(jax.jit(kernel)(*tuple(_d.values())))

</pallas_src>

<mosaic_0001>
#map = affine_map<(d0, d1) -> (0, 0)>
#map1 = affine_map<(d0, d1) -> (0)>
module attributes {stable_mosaic.version = 14 : i64} {
  func.func @_sc_body(%arg0: i32, %arg1: i32, %arg2: memref<100000x128xf32, #tpu.memory_space<hbm>>, %arg3: memref<2048xi32, #tpu.memory_space<hbm>>, %arg4: memref<50000xi32, #tpu.memory_space<hbm>>, %arg5: memref<50000xf32, #tpu.memory_space<hbm>>, %arg6: memref<2048x128xf32, #tpu.memory_space<hbm>>, %arg7: memref<2x128xf32, #tpu.memory_space<hbm>>, %arg8: memref<2x16xf32, #tpu.memory_space<hbm>>, %arg9: memref<64xi32, #tpu.memory_space<vmem>>, %arg10: memref<64x128xf32, #tpu.memory_space<vmem>>, %arg11: memref<2016xi32, #tpu.memory_space<vmem>>, %arg12: memref<2016xf32, #tpu.memory_space<vmem>>, %arg13: memref<2016xf32, #tpu.memory_space<vmem>>, %arg14: memref<7x112x128xf32, #tpu.memory_space<vmem>>, %arg15: memref<128xf32, #tpu.memory_space<vmem>>, %arg16: memref<16xf32, #tpu.memory_space<vmem>>, %arg17: memref<16xf32, #tpu.memory_space<vmem>>, %arg18: memref<16x128xf32, #tpu.memory_space<vmem>>, %arg19: memref<16x16xf32, #tpu.memory_space<vmem>>, %arg20: memref<128xf32, #tpu.memory_space<vmem>>, %arg21: memref<16x128xf32, #tpu.memory_space<vmem_shared>>, %arg22: memref<16x16xf32, #tpu.memory_space<vmem_shared>>, %arg23: memref<7x!tpu.dma_semaphore, #tpu.memory_space<semaphore_mem>>, %arg24: memref<!tpu.dma_semaphore, #tpu.memory_space<semaphore_mem>>) attributes {dimension_semantics = [#tpu.dimension_semantics<core_parallel>, #tpu.dimension_semantics<subcore_parallel>], iteration_bounds = array<i64: 2, 16>, scalar_prefetch = 0 : i64, scratch_operands = 16 : i64, tpu.core_type = #tpu.core_type<sc_vector_subcore>, window_params = [{transform_indices = #map}, {transform_indices = #map1}, {transform_indices = #map1}, {transform_indices = #map1}, {transform_indices = #map}, {transform_indices = #map}, {transform_indices = #map}]} {
    %mul3A = arith.constant 16 : i32
    %mul3A_0 = arith.muli %arg0, %mul3A : i32
    %add3A = arith.addi %mul3A_0, %arg1 : i32
    %mul3A_1 = arith.constant 64 : i32
    %mul3A_2 = arith.muli %add3A, %mul3A_1 : i32
    "tpu.region"() ({
      %run_scoped3A = tpu.sem_alloc : memref<!tpu.dma_semaphore, #tpu.memory_space<semaphore_mem>>
      %dma_start3A_220 = tpu.memref_slice %arg3[%mul3A_2] : memref<2048xi32, #tpu.memory_space<hbm>> -> memref<64xi32, #tpu.memory_space<hbm>>
      %dma_start3A_221 = tpu.memref_slice %arg3[%mul3A_2] : memref<2048xi32, #tpu.memory_space<hbm>> -> memref<64xi32, #tpu.memory_space<hbm>>
      tpu.enqueue_dma source(%dma_start3A_221 : memref<64xi32, #tpu.memory_space<hbm>>) target(%arg9 : memref<64xi32, #tpu.memory_space<vmem>>) target_semaphore(%run_scoped3A : memref<!tpu.dma_semaphore, #tpu.memory_space<semaphore_mem>>)
      %dma_wait3A_222 = tpu.memref_slice %arg3[%mul3A_2] : memref<2048xi32, #tpu.memory_space<hbm>> -> memref<64xi32, #tpu.memory_space<hbm>>
      %dma_wait3A_223 = tpu.memref_slice %arg3[%mul3A_2] : memref<2048xi32, #tpu.memory_space<hbm>> -> memref<64xi32, #tpu.memory_space<hbm>>
      tpu.wait_dma2 semaphore(%run_scoped3A : memref<!tpu.dma_semaphore, #tpu.memory_space<semaphore_mem>>) src(%dma_wait3A_223 : memref<64xi32, #tpu.memory_space<hbm>>) dst(%arg9 : memref<64xi32, #tpu.memory_space<vmem>>)
      tpu.yield
    }) : () -> ()
    %dma_start3A = arith.constant 0 : i32
    %dma_start3A_3 = arith.constant 0 : i32
    %dma_start3A_4 = tpu.memref_slice %arg2[%dma_start3A, %dma_start3A_3] : memref<100000x128xf32, #tpu.memory_space<hbm>> -> memref<100000x128xf32, #tpu.memory_space<hbm>>
    tpu.enqueue_indirect_dma source(%dma_start3A_4 : memref<100000x128xf32, #tpu.memory_space<hbm>>) target(%arg10 : memref<64x128xf32, #tpu.memory_space<vmem>>) offsets(%arg9 : memref<64xi32, #tpu.memory_space<vmem>>) semaphore(%arg24 : memref<!tpu.dma_semaphore, #tpu.memory_space<semaphore_mem>>)
    %eq3A = arith.constant 0 : i32
    %eq3A_5 = arith.cmpi eq, %arg0, %eq3A : i32
    %convert_element_type3A = arith.extui %eq3A_5 : i1 to i32
    %cond3A = arith.constant 0 : i32
    %cond3A_6 = arith.cmpi ne, %convert_element_type3A, %cond3A : i32
    scf.if %cond3A_6 {
      %mul3A_220 = arith.constant 2016 : i32
      %mul3A_221 = arith.muli %arg1, %mul3A_220 : i32
      "tpu.region"() ({
        %run_scoped3A = tpu.sem_alloc : memref<!tpu.dma_semaphore, #tpu.memory_space<semaphore_mem>>
        %dma_start3A_224 = tpu.memref_slice %arg4[%mul3A_221] : memref<50000xi32, #tpu.memory_space<hbm>> -> memref<2016xi32, #tpu.memory_space<hbm>>
        %dma_start3A_225 = tpu.memref_slice %arg4[%mul3A_221] : memref<50000xi32, #tpu.memory_space<hbm>> -> memref<2016xi32, #tpu.memory_space<hbm>>
        tpu.enqueue_dma source(%dma_start3A_225 : memref<2016xi32, #tpu.memory_space<hbm>>) target(%arg11 : memref<2016xi32, #tpu.memory_space<vmem>>) target_semaphore(%run_scoped3A : memref<!tpu.dma_semaphore, #tpu.memory_space<semaphore_mem>>)
        %dma_wait3A_226 = tpu.memref_slice %arg4[%mul3A_221] : memref<50000xi32, #tpu.memory_space<hbm>> -> memref<2016xi32, #tpu.memory_space<hbm>>
        %dma_wait3A_227 = tpu.memref_slice %arg4[%mul3A_221] : memref<50000xi32, #tpu.memory_space<hbm>> -> memref<2016xi32, #tpu.memory_space<hbm>>
        tpu.wait_dma2 semaphore(%run_scoped3A : memref<!tpu.dma_semaphore, #tpu.memory_space<semaphore_mem>>) src(%dma_wait3A_227 : memref<2016xi32, #tpu.memory_space<hbm>>) dst(%arg11 : memref<2016xi32, #tpu.memory_space<vmem>>)
        tpu.yield
      }) : () -> ()
      %mul3A_222 = arith.constant 2016 : i32
      %mul3A_223 = arith.muli %arg1, %mul3A_222 : i32
      "tpu.region"() ({
        %run_scoped3A = tpu.sem_alloc : memref<!tpu.dma_semaphore, #tpu.memory_space<semaphore_mem>>
        %dma_start3A_224 = tpu.memref_slice %arg5[%mul3A_223] : memref<50000xf32, #tpu.memory_space<hbm>> -> memref<2016xf32, #tpu.memory_space<hbm>>
        %dma_start3A_225 = tpu.memref_slice %arg5[%mul3A_223] : memref<50000xf32, #tpu.memory_space<hbm>> -> memref<2016xf32, #tpu.memory_space<hbm>>
        tpu.enqueue_dma source(%dma_start3A_225 : memref<2016xf32, #tpu.memory_space<hbm>>) target(%arg12 : memref<2016xf32, #tpu.memory_space<vmem>>) target_semaphore(%run_scoped3A : memref<!tpu.dma_semaphore, #tpu.memory_space<semaphore_mem>>)
        %dma_wait3A_226 = tpu.memref_slice %arg5[%mul3A_223] : memref<50000xf32, #tpu.memory_space<hbm>> -> memref<2016xf32, #tpu.memory_space<hbm>>
        %dma_wait3A_227 = tpu.memref_slice %arg5[%mul3A_223] : memref<50000xf32, #tpu.memory_space<hbm>> -> memref<2016xf32, #tpu.memory_space<hbm>>
        tpu.wait_dma2 semaphore(%run_scoped3A : memref<!tpu.dma_semaphore, #tpu.memory_space<semaphore_mem>>) src(%dma_wait3A_227 : memref<2016xf32, #tpu.memory_space<hbm>>) dst(%arg12 : memref<2016xf32, #tpu.memory_space<vmem>>)
        tpu.yield
      }) : () -> ()
    } else {
    }
    %eq3A_7 = arith.constant 1 : i32
    %eq3A_8 = arith.cmpi eq, %arg0, %eq3A_7 : i32
    %lt3A = arith.constant 15 : i32
    %lt3A_9 = arith.cmpi slt, %arg1, %lt3A : i32
    %and3A = arith.andi %eq3A_8, %lt3A_9 : i1
    %convert_element_type3A_10 = arith.extui %and3A : i1 to i32
    %cond3A_11 = arith.constant 0 : i32
    %cond3A_12 = arith.cmpi ne, %convert_element_type3A_10, %cond3A_11 : i32
    scf.if %cond3A_12 {
      %mul3A_220 = arith.constant 1120 : i32
      %mul3A_221 = arith.muli %arg1, %mul3A_220 : i32
      %add3A_222 = arith.constant 32256 : i32
      %add3A_223 = arith.addi %add3A_222, %mul3A_221 : i32
      "tpu.region"() ({
        %run_scoped3A = tpu.sem_alloc : memref<!tpu.dma_semaphore, #tpu.memory_space<semaphore_mem>>
        %dma_start3A_228 = arith.constant 0 : i32
        %dma_start3A_229 = tpu.memref_slice %arg11[%dma_start3A_228] : memref<2016xi32, #tpu.memory_space<vmem>> -> memref<1120xi32, #tpu.memory_space<vmem>>
        %dma_start3A_230 = tpu.memref_slice %arg4[%add3A_223] : memref<50000xi32, #tpu.memory_space<hbm>> -> memref<1120xi32, #tpu.memory_space<hbm>>
        %dma_start3A_231 = arith.constant 0 : i32
        %dma_start3A_232 = tpu.memref_slice %arg11[%dma_start3A_231] : memref<2016xi32, #tpu.memory_space<vmem>> -> memref<1120xi32, #tpu.memory_space<vmem>>
        %dma_start3A_233 = tpu.memref_slice %arg4[%add3A_223] : memref<50000xi32, #tpu.memory_space<hbm>> -> memref<1120xi32, #tpu.memory_space<hbm>>
        tpu.enqueue_dma source(%dma_start3A_233 : memref<1120xi32, #tpu.memory_space<hbm>>) target(%dma_start3A_232 : memref<1120xi32, #tpu.memory_space<vmem>>) target_semaphore(%run_scoped3A : memref<!tpu.dma_semaphore, #tpu.memory_space<semaphore_mem>>)
        %dma_wait3A_234 = arith.constant 0 : i32
        %dma_wait3A_235 = tpu.memref_slice %arg11[%dma_wait3A_234] : memref<2016xi32, #tpu.memory_space<vmem>> -> memref<1120xi32, #tpu.memory_space<vmem>>
        %dma_wait3A_236 = tpu.memref_slice %arg4[%add3A_223] : memref<50000xi32, #tpu.memory_space<hbm>> -> memref<1120xi32, #tpu.memory_space<hbm>>
        %dma_wait3A_237 = arith.constant 0 : i32
        %dma_wait3A_238 = tpu.memref_slice %arg11[%dma_wait3A_237] : memref<2016xi32, #tpu.memory_space<vmem>> -> memref<1120xi32, #tpu.memory_space<vmem>>
        %dma_wait3A_239 = tpu.memref_slice %arg4[%add3A_223] : memref<50000xi32, #tpu.memory_space<hbm>> -> memref<1120xi32, #tpu.memory_space<hbm>>
        tpu.wait_dma2 semaphore(%run_scoped3A : memref<!tpu.dma_semaphore, #tpu.memory_space<semaphore_mem>>) src(%dma_wait3A_239 : memref<1120xi32, #tpu.memory_space<hbm>>) dst(%dma_wait3A_238 : memref<1120xi32, #tpu.memory_space<vmem>>)
        tpu.yield
      }) : () -> ()
      %mul3A_224 = arith.constant 1120 : i32
      %mul3A_225 = arith.muli %arg1, %mul3A_224 : i32
      %add3A_226 = arith.constant 32256 : i32
      %add3A_227 = arith.addi %add3A_226, %mul3A_225 : i32
      "tpu.region"() ({
        %run_scoped3A = tpu.sem_alloc : memref<!tpu.dma_semaphore, #tpu.memory_space<semaphore_mem>>
        %dma_start3A_228 = arith.constant 0 : i32
        %dma_start3A_229 = tpu.memref_slice %arg12[%dma_start3A_228] : memref<2016xf32, #tpu.memory_space<vmem>> -> memref<1120xf32, #tpu.memory_space<vmem>>
        %dma_start3A_230 = tpu.memref_slice %arg5[%add3A_227] : memref<50000xf32, #tpu.memory_space<hbm>> -> memref<1120xf32, #tpu.memory_space<hbm>>
        %dma_start3A_231 = arith.constant 0 : i32
        %dma_start3A_232 = tpu.memref_slice %arg12[%dma_start3A_231] : memref<2016xf32, #tpu.memory_space<vmem>> -> memref<1120xf32, #tpu.memory_space<vmem>>
        %dma_start3A_233 = tpu.memref_slice %arg5[%add3A_227] : memref<50000xf32, #tpu.memory_space<hbm>> -> memref<1120xf32, #tpu.memory_space<hbm>>
        tpu.enqueue_dma source(%dma_start3A_233 : memref<1120xf32, #tpu.memory_space<hbm>>) target(%dma_start3A_232 : memref<1120xf32, #tpu.memory_space<vmem>>) target_semaphore(%run_scoped3A : memref<!tpu.dma_semaphore, #tpu.memory_space<semaphore_mem>>)
        %dma_wait3A_234 = arith.constant 0 : i32
        %dma_wait3A_235 = tpu.memref_slice %arg12[%dma_wait3A_234] : memref<2016xf32, #tpu.memory_space<vmem>> -> memref<1120xf32, #tpu.memory_space<vmem>>
        %dma_wait3A_236 = tpu.memref_slice %arg5[%add3A_227] : memref<50000xf32, #tpu.memory_space<hbm>> -> memref<1120xf32, #tpu.memory_space<hbm>>
        %dma_wait3A_237 = arith.constant 0 : i32
        %dma_wait3A_238 = tpu.memref_slice %arg12[%dma_wait3A_237] : memref<2016xf32, #tpu.memory_space<vmem>> -> memref<1120xf32, #tpu.memory_space<vmem>>
        %dma_wait3A_239 = tpu.memref_slice %arg5[%add3A_227] : memref<50000xf32, #tpu.memory_space<hbm>> -> memref<1120xf32, #tpu.memory_space<hbm>>
        tpu.wait_dma2 semaphore(%run_scoped3A : memref<!tpu.dma_semaphore, #tpu.memory_space<semaphore_mem>>) src(%dma_wait3A_239 : memref<1120xf32, #tpu.memory_space<hbm>>) dst(%dma_wait3A_238 : memref<1120xf32, #tpu.memory_space<vmem>>)
        tpu.yield
      }) : () -> ()
    } else {
    }
    %eq3A_13 = arith.constant 1 : i32
    %eq3A_14 = arith.cmpi eq, %arg0, %eq3A_13 : i32
    %eq3A_15 = arith.constant 15 : i32
    %eq3A_16 = arith.cmpi eq, %arg1, %eq3A_15 : i32
    %and3A_17 = arith.andi %eq3A_14, %eq3A_16 : i1
    %convert_element_type3A_18 = arith.extui %and3A_17 : i1 to i32
    %cond3A_19 = arith.constant 0 : i32
    %cond3A_20 = arith.cmpi ne, %convert_element_type3A_18, %cond3A_19 : i32
    scf.if %cond3A_20 {
      "tpu.region"() ({
        %run_scoped3A = tpu.sem_alloc : memref<!tpu.dma_semaphore, #tpu.memory_space<semaphore_mem>>
        %dma_start3A_308 = arith.constant 0 : i32
        %dma_start3A_309 = tpu.memref_slice %arg11[%dma_start3A_308] : memref<2016xi32, #tpu.memory_space<vmem>> -> memref<944xi32, #tpu.memory_space<vmem>>
        %dma_start3A_310 = arith.constant 49056 : i32
        %dma_start3A_311 = tpu.memref_slice %arg4[%dma_start3A_310] : memref<50000xi32, #tpu.memory_space<hbm>> -> memref<944xi32, #tpu.memory_space<hbm>>
        %dma_start3A_312 = arith.constant 0 : i32
        %dma_start3A_313 = tpu.memref_slice %arg11[%dma_start3A_312] : memref<2016xi32, #tpu.memory_space<vmem>> -> memref<944xi32, #tpu.memory_space<vmem>>
        %dma_start3A_314 = arith.constant 49056 : i32
        %dma_start3A_315 = tpu.memref_slice %arg4[%dma_start3A_314] : memref<50000xi32, #tpu.memory_space<hbm>> -> memref<944xi32, #tpu.memory_space<hbm>>
        tpu.enqueue_dma source(%dma_start3A_315 : memref<944xi32, #tpu.memory_space<hbm>>) target(%dma_start3A_313 : memref<944xi32, #tpu.memory_space<vmem>>) target_semaphore(%run_scoped3A : memref<!tpu.dma_semaphore, #tpu.memory_space<semaphore_mem>>)
        %dma_wait3A_316 = arith.constant 0 : i32
        %dma_wait3A_317 = tpu.memref_slice %arg11[%dma_wait3A_316] : memref<2016xi32, #tpu.memory_space<vmem>> -> memref<944xi32, #tpu.memory_space<vmem>>
        %dma_wait3A_318 = arith.constant 49056 : i32
        %dma_wait3A_319 = tpu.memref_slice %arg4[%dma_wait3A_318] : memref<50000xi32, #tpu.memory_space<hbm>> -> memref<944xi32, #tpu.memory_space<hbm>>
        %dma_wait3A_320 = arith.constant 0 : i32
        %dma_wait3A_321 = tpu.memref_slice %arg11[%dma_wait3A_320] : memref<2016xi32, #tpu.memory_space<vmem>> -> memref<944xi32, #tpu.memory_space<vmem>>
        %dma_wait3A_322 = arith.constant 49056 : i32
        %dma_wait3A_323 = tpu.memref_slice %arg4[%dma_wait3A_322] : memref<50000xi32, #tpu.memory_space<hbm>> -> memref<944xi32, #tpu.memory_space<hbm>>
        tpu.wait_dma2 semaphore(%run_scoped3A : memref<!tpu.dma_semaphore, #tpu.memory_space<semaphore_mem>>) src(%dma_wait3A_323 : memref<944xi32, #tpu.memory_space<hbm>>) dst(%dma_wait3A_321 : memref<944xi32, #tpu.memory_space<vmem>>)
        tpu.yield
      }) : () -> ()
      "tpu.region"() ({
        %run_scoped3A = tpu.sem_alloc : memref<!tpu.dma_semaphore, #tpu.memory_space<semaphore_mem>>
        %dma_start3A_308 = arith.constant 0 : i32
        %dma_start3A_309 = tpu.memref_slice %arg12[%dma_start3A_308] : memref<2016xf32, #tpu.memory_space<vmem>> -> memref<944xf32, #tpu.memory_space<vmem>>
        %dma_start3A_310 = arith.constant 49056 : i32
        %dma_start3A_311 = tpu.memref_slice %arg5[%dma_start3A_310] : memref<50000xf32, #tpu.memory_space<hbm>> -> memref<944xf32, #tpu.memory_space<hbm>>
        %dma_start3A_312 = arith.constant 0 : i32
        %dma_start3A_313 = tpu.memref_slice %arg12[%dma_start3A_312] : memref<2016xf32, #tpu.memory_space<vmem>> -> memref<944xf32, #tpu.memory_space<vmem>>
        %dma_start3A_314 = arith.constant 49056 : i32
        %dma_start3A_315 = tpu.memref_slice %arg5[%dma_start3A_314] : memref<50000xf32, #tpu.memory_space<hbm>> -> memref<944xf32, #tpu.memory_space<hbm>>
        tpu.enqueue_dma source(%dma_start3A_315 : memref<944xf32, #tpu.memory_space<hbm>>) target(%dma_start3A_313 : memref<944xf32, #tpu.memory_space<vmem>>) target_semaphore(%run_scoped3A : memref<!tpu.dma_semaphore, #tpu.memory_space<semaphore_mem>>)
        %dma_wait3A_316 = arith.constant 0 : i32
        %dma_wait3A_317 = tpu.memref_slice %arg12[%dma_wait3A_316] : memref<2016xf32, #tpu.memory_space<vmem>> -> memref<944xf32, #tpu.memory_space<vmem>>
        %dma_wait3A_318 = arith.constant 49056 : i32
        %dma_wait3A_319 = tpu.memref_slice %arg5[%dma_wait3A_318] : memref<50000xf32, #tpu.memory_space<hbm>> -> memref<944xf32, #tpu.memory_space<hbm>>
        %dma_wait3A_320 = arith.constant 0 : i32
        %dma_wait3A_321 = tpu.memref_slice %arg12[%dma_wait3A_320] : memref<2016xf32, #tpu.memory_space<vmem>> -> memref<944xf32, #tpu.memory_space<vmem>>
        %dma_wait3A_322 = arith.constant 49056 : i32
        %dma_wait3A_323 = tpu.memref_slice %arg5[%dma_wait3A_322] : memref<50000xf32, #tpu.memory_space<hbm>> -> memref<944xf32, #tpu.memory_space<hbm>>
        tpu.wait_dma2 semaphore(%run_scoped3A : memref<!tpu.dma_semaphore, #tpu.memory_space<semaphore_mem>>) src(%dma_wait3A_323 : memref<944xf32, #tpu.memory_space<hbm>>) dst(%dma_wait3A_321 : memref<944xf32, #tpu.memory_space<vmem>>)
        tpu.yield
      }) : () -> ()
      %broadcast_in_dim3A_220 = arith.constant 0 : i32
      %broadcast_in_dim3A_221 = vector.broadcast %broadcast_in_dim3A_220 : i32 to vector<16xi32>
      %swap3A_222 = arith.constant 944 : index
      %swap3A_223 = tpu.vector_load %arg11[%swap3A_222] {strides = array<i32>} : memref<2016xi32, #tpu.memory_space<vmem>>, vector<16xi32>,
      tpu.vector_store %arg11[%swap3A_222], %broadcast_in_dim3A_221 {strides = array<i32>} : memref<2016xi32, #tpu.memory_space<vmem>>, vector<16xi32>,
      %broadcast_in_dim3A_224 = arith.constant -1.000000e+30 : f32
      %broadcast_in_dim3A_225 = vector.broadcast %broadcast_in_dim3A_224 : f32 to vector<16xf32>
      %swap3A_226 = arith.constant 944 : index
      %swap3A_227 = tpu.vector_load %arg12[%swap3A_226] {strides = array<i32>} : memref<2016xf32, #tpu.memory_space<vmem>>, vector<16xf32>,
      tpu.vector_store %arg12[%swap3A_226], %broadcast_in_dim3A_225 {strides = array<i32>} : memref<2016xf32, #tpu.memory_space<vmem>>, vector<16xf32>,
      %broadcast_in_dim3A_228 = arith.constant 0 : i32
      %broadcast_in_dim3A_229 = vector.broadcast %broadcast_in_dim3A_228 : i32 to vector<16xi32>
      %swap3A_230 = arith.constant 960 : index
      %swap3A_231 = tpu.vector_load %arg11[%swap3A_230] {strides = array<i32>} : memref<2016xi32, #tpu.memory_space<vmem>>, vector<16xi32>,
      tpu.vector_store %arg11[%swap3A_230], %broadcast_in_dim3A_229 {strides = array<i32>} : memref<2016xi32, #tpu.memory_space<vmem>>, vector<16xi32>,
      %broadcast_in_dim3A_232 = arith.constant -1.000000e+30 : f32
      %broadcast_in_dim3A_233 = vector.broadcast %broadcast_in_dim3A_232 : f32 to vector<16xf32>
      %swap3A_234 = arith.constant 960 : index
      %swap3A_235 = tpu.vector_load %arg12[%swap3A_234] {strides = array<i32>} : memref<2016xf32, #tpu.memory_space<vmem>>, vector<16xf32>,
      tpu.vector_store %arg12[%swap3A_234], %broadcast_in_dim3A_233 {strides = array<i32>} : memref<2016xf32, #tpu.memory_space<vmem>>, vector<16xf32>,
      %broadcast_in_dim3A_236 = arith.constant 0 : i32
      %broadcast_in_dim3A_237 = vector.broadcast %broadcast_in_dim3A_236 : i32 to vector<16xi32>
      %swap3A_238 = arith.constant 976 : index
      %swap3A_239 = tpu.vector_load %arg11[%swap3A_238] {strides = array<i32>} : memref<2016xi32, #tpu.memory_space<vmem>>, vector<16xi32>,
      tpu.vector_store %arg11[%swap3A_238], %broadcast_in_dim3A_237 {strides = array<i32>} : memref<2016xi32, #tpu.memory_space<vmem>>, vector<16xi32>,
      %broadcast_in_dim3A_240 = arith.constant -1.000000e+30 : f32
      %broadcast_in_dim3A_241 = vector.broadcast %broadcast_in_dim3A_240 : f32 to vector<16xf32>
      %swap3A_242 = arith.constant 976 : index
      %swap3A_243 = tpu.vector_load %arg12[%swap3A_242] {strides = array<i32>} : memref<2016xf32, #tpu.memory_space<vmem>>, vector<16xf32>,
      tpu.vector_store %arg12[%swap3A_242], %broadcast_in_dim3A_241 {strides = array<i32>} : memref<2016xf32, #tpu.memory_space<vmem>>, vector<16xf32>,
      %broadcast_in_dim3A_244 = arith.constant 0 : i32
      %broadcast_in_dim3A_245 = vector.broadcast %broadcast_in_dim3A_244 : i32 to vector<16xi32>
      %swap3A_246 = arith.constant 992 : index
      %swap3A_247 = tpu.vector_load %arg11[%swap3A_246] {strides = array<i32>} : memref<2016xi32, #tpu.memory_space<vmem>>, vector<16xi32>,
      tpu.vector_store %arg11[%swap3A_246], %broadcast_in_dim3A_245 {strides = array<i32>} : memref<2016xi32, #tpu.memory_space<vmem>>, vector<16xi32>,
      %broadcast_in_dim3A_248 = arith.constant -1.000000e+30 : f32
      %broadcast_in_dim3A_249 = vector.broadcast %broadcast_in_dim3A_248 : f32 to vector<16xf32>
      %swap3A_250 = arith.constant 992 : index
      %swap3A_251 = tpu.vector_load %arg12[%swap3A_250] {strides = array<i32>} : memref<2016xf32, #tpu.memory_space<vmem>>, vector<16xf32>,
      tpu.vector_store %arg12[%swap3A_250], %broadcast_in_dim3A_249 {strides = array<i32>} : memref<2016xf32, #tpu.memory_space<vmem>>, vector<16xf32>,
      %broadcast_in_dim3A_252 = arith.constant 0 : i32
      %broadcast_in_dim3A_253 = vector.broadcast %broadcast_in_dim3A_252 : i32 to vector<16xi32>
      %swap3A_254 = arith.constant 1008 : index
      %swap3A_255 = tpu.vector_load %arg11[%swap3A_254] {strides = array<i32>} : memref<2016xi32, #tpu.memory_space<vmem>>, vector<16xi32>,
      tpu.vector_store %arg11[%swap3A_254], %broadcast_in_dim3A_253 {strides = array<i32>} : memref<2016xi32, #tpu.memory_space<vmem>>, vector<16xi32>,
      %broadcast_in_dim3A_256 = arith.constant -1.000000e+30 : f32
      %broadcast_in_dim3A_257 = vector.broadcast %broadcast_in_dim3A_256 : f32 to vector<16xf32>
      %swap3A_258 = arith.constant 1008 : index
      %swap3A_259 = tpu.vector_load %arg12[%swap3A_258] {strides = array<i32>} : memref<2016xf32, #tpu.memory_space<vmem>>, vector<16xf32>,
      tpu.vector_store %arg12[%swap3A_258], %broadcast_in_dim3A_257 {strides = array<i32>} : memref<2016xf32, #tpu.memory_space<vmem>>, vector<16xf32>,
      %broadcast_in_dim3A_260 = arith.constant 0 : i32
      %broadcast_in_dim3A_261 = vector.broadcast %broadcast_in_dim3A_260 : i32 to vector<16xi32>
      %swap3A_262 = arith.constant 1024 : index
      %swap3A_263 = tpu.vector_load %arg11[%swap3A_262] {strides = array<i32>} : memref<2016xi32, #tpu.memory_space<vmem>>, vector<16xi32>,
      tpu.vector_store %arg11[%swap3A_262], %broadcast_in_dim3A_261 {strides = array<i32>} : memref<2016xi32, #tpu.memory_space<vmem>>, vector<16xi32>,
      %broadcast_in_dim3A_264 = arith.constant -1.000000e+30 : f32
      %broadcast_in_dim3A_265 = vector.broadcast %broadcast_in_dim3A_264 : f32 to vector<16xf32>
      %swap3A_266 = arith.constant 1024 : index
      %swap3A_267 = tpu.vector_load %arg12[%swap3A_266] {strides = array<i32>} : memref<2016xf32, #tpu.memory_space<vmem>>, vector<16xf32>,
      tpu.vector_store %arg12[%swap3A_266], %broadcast_in_dim3A_265 {strides = array<i32>} : memref<2016xf32, #tpu.memory_space<vmem>>, vector<16xf32>,
      %broadcast_in_dim3A_268 = arith.constant 0 : i32
      %broadcast_in_dim3A_269 = vector.broadcast %broadcast_in_dim3A_268 : i32 to vector<16xi32>
      %swap3A_270 = arith.constant 1040 : index
      %swap3A_271 = tpu.vector_load %arg11[%swap3A_270] {strides = array<i32>} : memref<2016xi32, #tpu.memory_space<vmem>>, vector<16xi32>,
      tpu.vector_store %arg11[%swap3A_270], %broadcast_in_dim3A_269 {strides = array<i32>} : memref<2016xi32, #tpu.memory_space<vmem>>, vector<16xi32>,
      %broadcast_in_dim3A_272 = arith.constant -1.000000e+30 : f32
      %broadcast_in_dim3A_273 = vector.broadcast %broadcast_in_dim3A_272 : f32 to vector<16xf32>
      %swap3A_274 = arith.constant 1040 : index
      %swap3A_275 = tpu.vector_load %arg12[%swap3A_274] {strides = array<i32>} : memref<2016xf32, #tpu.memory_space<vmem>>, vector<16xf32>,
      tpu.vector_store %arg12[%swap3A_274], %broadcast_in_dim3A_273 {strides = array<i32>} : memref<2016xf32, #tpu.memory_space<vmem>>, vector<16xf32>,
      %broadcast_in_dim3A_276 = arith.constant 0 : i32
      %broadcast_in_dim3A_277 = vector.broadcast %broadcast_in_dim3A_276 : i32 to vector<16xi32>
      %swap3A_278 = arith.constant 1056 : index
      %swap3A_279 = tpu.vector_load %arg11[%swap3A_278] {strides = array<i32>} : memref<2016xi32, #tpu.memory_space<vmem>>, vector<16xi32>,
      tpu.vector_store %arg11[%swap3A_278], %broadcast_in_dim3A_277 {strides = array<i32>} : memref<2016xi32, #tpu.memory_space<vmem>>, vector<16xi32>,
      %broadcast_in_dim3A_280 = arith.constant -1.000000e+30 : f32
      %broadcast_in_dim3A_281 = vector.broadcast %broadcast_in_dim3A_280 : f32 to vector<16xf32>
      %swap3A_282 = arith.constant 1056 : index
      %swap3A_283 = tpu.vector_load %arg12[%swap3A_282] {strides = array<i32>} : memref<2016xf32, #tpu.memory_space<vmem>>, vector<16xf32>,
      tpu.vector_store %arg12[%swap3A_282], %broadcast_in_dim3A_281 {strides = array<i32>} : memref<2016xf32, #tpu.memory_space<vmem>>, vector<16xf32>,
      %broadcast_in_dim3A_284 = arith.constant 0 : i32
      %broadcast_in_dim3A_285 = vector.broadcast %broadcast_in_dim3A_284 : i32 to vector<16xi32>
      %swap3A_286 = arith.constant 1072 : index
      %swap3A_287 = tpu.vector_load %arg11[%swap3A_286] {strides = array<i32>} : memref<2016xi32, #tpu.memory_space<vmem>>, vector<16xi32>,
      tpu.vector_store %arg11[%swap3A_286], %broadcast_in_dim3A_285 {strides = array<i32>} : memref<2016xi32, #tpu.memory_space<vmem>>, vector<16xi32>,
      %broadcast_in_dim3A_288 = arith.constant -1.000000e+30 : f32
      %broadcast_in_dim3A_289 = vector.broadcast %broadcast_in_dim3A_288 : f32 to vector<16xf32>
      %swap3A_290 = arith.constant 1072 : index
      %swap3A_291 = tpu.vector_load %arg12[%swap3A_290] {strides = array<i32>} : memref<2016xf32, #tpu.memory_space<vmem>>, vector<16xf32>,
      tpu.vector_store %arg12[%swap3A_290], %broadcast_in_dim3A_289 {strides = array<i32>} : memref<2016xf32, #tpu.memory_space<vmem>>, vector<16xf32>,
      %broadcast_in_dim3A_292 = arith.constant 0 : i32
      %broadcast_in_dim3A_293 = vector.broadcast %broadcast_in_dim3A_292 : i32 to vector<16xi32>
      %swap3A_294 = arith.constant 1088 : index
      %swap3A_295 = tpu.vector_load %arg11[%swap3A_294] {strides = array<i32>} : memref<2016xi32, #tpu.memory_space<vmem>>, vector<16xi32>,
      tpu.vector_store %arg11[%swap3A_294], %broadcast_in_dim3A_293 {strides = array<i32>} : memref<2016xi32, #tpu.memory_space<vmem>>, vector<16xi32>,
      %broadcast_in_dim3A_296 = arith.constant -1.000000e+30 : f32
      %broadcast_in_dim3A_297 = vector.broadcast %broadcast_in_dim3A_296 : f32 to vector<16xf32>
      %swap3A_298 = arith.constant 1088 : index
      %swap3A_299 = tpu.vector_load %arg12[%swap3A_298] {strides = array<i32>} : memref<2016xf32, #tpu.memory_space<vmem>>, vector<16xf32>,
      tpu.vector_store %arg12[%swap3A_298], %broadcast_in_dim3A_297 {strides = array<i32>} : memref<2016xf32, #tpu.memory_space<vmem>>, vector<16xf32>,
      %broadcast_in_dim3A_300 = arith.constant 0 : i32
      %broadcast_in_dim3A_301 = vector.broadcast %broadcast_in_dim3A_300 : i32 to vector<16xi32>
      %swap3A_302 = arith.constant 1104 : index
      %swap3A_303 = tpu.vector_load %arg11[%swap3A_302] {strides = array<i32>} : memref<2016xi32, #tpu.memory_space<vmem>>, vector<16xi32>,
      tpu.vector_store %arg11[%swap3A_302], %broadcast_in_dim3A_301 {strides = array<i32>} : memref<2016xi32, #tpu.memory_space<vmem>>, vector<16xi32>,
      %broadcast_in_dim3A_304 = arith.constant -1.000000e+30 : f32
      %broadcast_in_dim3A_305 = vector.broadcast %broadcast_in_dim3A_304 : f32 to vector<16xf32>
      %swap3A_306 = arith.constant 1104 : index
      %swap3A_307 = tpu.vector_load %arg12[%swap3A_306] {strides = array<i32>} : memref<2016xf32, #tpu.memory_space<vmem>>, vector<16xf32>,
      tpu.vector_store %arg12[%swap3A_306], %broadcast_in_dim3A_305 {strides = array<i32>} : memref<2016xf32, #tpu.memory_space<vmem>>, vector<16xf32>,
    } else {
    }
    %eq3A_21 = arith.constant 0 : i32
    %eq3A_22 = arith.cmpi eq, %arg0, %eq3A_21 : i32
    %jit3A = arith.constant 126 : i32
    %jit3A_23 = arith.constant 70 : i32
    %select_n3A = arith.select %eq3A_22, %jit3A, %jit3A_23 : i32
    %eq3A_24 = arith.constant 0 : i32
    %eq3A_25 = arith.cmpi eq, %arg0, %eq3A_24 : i32
    %jit3A_26 = arith.constant 18 : i32
    %jit3A_27 = arith.constant 10 : i32
    %select_n3A_28 = arith.select %eq3A_25, %jit3A_26, %jit3A_27 : i32
    %multiple_of3A = arith.constant 0 : i32
    %multiple_of3A_29 = tpu.assume_multiple %multiple_of3A, 8 : i32
    %dma_start3A_30 = arith.constant 0 : i32
    %dma_start3A_31 = arith.constant 0 : i32
    %dma_start3A_32 = arith.constant 0 : i32
    %dma_start3A_33 = arith.constant 0 : i32
    %dma_start3A_34 = tpu.memref_slice %arg14[%dma_start3A_30, %dma_start3A_32, %dma_start3A_33] : memref<7x112x128xf32, #tpu.memory_space<vmem>> -> memref<1x112x128xf32, #tpu.memory_space<vmem>>
    %dma_start3A_35 = tpu.memref_squeeze %dma_start3A_34 : memref<1x112x128xf32, #tpu.memory_space<vmem>> -> memref<112x128xf32, #tpu.memory_space<vmem>>
    %dma_start3A_36 = tpu.memref_slice %arg11[%multiple_of3A_29] : memref<2016xi32, #tpu.memory_space<vmem>> -> memref<112xi32, #tpu.memory_space<vmem>>
    %dma_start3A_37 = arith.constant 0 : i32
    %dma_start3A_38 = arith.constant 0 : i32
    %dma_start3A_39 = tpu.memref_slice %arg2[%dma_start3A_37, %dma_start3A_38] : memref<100000x128xf32, #tpu.memory_space<hbm>> -> memref<100000x128xf32, #tpu.memory_space<hbm>>
    %dma_start3A_40 = tpu.memref_slice %arg23[%dma_start3A_31] : memref<7x!tpu.dma_semaphore, #tpu.memory_space<semaphore_mem>> -> memref<1x!tpu.dma_semaphore, #tpu.memory_space<semaphore_mem>>
    %dma_start3A_41 = tpu.memref_squeeze %dma_start3A_40 : memref<1x!tpu.dma_semaphore, #tpu.memory_space<semaphore_mem>> -> memref<!tpu.dma_semaphore, #tpu.memory_space<semaphore_mem>>
    tpu.enqueue_indirect_dma source(%dma_start3A_39 : memref<100000x128xf32, #tpu.memory_space<hbm>>) target(%dma_start3A_35 : memref<112x128xf32, #tpu.memory_space<vmem>>) offsets(%dma_start3A_36 : memref<112xi32, #tpu.memory_space<vmem>>) semaphore(%dma_start3A_41 : memref<!tpu.dma_semaphore, #tpu.memory_space<semaphore_mem>>)
    %multiple_of3A_42 = arith.constant 112 : i32
    %multiple_of3A_43 = tpu.assume_multiple %multiple_of3A_42, 8 : i32
    %dma_start3A_44 = arith.constant 1 : i32
    %dma_start3A_45 = arith.constant 1 : i32
    %dma_start3A_46 = arith.constant 0 : i32
    %dma_start3A_47 = arith.constant 0 : i32
    %dma_start3A_48 = tpu.memref_slice %arg14[%dma_start3A_44, %dma_start3A_46, %dma_start3A_47] : memref<7x112x128xf32, #tpu.memory_space<vmem>> -> memref<1x112x128xf32, #tpu.memory_space<vmem>>
    %dma_start3A_49 = tpu.memref_squeeze %dma_start3A_48 : memref<1x112x128xf32, #tpu.memory_space<vmem>> -> memref<112x128xf32, #tpu.memory_space<vmem>>
    %dma_start3A_50 = tpu.memref_slice %arg11[%multiple_of3A_43] : memref<2016xi32, #tpu.memory_space<vmem>> -> memref<112xi32, #tpu.memory_space<vmem>>
    %dma_start3A_51 = arith.constant 0 : i32
    %dma_start3A_52 = arith.constant 0 : i32
    %dma_start3A_53 = tpu.memref_slice %arg2[%dma_start3A_51, %dma_start3A_52] : memref<100000x128xf32, #tpu.memory_space<hbm>> -> memref<100000x128xf32, #tpu.memory_space<hbm>>
    %dma_start3A_54 = tpu.memref_slice %arg23[%dma_start3A_45] : memref<7x!tpu.dma_semaphore, #tpu.memory_space<semaphore_mem>> -> memref<1x!tpu.dma_semaphore, #tpu.memory_space<semaphore_mem>>
    %dma_start3A_55 = tpu.memref_squeeze %dma_start3A_54 : memref<1x!tpu.dma_semaphore, #tpu.memory_space<semaphore_mem>> -> memref<!tpu.dma_semaphore, #tpu.memory_space<semaphore_mem>>
    tpu.enqueue_indirect_dma source(%dma_start3A_53 : memref<100000x128xf32, #tpu.memory_space<hbm>>) target(%dma_start3A_49 : memref<112x128xf32, #tpu.memory_space<vmem>>) offsets(%dma_start3A_50 : memref<112xi32, #tpu.memory_space<vmem>>) semaphore(%dma_start3A_55 : memref<!tpu.dma_semaphore, #tpu.memory_space<semaphore_mem>>)
    %multiple_of3A_56 = arith.constant 224 : i32
    %multiple_of3A_57 = tpu.assume_multiple %multiple_of3A_56, 8 : i32
    %dma_start3A_58 = arith.constant 2 : i32
    %dma_start3A_59 = arith.constant 2 : i32
    %dma_start3A_60 = arith.constant 0 : i32
    %dma_start3A_61 = arith.constant 0 : i32
    %dma_start3A_62 = tpu.memref_slice %arg14[%dma_start3A_58, %dma_start3A_60, %dma_start3A_61] : memref<7x112x128xf32, #tpu.memory_space<vmem>> -> memref<1x112x128xf32, #tpu.memory_space<vmem>>
    %dma_start3A_63 = tpu.memref_squeeze %dma_start3A_62 : memref<1x112x128xf32, #tpu.memory_space<vmem>> -> memref<112x128xf32, #tpu.memory_space<vmem>>
    %dma_start3A_64 = tpu.memref_slice %arg11[%multiple_of3A_57] : memref<2016xi32, #tpu.memory_space<vmem>> -> memref<112xi32, #tpu.memory_space<vmem>>
    %dma_start3A_65 = arith.constant 0 : i32
    %dma_start3A_66 = arith.constant 0 : i32
    %dma_start3A_67 = tpu.memref_slice %arg2[%dma_start3A_65, %dma_start3A_66] : memref<100000x128xf32, #tpu.memory_space<hbm>> -> memref<100000x128xf32, #tpu.memory_space<hbm>>
    %dma_start3A_68 = tpu.memref_slice %arg23[%dma_start3A_59] : memref<7x!tpu.dma_semaphore, #tpu.memory_space<semaphore_mem>> -> memref<1x!tpu.dma_semaphore, #tpu.memory_space<semaphore_mem>>
    %dma_start3A_69 = tpu.memref_squeeze %dma_start3A_68 : memref<1x!tpu.dma_semaphore, #tpu.memory_space<semaphore_mem>> -> memref<!tpu.dma_semaphore, #tpu.memory_space<semaphore_mem>>
    tpu.enqueue_indirect_dma source(%dma_start3A_67 : memref<100000x128xf32, #tpu.memory_space<hbm>>) target(%dma_start3A_63 : memref<112x128xf32, #tpu.memory_space<vmem>>) offsets(%dma_start3A_64 : memref<112xi32, #tpu.memory_space<vmem>>) semaphore(%dma_start3A_69 : memref<!tpu.dma_semaphore, #tpu.memory_space<semaphore_mem>>)
    %multiple_of3A_70 = arith.constant 336 : i32
    %multiple_of3A_71 = tpu.assume_multiple %multiple_of3A_70, 8 : i32
    %dma_start3A_72 = arith.constant 3 : i32
    %dma_start3A_73 = arith.constant 3 : i32
    %dma_start3A_74 = arith.constant 0 : i32
    %dma_start3A_75 = arith.constant 0 : i32
    %dma_start3A_76 = tpu.memref_slice %arg14[%dma_start3A_72, %dma_start3A_74, %dma_start3A_75] : memref<7x112x128xf32, #tpu.memory_space<vmem>> -> memref<1x112x128xf32, #tpu.memory_space<vmem>>
    %dma_start3A_77 = tpu.memref_squeeze %dma_start3A_76 : memref<1x112x128xf32, #tpu.memory_space<vmem>> -> memref<112x128xf32, #tpu.memory_space<vmem>>
    %dma_start3A_78 = tpu.memref_slice %arg11[%multiple_of3A_71] : memref<2016xi32, #tpu.memory_space<vmem>> -> memref<112xi32, #tpu.memory_space<vmem>>
    %dma_start3A_79 = arith.constant 0 : i32
    %dma_start3A_80 = arith.constant 0 : i32
    %dma_start3A_81 = tpu.memref_slice %arg2[%dma_start3A_79, %dma_start3A_80] : memref<100000x128xf32, #tpu.memory_space<hbm>> -> memref<100000x128xf32, #tpu.memory_space<hbm>>
    %dma_start3A_82 = tpu.memref_slice %arg23[%dma_start3A_73] : memref<7x!tpu.dma_semaphore, #tpu.memory_space<semaphore_mem>> -> memref<1x!tpu.dma_semaphore, #tpu.memory_space<semaphore_mem>>
    %dma_start3A_83 = tpu.memref_squeeze %dma_start3A_82 : memref<1x!tpu.dma_semaphore, #tpu.memory_space<semaphore_mem>> -> memref<!tpu.dma_semaphore, #tpu.memory_space<semaphore_mem>>
    tpu.enqueue_indirect_dma source(%dma_start3A_81 : memref<100000x128xf32, #tpu.memory_space<hbm>>) target(%dma_start3A_77 : memref<112x128xf32, #tpu.memory_space<vmem>>) offsets(%dma_start3A_78 : memref<112xi32, #tpu.memory_space<vmem>>) semaphore(%dma_start3A_83 : memref<!tpu.dma_semaphore, #tpu.memory_space<semaphore_mem>>)
    %multiple_of3A_84 = arith.constant 448 : i32
    %multiple_of3A_85 = tpu.assume_multiple %multiple_of3A_84, 8 : i32
    %dma_start3A_86 = arith.constant 4 : i32
    %dma_start3A_87 = arith.constant 4 : i32
    %dma_start3A_88 = arith.constant 0 : i32
    %dma_start3A_89 = arith.constant 0 : i32
    %dma_start3A_90 = tpu.memref_slice %arg14[%dma_start3A_86, %dma_start3A_88, %dma_start3A_89] : memref<7x112x128xf32, #tpu.memory_space<vmem>> -> memref<1x112x128xf32, #tpu.memory_space<vmem>>
    %dma_start3A_91 = tpu.memref_squeeze %dma_start3A_90 : memref<1x112x128xf32, #tpu.memory_space<vmem>> -> memref<112x128xf32, #tpu.memory_space<vmem>>
    %dma_start3A_92 = tpu.memref_slice %arg11[%multiple_of3A_85] : memref<2016xi32, #tpu.memory_space<vmem>> -> memref<112xi32, #tpu.memory_space<vmem>>
    %dma_start3A_93 = arith.constant 0 : i32
    %dma_start3A_94 = arith.constant 0 : i32
    %dma_start3A_95 = tpu.memref_slice %arg2[%dma_start3A_93, %dma_start3A_94] : memref<100000x128xf32, #tpu.memory_space<hbm>> -> memref<100000x128xf32, #tpu.memory_space<hbm>>
    %dma_start3A_96 = tpu.memref_slice %arg23[%dma_start3A_87] : memref<7x!tpu.dma_semaphore, #tpu.memory_space<semaphore_mem>> -> memref<1x!tpu.dma_semaphore, #tpu.memory_space<semaphore_mem>>
    %dma_start3A_97 = tpu.memref_squeeze %dma_start3A_96 : memref<1x!tpu.dma_semaphore, #tpu.memory_space<semaphore_mem>> -> memref<!tpu.dma_semaphore, #tpu.memory_space<semaphore_mem>>
    tpu.enqueue_indirect_dma source(%dma_start3A_95 : memref<100000x128xf32, #tpu.memory_space<hbm>>) target(%dma_start3A_91 : memref<112x128xf32, #tpu.memory_space<vmem>>) offsets(%dma_start3A_92 : memref<112xi32, #tpu.memory_space<vmem>>) semaphore(%dma_start3A_97 : memref<!tpu.dma_semaphore, #tpu.memory_space<semaphore_mem>>)
    %multiple_of3A_98 = arith.constant 560 : i32
    %multiple_of3A_99 = tpu.assume_multiple %multiple_of3A_98, 8 : i32
    %dma_start3A_100 = arith.constant 5 : i32
    %dma_start3A_101 = arith.constant 5 : i32
    %dma_start3A_102 = arith.constant 0 : i32
    %dma_start3A_103 = arith.constant 0 : i32
    %dma_start3A_104 = tpu.memref_slice %arg14[%dma_start3A_100, %dma_start3A_102, %dma_start3A_103] : memref<7x112x128xf32, #tpu.memory_space<vmem>> -> memref<1x112x128xf32, #tpu.memory_space<vmem>>
    %dma_start3A_105 = tpu.memref_squeeze %dma_start3A_104 : memref<1x112x128xf32, #tpu.memory_space<vmem>> -> memref<112x128xf32, #tpu.memory_space<vmem>>
    %dma_start3A_106 = tpu.memref_slice %arg11[%multiple_of3A_99] : memref<2016xi32, #tpu.memory_space<vmem>> -> memref<112xi32, #tpu.memory_space<vmem>>
    %dma_start3A_107 = arith.constant 0 : i32
    %dma_start3A_108 = arith.constant 0 : i32
    %dma_start3A_109 = tpu.memref_slice %arg2[%dma_start3A_107, %dma_start3A_108] : memref<100000x128xf32, #tpu.memory_space<hbm>> -> memref<100000x128xf32, #tpu.memory_space<hbm>>
    %dma_start3A_110 = tpu.memref_slice %arg23[%dma_start3A_101] : memref<7x!tpu.dma_semaphore, #tpu.memory_space<semaphore_mem>> -> memref<1x!tpu.dma_semaphore, #tpu.memory_space<semaphore_mem>>
    %dma_start3A_111 = tpu.memref_squeeze %dma_start3A_110 : memref<1x!tpu.dma_semaphore, #tpu.memory_space<semaphore_mem>> -> memref<!tpu.dma_semaphore, #tpu.memory_space<semaphore_mem>>
    tpu.enqueue_indirect_dma source(%dma_start3A_109 : memref<100000x128xf32, #tpu.memory_space<hbm>>) target(%dma_start3A_105 : memref<112x128xf32, #tpu.memory_space<vmem>>) offsets(%dma_start3A_106 : memref<112xi32, #tpu.memory_space<vmem>>) semaphore(%dma_start3A_111 : memref<!tpu.dma_semaphore, #tpu.memory_space<semaphore_mem>>)
    %multiple_of3A_112 = arith.constant 672 : i32
    %multiple_of3A_113 = tpu.assume_multiple %multiple_of3A_112, 8 : i32
    %dma_start3A_114 = arith.constant 6 : i32
    %dma_start3A_115 = arith.constant 6 : i32
    %dma_start3A_116 = arith.constant 0 : i32
    %dma_start3A_117 = arith.constant 0 : i32
    %dma_start3A_118 = tpu.memref_slice %arg14[%dma_start3A_114, %dma_start3A_116, %dma_start3A_117] : memref<7x112x128xf32, #tpu.memory_space<vmem>> -> memref<1x112x128xf32, #tpu.memory_space<vmem>>
    %dma_start3A_119 = tpu.memref_squeeze %dma_start3A_118 : memref<1x112x128xf32, #tpu.memory_space<vmem>> -> memref<112x128xf32, #tpu.memory_space<vmem>>
    %dma_start3A_120 = tpu.memref_slice %arg11[%multiple_of3A_113] : memref<2016xi32, #tpu.memory_space<vmem>> -> memref<112xi32, #tpu.memory_space<vmem>>
    %dma_start3A_121 = arith.constant 0 : i32
    %dma_start3A_122 = arith.constant 0 : i32
    %dma_start3A_123 = tpu.memref_slice %arg2[%dma_start3A_121, %dma_start3A_122] : memref<100000x128xf32, #tpu.memory_space<hbm>> -> memref<100000x128xf32, #tpu.memory_space<hbm>>
    %dma_start3A_124 = tpu.memref_slice %arg23[%dma_start3A_115] : memref<7x!tpu.dma_semaphore, #tpu.memory_space<semaphore_mem>> -> memref<1x!tpu.dma_semaphore, #tpu.memory_space<semaphore_mem>>
    %dma_start3A_125 = tpu.memref_squeeze %dma_start3A_124 : memref<1x!tpu.dma_semaphore, #tpu.memory_space<semaphore_mem>> -> memref<!tpu.dma_semaphore, #tpu.memory_space<semaphore_mem>>
    tpu.enqueue_indirect_dma source(%dma_start3A_123 : memref<100000x128xf32, #tpu.memory_space<hbm>>) target(%dma_start3A_119 : memref<112x128xf32, #tpu.memory_space<vmem>>) offsets(%dma_start3A_120 : memref<112xi32, #tpu.memory_space<vmem>>) semaphore(%dma_start3A_125 : memref<!tpu.dma_semaphore, #tpu.memory_space<semaphore_mem>>)
    %get3A = arith.constant 0 : index
    %get3A_126 = tpu.vector_load %arg12[%get3A] {strides = array<i32>} : memref<2016xf32, #tpu.memory_space<vmem>>, vector<16xf32>,
    %while3A = arith.constant 1 : i32
    %while3A_127 = arith.subi %select_n3A, %while3A : i32
    %while3A_128 = arith.addi %while3A, %while3A_127 : i32
    %while3A_129 = arith.constant 1 : i32
    %while3A_130 = arith.divsi %while3A_127, %while3A_129 : i32
    %while3A_131 = arith.muli %while3A_130, %while3A_129 : i32
    %while3A_132 = arith.addi %while3A, %while3A_131 : i32
    %while3A_133 = arith.constant 1 : i32
    %while3A_134 = scf.for %while3A_220 = %while3A to %while3A_132 step %while3A_133 iter_args(%while3A_221 = %get3A_126) -> (vector<16xf32>)  : i32 {
      %mul3A_222 = arith.constant 16 : i32
      %mul3A_223 = arith.muli %while3A_220, %mul3A_222 : i32
      %get3A_224 = arith.index_cast %mul3A_223 : i32 to index
      %get3A_225 = tpu.vector_load %arg12[%get3A_224] {strides = array<i32>} : memref<2016xf32, #tpu.memory_space<vmem>>, vector<16xf32>,
      %max3A = arith.maximumf %while3A_221, %get3A_225 : vector<16xf32>
      scf.yield %max3A : vector<16xf32>
    }
    %while3A_135 = arith.constant 1 : i32
    %while3A_136 = scf.for %while3A_220 = %while3A_132 to %while3A_128 step %while3A_135 iter_args(%while3A_221 = %while3A_134) -> (vector<16xf32>)  : i32 {
      %mul3A_222 = arith.constant 16 : i32
      %mul3A_223 = arith.muli %while3A_220, %mul3A_222 : i32
      %get3A_224 = arith.index_cast %mul3A_223 : i32 to index
      %get3A_225 = tpu.vector_load %arg12[%get3A_224] {strides = array<i32>} : memref<2016xf32, #tpu.memory_space<vmem>>, vector<16xf32>,
      %max3A = arith.maximumf %while3A_221, %get3A_225 : vector<16xf32>
      scf.yield %max3A : vector<16xf32>
    }
    %reduce_max3A = arith.constant true
    %reduce_max3A_137 = vector.broadcast %reduce_max3A : i1 to vector<16xi1>
    %reduce_max3A_138 = tpu.scan <max>, %while3A_136 masked %reduce_max3A_137 : vector<16xf32>, vector<16xi1> -> vector<16xf32>
    %reduce_max3A_139 = vector.extract %reduce_max3A_138[15] : f32 from vector<16xf32>
    %broadcast_in_dim3A = arith.constant 0.000000e+00 : f32
    %broadcast_in_dim3A_140 = vector.broadcast %broadcast_in_dim3A : f32 to vector<16xf32>
    %while3A_141 = arith.constant 0 : i32
    %while3A_142 = arith.subi %select_n3A, %while3A_141 : i32
    %while3A_143 = arith.addi %while3A_141, %while3A_142 : i32
    %while3A_144 = arith.constant 1 : i32
    %while3A_145 = arith.divsi %while3A_142, %while3A_144 : i32
    %while3A_146 = arith.muli %while3A_145, %while3A_144 : i32
    %while3A_147 = arith.addi %while3A_141, %while3A_146 : i32
    %while3A_148 = arith.constant 1 : i32
    %while3A_149 = scf.for %while3A_220 = %while3A_141 to %while3A_147 step %while3A_148 iter_args(%while3A_221 = %broadcast_in_dim3A_140) -> (vector<16xf32>)  : i32 {
      %mul3A_222 = arith.constant 16 : i32
      %mul3A_223 = arith.muli %while3A_220, %mul3A_222 : i32
      %get3A_224 = arith.index_cast %mul3A_223 : i32 to index
      %get3A_225 = tpu.vector_load %arg12[%get3A_224] {strides = array<i32>} : memref<2016xf32, #tpu.memory_space<vmem>>, vector<16xf32>,
      %sub3A = vector.broadcast %reduce_max3A_139 : f32 to vector<16xf32>
      %sub3A_226 = arith.subf %get3A_225, %sub3A : vector<16xf32>
      %exp3A = math.exp %sub3A_226 : vector<16xf32>
      %mul3A_227 = arith.constant 16 : i32
      %mul3A_228 = arith.muli %while3A_220, %mul3A_227 : i32
      %swap3A_229 = arith.index_cast %mul3A_228 : i32 to index
      %swap3A_230 = tpu.vector_load %arg13[%swap3A_229] {strides = array<i32>} : memref<2016xf32, #tpu.memory_space<vmem>>, vector<16xf32>,
      tpu.vector_store %arg13[%swap3A_229], %exp3A {strides = array<i32>} : memref<2016xf32, #tpu.memory_space<vmem>>, vector<16xf32>,
      %add3A_231 = arith.addf %while3A_221, %exp3A : vector<16xf32>
      scf.yield %add3A_231 : vector<16xf32>
    }
    %while3A_150 = arith.constant 1 : i32
    %while3A_151 = scf.for %while3A_220 = %while3A_147 to %while3A_143 step %while3A_150 iter_args(%while3A_221 = %while3A_149) -> (vector<16xf32>)  : i32 {
      %mul3A_222 = arith.constant 16 : i32
      %mul3A_223 = arith.muli %while3A_220, %mul3A_222 : i32
      %get3A_224 = arith.index_cast %mul3A_223 : i32 to index
      %get3A_225 = tpu.vector_load %arg12[%get3A_224] {strides = array<i32>} : memref<2016xf32, #tpu.memory_space<vmem>>, vector<16xf32>,
      %sub3A = vector.broadcast %reduce_max3A_139 : f32 to vector<16xf32>
      %sub3A_226 = arith.subf %get3A_225, %sub3A : vector<16xf32>
      %exp3A = math.exp %sub3A_226 : vector<16xf32>
      %mul3A_227 = arith.constant 16 : i32
      %mul3A_228 = arith.muli %while3A_220, %mul3A_227 : i32
      %swap3A_229 = arith.index_cast %mul3A_228 : i32 to index
      %swap3A_230 = tpu.vector_load %arg13[%swap3A_229] {strides = array<i32>} : memref<2016xf32, #tpu.memory_space<vmem>>, vector<16xf32>,
      tpu.vector_store %arg13[%swap3A_229], %exp3A {strides = array<i32>} : memref<2016xf32, #tpu.memory_space<vmem>>, vector<16xf32>,
      %add3A_231 = arith.addf %while3A_221, %exp3A : vector<16xf32>
      scf.yield %add3A_231 : vector<16xf32>
    }
    %reduce_sum3A = arith.constant true
    %reduce_sum3A_152 = vector.broadcast %reduce_sum3A : i1 to vector<16xi1>
    %reduce_sum3A_153 = tpu.scan <sum>, %while3A_151 masked %reduce_sum3A_152 : vector<16xf32>, vector<16xi1> -> vector<16xf32>
    %reduce_sum3A_154 = vector.extract %reduce_sum3A_153[15] : f32 from vector<16xf32>
    %broadcast_in_dim3A_155 = arith.constant 0.000000e+00 : f32
    %broadcast_in_dim3A_156 = vector.broadcast %broadcast_in_dim3A_155 : f32 to vector<16xf32>
    %broadcast_in_dim3A_157 = arith.constant 0.000000e+00 : f32
    %broadcast_in_dim3A_158 = vector.broadcast %broadcast_in_dim3A_157 : f32 to vector<16xf32>
    %broadcast_in_dim3A_159 = arith.constant 0.000000e+00 : f32
    %broadcast_in_dim3A_160 = vector.broadcast %broadcast_in_dim3A_159 : f32 to vector<16xf32>
    %broadcast_in_dim3A_161 = arith.constant 0.000000e+00 : f32
    %broadcast_in_dim3A_162 = vector.broadcast %broadcast_in_dim3A_161 : f32 to vector<16xf32>
    %broadcast_in_dim3A_163 = arith.constant 0.000000e+00 : f32
    %broadcast_in_dim3A_164 = vector.broadcast %broadcast_in_dim3A_163 : f32 to vector<16xf32>
    %broadcast_in_dim3A_165 = arith.constant 0.000000e+00 : f32
    %broadcast_in_dim3A_166 = vector.broadcast %broadcast_in_dim3A_165 : f32 to vector<16xf32>
    %broadcast_in_dim3A_167 = arith.constant 0.000000e+00 : f32
    %broadcast_in_dim3A_168 = vector.broadcast %broadcast_in_dim3A_167 : f32 to vector<16xf32>
    %broadcast_in_dim3A_169 = arith.constant 0.000000e+00 : f32
    %broadcast_in_dim3A_170 = vector.broadcast %broadcast_in_dim3A_169 : f32 to vector<16xf32>
    %while3A_171 = arith.constant 0 : i32
    %while3A_172 = arith.subi %select_n3A_28, %while3A_171 : i32
    %while3A_173 = arith.addi %while3A_171, %while3A_172 : i32
    %while3A_174 = arith.constant 1 : i32
    %while3A_175 = arith.divsi %while3A_172, %while3A_174 : i32
    %while3A_176 = arith.muli %while3A_175, %while3A_174 : i32
    %while3A_177 = arith.addi %while3A_171, %while3A_176 : i32
    %while3A_178 = arith.constant 1 : i32
    %while3A_179:8 = scf.for %while3A_220 = %while3A_171 to %while3A_177 step %while3A_178 iter_args(%while3A_221 = %broadcast_in_dim3A_156, %while3A_222 = %broadcast_in_dim3A_158, %while3A_223 = %broadcast_in_dim3A_160, %while3A_224 = %broadcast_in_dim3A_162, %while3A_225 = %broadcast_in_dim3A_164, %while3A_226 = %broadcast_in_dim3A_166, %while3A_227 = %broadcast_in_dim3A_168, %while3A_228 = %broadcast_in_dim3A_170) -> (vector<16xf32>, vector<16xf32>, vector<16xf32>, vector<16xf32>, vector<16xf32>, vector<16xf32>, vector<16xf32>, vector<16xf32>)  : i32 {
      %rem3A = arith.constant 7 : i32
      %rem3A_229 = arith.remsi %while3A_220, %rem3A : i32
      %dma_wait3A_230 = arith.constant 0 : i32
      %dma_wait3A_231 = arith.constant 0 : i32
      %dma_wait3A_232 = arith.constant 0 : i32
      %dma_wait3A_233 = tpu.memref_slice %arg14[%dma_wait3A_230, %dma_wait3A_231, %dma_wait3A_232] : memref<7x112x128xf32, #tpu.memory_space<vmem>> -> memref<1x112x128xf32, #tpu.memory_space<vmem>>
      %dma_wait3A_234 = tpu.memref_squeeze %dma_wait3A_233 : memref<1x112x128xf32, #tpu.memory_space<vmem>> -> memref<112x128xf32, #tpu.memory_space<vmem>>
      %dma_wait3A_235 = arith.constant 0 : i32
      %dma_wait3A_236 = tpu.memref_slice %arg11[%dma_wait3A_235] : memref<2016xi32, #tpu.memory_space<vmem>> -> memref<112xi32, #tpu.memory_space<vmem>>
      %dma_wait3A_237 = arith.constant 0 : i32
      %dma_wait3A_238 = arith.constant 0 : i32
      %dma_wait3A_239 = tpu.memref_slice %arg2[%dma_wait3A_237, %dma_wait3A_238] : memref<100000x128xf32, #tpu.memory_space<hbm>> -> memref<100000x128xf32, #tpu.memory_space<hbm>>
      %dma_wait3A_240 = tpu.memref_slice %arg23[%rem3A_229] : memref<7x!tpu.dma_semaphore, #tpu.memory_space<semaphore_mem>> -> memref<1x!tpu.dma_semaphore, #tpu.memory_space<semaphore_mem>>
      %dma_wait3A_241 = tpu.memref_squeeze %dma_wait3A_240 : memref<1x!tpu.dma_semaphore, #tpu.memory_space<semaphore_mem>> -> memref<!tpu.dma_semaphore, #tpu.memory_space<semaphore_mem>>
      tpu.wait_indirect_dma semaphore(%dma_wait3A_241 : memref<!tpu.dma_semaphore, #tpu.memory_space<semaphore_mem>>) src(%dma_wait3A_239 : memref<100000x128xf32, #tpu.memory_space<hbm>>) dst(%dma_wait3A_234 : memref<112x128xf32, #tpu.memory_space<vmem>>)
      %scan3A = arith.constant 0 : i32
      %scan3A_242 = arith.constant 7 : i32
      %scan3A_243 = arith.addi %scan3A, %scan3A_242 : i32
      %scan3A_244 = arith.constant 1 : i32
      %scan3A_245:8 = scf.for %scan3A_253 = %scan3A to %scan3A_243 step %scan3A_244 iter_args(%scan3A_254 = %while3A_221, %scan3A_255 = %while3A_222, %scan3A_256 = %while3A_223, %scan3A_257 = %while3A_224, %scan3A_258 = %while3A_225, %scan3A_259 = %while3A_226, %scan3A_260 = %while3A_227, %scan3A_261 = %while3A_228) -> (vector<16xf32>, vector<16xf32>, vector<16xf32>, vector<16xf32>, vector<16xf32>, vector<16xf32>, vector<16xf32>, vector<16xf32>)  : i32 {
        %mul3A_262 = arith.constant 112 : i32
        %mul3A_263 = arith.muli %while3A_220, %mul3A_262 : i32
        %mul3A_264 = arith.constant 16 : i32
        %mul3A_265 = arith.muli %scan3A_253, %mul3A_264 : i32
        %add3A_266 = arith.addi %mul3A_263, %mul3A_265 : i32
        %get3A_267 = arith.index_cast %add3A_266 : i32 to index
        %get3A_268 = tpu.vector_load %arg13[%get3A_267] {strides = array<i32>} : memref<2016xf32, #tpu.memory_space<vmem>>, vector<16xf32>,
        %slice3A = vector.extract_strided_slice %get3A_268 {offsets = [0], sizes = [1], strides = [1]} : vector<16xf32> to vector<1xf32>
        %squeeze3A = vector.extract %slice3A[0] : f32 from vector<1xf32>
        %mul3A_269 = arith.constant 16 : i32
        %mul3A_270 = arith.muli %scan3A_253, %mul3A_269 : i32
        %add3A_271 = arith.constant 0 : i32
        %add3A_272 = arith.addi %mul3A_270, %add3A_271 : i32
        %get3A_273 = arith.index_cast %rem3A_229 : i32 to index
        %get3A_274 = arith.index_cast %add3A_272 : i32 to index
        %get3A_275 = arith.constant 0 : index
        %get3A_276 = tpu.vector_load %arg14[%get3A_273, %get3A_274, %get3A_275] {strides = array<i32>} : memref<7x112x128xf32, #tpu.memory_space<vmem>>, vector<16xf32>,
        %mul3A_277 = vector.broadcast %squeeze3A : f32 to vector<16xf32>
        %mul3A_278 = arith.mulf %mul3A_277, %get3A_276 : vector<16xf32>
        %add3A_279 = arith.addf %scan3A_254, %mul3A_278 : vector<16xf32>
        %get3A_280 = arith.index_cast %rem3A_229 : i32 to index
        %get3A_281 = arith.index_cast %add3A_272 : i32 to index
        %get3A_282 = arith.constant 16 : index
        %get3A_283 = tpu.vector_load %arg14[%get3A_280, %get3A_281, %get3A_282] {strides = array<i32>} : memref<7x112x128xf32, #tpu.memory_space<vmem>>, vector<16xf32>,
        %mul3A_284 = vector.broadcast %squeeze3A : f32 to vector<16xf32>
        %mul3A_285 = arith.mulf %mul3A_284, %get3A_283 : vector<16xf32>
        %add3A_286 = arith.addf %scan3A_255, %mul3A_285 : vector<16xf32>
        %get3A_287 = arith.index_cast %rem3A_229 : i32 to index
        %get3A_288 = arith.index_cast %add3A_272 : i32 to index
        %get3A_289 = arith.constant 32 : index
        %get3A_290 = tpu.vector_load %arg14[%get3A_287, %get3A_288, %get3A_289] {strides = array<i32>} : memref<7x112x128xf32, #tpu.memory_space<vmem>>, vector<16xf32>,
        %mul3A_291 = vector.broadcast %squeeze3A : f32 to vector<16xf32>
        %mul3A_292 = arith.mulf %mul3A_291, %get3A_290 : vector<16xf32>
        %add3A_293 = arith.addf %scan3A_256, %mul3A_292 : vector<16xf32>
        %get3A_294 = arith.index_cast %rem3A_229 : i32 to index
        %get3A_295 = arith.index_cast %add3A_272 : i32 to index
        %get3A_296 = arith.constant 48 : index
        %get3A_297 = tpu.vector_load %arg14[%get3A_294, %get3A_295, %get3A_296] {strides = array<i32>} : memref<7x112x128xf32, #tpu.memory_space<vmem>>, vector<16xf32>,
        %mul3A_298 = vector.broadcast %squeeze3A : f32 to vector<16xf32>
        %mul3A_299 = arith.mulf %mul3A_298, %get3A_297 : vector<16xf32>
        %add3A_300 = arith.addf %scan3A_257, %mul3A_299 : vector<16xf32>
        %get3A_301 = arith.index_cast %rem3A_229 : i32 to index
        %get3A_302 = arith.index_cast %add3A_272 : i32 to index
        %get3A_303 = arith.constant 64 : index
        %get3A_304 = tpu.vector_load %arg14[%get3A_301, %get3A_302, %get3A_303] {strides = array<i32>} : memref<7x112x128xf32, #tpu.memory_space<vmem>>, vector<16xf32>,
        %mul3A_305 = vector.broadcast %squeeze3A : f32 to vector<16xf32>
        %mul3A_306 = arith.mulf %mul3A_305, %get3A_304 : vector<16xf32>
        %add3A_307 = arith.addf %scan3A_258, %mul3A_306 : vector<16xf32>
        %get3A_308 = arith.index_cast %rem3A_229 : i32 to index
        %get3A_309 = arith.index_cast %add3A_272 : i32 to index
        %get3A_310 = arith.constant 80 : index
        %get3A_311 = tpu.vector_load %arg14[%get3A_308, %get3A_309, %get3A_310] {strides = array<i32>} : memref<7x112x128xf32, #tpu.memory_space<vmem>>, vector<16xf32>,
        %mul3A_312 = vector.broadcast %squeeze3A : f32 to vector<16xf32>
        %mul3A_313 = arith.mulf %mul3A_312, %get3A_311 : vector<16xf32>
        %add3A_314 = arith.addf %scan3A_259, %mul3A_313 : vector<16xf32>
        %get3A_315 = arith.index_cast %rem3A_229 : i32 to index
        %get3A_316 = arith.index_cast %add3A_272 : i32 to index
        %get3A_317 = arith.constant 96 : index
        %get3A_318 = tpu.vector_load %arg14[%get3A_315, %get3A_316, %get3A_317] {strides = array<i32>} : memref<7x112x128xf32, #tpu.memory_space<vmem>>, vector<16xf32>,
        %mul3A_319 = vector.broadcast %squeeze3A : f32 to vector<16xf32>
        %mul3A_320 = arith.mulf %mul3A_319, %get3A_318 : vector<16xf32>
        %add3A_321 = arith.addf %scan3A_260, %mul3A_320 : vector<16xf32>
        %get3A_322 = arith.index_cast %rem3A_229 : i32 to index
        %get3A_323 = arith.index_cast %add3A_272 : i32 to index
        %get3A_324 = arith.constant 112 : index
        %get3A_325 = tpu.vector_load %arg14[%get3A_322, %get3A_323, %get3A_324] {strides = array<i32>} : memref<7x112x128xf32, #tpu.memory_space<vmem>>, vector<16xf32>,
        %mul3A_326 = vector.broadcast %squeeze3A : f32 to vector<16xf32>
        %mul3A_327 = arith.mulf %mul3A_326, %get3A_325 : vector<16xf32>
        %add3A_328 = arith.addf %scan3A_261, %mul3A_327 : vector<16xf32>
        %slice3A_329 = vector.extract_strided_slice %get3A_268 {offsets = [1], sizes = [1], strides = [1]} : vector<16xf32> to vector<1xf32>
        %squeeze3A_330 = vector.extract %slice3A_329[0] : f32 from vector<1xf32>
        %mul3A_331 = arith.constant 16 : i32
        %mul3A_332 = arith.muli %scan3A_253, %mul3A_331 : i32
        %add3A_333 = arith.constant 1 : i32
        %add3A_334 = arith.addi %mul3A_332, %add3A_333 : i32
        %get3A_335 = arith.index_cast %rem3A_229 : i32 to index
        %get3A_336 = arith.index_cast %add3A_334 : i32 to index
        %get3A_337 = arith.constant 0 : index
        %get3A_338 = tpu.vector_load %arg14[%get3A_335, %get3A_336, %get3A_337] {strides = array<i32>} : memref<7x112x128xf32, #tpu.memory_space<vmem>>, vector<16xf32>,
        %mul3A_339 = vector.broadcast %squeeze3A_330 : f32 to vector<16xf32>
        %mul3A_340 = arith.mulf %mul3A_339, %get3A_338 : vector<16xf32>
        %add3A_341 = arith.addf %add3A_279, %mul3A_340 : vector<16xf32>
        %get3A_342 = arith.index_cast %rem3A_229 : i32 to index
        %get3A_343 = arith.index_cast %add3A_334 : i32 to index
        %get3A_344 = arith.constant 16 : index
        %get3A_345 = tpu.vector_load %arg14[%get3A_342, %get3A_343, %get3A_344] {strides = array<i32>} : memref<7x112x128xf32, #tpu.memory_space<vmem>>, vector<16xf32>,
        %mul3A_346 = vector.broadcast %squeeze3A_330 : f32 to vector<16xf32>
        %mul3A_347 = arith.mulf %mul3A_346, %get3A_345 : vector<16xf32>
        %add3A_348 = arith.addf %add3A_286, %mul3A_347 : vector<16xf32>
        %get3A_349 = arith.index_cast %rem3A_229 : i32 to index
        %get3A_350 = arith.index_cast %add3A_334 : i32 to index
        %get3A_351 = arith.constant 32 : index
        %get3A_352 = tpu.vector_load %arg14[%get3A_349, %get3A_350, %get3A_351] {strides = array<i32>} : memref<7x112x128xf32, #tpu.memory_space<vmem>>, vector<16xf32>,
        %mul3A_353 = vector.broadcast %squeeze3A_330 : f32 to vector<16xf32>
        %mul3A_354 = arith.mulf %mul3A_353, %get3A_352 : vector<16xf32>
        %add3A_355 = arith.addf %add3A_293, %mul3A_354 : vector<16xf32>
        %get3A_356 = arith.index_cast %rem3A_229 : i32 to index
        %get3A_357 = arith.index_cast %add3A_334 : i32 to index
        %get3A_358 = arith.constant 48 : index
        %get3A_359 = tpu.vector_load %arg14[%get3A_356, %get3A_357, %get3A_358] {strides = array<i32>} : memref<7x112x128xf32, #tpu.memory_space<vmem>>, vector<16xf32>,
        %mul3A_360 = vector.broadcast %squeeze3A_330 : f32 to vector<16xf32>
        %mul3A_361 = arith.mulf %mul3A_360, %get3A_359 : vector<16xf32>
        %add3A_362 = arith.addf %add3A_300, %mul3A_361 : vector<16xf32>
        %get3A_363 = arith.index_cast %rem3A_229 : i32 to index
        %get3A_364 = arith.index_cast %add3A_334 : i32 to index
        %get3A_365 = arith.constant 64 : index
        %get3A_366 = tpu.vector_load %arg14[%get3A_363, %get3A_364, %get3A_365] {strides = array<i32>} : memref<7x112x128xf32, #tpu.memory_space<vmem>>, vector<16xf32>,
        %mul3A_367 = vector.broadcast %squeeze3A_330 : f32 to vector<16xf32>
        %mul3A_368 = arith.mulf %mul3A_367, %get3A_366 : vector<16xf32>
        %add3A_369 = arith.addf %add3A_307, %mul3A_368 : vector<16xf32>
        %get3A_370 = arith.index_cast %rem3A_229 : i32 to index
        %get3A_371 = arith.index_cast %add3A_334 : i32 to index
        %get3A_372 = arith.constant 80 : index
        %get3A_373 = tpu.vector_load %arg14[%get3A_370, %get3A_371, %get3A_372] {strides = array<i32>} : memref<7x112x128xf32, #tpu.memory_space<vmem>>, vector<16xf32>,
        %mul3A_374 = vector.broadcast %squeeze3A_330 : f32 to vector<16xf32>
        %mul3A_375 = arith.mulf %mul3A_374, %get3A_373 : vector<16xf32>
        %add3A_376 = arith.addf %add3A_314, %mul3A_375 : vector<16xf32>
        %get3A_377 = arith.index_cast %rem3A_229 : i32 to index
        %get3A_378 = arith.index_cast %add3A_334 : i32 to index
        %get3A_379 = arith.constant 96 : index
        %get3A_380 = tpu.vector_load %arg14[%get3A_377, %get3A_378, %get3A_379] {strides = array<i32>} : memref<7x112x128xf32, #tpu.memory_space<vmem>>, vector<16xf32>,
        %mul3A_381 = vector.broadcast %squeeze3A_330 : f32 to vector<16xf32>
        %mul3A_382 = arith.mulf %mul3A_381, %get3A_380 : vector<16xf32>
        %add3A_383 = arith.addf %add3A_321, %mul3A_382 : vector<16xf32>
        %get3A_384 = arith.index_cast %rem3A_229 : i32 to index
        %get3A_385 = arith.index_cast %add3A_334 : i32 to index
        %get3A_386 = arith.constant 112 : index
        %get3A_387 = tpu.vector_load %arg14[%get3A_384, %get3A_385, %get3A_386] {strides = array<i32>} : memref<7x112x128xf32, #tpu.memory_space<vmem>>, vector<16xf32>,
        %mul3A_388 = vector.broadcast %squeeze3A_330 : f32 to vector<16xf32>
        %mul3A_389 = arith.mulf %mul3A_388, %get3A_387 : vector<16xf32>
        %add3A_390 = arith.addf %add3A_328, %mul3A_389 : vector<16xf32>
        %slice3A_391 = vector.extract_strided_slice %get3A_268 {offsets = [2], sizes = [1], strides = [1]} : vector<16xf32> to vector<1xf32>
        %squeeze3A_392 = vector.extract %slice3A_391[0] : f32 from vector<1xf32>
        %mul3A_393 = arith.constant 16 : i32
        %mul3A_394 = arith.muli %scan3A_253, %mul3A_393 : i32
        %add3A_395 = arith.constant 2 : i32
        %add3A_396 = arith.addi %mul3A_394, %add3A_395 : i32
        %get3A_397 = arith.index_cast %rem3A_229 : i32 to index
        %get3A_398 = arith.index_cast %add3A_396 : i32 to index
        %get3A_399 = arith.constant 0 : index
        %get3A_400 = tpu.vector_load %arg14[%get3A_397, %get3A_398, %get3A_399] {strides = array<i32>} : memref<7x112x128xf32, #tpu.memory_space<vmem>>, vector<16xf32>,
        %mul3A_401 = vector.broadcast %squeeze3A_392 : f32 to vector<16xf32>
        %mul3A_402 = arith.mulf %mul3A_401, %get3A_400 : vector<16xf32>
        %add3A_403 = arith.addf %add3A_341, %mul3A_402 : vector<16xf32>
        %get3A_404 = arith.index_cast %rem3A_229 : i32 to index
        %get3A_405 = arith.index_cast %add3A_396 : i32 to index
        %get3A_406 = arith.constant 16 : index
        %get3A_407 = tpu.vector_load %arg14[%get3A_404, %get3A_405, %get3A_406] {strides = array<i32>} : memref<7x112x128xf32, #tpu.memory_space<vmem>>, vector<16xf32>,
        %mul3A_408 = vector.broadcast %squeeze3A_392 : f32 to vector<16xf32>
        %mul3A_409 = arith.mulf %mul3A_408, %get3A_407 : vector<16xf32>
        %add3A_410 = arith.addf %add3A_348, %mul3A_409 : vector<16xf32>
        %get3A_411 = arith.index_cast %rem3A_229 : i32 to index
        %get3A_412 = arith.index_cast %add3A_396 : i32 to index
        %get3A_413 = arith.constant 32 : index
        %get3A_414 = tpu.vector_load %arg14[%get3A_411, %get3A_412, %get3A_413] {strides = array<i32>} : memref<7x112x128xf32, #tpu.memory_space<vmem>>, vector<16xf32>,
        %mul3A_415 = vector.broadcast %squeeze3A_392 : f32 to vector<16xf32>
        %mul3A_416 = arith.mulf %mul3A_415, %get3A_414 : vector<16xf32>
        %add3A_417 = arith.addf %add3A_355, %mul3A_416 : vector<16xf32>
        %get3A_418 = arith.index_cast %rem3A_229 : i32 to index
        %get3A_419 = arith.index_cast %add3A_396 : i32 to index
        %get3A_420 = arith.constant 48 : index
        %get3A_421 = tpu.vector_load %arg14[%get3A_418, %get3A_419, %get3A_420] {strides = array<i32>} : memref<7x112x128xf32, #tpu.memory_space<vmem>>, vector<16xf32>,
        %mul3A_422 = vector.broadcast %squeeze3A_392 : f32 to vector<16xf32>
        %mul3A_423 = arith.mulf %mul3A_422, %get3A_421 : vector<16xf32>
        %add3A_424 = arith.addf %add3A_362, %mul3A_423 : vector<16xf32>
        %get3A_425 = arith.index_cast %rem3A_229 : i32 to index
        %get3A_426 = arith.index_cast %add3A_396 : i32 to index
        %get3A_427 = arith.constant 64 : index
        %get3A_428 = tpu.vector_load %arg14[%get3A_425, %get3A_426, %get3A_427] {strides = array<i32>} : memref<7x112x128xf32, #tpu.memory_space<vmem>>, vector<16xf32>,
        %mul3A_429 = vector.broadcast %squeeze3A_392 : f32 to vector<16xf32>
        %mul3A_430 = arith.mulf %mul3A_429, %get3A_428 : vector<16xf32>
        %add3A_431 = arith.addf %add3A_369, %mul3A_430 : vector<16xf32>
        %get3A_432 = arith.index_cast %rem3A_229 : i32 to index
        %get3A_433 = arith.index_cast %add3A_396 : i32 to index
        %get3A_434 = arith.constant 80 : index
        %get3A_435 = tpu.vector_load %arg14[%get3A_432, %get3A_433, %get3A_434] {strides = array<i32>} : memref<7x112x128xf32, #tpu.memory_space<vmem>>, vector<16xf32>,
        %mul3A_436 = vector.broadcast %squeeze3A_392 : f32 to vector<16xf32>
        %mul3A_437 = arith.mulf %mul3A_436, %get3A_435 : vector<16xf32>
        %add3A_438 = arith.addf %add3A_376, %mul3A_437 : vector<16xf32>
        %get3A_439 = arith.index_cast %rem3A_229 : i32 to index
        %get3A_440 = arith.index_cast %add3A_396 : i32 to index
        %get3A_441 = arith.constant 96 : index
        %get3A_442 = tpu.vector_load %arg14[%get3A_439, %get3A_440, %get3A_441] {strides = array<i32>} : memref<7x112x128xf32, #tpu.memory_space<vmem>>, vector<16xf32>,
        %mul3A_443 = vector.broadcast %squeeze3A_392 : f32 to vector<16xf32>
        %mul3A_444 = arith.mulf %mul3A_443, %get3A_442 : vector<16xf32>
        %add3A_445 = arith.addf %add3A_383, %mul3A_444 : vector<16xf32>
        %get3A_446 = arith.index_cast %rem3A_229 : i32 to index
        %get3A_447 = arith.index_cast %add3A_396 : i32 to index
        %get3A_448 = arith.constant 112 : index
        %get3A_449 = tpu.vector_load %arg14[%get3A_446, %get3A_447, %get3A_448] {strides = array<i32>} : memref<7x112x128xf32, #tpu.memory_space<vmem>>, vector<16xf32>,
        %mul3A_450 = vector.broadcast %squeeze3A_392 : f32 to vector<16xf32>
        %mul3A_451 = arith.mulf %mul3A_450, %get3A_449 : vector<16xf32>
        %add3A_452 = arith.addf %add3A_390, %mul3A_451 : vector<16xf32>
        %slice3A_453 = vector.extract_strided_slice %get3A_268 {offsets = [3], sizes = [1], strides = [1]} : vector<16xf32> to vector<1xf32>
        %squeeze3A_454 = vector.extract %slice3A_453[0] : f32 from vector<1xf32>
        %mul3A_455 = arith.constant 16 : i32
        %mul3A_456 = arith.muli %scan3A_253, %mul3A_455 : i32
        %add3A_457 = arith.constant 3 : i32
        %add3A_458 = arith.addi %mul3A_456, %add3A_457 : i32
        %get3A_459 = arith.index_cast %rem3A_229 : i32 to index
        %get3A_460 = arith.index_cast %add3A_458 : i32 to index
        %get3A_461 = arith.constant 0 : index
        %get3A_462 = tpu.vector_load %arg14[%get3A_459, %get3A_460, %get3A_461] {strides = array<i32>} : memref<7x112x128xf32, #tpu.memory_space<vmem>>, vector<16xf32>,
        %mul3A_463 = vector.broadcast %squeeze3A_454 : f32 to vector<16xf32>
        %mul3A_464 = arith.mulf %mul3A_463, %get3A_462 : vector<16xf32>
        %add3A_465 = arith.addf %add3A_403, %mul3A_464 : vector<16xf32>
        %get3A_466 = arith.index_cast %rem3A_229 : i32 to index
        %get3A_467 = arith.index_cast %add3A_458 : i32 to index
        %get3A_468 = arith.constant 16 : index
        %get3A_469 = tpu.vector_load %arg14[%get3A_466, %get3A_467, %get3A_468] {strides = array<i32>} : memref<7x112x128xf32, #tpu.memory_space<vmem>>, vector<16xf32>,
        %mul3A_470 = vector.broadcast %squeeze3A_454 : f32 to vector<16xf32>
        %mul3A_471 = arith.mulf %mul3A_470, %get3A_469 : vector<16xf32>
        %add3A_472 = arith.addf %add3A_410, %mul3A_471 : vector<16xf32>
        %get3A_473 = arith.index_cast %rem3A_229 : i32 to index
        %get3A_474 = arith.index_cast %add3A_458 : i32 to index
        %get3A_475 = arith.constant 32 : index
        %get3A_476 = tpu.vector_load %arg14[%get3A_473, %get3A_474, %get3A_475] {strides = array<i32>} : memref<7x112x128xf32, #tpu.memory_space<vmem>>, vector<16xf32>,
        %mul3A_477 = vector.broadcast %squeeze3A_454 : f32 to vector<16xf32>
        %mul3A_478 = arith.mulf %mul3A_477, %get3A_476 : vector<16xf32>
        %add3A_479 = arith.addf %add3A_417, %mul3A_478 : vector<16xf32>
        %get3A_480 = arith.index_cast %rem3A_229 : i32 to index
        %get3A_481 = arith.index_cast %add3A_458 : i32 to index
        %get3A_482 = arith.constant 48 : index
        %get3A_483 = tpu.vector_load %arg14[%get3A_480, %get3A_481, %get3A_482] {strides = array<i32>} : memref<7x112x128xf32, #tpu.memory_space<vmem>>, vector<16xf32>,
        %mul3A_484 = vector.broadcast %squeeze3A_454 : f32 to vector<16xf32>
        %mul3A_485 = arith.mulf %mul3A_484, %get3A_483 : vector<16xf32>
        %add3A_486 = arith.addf %add3A_424, %mul3A_485 : vector<16xf32>
        %get3A_487 = arith.index_cast %rem3A_229 : i32 to index
        %get3A_488 = arith.index_cast %add3A_458 : i32 to index
        %get3A_489 = arith.constant 64 : index
        %get3A_490 = tpu.vector_load %arg14[%get3A_487, %get3A_488, %get3A_489] {strides = array<i32>} : memref<7x112x128xf32, #tpu.memory_space<vmem>>, vector<16xf32>,
        %mul3A_491 = vector.broadcast %squeeze3A_454 : f32 to vector<16xf32>
        %mul3A_492 = arith.mulf %mul3A_491, %get3A_490 : vector<16xf32>
        %add3A_493 = arith.addf %add3A_431, %mul3A_492 : vector<16xf32>
        %get3A_494 = arith.index_cast %rem3A_229 : i32 to index
        %get3A_495 = arith.index_cast %add3A_458 : i32 to index
        %get3A_496 = arith.constant 80 : index
        %get3A_497 = tpu.vector_load %arg14[%get3A_494, %get3A_495, %get3A_496] {strides = array<i32>} : memref<7x112x128xf32, #tpu.memory_space<vmem>>, vector<16xf32>,
        %mul3A_498 = vector.broadcast %squeeze3A_454 : f32 to vector<16xf32>
        %mul3A_499 = arith.mulf %mul3A_498, %get3A_497 : vector<16xf32>
        %add3A_500 = arith.addf %add3A_438, %mul3A_499 : vector<16xf32>
        %get3A_501 = arith.index_cast %rem3A_229 : i32 to index
        %get3A_502 = arith.index_cast %add3A_458 : i32 to index
        %get3A_503 = arith.constant 96 : index
        %get3A_504 = tpu.vector_load %arg14[%get3A_501, %get3A_502, %get3A_503] {strides = array<i32>} : memref<7x112x128xf32, #tpu.memory_space<vmem>>, vector<16xf32>,
        %mul3A_505 = vector.broadcast %squeeze3A_454 : f32 to vector<16xf32>
        %mul3A_506 = arith.mulf %mul3A_505, %get3A_504 : vector<16xf32>
        %add3A_507 = arith.addf %add3A_445, %mul3A_506 : vector<16xf32>
        %get3A_508 = arith.index_cast %rem3A_229 : i32 to index
        %get3A_509 = arith.index_cast %add3A_458 : i32 to index
        %get3A_510 = arith.constant 112 : index
        %get3A_511 = tpu.vector_load %arg14[%get3A_508, %get3A_509, %get3A_510] {strides = array<i32>} : memref<7x112x128xf32, #tpu.memory_space<vmem>>, vector<16xf32>,
        %mul3A_512 = vector.broadcast %squeeze3A_454 : f32 to vector<16xf32>
        %mul3A_513 = arith.mulf %mul3A_512, %get3A_511 : vector<16xf32>
        %add3A_514 = arith.addf %add3A_452, %mul3A_513 : vector<16xf32>
        %slice3A_515 = vector.extract_strided_slice %get3A_268 {offsets = [4], sizes = [1], strides = [1]} : vector<16xf32> to vector<1xf32>
        %squeeze3A_516 = vector.extract %slice3A_515[0] : f32 from vector<1xf32>
        %mul3A_517 = arith.constant 16 : i32
        %mul3A_518 = arith.muli %scan3A_253, %mul3A_517 : i32
        %add3A_519 = arith.constant 4 : i32
        %add3A_520 = arith.addi %mul3A_518, %add3A_519 : i32
        %get3A_521 = arith.index_cast %rem3A_229 : i32 to index
        %get3A_522 = arith.index_cast %add3A_520 : i32 to index
        %get3A_523 = arith.constant 0 : index
        %get3A_524 = tpu.vector_load %arg14[%get3A_521, %get3A_522, %get3A_523] {strides = array<i32>} : memref<7x112x128xf32, #tpu.memory_space<vmem>>, vector<16xf32>,
        %mul3A_525 = vector.broadcast %squeeze3A_516 : f32 to vector<16xf32>
        %mul3A_526 = arith.mulf %mul3A_525, %get3A_524 : vector<16xf32>
        %add3A_527 = arith.addf %add3A_465, %mul3A_526 : vector<16xf32>
        %get3A_528 = arith.index_cast %rem3A_229 : i32 to index
        %get3A_529 = arith.index_cast %add3A_520 : i32 to index
        %get3A_530 = arith.constant 16 : index
        %get3A_531 = tpu.vector_load %arg14[%get3A_528, %get3A_529, %get3A_530] {strides = array<i32>} : memref<7x112x128xf32, #tpu.memory_space<vmem>>, vector<16xf32>,
        %mul3A_532 = vector.broadcast %squeeze3A_516 : f32 to vector<16xf32>
        %mul3A_533 = arith.mulf %mul3A_532, %get3A_531 : vector<16xf32>
        %add3A_534 = arith.addf %add3A_472, %mul3A_533 : vector<16xf32>
        %get3A_535 = arith.index_cast %rem3A_229 : i32 to index
        %get3A_536 = arith.index_cast %add3A_520 : i32 to index
        %get3A_537 = arith.constant 32 : index
        %get3A_538 = tpu.vector_load %arg14[%get3A_535, %get3A_536, %get3A_537] {strides = array<i32>} : memref<7x112x128xf32, #tpu.memory_space<vmem>>, vector<16xf32>,
        %mul3A_539 = vector.broadcast %squeeze3A_516 : f32 to vector<16xf32>
        %mul3A_540 = arith.mulf %mul3A_539, %get3A_538 : vector<16xf32>
        %add3A_541 = arith.addf %add3A_479, %mul3A_540 : vector<16xf32>
        %get3A_542 = arith.index_cast %rem3A_229 : i32 to index
        %get3A_543 = arith.index_cast %add3A_520 : i32 to index
        %get3A_544 = arith.constant 48 : index
        %get3A_545 = tpu.vector_load %arg14[%get3A_542, %get3A_543, %get3A_544] {strides = array<i32>} : memref<7x112x128xf32, #tpu.memory_space<vmem>>, vector<16xf32>,
        %mul3A_546 = vector.broadcast %squeeze3A_516 : f32 to vector<16xf32>
        %mul3A_547 = arith.mulf %mul3A_546, %get3A_545 : vector<16xf32>
        %add3A_548 = arith.addf %add3A_486, %mul3A_547 : vector<16xf32>
        %get3A_549 = arith.index_cast %rem3A_229 : i32 to index
        %get3A_550 = arith.index_cast %add3A_520 : i32 to index
        %get3A_551 = arith.constant 64 : index
        %get3A_552 = tpu.vector_load %arg14[%get3A_549, %get3A_550, %get3A_551] {strides = array<i32>} : memref<7x112x128xf32, #tpu.memory_space<vmem>>, vector<16xf32>,
        %mul3A_553 = vector.broadcast %squeeze3A_516 : f32 to vector<16xf32>
        %mul3A_554 = arith.mulf %mul3A_553, %get3A_552 : vector<16xf32>
        %add3A_555 = arith.addf %add3A_493, %mul3A_554 : vector<16xf32>
        %get3A_556 = arith.index_cast %rem3A_229 : i32 to index
        %get3A_557 = arith.index_cast %add3A_520 : i32 to index
        %get3A_558 = arith.constant 80 : index
        %get3A_559 = tpu.vector_load %arg14[%get3A_556, %get3A_557, %get3A_558] {strides = array<i32>} : memref<7x112x128xf32, #tpu.memory_space<vmem>>, vector<16xf32>,
        %mul3A_560 = vector.broadcast %squeeze3A_516 : f32 to vector<16xf32>
        %mul3A_561 = arith.mulf %mul3A_560, %get3A_559 : vector<16xf32>
        %add3A_562 = arith.addf %add3A_500, %mul3A_561 : vector<16xf32>
        %get3A_563 = arith.index_cast %rem3A_229 : i32 to index
        %get3A_564 = arith.index_cast %add3A_520 : i32 to index
        %get3A_565 = arith.constant 96 : index
        %get3A_566 = tpu.vector_load %arg14[%get3A_563, %get3A_564, %get3A_565] {strides = array<i32>} : memref<7x112x128xf32, #tpu.memory_space<vmem>>, vector<16xf32>,
        %mul3A_567 = vector.broadcast %squeeze3A_516 : f32 to vector<16xf32>
        %mul3A_568 = arith.mulf %mul3A_567, %get3A_566 : vector<16xf32>
        %add3A_569 = arith.addf %add3A_507, %mul3A_568 : vector<16xf32>
        %get3A_570 = arith.index_cast %rem3A_229 : i32 to index
        %get3A_571 = arith.index_cast %add3A_520 : i32 to index
        %get3A_572 = arith.constant 112 : index
        %get3A_573 = tpu.vector_load %arg14[%get3A_570, %get3A_571, %get3A_572] {strides = array<i32>} : memref<7x112x128xf32, #tpu.memory_space<vmem>>, vector<16xf32>,
        %mul3A_574 = vector.broadcast %squeeze3A_516 : f32 to vector<16xf32>
        %mul3A_575 = arith.mulf %mul3A_574, %get3A_573 : vector<16xf32>
        %add3A_576 = arith.addf %add3A_514, %mul3A_575 : vector<16xf32>
        %slice3A_577 = vector.extract_strided_slice %get3A_268 {offsets = [5], sizes = [1], strides = [1]} : vector<16xf32> to vector<1xf32>
        %squeeze3A_578 = vector.extract %slice3A_577[0] : f32 from vector<1xf32>
        %mul3A_579 = arith.constant 16 : i32
        %mul3A_580 = arith.muli %scan3A_253, %mul3A_579 : i32
        %add3A_581 = arith.constant 5 : i32
        %add3A_582 = arith.addi %mul3A_580, %add3A_581 : i32
        %get3A_583 = arith.index_cast %rem3A_229 : i32 to index
        %get3A_584 = arith.index_cast %add3A_582 : i32 to index
        %get3A_585 = arith.constant 0 : index
        %get3A_586 = tpu.vector_load %arg14[%get3A_583, %get3A_584, %get3A_585] {strides = array<i32>} : memref<7x112x128xf32, #tpu.memory_space<vmem>>, vector<16xf32>,
        %mul3A_587 = vector.broadcast %squeeze3A_578 : f32 to vector<16xf32>
        %mul3A_588 = arith.mulf %mul3A_587, %get3A_586 : vector<16xf32>
        %add3A_589 = arith.addf %add3A_527, %mul3A_588 : vector<16xf32>
        %get3A_590 = arith.index_cast %rem3A_229 : i32 to index
        %get3A_591 = arith.index_cast %add3A_582 : i32 to index
        %get3A_592 = arith.constant 16 : index
        %get3A_593 = tpu.vector_load %arg14[%get3A_590, %get3A_591, %get3A_592] {strides = array<i32>} : memref<7x112x128xf32, #tpu.memory_space<vmem>>, vector<16xf32>,
        %mul3A_594 = vector.broadcast %squeeze3A_578 : f32 to vector<16xf32>
        %mul3A_595 = arith.mulf %mul3A_594, %get3A_593 : vector<16xf32>
        %add3A_596 = arith.addf %add3A_534, %mul3A_595 : vector<16xf32>
        %get3A_597 = arith.index_cast %rem3A_229 : i32 to index
        %get3A_598 = arith.index_cast %add3A_582 : i32 to index
        %get3A_599 = arith.constant 32 : index
        %get3A_600 = tpu.vector_load %arg14[%get3A_597, %get3A_598, %get3A_599] {strides = array<i32>} : memref<7x112x128xf32, #tpu.memory_space<vmem>>, vector<16xf32>,
        %mul3A_601 = vector.broadcast %squeeze3A_578 : f32 to vector<16xf32>
        %mul3A_602 = arith.mulf %mul3A_601, %get3A_600 : vector<16xf32>
        %add3A_603 = arith.addf %add3A_541, %mul3A_602 : vector<16xf32>
        %get3A_604 = arith.index_cast %rem3A_229 : i32 to index
        %get3A_605 = arith.index_cast %add3A_582 : i32 to index
        %get3A_606 = arith.constant 48 : index
        %get3A_607 = tpu.vector_load %arg14[%get3A_604, %get3A_605, %get3A_606] {strides = array<i32>} : memref<7x112x128xf32, #tpu.memory_space<vmem>>, vector<16xf32>,
        %mul3A_608 = vector.broadcast %squeeze3A_578 : f32 to vector<16xf32>
        %mul3A_609 = arith.mulf %mul3A_608, %get3A_607 : vector<16xf32>
        %add3A_610 = arith.addf %add3A_548, %mul3A_609 : vector<16xf32>
        %get3A_611 = arith.index_cast %rem3A_229 : i32 to index
        %get3A_612 = arith.index_cast %add3A_582 : i32 to index
        %get3A_613 = arith.constant 64 : index
        %get3A_614 = tpu.vector_load %arg14[%get3A_611, %get3A_612, %get3A_613] {strides = array<i32>} : memref<7x112x128xf32, #tpu.memory_space<vmem>>, vector<16xf32>,
        %mul3A_615 = vector.broadcast %squeeze3A_578 : f32 to vector<16xf32>
        %mul3A_616 = arith.mulf %mul3A_615, %get3A_614 : vector<16xf32>
        %add3A_617 = arith.addf %add3A_555, %mul3A_616 : vector<16xf32>
        %get3A_618 = arith.index_cast %rem3A_229 : i32 to index
        %get3A_619 = arith.index_cast %add3A_582 : i32 to index
        %get3A_620 = arith.constant 80 : index
        %get3A_621 = tpu.vector_load %arg14[%get3A_618, %get3A_619, %get3A_620] {strides = array<i32>} : memref<7x112x128xf32, #tpu.memory_space<vmem>>, vector<16xf32>,
        %mul3A_622 = vector.broadcast %squeeze3A_578 : f32 to vector<16xf32>
        %mul3A_623 = arith.mulf %mul3A_622, %get3A_621 : vector<16xf32>
        %add3A_624 = arith.addf %add3A_562, %mul3A_623 : vector<16xf32>
        %get3A_625 = arith.index_cast %rem3A_229 : i32 to index
        %get3A_626 = arith.index_cast %add3A_582 : i32 to index
        %get3A_627 = arith.constant 96 : index
        %get3A_628 = tpu.vector_load %arg14[%get3A_625, %get3A_626, %get3A_627] {strides = array<i32>} : memref<7x112x128xf32, #tpu.memory_space<vmem>>, vector<16xf32>,
        %mul3A_629 = vector.broadcast %squeeze3A_578 : f32 to vector<16xf32>
        %mul3A_630 = arith.mulf %mul3A_629, %get3A_628 : vector<16xf32>
        %add3A_631 = arith.addf %add3A_569, %mul3A_630 : vector<16xf32>
        %get3A_632 = arith.index_cast %rem3A_229 : i32 to index
        %get3A_633 = arith.index_cast %add3A_582 : i32 to index
        %get3A_634 = arith.constant 112 : index
        %get3A_635 = tpu.vector_load %arg14[%get3A_632, %get3A_633, %get3A_634] {strides = array<i32>} : memref<7x112x128xf32, #tpu.memory_space<vmem>>, vector<16xf32>,
        %mul3A_636 = vector.broadcast %squeeze3A_578 : f32 to vector<16xf32>
        %mul3A_637 = arith.mulf %mul3A_636, %get3A_635 : vector<16xf32>
        %add3A_638 = arith.addf %add3A_576, %mul3A_637 : vector<16xf32>
        %slice3A_639 = vector.extract_strided_slice %get3A_268 {offsets = [6], sizes = [1], strides = [1]} : vector<16xf32> to vector<1xf32>
        %squeeze3A_640 = vector.extract %slice3A_639[0] : f32 from vector<1xf32>
        %mul3A_641 = arith.constant 16 : i32
        %mul3A_642 = arith.muli %scan3A_253, %mul3A_641 : i32
        %add3A_643 = arith.constant 6 : i32
        %add3A_644 = arith.addi %mul3A_642, %add3A_643 : i32
        %get3A_645 = arith.index_cast %rem3A_229 : i32 to index
        %get3A_646 = arith.index_cast %add3A_644 : i32 to index
        %get3A_647 = arith.constant 0 : index
        %get3A_648 = tpu.vector_load %arg14[%get3A_645, %get3A_646, %get3A_647] {strides = array<i32>} : memref<7x112x128xf32, #tpu.memory_space<vmem>>, vector<16xf32>,
        %mul3A_649 = vector.broadcast %squeeze3A_640 : f32 to vector<16xf32>
        %mul3A_650 = arith.mulf %mul3A_649, %get3A_648 : vector<16xf32>
        %add3A_651 = arith.addf %add3A_589, %mul3A_650 : vector<16xf32>
        %get3A_652 = arith.index_cast %rem3A_229 : i32 to index
        %get3A_653 = arith.index_cast %add3A_644 : i32 to index
        %get3A_654 = arith.constant 16 : index
        %get3A_655 = tpu.vector_load %arg14[%get3A_652, %get3A_653, %get3A_654] {strides = array<i32>} : memref<7x112x128xf32, #tpu.memory_space<vmem>>, vector<16xf32>,
        %mul3A_656 = vector.broadcast %squeeze3A_640 : f32 to vector<16xf32>
        %mul3A_657 = arith.mulf %mul3A_656, %get3A_655 : vector<16xf32>
        %add3A_658 = arith.addf %add3A_596, %mul3A_657 : vector<16xf32>
        %get3A_659 = arith.index_cast %rem3A_229 : i32 to index
        %get3A_660 = arith.index_cast %add3A_644 : i32 to index
        %get3A_661 = arith.constant 32 : index
        %get3A_662 = tpu.vector_load %arg14[%get3A_659, %get3A_660, %get3A_661] {strides = array<i32>} : memref<7x112x128xf32, #tpu.memory_space<vmem>>, vector<16xf32>,
        %mul3A_663 = vector.broadcast %squeeze3A_640 : f32 to vector<16xf32>
        %mul3A_664 = arith.mulf %mul3A_663, %get3A_662 : vector<16xf32>
        %add3A_665 = arith.addf %add3A_603, %mul3A_664 : vector<16xf32>
        %get3A_666 = arith.index_cast %rem3A_229 : i32 to index
        %get3A_667 = arith.index_cast %add3A_644 : i32 to index
        %get3A_668 = arith.constant 48 : index
        %get3A_669 = tpu.vector_load %arg14[%get3A_666, %get3A_667, %get3A_668] {strides = array<i32>} : memref<7x112x128xf32, #tpu.memory_space<vmem>>, vector<16xf32>,
        %mul3A_670 = vector.broadcast %squeeze3A_640 : f32 to vector<16xf32>
        %mul3A_671 = arith.mulf %mul3A_670, %get3A_669 : vector<16xf32>
        %add3A_672 = arith.addf %add3A_610, %mul3A_671 : vector<16xf32>
        %get3A_673 = arith.index_cast %rem3A_229 : i32 to index
        %get3A_674 = arith.index_cast %add3A_644 : i32 to index
        %get3A_675 = arith.constant 64 : index
        %get3A_676 = tpu.vector_load %arg14[%get3A_673, %get3A_674, %get3A_675] {strides = array<i32>} : memref<7x112x128xf32, #tpu.memory_space<vmem>>, vector<16xf32>,
        %mul3A_677 = vector.broadcast %squeeze3A_640 : f32 to vector<16xf32>
        %mul3A_678 = arith.mulf %mul3A_677, %get3A_676 : vector<16xf32>
        %add3A_679 = arith.addf %add3A_617, %mul3A_678 : vector<16xf32>
        %get3A_680 = arith.index_cast %rem3A_229 : i32 to index
        %get3A_681 = arith.index_cast %add3A_644 : i32 to index
        %get3A_682 = arith.constant 80 : index
        %get3A_683 = tpu.vector_load %arg14[%get3A_680, %get3A_681, %get3A_682] {strides = array<i32>} : memref<7x112x128xf32, #tpu.memory_space<vmem>>, vector<16xf32>,
        %mul3A_684 = vector.broadcast %squeeze3A_640 : f32 to vector<16xf32>
        %mul3A_685 = arith.mulf %mul3A_684, %get3A_683 : vector<16xf32>
        %add3A_686 = arith.addf %add3A_624, %mul3A_685 : vector<16xf32>
        %get3A_687 = arith.index_cast %rem3A_229 : i32 to index
        %get3A_688 = arith.index_cast %add3A_644 : i32 to index
        %get3A_689 = arith.constant 96 : index
        %get3A_690 = tpu.vector_load %arg14[%get3A_687, %get3A_688, %get3A_689] {strides = array<i32>} : memref<7x112x128xf32, #tpu.memory_space<vmem>>, vector<16xf32>,
        %mul3A_691 = vector.broadcast %squeeze3A_640 : f32 to vector<16xf32>
        %mul3A_692 = arith.mulf %mul3A_691, %get3A_690 : vector<16xf32>
        %add3A_693 = arith.addf %add3A_631, %mul3A_692 : vector<16xf32>
        %get3A_694 = arith.index_cast %rem3A_229 : i32 to index
        %get3A_695 = arith.index_cast %add3A_644 : i32 to index
        %get3A_696 = arith.constant 112 : index
        %get3A_697 = tpu.vector_load %arg14[%get3A_694, %get3A_695, %get3A_696] {strides = array<i32>} : memref<7x112x128xf32, #tpu.memory_space<vmem>>, vector<16xf32>,
        %mul3A_698 = vector.broadcast %squeeze3A_640 : f32 to vector<16xf32>
        %mul3A_699 = arith.mulf %mul3A_698, %get3A_697 : vector<16xf32>
        %add3A_700 = arith.addf %add3A_638, %mul3A_699 : vector<16xf32>
        %slice3A_701 = vector.extract_strided_slice %get3A_268 {offsets = [7], sizes = [1], strides = [1]} : vector<16xf32> to vector<1xf32>
        %squeeze3A_702 = vector.extract %slice3A_701[0] : f32 from vector<1xf32>
        %mul3A_703 = arith.constant 16 : i32
        %mul3A_704 = arith.muli %scan3A_253, %mul3A_703 : i32
        %add3A_705 = arith.constant 7 : i32
        %add3A_706 = arith.addi %mul3A_704, %add3A_705 : i32
        %get3A_707 = arith.index_cast %rem3A_229 : i32 to index
        %get3A_708 = arith.index_cast %add3A_706 : i32 to index
        %get3A_709 = arith.constant 0 : index
        %get3A_710 = tpu.vector_load %arg14[%get3A_707, %get3A_708, %get3A_709] {strides = array<i32>} : memref<7x112x128xf32, #tpu.memory_space<vmem>>, vector<16xf32>,
        %mul3A_711 = vector.broadcast %squeeze3A_702 : f32 to vector<16xf32>
        %mul3A_712 = arith.mulf %mul3A_711, %get3A_710 : vector<16xf32>
        %add3A_713 = arith.addf %add3A_651, %mul3A_712 : vector<16xf32>
        %get3A_714 = arith.index_cast %rem3A_229 : i32 to index
        %get3A_715 = arith.index_cast %add3A_706 : i32 to index
        %get3A_716 = arith.constant 16 : index
        %get3A_717 = tpu.vector_load %arg14[%get3A_714, %get3A_715, %get3A_716] {strides = array<i32>} : memref<7x112x128xf32, #tpu.memory_space<vmem>>, vector<16xf32>,
        %mul3A_718 = vector.broadcast %squeeze3A_702 : f32 to vector<16xf32>
        %mul3A_719 = arith.mulf %mul3A_718, %get3A_717 : vector<16xf32>
        %add3A_720 = arith.addf %add3A_658, %mul3A_719 : vector<16xf32>
        %get3A_721 = arith.index_cast %rem3A_229 : i32 to index
        %get3A_722 = arith.index_cast %add3A_706 : i32 to index
        %get3A_723 = arith.constant 32 : index
        %get3A_724 = tpu.vector_load %arg14[%get3A_721, %get3A_722, %get3A_723] {strides = array<i32>} : memref<7x112x128xf32, #tpu.memory_space<vmem>>, vector<16xf32>,
        %mul3A_725 = vector.broadcast %squeeze3A_702 : f32 to vector<16xf32>
        %mul3A_726 = arith.mulf %mul3A_725, %get3A_724 : vector<16xf32>
        %add3A_727 = arith.addf %add3A_665, %mul3A_726 : vector<16xf32>
        %get3A_728 = arith.index_cast %rem3A_229 : i32 to index
        %get3A_729 = arith.index_cast %add3A_706 : i32 to index
        %get3A_730 = arith.constant 48 : index
        %get3A_731 = tpu.vector_load %arg14[%get3A_728, %get3A_729, %get3A_730] {strides = array<i32>} : memref<7x112x128xf32, #tpu.memory_space<vmem>>, vector<16xf32>,
        %mul3A_732 = vector.broadcast %squeeze3A_702 : f32 to vector<16xf32>
        %mul3A_733 = arith.mulf %mul3A_732, %get3A_731 : vector<16xf32>
        %add3A_734 = arith.addf %add3A_672, %mul3A_733 : vector<16xf32>
        %get3A_735 = arith.index_cast %rem3A_229 : i32 to index
        %get3A_736 = arith.index_cast %add3A_706 : i32 to index
        %get3A_737 = arith.constant 64 : index
        %get3A_738 = tpu.vector_load %arg14[%get3A_735, %get3A_736, %get3A_737] {strides = array<i32>} : memref<7x112x128xf32, #tpu.memory_space<vmem>>, vector<16xf32>,
        %mul3A_739 = vector.broadcast %squeeze3A_702 : f32 to vector<16xf32>
        %mul3A_740 = arith.mulf %mul3A_739, %get3A_738 : vector<16xf32>
        %add3A_741 = arith.addf %add3A_679, %mul3A_740 : vector<16xf32>
        %get3A_742 = arith.index_cast %rem3A_229 : i32 to index
        %get3A_743 = arith.index_cast %add3A_706 : i32 to index
        %get3A_744 = arith.constant 80 : index
        %get3A_745 = tpu.vector_load %arg14[%get3A_742, %get3A_743, %get3A_744] {strides = array<i32>} : memref<7x112x128xf32, #tpu.memory_space<vmem>>, vector<16xf32>,
        %mul3A_746 = vector.broadcast %squeeze3A_702 : f32 to vector<16xf32>
        %mul3A_747 = arith.mulf %mul3A_746, %get3A_745 : vector<16xf32>
        %add3A_748 = arith.addf %add3A_686, %mul3A_747 : vector<16xf32>
        %get3A_749 = arith.index_cast %rem3A_229 : i32 to index
        %get3A_750 = arith.index_cast %add3A_706 : i32 to index
        %get3A_751 = arith.constant 96 : index
        %get3A_752 = tpu.vector_load %arg14[%get3A_749, %get3A_750, %get3A_751] {strides = array<i32>} : memref<7x112x128xf32, #tpu.memory_space<vmem>>, vector<16xf32>,
        %mul3A_753 = vector.broadcast %squeeze3A_702 : f32 to vector<16xf32>
        %mul3A_754 = arith.mulf %mul3A_753, %get3A_752 : vector<16xf32>
        %add3A_755 = arith.addf %add3A_693, %mul3A_754 : vector<16xf32>
        %get3A_756 = arith.index_cast %rem3A_229 : i32 to index
        %get3A_757 = arith.index_cast %add3A_706 : i32 to index
        %get3A_758 = arith.constant 112 : index
        %get3A_759 = tpu.vector_load %arg14[%get3A_756, %get3A_757, %get3A_758] {strides = array<i32>} : memref<7x112x128xf32, #tpu.memory_space<vmem>>, vector<16xf32>,
        %mul3A_760 = vector.broadcast %squeeze3A_702 : f32 to vector<16xf32>
        %mul3A_761 = arith.mulf %mul3A_760, %get3A_759 : vector<16xf32>
        %add3A_762 = arith.addf %add3A_700, %mul3A_761 : vector<16xf32>
        %slice3A_763 = vector.extract_strided_slice %get3A_268 {offsets = [8], sizes = [1], strides = [1]} : vector<16xf32> to vector<1xf32>
        %squeeze3A_764 = vector.extract %slice3A_763[0] : f32 from vector<1xf32>
        %mul3A_765 = arith.constant 16 : i32
        %mul3A_766 = arith.muli %scan3A_253, %mul3A_765 : i32
        %add3A_767 = arith.constant 8 : i32
        %add3A_768 = arith.addi %mul3A_766, %add3A_767 : i32
        %get3A_769 = arith.index_cast %rem3A_229 : i32 to index
        %get3A_770 = arith.index_cast %add3A_768 : i32 to index
        %get3A_771 = arith.constant 0 : index
        %get3A_772 = tpu.vector_load %arg14[%get3A_769, %get3A_770, %get3A_771] {strides = array<i32>} : memref<7x112x128xf32, #tpu.memory_space<vmem>>, vector<16xf32>,
        %mul3A_773 = vector.broadcast %squeeze3A_764 : f32 to vector<16xf32>
        %mul3A_774 = arith.mulf %mul3A_773, %get3A_772 : vector<16xf32>
        %add3A_775 = arith.addf %add3A_713, %mul3A_774 : vector<16xf32>
        %get3A_776 = arith.index_cast %rem3A_229 : i32 to index
        %get3A_777 = arith.index_cast %add3A_768 : i32 to index
        %get3A_778 = arith.constant 16 : index
        %get3A_779 = tpu.vector_load %arg14[%get3A_776, %get3A_777, %get3A_778] {strides = array<i32>} : memref<7x112x128xf32, #tpu.memory_space<vmem>>, vector<16xf32>,
        %mul3A_780 = vector.broadcast %squeeze3A_764 : f32 to vector<16xf32>
        %mul3A_781 = arith.mulf %mul3A_780, %get3A_779 : vector<16xf32>
        %add3A_782 = arith.addf %add3A_720, %mul3A_781 : vector<16xf32>
        %get3A_783 = arith.index_cast %rem3A_229 : i32 to index
        %get3A_784 = arith.index_cast %add3A_768 : i32 to index
        %get3A_785 = arith.constant 32 : index
        %get3A_786 = tpu.vector_load %arg14[%get3A_783, %get3A_784, %get3A_785] {strides = array<i32>} : memref<7x112x128xf32, #tpu.memory_space<vmem>>, vector<16xf32>,
        %mul3A_787 = vector.broadcast %squeeze3A_764 : f32 to vector<16xf32>
        %mul3A_788 = arith.mulf %mul3A_787, %get3A_786 : vector<16xf32>
        %add3A_789 = arith.addf %add3A_727, %mul3A_788 : vector<16xf32>
        %get3A_790 = arith.index_cast %rem3A_229 : i32 to index
        %get3A_791 = arith.index_cast %add3A_768 : i32 to index
        %get3A_792 = arith.constant 48 : index
        %get3A_793 = tpu.vector_load %arg14[%get3A_790, %get3A_791, %get3A_792] {strides = array<i32>} : memref<7x112x128xf32, #tpu.memory_space<vmem>>, vector<16xf32>,
        %mul3A_794 = vector.broadcast %squeeze3A_764 : f32 to vector<16xf32>
        %mul3A_795 = arith.mulf %mul3A_794, %get3A_793 : vector<16xf32>
        %add3A_796 = arith.addf %add3A_734, %mul3A_795 : vector<16xf32>
        %get3A_797 = arith.index_cast %rem3A_229 : i32 to index
        %get3A_798 = arith.index_cast %add3A_768 : i32 to index
        %get3A_799 = arith.constant 64 : index
        %get3A_800 = tpu.vector_load %arg14[%get3A_797, %get3A_798, %get3A_799] {strides = array<i32>} : memref<7x112x128xf32, #tpu.memory_space<vmem>>, vector<16xf32>,
        %mul3A_801 = vector.broadcast %squeeze3A_764 : f32 to vector<16xf32>
        %mul3A_802 = arith.mulf %mul3A_801, %get3A_800 : vector<16xf32>
        %add3A_803 = arith.addf %add3A_741, %mul3A_802 : vector<16xf32>
        %get3A_804 = arith.index_cast %rem3A_229 : i32 to index
        %get3A_805 = arith.index_cast %add3A_768 : i32 to index
        %get3A_806 = arith.constant 80 : index
        %get3A_807 = tpu.vector_load %arg14[%get3A_804, %get3A_805, %get3A_806] {strides = array<i32>} : memref<7x112x128xf32, #tpu.memory_space<vmem>>, vector<16xf32>,
        %mul3A_808 = vector.broadcast %squeeze3A_764 : f32 to vector<16xf32>
        %mul3A_809 = arith.mulf %mul3A_808, %get3A_807 : vector<16xf32>
        %add3A_810 = arith.addf %add3A_748, %mul3A_809 : vector<16xf32>
        %get3A_811 = arith.index_cast %rem3A_229 : i32 to index
        %get3A_812 = arith.index_cast %add3A_768 : i32 to index
        %get3A_813 = arith.constant 96 : index
        %get3A_814 = tpu.vector_load %arg14[%get3A_811, %get3A_812, %get3A_813] {strides = array<i32>} : memref<7x112x128xf32, #tpu.memory_space<vmem>>, vector<16xf32>,
        %mul3A_815 = vector.broadcast %squeeze3A_764 : f32 to vector<16xf32>
        %mul3A_816 = arith.mulf %mul3A_815, %get3A_814 : vector<16xf32>
        %add3A_817 = arith.addf %add3A_755, %mul3A_816 : vector<16xf32>
        %get3A_818 = arith.index_cast %rem3A_229 : i32 to index
        %get3A_819 = arith.index_cast %add3A_768 : i32 to index
        %get3A_820 = arith.constant 112 : index
        %get3A_821 = tpu.vector_load %arg14[%get3A_818, %get3A_819, %get3A_820] {strides = array<i32>} : memref<7x112x128xf32, #tpu.memory_space<vmem>>, vector<16xf32>,
        %mul3A_822 = vector.broadcast %squeeze3A_764 : f32 to vector<16xf32>
        %mul3A_823 = arith.mulf %mul3A_822, %get3A_821 : vector<16xf32>
        %add3A_824 = arith.addf %add3A_762, %mul3A_823 : vector<16xf32>
        %slice3A_825 = vector.extract_strided_slice %get3A_268 {offsets = [9], sizes = [1], strides = [1]} : vector<16xf32> to vector<1xf32>
        %squeeze3A_826 = vector.extract %slice3A_825[0] : f32 from vector<1xf32>
        %mul3A_827 = arith.constant 16 : i32
        %mul3A_828 = arith.muli %scan3A_253, %mul3A_827 : i32
        %add3A_829 = arith.constant 9 : i32
        %add3A_830 = arith.addi %mul3A_828, %add3A_829 : i32
        %get3A_831 = arith.index_cast %rem3A_229 : i32 to index
        %get3A_832 = arith.index_cast %add3A_830 : i32 to index
        %get3A_833 = arith.constant 0 : index
        %get3A_834 = tpu.vector_load %arg14[%get3A_831, %get3A_832, %get3A_833] {strides = array<i32>} : memref<7x112x128xf32, #tpu.memory_space<vmem>>, vector<16xf32>,
        %mul3A_835 = vector.broadcast %squeeze3A_826 : f32 to vector<16xf32>
        %mul3A_836 = arith.mulf %mul3A_835, %get3A_834 : vector<16xf32>
        %add3A_837 = arith.addf %add3A_775, %mul3A_836 : vector<16xf32>
        %get3A_838 = arith.index_cast %rem3A_229 : i32 to index
        %get3A_839 = arith.index_cast %add3A_830 : i32 to index
        %get3A_840 = arith.constant 16 : index
        %get3A_841 = tpu.vector_load %arg14[%get3A_838, %get3A_839, %get3A_840] {strides = array<i32>} : memref<7x112x128xf32, #tpu.memory_space<vmem>>, vector<16xf32>,
        %mul3A_842 = vector.broadcast %squeeze3A_826 : f32 to vector<16xf32>
        %mul3A_843 = arith.mulf %mul3A_842, %get3A_841 : vector<16xf32>
        %add3A_844 = arith.addf %add3A_782, %mul3A_843 : vector<16xf32>
        %get3A_845 = arith.index_cast %rem3A_229 : i32 to index
        %get3A_846 = arith.index_cast %add3A_830 : i32 to index
        %get3A_847 = arith.constant 32 : index
        %get3A_848 = tpu.vector_load %arg14[%get3A_845, %get3A_846, %get3A_847] {strides = array<i32>} : memref<7x112x128xf32, #tpu.memory_space<vmem>>, vector<16xf32>,
        %mul3A_849 = vector.broadcast %squeeze3A_826 : f32 to vector<16xf32>
        %mul3A_850 = arith.mulf %mul3A_849, %get3A_848 : vector<16xf32>
        %add3A_851 = arith.addf %add3A_789, %mul3A_850 : vector<16xf32>
        %get3A_852 = arith.index_cast %rem3A_229 : i32 to index
        %get3A_853 = arith.index_cast %add3A_830 : i32 to index
        %get3A_854 = arith.constant 48 : index
        %get3A_855 = tpu.vector_load %arg14[%get3A_852, %get3A_853, %get3A_854] {strides = array<i32>} : memref<7x112x128xf32, #tpu.memory_space<vmem>>, vector<16xf32>,
        %mul3A_856 = vector.broadcast %squeeze3A_826 : f32 to vector<16xf32>
        %mul3A_857 = arith.mulf %mul3A_856, %get3A_855 : vector<16xf32>
        %add3A_858 = arith.addf %add3A_796, %mul3A_857 : vector<16xf32>
        %get3A_859 = arith.index_cast %rem3A_229 : i32 to index
        %get3A_860 = arith.index_cast %add3A_830 : i32 to index
        %get3A_861 = arith.constant 64 : index
        %get3A_862 = tpu.vector_load %arg14[%get3A_859, %get3A_860, %get3A_861] {strides = array<i32>} : memref<7x112x128xf32, #tpu.memory_space<vmem>>, vector<16xf32>,
        %mul3A_863 = vector.broadcast %squeeze3A_826 : f32 to vector<16xf32>
        %mul3A_864 = arith.mulf %mul3A_863, %get3A_862 : vector<16xf32>
        %add3A_865 = arith.addf %add3A_803, %mul3A_864 : vector<16xf32>
        %get3A_866 = arith.index_cast %rem3A_229 : i32 to index
        %get3A_867 = arith.index_cast %add3A_830 : i32 to index
        %get3A_868 = arith.constant 80 : index
        %get3A_869 = tpu.vector_load %arg14[%get3A_866, %get3A_867, %get3A_868] {strides = array<i32>} : memref<7x112x128xf32, #tpu.memory_space<vmem>>, vector<16xf32>,
        %mul3A_870 = vector.broadcast %squeeze3A_826 : f32 to vector<16xf32>
        %mul3A_871 = arith.mulf %mul3A_870, %get3A_869 : vector<16xf32>
        %add3A_872 = arith.addf %add3A_810, %mul3A_871 : vector<16xf32>
        %get3A_873 = arith.index_cast %rem3A_229 : i32 to index
        %get3A_874 = arith.index_cast %add3A_830 : i32 to index
        %get3A_875 = arith.constant 96 : index
        %get3A_876 = tpu.vector_load %arg14[%get3A_873, %get3A_874, %get3A_875] {strides = array<i32>} : memref<7x112x128xf32, #tpu.memory_space<vmem>>, vector<16xf32>,
        %mul3A_877 = vector.broadcast %squeeze3A_826 : f32 to vector<16xf32>
        %mul3A_878 = arith.mulf %mul3A_877, %get3A_876 : vector<16xf32>
        %add3A_879 = arith.addf %add3A_817, %mul3A_878 : vector<16xf32>
        %get3A_880 = arith.index_cast %rem3A_229 : i32 to index
        %get3A_881 = arith.index_cast %add3A_830 : i32 to index
        %get3A_882 = arith.constant 112 : index
        %get3A_883 = tpu.vector_load %arg14[%get3A_880, %get3A_881, %get3A_882] {strides = array<i32>} : memref<7x112x128xf32, #tpu.memory_space<vmem>>, vector<16xf32>,
        %mul3A_884 = vector.broadcast %squeeze3A_826 : f32 to vector<16xf32>
        %mul3A_885 = arith.mulf %mul3A_884, %get3A_883 : vector<16xf32>
        %add3A_886 = arith.addf %add3A_824, %mul3A_885 : vector<16xf32>
        %slice3A_887 = vector.extract_strided_slice %get3A_268 {offsets = [10], sizes = [1], strides = [1]} : vector<16xf32> to vector<1xf32>
        %squeeze3A_888 = vector.extract %slice3A_887[0] : f32 from vector<1xf32>
        %mul3A_889 = arith.constant 16 : i32
        %mul3A_890 = arith.muli %scan3A_253, %mul3A_889 : i32
        %add3A_891 = arith.constant 10 : i32
        %add3A_892 = arith.addi %mul3A_890, %add3A_891 : i32
        %get3A_893 = arith.index_cast %rem3A_229 : i32 to index
        %get3A_894 = arith.index_cast %add3A_892 : i32 to index
        %get3A_895 = arith.constant 0 : index
        %get3A_896 = tpu.vector_load %arg14[%get3A_893, %get3A_894, %get3A_895] {strides = array<i32>} : memref<7x112x128xf32, #tpu.memory_space<vmem>>, vector<16xf32>,
        %mul3A_897 = vector.broadcast %squeeze3A_888 : f32 to vector<16xf32>
        %mul3A_898 = arith.mulf %mul3A_897, %get3A_896 : vector<16xf32>
        %add3A_899 = arith.addf %add3A_837, %mul3A_898 : vector<16xf32>
        %get3A_900 = arith.index_cast %rem3A_229 : i32 to index
        %get3A_901 = arith.index_cast %add3A_892 : i32 to index
        %get3A_902 = arith.constant 16 : index
        %get3A_903 = tpu.vector_load %arg14[%get3A_900, %get3A_901, %get3A_902] {strides = array<i32>} : memref<7x112x128xf32, #tpu.memory_space<vmem>>, vector<16xf32>,
        %mul3A_904 = vector.broadcast %squeeze3A_888 : f32 to vector<16xf32>
        %mul3A_905 = arith.mulf %mul3A_904, %get3A_903 : vector<16xf32>
        %add3A_906 = arith.addf %add3A_844, %mul3A_905 : vector<16xf32>
        %get3A_907 = arith.index_cast %rem3A_229 : i32 to index
        %get3A_908 = arith.index_cast %add3A_892 : i32 to index
        %get3A_909 = arith.constant 32 : index
        %get3A_910 = tpu.vector_load %arg14[%get3A_907, %get3A_908, %get3A_909] {strides = array<i32>} : memref<7x112x128xf32, #tpu.memory_space<vmem>>, vector<16xf32>,
        %mul3A_911 = vector.broadcast %squeeze3A_888 : f32 to vector<16xf32>
        %mul3A_912 = arith.mulf %mul3A_911, %get3A_910 : vector<16xf32>
        %add3A_913 = arith.addf %add3A_851, %mul3A_912 : vector<16xf32>
        %get3A_914 = arith.index_cast %rem3A_229 : i32 to index
        %get3A_915 = arith.index_cast %add3A_892 : i32 to index
        %get3A_916 = arith.constant 48 : index
        %get3A_917 = tpu.vector_load %arg14[%get3A_914, %get3A_915, %get3A_916] {strides = array<i32>} : memref<7x112x128xf32, #tpu.memory_space<vmem>>, vector<16xf32>,
        %mul3A_918 = vector.broadcast %squeeze3A_888 : f32 to vector<16xf32>
        %mul3A_919 = arith.mulf %mul3A_918, %get3A_917 : vector<16xf32>
        %add3A_920 = arith.addf %add3A_858, %mul3A_919 : vector<16xf32>
        %get3A_921 = arith.index_cast %rem3A_229 : i32 to index
        %get3A_922 = arith.index_cast %add3A_892 : i32 to index
        %get3A_923 = arith.constant 64 : index
        %get3A_924 = tpu.vector_load %arg14[%get3A_921, %get3A_922, %get3A_923] {strides = array<i32>} : memref<7x112x128xf32, #tpu.memory_space<vmem>>, vector<16xf32>,
        %mul3A_925 = vector.broadcast %squeeze3A_888 : f32 to vector<16xf32>
        %mul3A_926 = arith.mulf %mul3A_925, %get3A_924 : vector<16xf32>
        %add3A_927 = arith.addf %add3A_865, %mul3A_926 : vector<16xf32>
        %get3A_928 = arith.index_cast %rem3A_229 : i32 to index
        %get3A_929 = arith.index_cast %add3A_892 : i32 to index
        %get3A_930 = arith.constant 80 : index
        %get3A_931 = tpu.vector_load %arg14[%get3A_928, %get3A_929, %get3A_930] {strides = array<i32>} : memref<7x112x128xf32, #tpu.memory_space<vmem>>, vector<16xf32>,
        %mul3A_932 = vector.broadcast %squeeze3A_888 : f32 to vector<16xf32>
        %mul3A_933 = arith.mulf %mul3A_932, %get3A_931 : vector<16xf32>
        %add3A_934 = arith.addf %add3A_872, %mul3A_933 : vector<16xf32>
        %get3A_935 = arith.index_cast %rem3A_229 : i32 to index
        %get3A_936 = arith.index_cast %add3A_892 : i32 to index
        %get3A_937 = arith.constant 96 : index
        %get3A_938 = tpu.vector_load %arg14[%get3A_935, %get3A_936, %get3A_937] {strides = array<i32>} : memref<7x112x128xf32, #tpu.memory_space<vmem>>, vector<16xf32>,
        %mul3A_939 = vector.broadcast %squeeze3A_888 : f32 to vector<16xf32>
        %mul3A_940 = arith.mulf %mul3A_939, %get3A_938 : vector<16xf32>
        %add3A_941 = arith.addf %add3A_879, %mul3A_940 : vector<16xf32>
        %get3A_942 = arith.index_cast %rem3A_229 : i32 to index
        %get3A_943 = arith.index_cast %add3A_892 : i32 to index
        %get3A_944 = arith.constant 112 : index
        %get3A_945 = tpu.vector_load %arg14[%get3A_942, %get3A_943, %get3A_944] {strides = array<i32>} : memref<7x112x128xf32, #tpu.memory_space<vmem>>, vector<16xf32>,
        %mul3A_946 = vector.broadcast %squeeze3A_888 : f32 to vector<16xf32>
        %mul3A_947 = arith.mulf %mul3A_946, %get3A_945 : vector<16xf32>
        %add3A_948 = arith.addf %add3A_886, %mul3A_947 : vector<16xf32>
        %slice3A_949 = vector.extract_strided_slice %get3A_268 {offsets = [11], sizes = [1], strides = [1]} : vector<16xf32> to vector<1xf32>
        %squeeze3A_950 = vector.extract %slice3A_949[0] : f32 from vector<1xf32>
        %mul3A_951 = arith.constant 16 : i32
        %mul3A_952 = arith.muli %scan3A_253, %mul3A_951 : i32
        %add3A_953 = arith.constant 11 : i32
        %add3A_954 = arith.addi %mul3A_952, %add3A_953 : i32
        %get3A_955 = arith.index_cast %rem3A_229 : i32 to index
        %get3A_956 = arith.index_cast %add3A_954 : i32 to index
        %get3A_957 = arith.constant 0 : index
        %get3A_958 = tpu.vector_load %arg14[%get3A_955, %get3A_956, %get3A_957] {strides = array<i32>} : memref<7x112x128xf32, #tpu.memory_space<vmem>>, vector<16xf32>,
        %mul3A_959 = vector.broadcast %squeeze3A_950 : f32 to vector<16xf32>
        %mul3A_960 = arith.mulf %mul3A_959, %get3A_958 : vector<16xf32>
        %add3A_961 = arith.addf %add3A_899, %mul3A_960 : vector<16xf32>
        %get3A_962 = arith.index_cast %rem3A_229 : i32 to index
        %get3A_963 = arith.index_cast %add3A_954 : i32 to index
        %get3A_964 = arith.constant 16 : index
        %get3A_965 = tpu.vector_load %arg14[%get3A_962, %get3A_963, %get3A_964] {strides = array<i32>} : memref<7x112x128xf32, #tpu.memory_space<vmem>>, vector<16xf32>,
        %mul3A_966 = vector.broadcast %squeeze3A_950 : f32 to vector<16xf32>
        %mul3A_967 = arith.mulf %mul3A_966, %get3A_965 : vector<16xf32>
        %add3A_968 = arith.addf %add3A_906, %mul3A_967 : vector<16xf32>
        %get3A_969 = arith.index_cast %rem3A_229 : i32 to index
        %get3A_970 = arith.index_cast %add3A_954 : i32 to index
        %get3A_971 = arith.constant 32 : index
        %get3A_972 = tpu.vector_load %arg14[%get3A_969, %get3A_970, %get3A_971] {strides = array<i32>} : memref<7x112x128xf32, #tpu.memory_space<vmem>>, vector<16xf32>,
        %mul3A_973 = vector.broadcast %squeeze3A_950 : f32 to vector<16xf32>
        %mul3A_974 = arith.mulf %mul3A_973, %get3A_972 : vector<16xf32>
        %add3A_975 = arith.addf %add3A_913, %mul3A_974 : vector<16xf32>
        %get3A_976 = arith.index_cast %rem3A_229 : i32 to index
        %get3A_977 = arith.index_cast %add3A_954 : i32 to index
        %get3A_978 = arith.constant 48 : index
        %get3A_979 = tpu.vector_load %arg14[%get3A_976, %get3A_977, %get3A_978] {strides = array<i32>} : memref<7x112x128xf32, #tpu.memory_space<vmem>>, vector<16xf32>,
        %mul3A_980 = vector.broadcast %squeeze3A_950 : f32 to vector<16xf32>
        %mul3A_981 = arith.mulf %mul3A_980, %get3A_979 : vector<16xf32>
        %add3A_982 = arith.addf %add3A_920, %mul3A_981 : vector<16xf32>
        %get3A_983 = arith.index_cast %rem3A_229 : i32 to index
        %get3A_984 = arith.index_cast %add3A_954 : i32 to index
        %get3A_985 = arith.constant 64 : index
        %get3A_986 = tpu.vector_load %arg14[%get3A_983, %get3A_984, %get3A_985] {strides = array<i32>} : memref<7x112x128xf32, #tpu.memory_space<vmem>>, vector<16xf32>,
        %mul3A_987 = vector.broadcast %squeeze3A_950 : f32 to vector<16xf32>
        %mul3A_988 = arith.mulf %mul3A_987, %get3A_986 : vector<16xf32>
        %add3A_989 = arith.addf %add3A_927, %mul3A_988 : vector<16xf32>
        %get3A_990 = arith.index_cast %rem3A_229 : i32 to index
        %get3A_991 = arith.index_cast %add3A_954 : i32 to index
        %get3A_992 = arith.constant 80 : index
        %get3A_993 = tpu.vector_load %arg14[%get3A_990, %get3A_991, %get3A_992] {strides = array<i32>} : memref<7x112x128xf32, #tpu.memory_space<vmem>>, vector<16xf32>,
        %mul3A_994 = vector.broadcast %squeeze3A_950 : f32 to vector<16xf32>
        %mul3A_995 = arith.mulf %mul3A_994, %get3A_993 : vector<16xf32>
        %add3A_996 = arith.addf %add3A_934, %mul3A_995 : vector<16xf32>
        %get3A_997 = arith.index_cast %rem3A_229 : i32 to index
        %get3A_998 = arith.index_cast %add3A_954 : i32 to index
        %get3A_999 = arith.constant 96 : index
        %get3A_1000 = tpu.vector_load %arg14[%get3A_997, %get3A_998, %get3A_999] {strides = array<i32>} : memref<7x112x128xf32, #tpu.memory_space<vmem>>, vector<16xf32>,
        %mul3A_1001 = vector.broadcast %squeeze3A_950 : f32 to vector<16xf32>
        %mul3A_1002 = arith.mulf %mul3A_1001, %get3A_1000 : vector<16xf32>
        %add3A_1003 = arith.addf %add3A_941, %mul3A_1002 : vector<16xf32>
        %get3A_1004 = arith.index_cast %rem3A_229 : i32 to index
        %get3A_1005 = arith.index_cast %add3A_954 : i32 to index
        %get3A_1006 = arith.constant 112 : index
        %get3A_1007 = tpu.vector_load %arg14[%get3A_1004, %get3A_1005, %get3A_1006] {strides = array<i32>} : memref<7x112x128xf32, #tpu.memory_space<vmem>>, vector<16xf32>,
        %mul3A_1008 = vector.broadcast %squeeze3A_950 : f32 to vector<16xf32>
        %mul3A_1009 = arith.mulf %mul3A_1008, %get3A_1007 : vector<16xf32>
        %add3A_1010 = arith.addf %add3A_948, %mul3A_1009 : vector<16xf32>
        %slice3A_1011 = vector.extract_strided_slice %get3A_268 {offsets = [12], sizes = [1], strides = [1]} : vector<16xf32> to vector<1xf32>
        %squeeze3A_1012 = vector.extract %slice3A_1011[0] : f32 from vector<1xf32>
        %mul3A_1013 = arith.constant 16 : i32
        %mul3A_1014 = arith.muli %scan3A_253, %mul3A_1013 : i32
        %add3A_1015 = arith.constant 12 : i32
        %add3A_1016 = arith.addi %mul3A_1014, %add3A_1015 : i32
        %get3A_1017 = arith.index_cast %rem3A_229 : i32 to index
        %get3A_1018 = arith.index_cast %add3A_1016 : i32 to index
        %get3A_1019 = arith.constant 0 : index
        %get3A_1020 = tpu.vector_load %arg14[%get3A_1017, %get3A_1018, %get3A_1019] {strides = array<i32>} : memref<7x112x128xf32, #tpu.memory_space<vmem>>, vector<16xf32>,
        %mul3A_1021 = vector.broadcast %squeeze3A_1012 : f32 to vector<16xf32>
        %mul3A_1022 = arith.mulf %mul3A_1021, %get3A_1020 : vector<16xf32>
        %add3A_1023 = arith.addf %add3A_961, %mul3A_1022 : vector<16xf32>
        %get3A_1024 = arith.index_cast %rem3A_229 : i32 to index
        %get3A_1025 = arith.index_cast %add3A_1016 : i32 to index
        %get3A_1026 = arith.constant 16 : index
        %get3A_1027 = tpu.vector_load %arg14[%get3A_1024, %get3A_1025, %get3A_1026] {strides = array<i32>} : memref<7x112x128xf32, #tpu.memory_space<vmem>>, vector<16xf32>,
        %mul3A_1028 = vector.broadcast %squeeze3A_1012 : f32 to vector<16xf32>
        %mul3A_1029 = arith.mulf %mul3A_1028, %get3A_1027 : vector<16xf32>
        %add3A_1030 = arith.addf %add3A_968, %mul3A_1029 : vector<16xf32>
        %get3A_1031 = arith.index_cast %rem3A_229 : i32 to index
        %get3A_1032 = arith.index_cast %add3A_1016 : i32 to index
        %get3A_1033 = arith.constant 32 : index
        %get3A_1034 = tpu.vector_load %arg14[%get3A_1031, %get3A_1032, %get3A_1033] {strides = array<i32>} : memref<7x112x128xf32, #tpu.memory_space<vmem>>, vector<16xf32>,
        %mul3A_1035 = vector.broadcast %squeeze3A_1012 : f32 to vector<16xf32>
        %mul3A_1036 = arith.mulf %mul3A_1035, %get3A_1034 : vector<16xf32>
        %add3A_1037 = arith.addf %add3A_975, %mul3A_1036 : vector<16xf32>
        %get3A_1038 = arith.index_cast %rem3A_229 : i32 to index
        %get3A_1039 = arith.index_cast %add3A_1016 : i32 to index
        %get3A_1040 = arith.constant 48 : index
        %get3A_1041 = tpu.vector_load %arg14[%get3A_1038, %get3A_1039, %get3A_1040] {strides = array<i32>} : memref<7x112x128xf32, #tpu.memory_space<vmem>>, vector<16xf32>,
        %mul3A_1042 = vector.broadcast %squeeze3A_1012 : f32 to vector<16xf32>
        %mul3A_1043 = arith.mulf %mul3A_1042, %get3A_1041 : vector<16xf32>
        %add3A_1044 = arith.addf %add3A_982, %mul3A_1043 : vector<16xf32>
        %get3A_1045 = arith.index_cast %rem3A_229 : i32 to index
        %get3A_1046 = arith.index_cast %add3A_1016 : i32 to index
        %get3A_1047 = arith.constant 64 : index
        %get3A_1048 = tpu.vector_load %arg14[%get3A_1045, %get3A_1046, %get3A_1047] {strides = array<i32>} : memref<7x112x128xf32, #tpu.memory_space<vmem>>, vector<16xf32>,
        %mul3A_1049 = vector.broadcast %squeeze3A_1012 : f32 to vector<16xf32>
        %mul3A_1050 = arith.mulf %mul3A_1049, %get3A_1048 : vector<16xf32>
        %add3A_1051 = arith.addf %add3A_989, %mul3A_1050 : vector<16xf32>
        %get3A_1052 = arith.index_cast %rem3A_229 : i32 to index
        %get3A_1053 = arith.index_cast %add3A_1016 : i32 to index
        %get3A_1054 = arith.constant 80 : index
        %get3A_1055 = tpu.vector_load %arg14[%get3A_1052, %get3A_1053, %get3A_1054] {strides = array<i32>} : memref<7x112x128xf32, #tpu.memory_space<vmem>>, vector<16xf32>,
        %mul3A_1056 = vector.broadcast %squeeze3A_1012 : f32 to vector<16xf32>
        %mul3A_1057 = arith.mulf %mul3A_1056, %get3A_1055 : vector<16xf32>
        %add3A_1058 = arith.addf %add3A_996, %mul3A_1057 : vector<16xf32>
        %get3A_1059 = arith.index_cast %rem3A_229 : i32 to index
        %get3A_1060 = arith.index_cast %add3A_1016 : i32 to index
        %get3A_1061 = arith.constant 96 : index
        %get3A_1062 = tpu.vector_load %arg14[%get3A_1059, %get3A_1060, %get3A_1061] {strides = array<i32>} : memref<7x112x128xf32, #tpu.memory_space<vmem>>, vector<16xf32>,
        %mul3A_1063 = vector.broadcast %squeeze3A_1012 : f32 to vector<16xf32>
        %mul3A_1064 = arith.mulf %mul3A_1063, %get3A_1062 : vector<16xf32>
        %add3A_1065 = arith.addf %add3A_1003, %mul3A_1064 : vector<16xf32>
        %get3A_1066 = arith.index_cast %rem3A_229 : i32 to index
        %get3A_1067 = arith.index_cast %add3A_1016 : i32 to index
        %get3A_1068 = arith.constant 112 : index
        %get3A_1069 = tpu.vector_load %arg14[%get3A_1066, %get3A_1067, %get3A_1068] {strides = array<i32>} : memref<7x112x128xf32, #tpu.memory_space<vmem>>, vector<16xf32>,
        %mul3A_1070 = vector.broadcast %squeeze3A_1012 : f32 to vector<16xf32>
        %mul3A_1071 = arith.mulf %mul3A_1070, %get3A_1069 : vector<16xf32>
        %add3A_1072 = arith.addf %add3A_1010, %mul3A_1071 : vector<16xf32>
        %slice3A_1073 = vector.extract_strided_slice %get3A_268 {offsets = [13], sizes = [1], strides = [1]} : vector<16xf32> to vector<1xf32>
        %squeeze3A_1074 = vector.extract %slice3A_1073[0] : f32 from vector<1xf32>
        %mul3A_1075 = arith.constant 16 : i32
        %mul3A_1076 = arith.muli %scan3A_253, %mul3A_1075 : i32
        %add3A_1077 = arith.constant 13 : i32
        %add3A_1078 = arith.addi %mul3A_1076, %add3A_1077 : i32
        %get3A_1079 = arith.index_cast %rem3A_229 : i32 to index
        %get3A_1080 = arith.index_cast %add3A_1078 : i32 to index
        %get3A_1081 = arith.constant 0 : index
        %get3A_1082 = tpu.vector_load %arg14[%get3A_1079, %get3A_1080, %get3A_1081] {strides = array<i32>} : memref<7x112x128xf32, #tpu.memory_space<vmem>>, vector<16xf32>,
        %mul3A_1083 = vector.broadcast %squeeze3A_1074 : f32 to vector<16xf32>
        %mul3A_1084 = arith.mulf %mul3A_1083, %get3A_1082 : vector<16xf32>
        %add3A_1085 = arith.addf %add3A_1023, %mul3A_1084 : vector<16xf32>
        %get3A_1086 = arith.index_cast %rem3A_229 : i32 to index
        %get3A_1087 = arith.index_cast %add3A_1078 : i32 to index
        %get3A_1088 = arith.constant 16 : index
        %get3A_1089 = tpu.vector_load %arg14[%get3A_1086, %get3A_1087, %get3A_1088] {strides = array<i32>} : memref<7x112x128xf32, #tpu.memory_space<vmem>>, vector<16xf32>,
        %mul3A_1090 = vector.broadcast %squeeze3A_1074 : f32 to vector<16xf32>
        %mul3A_1091 = arith.mulf %mul3A_1090, %get3A_1089 : vector<16xf32>
        %add3A_1092 = arith.addf %add3A_1030, %mul3A_1091 : vector<16xf32>
        %get3A_1093 = arith.index_cast %rem3A_229 : i32 to index
        %get3A_1094 = arith.index_cast %add3A_1078 : i32 to index
        %get3A_1095 = arith.constant 32 : index
        %get3A_1096 = tpu.vector_load %arg14[%get3A_1093, %get3A_1094, %get3A_1095] {strides = array<i32>} : memref<7x112x128xf32, #tpu.memory_space<vmem>>, vector<16xf32>,
        %mul3A_1097 = vector.broadcast %squeeze3A_1074 : f32 to vector<16xf32>
        %mul3A_1098 = arith.mulf %mul3A_1097, %get3A_1096 : vector<16xf32>
        %add3A_1099 = arith.addf %add3A_1037, %mul3A_1098 : vector<16xf32>
        %get3A_1100 = arith.index_cast %rem3A_229 : i32 to index
        %get3A_1101 = arith.index_cast %add3A_1078 : i32 to index
        %get3A_1102 = arith.constant 48 : index
        %get3A_1103 = tpu.vector_load %arg14[%get3A_1100, %get3A_1101, %get3A_1102] {strides = array<i32>} : memref<7x112x128xf32, #tpu.memory_space<vmem>>, vector<16xf32>,
        %mul3A_1104 = vector.broadcast %squeeze3A_1074 : f32 to vector<16xf32>
        %mul3A_1105 = arith.mulf %mul3A_1104, %get3A_1103 : vector<16xf32>
        %add3A_1106 = arith.addf %add3A_1044, %mul3A_1105 : vector<16xf32>
        %get3A_1107 = arith.index_cast %rem3A_229 : i32 to index
        %get3A_1108 = arith.index_cast %add3A_1078 : i32 to index
        %get3A_1109 = arith.constant 64 : index
        %get3A_1110 = tpu.vector_load %arg14[%get3A_1107, %get3A_1108, %get3A_1109] {strides = array<i32>} : memref<7x112x128xf32, #tpu.memory_space<vmem>>, vector<16xf32>,
        %mul3A_1111 = vector.broadcast %squeeze3A_1074 : f32 to vector<16xf32>
        %mul3A_1112 = arith.mulf %mul3A_1111, %get3A_1110 : vector<16xf32>
        %add3A_1113 = arith.addf %add3A_1051, %mul3A_1112 : vector<16xf32>
        %get3A_1114 = arith.index_cast %rem3A_229 : i32 to index
        %get3A_1115 = arith.index_cast %add3A_1078 : i32 to index
        %get3A_1116 = arith.constant 80 : index
        %get3A_1117 = tpu.vector_load %arg14[%get3A_1114, %get3A_1115, %get3A_1116] {strides = array<i32>} : memref<7x112x128xf32, #tpu.memory_space<vmem>>, vector<16xf32>,
        %mul3A_1118 = vector.broadcast %squeeze3A_1074 : f32 to vector<16xf32>
        %mul3A_1119 = arith.mulf %mul3A_1118, %get3A_1117 : vector<16xf32>
        %add3A_1120 = arith.addf %add3A_1058, %mul3A_1119 : vector<16xf32>
        %get3A_1121 = arith.index_cast %rem3A_229 : i32 to index
        %get3A_1122 = arith.index_cast %add3A_1078 : i32 to index
        %get3A_1123 = arith.constant 96 : index
        %get3A_1124 = tpu.vector_load %arg14[%get3A_1121, %get3A_1122, %get3A_1123] {strides = array<i32>} : memref<7x112x128xf32, #tpu.memory_space<vmem>>, vector<16xf32>,
        %mul3A_1125 = vector.broadcast %squeeze3A_1074 : f32 to vector<16xf32>
        %mul3A_1126 = arith.mulf %mul3A_1125, %get3A_1124 : vector<16xf32>
        %add3A_1127 = arith.addf %add3A_1065, %mul3A_1126 : vector<16xf32>
        %get3A_1128 = arith.index_cast %rem3A_229 : i32 to index
        %get3A_1129 = arith.index_cast %add3A_1078 : i32 to index
        %get3A_1130 = arith.constant 112 : index
        %get3A_1131 = tpu.vector_load %arg14[%get3A_1128, %get3A_1129, %get3A_1130] {strides = array<i32>} : memref<7x112x128xf32, #tpu.memory_space<vmem>>, vector<16xf32>,
        %mul3A_1132 = vector.broadcast %squeeze3A_1074 : f32 to vector<16xf32>
        %mul3A_1133 = arith.mulf %mul3A_1132, %get3A_1131 : vector<16xf32>
        %add3A_1134 = arith.addf %add3A_1072, %mul3A_1133 : vector<16xf32>
        %slice3A_1135 = vector.extract_strided_slice %get3A_268 {offsets = [14], sizes = [1], strides = [1]} : vector<16xf32> to vector<1xf32>
        %squeeze3A_1136 = vector.extract %slice3A_1135[0] : f32 from vector<1xf32>
        %mul3A_1137 = arith.constant 16 : i32
        %mul3A_1138 = arith.muli %scan3A_253, %mul3A_1137 : i32
        %add3A_1139 = arith.constant 14 : i32
        %add3A_1140 = arith.addi %mul3A_1138, %add3A_1139 : i32
        %get3A_1141 = arith.index_cast %rem3A_229 : i32 to index
        %get3A_1142 = arith.index_cast %add3A_1140 : i32 to index
        %get3A_1143 = arith.constant 0 : index
        %get3A_1144 = tpu.vector_load %arg14[%get3A_1141, %get3A_1142, %get3A_1143] {strides = array<i32>} : memref<7x112x128xf32, #tpu.memory_space<vmem>>, vector<16xf32>,
        %mul3A_1145 = vector.broadcast %squeeze3A_1136 : f32 to vector<16xf32>
        %mul3A_1146 = arith.mulf %mul3A_1145, %get3A_1144 : vector<16xf32>
        %add3A_1147 = arith.addf %add3A_1085, %mul3A_1146 : vector<16xf32>
        %get3A_1148 = arith.index_cast %rem3A_229 : i32 to index
        %get3A_1149 = arith.index_cast %add3A_1140 : i32 to index
        %get3A_1150 = arith.constant 16 : index
        %get3A_1151 = tpu.vector_load %arg14[%get3A_1148, %get3A_1149, %get3A_1150] {strides = array<i32>} : memref<7x112x128xf32, #tpu.memory_space<vmem>>, vector<16xf32>,
        %mul3A_1152 = vector.broadcast %squeeze3A_1136 : f32 to vector<16xf32>
        %mul3A_1153 = arith.mulf %mul3A_1152, %get3A_1151 : vector<16xf32>
        %add3A_1154 = arith.addf %add3A_1092, %mul3A_1153 : vector<16xf32>
        %get3A_1155 = arith.index_cast %rem3A_229 : i32 to index
        %get3A_1156 = arith.index_cast %add3A_1140 : i32 to index
        %get3A_1157 = arith.constant 32 : index
        %get3A_1158 = tpu.vector_load %arg14[%get3A_1155, %get3A_1156, %get3A_1157] {strides = array<i32>} : memref<7x112x128xf32, #tpu.memory_space<vmem>>, vector<16xf32>,
        %mul3A_1159 = vector.broadcast %squeeze3A_1136 : f32 to vector<16xf32>
        %mul3A_1160 = arith.mulf %mul3A_1159, %get3A_1158 : vector<16xf32>
        %add3A_1161 = arith.addf %add3A_1099, %mul3A_1160 : vector<16xf32>
        %get3A_1162 = arith.index_cast %rem3A_229 : i32 to index
        %get3A_1163 = arith.index_cast %add3A_1140 : i32 to index
        %get3A_1164 = arith.constant 48 : index
        %get3A_1165 = tpu.vector_load %arg14[%get3A_1162, %get3A_1163, %get3A_1164] {strides = array<i32>} : memref<7x112x128xf32, #tpu.memory_space<vmem>>, vector<16xf32>,
        %mul3A_1166 = vector.broadcast %squeeze3A_1136 : f32 to vector<16xf32>
        %mul3A_1167 = arith.mulf %mul3A_1166, %get3A_1165 : vector<16xf32>
        %add3A_1168 = arith.addf %add3A_1106, %mul3A_1167 : vector<16xf32>
        %get3A_1169 = arith.index_cast %rem3A_229 : i32 to index
        %get3A_1170 = arith.index_cast %add3A_1140 : i32 to index
        %get3A_1171 = arith.constant 64 : index
        %get3A_1172 = tpu.vector_load %arg14[%get3A_1169, %get3A_1170, %get3A_1171] {strides = array<i32>} : memref<7x112x128xf32, #tpu.memory_space<vmem>>, vector<16xf32>,
        %mul3A_1173 = vector.broadcast %squeeze3A_1136 : f32 to vector<16xf32>
        %mul3A_1174 = arith.mulf %mul3A_1173, %get3A_1172 : vector<16xf32>
        %add3A_1175 = arith.addf %add3A_1113, %mul3A_1174 : vector<16xf32>
        %get3A_1176 = arith.index_cast %rem3A_229 : i32 to index
        %get3A_1177 = arith.index_cast %add3A_1140 : i32 to index
        %get3A_1178 = arith.constant 80 : index
        %get3A_1179 = tpu.vector_load %arg14[%get3A_1176, %get3A_1177, %get3A_1178] {strides = array<i32>} : memref<7x112x128xf32, #tpu.memory_space<vmem>>, vector<16xf32>,
        %mul3A_1180 = vector.broadcast %squeeze3A_1136 : f32 to vector<16xf32>
        %mul3A_1181 = arith.mulf %mul3A_1180, %get3A_1179 : vector<16xf32>
        %add3A_1182 = arith.addf %add3A_1120, %mul3A_1181 : vector<16xf32>
        %get3A_1183 = arith.index_cast %rem3A_229 : i32 to index
        %get3A_1184 = arith.index_cast %add3A_1140 : i32 to index
        %get3A_1185 = arith.constant 96 : index
        %get3A_1186 = tpu.vector_load %arg14[%get3A_1183, %get3A_1184, %get3A_1185] {strides = array<i32>} : memref<7x112x128xf32, #tpu.memory_space<vmem>>, vector<16xf32>,
        %mul3A_1187 = vector.broadcast %squeeze3A_1136 : f32 to vector<16xf32>
        %mul3A_1188 = arith.mulf %mul3A_1187, %get3A_1186 : vector<16xf32>
        %add3A_1189 = arith.addf %add3A_1127, %mul3A_1188 : vector<16xf32>
        %get3A_1190 = arith.index_cast %rem3A_229 : i32 to index
        %get3A_1191 = arith.index_cast %add3A_1140 : i32 to index
        %get3A_1192 = arith.constant 112 : index
        %get3A_1193 = tpu.vector_load %arg14[%get3A_1190, %get3A_1191, %get3A_1192] {strides = array<i32>} : memref<7x112x128xf32, #tpu.memory_space<vmem>>, vector<16xf32>,
        %mul3A_1194 = vector.broadcast %squeeze3A_1136 : f32 to vector<16xf32>
        %mul3A_1195 = arith.mulf %mul3A_1194, %get3A_1193 : vector<16xf32>
        %add3A_1196 = arith.addf %add3A_1134, %mul3A_1195 : vector<16xf32>
        %slice3A_1197 = vector.extract_strided_slice %get3A_268 {offsets = [15], sizes = [1], strides = [1]} : vector<16xf32> to vector<1xf32>
        %squeeze3A_1198 = vector.extract %slice3A_1197[0] : f32 from vector<1xf32>
        %mul3A_1199 = arith.constant 16 : i32
        %mul3A_1200 = arith.muli %scan3A_253, %mul3A_1199 : i32
        %add3A_1201 = arith.constant 15 : i32
        %add3A_1202 = arith.addi %mul3A_1200, %add3A_1201 : i32
        %get3A_1203 = arith.index_cast %rem3A_229 : i32 to index
        %get3A_1204 = arith.index_cast %add3A_1202 : i32 to index
        %get3A_1205 = arith.constant 0 : index
        %get3A_1206 = tpu.vector_load %arg14[%get3A_1203, %get3A_1204, %get3A_1205] {strides = array<i32>} : memref<7x112x128xf32, #tpu.memory_space<vmem>>, vector<16xf32>,
        %mul3A_1207 = vector.broadcast %squeeze3A_1198 : f32 to vector<16xf32>
        %mul3A_1208 = arith.mulf %mul3A_1207, %get3A_1206 : vector<16xf32>
        %add3A_1209 = arith.addf %add3A_1147, %mul3A_1208 : vector<16xf32>
        %get3A_1210 = arith.index_cast %rem3A_229 : i32 to index
        %get3A_1211 = arith.index_cast %add3A_1202 : i32 to index
        %get3A_1212 = arith.constant 16 : index
        %get3A_1213 = tpu.vector_load %arg14[%get3A_1210, %get3A_1211, %get3A_1212] {strides = array<i32>} : memref<7x112x128xf32, #tpu.memory_space<vmem>>, vector<16xf32>,
        %mul3A_1214 = vector.broadcast %squeeze3A_1198 : f32 to vector<16xf32>
        %mul3A_1215 = arith.mulf %mul3A_1214, %get3A_1213 : vector<16xf32>
        %add3A_1216 = arith.addf %add3A_1154, %mul3A_1215 : vector<16xf32>
        %get3A_1217 = arith.index_cast %rem3A_229 : i32 to index
        %get3A_1218 = arith.index_cast %add3A_1202 : i32 to index
        %get3A_1219 = arith.constant 32 : index
        %get3A_1220 = tpu.vector_load %arg14[%get3A_1217, %get3A_1218, %get3A_1219] {strides = array<i32>} : memref<7x112x128xf32, #tpu.memory_space<vmem>>, vector<16xf32>,
        %mul3A_1221 = vector.broadcast %squeeze3A_1198 : f32 to vector<16xf32>
        %mul3A_1222 = arith.mulf %mul3A_1221, %get3A_1220 : vector<16xf32>
        %add3A_1223 = arith.addf %add3A_1161, %mul3A_1222 : vector<16xf32>
        %get3A_1224 = arith.index_cast %rem3A_229 : i32 to index
        %get3A_1225 = arith.index_cast %add3A_1202 : i32 to index
        %get3A_1226 = arith.constant 48 : index
        %get3A_1227 = tpu.vector_load %arg14[%get3A_1224, %get3A_1225, %get3A_1226] {strides = array<i32>} : memref<7x112x128xf32, #tpu.memory_space<vmem>>, vector<16xf32>,
        %mul3A_1228 = vector.broadcast %squeeze3A_1198 : f32 to vector<16xf32>
        %mul3A_1229 = arith.mulf %mul3A_1228, %get3A_1227 : vector<16xf32>
        %add3A_1230 = arith.addf %add3A_1168, %mul3A_1229 : vector<16xf32>
        %get3A_1231 = arith.index_cast %rem3A_229 : i32 to index
        %get3A_1232 = arith.index_cast %add3A_1202 : i32 to index
        %get3A_1233 = arith.constant 64 : index
        %get3A_1234 = tpu.vector_load %arg14[%get3A_1231, %get3A_1232, %get3A_1233] {strides = array<i32>} : memref<7x112x128xf32, #tpu.memory_space<vmem>>, vector<16xf32>,
        %mul3A_1235 = vector.broadcast %squeeze3A_1198 : f32 to vector<16xf32>
        %mul3A_1236 = arith.mulf %mul3A_1235, %get3A_1234 : vector<16xf32>
        %add3A_1237 = arith.addf %add3A_1175, %mul3A_1236 : vector<16xf32>
        %get3A_1238 = arith.index_cast %rem3A_229 : i32 to index
        %get3A_1239 = arith.index_cast %add3A_1202 : i32 to index
        %get3A_1240 = arith.constant 80 : index
        %get3A_1241 = tpu.vector_load %arg14[%get3A_1238, %get3A_1239, %get3A_1240] {strides = array<i32>} : memref<7x112x128xf32, #tpu.memory_space<vmem>>, vector<16xf32>,
        %mul3A_1242 = vector.broadcast %squeeze3A_1198 : f32 to vector<16xf32>
        %mul3A_1243 = arith.mulf %mul3A_1242, %get3A_1241 : vector<16xf32>
        %add3A_1244 = arith.addf %add3A_1182, %mul3A_1243 : vector<16xf32>
        %get3A_1245 = arith.index_cast %rem3A_229 : i32 to index
        %get3A_1246 = arith.index_cast %add3A_1202 : i32 to index
        %get3A_1247 = arith.constant 96 : index
        %get3A_1248 = tpu.vector_load %arg14[%get3A_1245, %get3A_1246, %get3A_1247] {strides = array<i32>} : memref<7x112x128xf32, #tpu.memory_space<vmem>>, vector<16xf32>,
        %mul3A_1249 = vector.broadcast %squeeze3A_1198 : f32 to vector<16xf32>
        %mul3A_1250 = arith.mulf %mul3A_1249, %get3A_1248 : vector<16xf32>
        %add3A_1251 = arith.addf %add3A_1189, %mul3A_1250 : vector<16xf32>
        %get3A_1252 = arith.index_cast %rem3A_229 : i32 to index
        %get3A_1253 = arith.index_cast %add3A_1202 : i32 to index
        %get3A_1254 = arith.constant 112 : index
        %get3A_1255 = tpu.vector_load %arg14[%get3A_1252, %get3A_1253, %get3A_1254] {strides = array<i32>} : memref<7x112x128xf32, #tpu.memory_space<vmem>>, vector<16xf32>,
        %mul3A_1256 = vector.broadcast %squeeze3A_1198 : f32 to vector<16xf32>
        %mul3A_1257 = arith.mulf %mul3A_1256, %get3A_1255 : vector<16xf32>
        %add3A_1258 = arith.addf %add3A_1196, %mul3A_1257 : vector<16xf32>
        scf.yield %add3A_1209, %add3A_1216, %add3A_1223, %add3A_1230, %add3A_1237, %add3A_1244, %add3A_1251, %add3A_1258 : vector<16xf32>, vector<16xf32>, vector<16xf32>, vector<16xf32>, vector<16xf32>, vector<16xf32>, vector<16xf32>, vector<16xf32>
      }
      %scan3A_246 = arith.constant 7 : i32
      %add3A_247 = arith.constant 7 : i32
      %add3A_248 = arith.addi %while3A_220, %add3A_247 : i32
      %lt3A_249 = arith.cmpi slt, %add3A_248, %select_n3A_28 : i32
      %convert_element_type3A_250 = arith.extui %lt3A_249 : i1 to i32
      %cond3A_251 = arith.constant 0 : i32
      %cond3A_252 = arith.cmpi ne, %convert_element_type3A_250, %cond3A_251 : i32
      scf.if %cond3A_252 {
        %add3A_253 = arith.constant 7 : i32
        %add3A_254 = arith.addi %while3A_220, %add3A_253 : i32
        %mul3A_255 = arith.constant 112 : i32
        %mul3A_256 = arith.muli %add3A_254, %mul3A_255 : i32
        %multiple_of3A_257 = tpu.assume_multiple %mul3A_256, 8 : i32
        %dma_start3A_258 = arith.constant 0 : i32
        %dma_start3A_259 = arith.constant 0 : i32
        %dma_start3A_260 = tpu.memref_slice %arg14[%rem3A_229, %dma_start3A_258, %dma_start3A_259] : memref<7x112x128xf32, #tpu.memory_space<vmem>> -> memref<1x112x128xf32, #tpu.memory_space<vmem>>
        %dma_start3A_261 = tpu.memref_squeeze %dma_start3A_260 : memref<1x112x128xf32, #tpu.memory_space<vmem>> -> memref<112x128xf32, #tpu.memory_space<vmem>>
        %dma_start3A_262 = tpu.memref_slice %arg11[%multiple_of3A_257] : memref<2016xi32, #tpu.memory_space<vmem>> -> memref<112xi32, #tpu.memory_space<vmem>>
        %dma_start3A_263 = arith.constant 0 : i32
        %dma_start3A_264 = arith.constant 0 : i32
        %dma_start3A_265 = tpu.memref_slice %arg2[%dma_start3A_263, %dma_start3A_264] : memref<100000x128xf32, #tpu.memory_space<hbm>> -> memref<100000x128xf32, #tpu.memory_space<hbm>>
        %dma_start3A_266 = tpu.memref_slice %arg23[%rem3A_229] : memref<7x!tpu.dma_semaphore, #tpu.memory_space<semaphore_mem>> -> memref<1x!tpu.dma_semaphore, #tpu.memory_space<semaphore_mem>>
        %dma_start3A_267 = tpu.memref_squeeze %dma_start3A_266 : memref<1x!tpu.dma_semaphore, #tpu.memory_space<semaphore_mem>> -> memref<!tpu.dma_semaphore, #tpu.memory_space<semaphore_mem>>
        tpu.enqueue_indirect_dma source(%dma_start3A_265 : memref<100000x128xf32, #tpu.memory_space<hbm>>) target(%dma_start3A_261 : memref<112x128xf32, #tpu.memory_space<vmem>>) offsets(%dma_start3A_262 : memref<112xi32, #tpu.memory_space<vmem>>) semaphore(%dma_start3A_267 : memref<!tpu.dma_semaphore, #tpu.memory_space<semaphore_mem>>)
      } else {
      }
      scf.yield %scan3A_245#0, %scan3A_245#1, %scan3A_245#2, %scan3A_245#3, %scan3A_245#4, %scan3A_245#5, %scan3A_245#6, %scan3A_245#7 : vector<16xf32>, vector<16xf32>, vector<16xf32>, vector<16xf32>, vector<16xf32>, vector<16xf32>, vector<16xf32>, vector<16xf32>
    }
    %while3A_180 = arith.constant 1 : i32
    %while3A_181:8 = scf.for %while3A_220 = %while3A_177 to %while3A_173 step %while3A_180 iter_args(%while3A_221 = %while3A_179#0, %while3A_222 = %while3A_179#1, %while3A_223 = %while3A_179#2, %while3A_224 = %while3A_179#3, %while3A_225 = %while3A_179#4, %while3A_226 = %while3A_179#5, %while3A_227 = %while3A_179#6, %while3A_228 = %while3A_179#7) -> (vector<16xf32>, vector<16xf32>, vector<16xf32>, vector<16xf32>, vector<16xf32>, vector<16xf32>, vector<16xf32>, vector<16xf32>)  : i32 {
      %rem3A = arith.constant 7 : i32
      %rem3A_229 = arith.remsi %while3A_220, %rem3A : i32
      %dma_wait3A_230 = arith.constant 0 : i32
      %dma_wait3A_231 = arith.constant 0 : i32
      %dma_wait3A_232 = arith.constant 0 : i32
      %dma_wait3A_233 = tpu.memref_slice %arg14[%dma_wait3A_230, %dma_wait3A_231, %dma_wait3A_232] : memref<7x112x128xf32, #tpu.memory_space<vmem>> -> memref<1x112x128xf32, #tpu.memory_space<vmem>>
      %dma_wait3A_234 = tpu.memref_squeeze %dma_wait3A_233 : memref<1x112x128xf32, #tpu.memory_space<vmem>> -> memref<112x128xf32, #tpu.memory_space<vmem>>
      %dma_wait3A_235 = arith.constant 0 : i32
      %dma_wait3A_236 = tpu.memref_slice %arg11[%dma_wait3A_235] : memref<2016xi32, #tpu.memory_space<vmem>> -> memref<112xi32, #tpu.memory_space<vmem>>
      %dma_wait3A_237 = arith.constant 0 : i32
      %dma_wait3A_238 = arith.constant 0 : i32
      %dma_wait3A_239 = tpu.memref_slice %arg2[%dma_wait3A_237, %dma_wait3A_238] : memref<100000x128xf32, #tpu.memory_space<hbm>> -> memref<100000x128xf32, #tpu.memory_space<hbm>>
      %dma_wait3A_240 = tpu.memref_slice %arg23[%rem3A_229] : memref<7x!tpu.dma_semaphore, #tpu.memory_space<semaphore_mem>> -> memref<1x!tpu.dma_semaphore, #tpu.memory_space<semaphore_mem>>
      %dma_wait3A_241 = tpu.memref_squeeze %dma_wait3A_240 : memref<1x!tpu.dma_semaphore, #tpu.memory_space<semaphore_mem>> -> memref<!tpu.dma_semaphore, #tpu.memory_space<semaphore_mem>>
      tpu.wait_indirect_dma semaphore(%dma_wait3A_241 : memref<!tpu.dma_semaphore, #tpu.memory_space<semaphore_mem>>) src(%dma_wait3A_239 : memref<100000x128xf32, #tpu.memory_space<hbm>>) dst(%dma_wait3A_234 : memref<112x128xf32, #tpu.memory_space<vmem>>)
      %scan3A = arith.constant 0 : i32
      %scan3A_242 = arith.constant 7 : i32
      %scan3A_243 = arith.addi %scan3A, %scan3A_242 : i32
      %scan3A_244 = arith.constant 1 : i32
      %scan3A_245:8 = scf.for %scan3A_253 = %scan3A to %scan3A_243 step %scan3A_244 iter_args(%scan3A_254 = %while3A_221, %scan3A_255 = %while3A_222, %scan3A_256 = %while3A_223, %scan3A_257 = %while3A_224, %scan3A_258 = %while3A_225, %scan3A_259 = %while3A_226, %scan3A_260 = %while3A_227, %scan3A_261 = %while3A_228) -> (vector<16xf32>, vector<16xf32>, vector<16xf32>, vector<16xf32>, vector<16xf32>, vector<16xf32>, vector<16xf32>, vector<16xf32>)  : i32 {
        %mul3A_262 = arith.constant 112 : i32
        %mul3A_263 = arith.muli %while3A_220, %mul3A_262 : i32
        %mul3A_264 = arith.constant 16 : i32
        %mul3A_265 = arith.muli %scan3A_253, %mul3A_264 : i32
        %add3A_266 = arith.addi %mul3A_263, %mul3A_265 : i32
        %get3A_267 = arith.index_cast %add3A_266 : i32 to index
        %get3A_268 = tpu.vector_load %arg13[%get3A_267] {strides = array<i32>} : memref<2016xf32, #tpu.memory_space<vmem>>, vector<16xf32>,
        %slice3A = vector.extract_strided_slice %get3A_268 {offsets = [0], sizes = [1], strides = [1]} : vector<16xf32> to vector<1xf32>
        %squeeze3A = vector.extract %slice3A[0] : f32 from vector<1xf32>
        %mul3A_269 = arith.constant 16 : i32
        %mul3A_270 = arith.muli %scan3A_253, %mul3A_269 : i32
        %add3A_271 = arith.constant 0 : i32
        %add3A_272 = arith.addi %mul3A_270, %add3A_271 : i32
        %get3A_273 = arith.index_cast %rem3A_229 : i32 to index
        %get3A_274 = arith.index_cast %add3A_272 : i32 to index
        %get3A_275 = arith.constant 0 : index
        %get3A_276 = tpu.vector_load %arg14[%get3A_273, %get3A_274, %get3A_275] {strides = array<i32>} : memref<7x112x128xf32, #tpu.memory_space<vmem>>, vector<16xf32>,
        %mul3A_277 = vector.broadcast %squeeze3A : f32 to vector<16xf32>
        %mul3A_278 = arith.mulf %mul3A_277, %get3A_276 : vector<16xf32>
        %add3A_279 = arith.addf %scan3A_254, %mul3A_278 : vector<16xf32>
        %get3A_280 = arith.index_cast %rem3A_229 : i32 to index
        %get3A_281 = arith.index_cast %add3A_272 : i32 to index
        %get3A_282 = arith.constant 16 : index
        %get3A_283 = tpu.vector_load %arg14[%get3A_280, %get3A_281, %get3A_282] {strides = array<i32>} : memref<7x112x128xf32, #tpu.memory_space<vmem>>, vector<16xf32>,
        %mul3A_284 = vector.broadcast %squeeze3A : f32 to vector<16xf32>
        %mul3A_285 = arith.mulf %mul3A_284, %get3A_283 : vector<16xf32>
        %add3A_286 = arith.addf %scan3A_255, %mul3A_285 : vector<16xf32>
        %get3A_287 = arith.index_cast %rem3A_229 : i32 to index
        %get3A_288 = arith.index_cast %add3A_272 : i32 to index
        %get3A_289 = arith.constant 32 : index
        %get3A_290 = tpu.vector_load %arg14[%get3A_287, %get3A_288, %get3A_289] {strides = array<i32>} : memref<7x112x128xf32, #tpu.memory_space<vmem>>, vector<16xf32>,
        %mul3A_291 = vector.broadcast %squeeze3A : f32 to vector<16xf32>
        %mul3A_292 = arith.mulf %mul3A_291, %get3A_290 : vector<16xf32>
        %add3A_293 = arith.addf %scan3A_256, %mul3A_292 : vector<16xf32>
        %get3A_294 = arith.index_cast %rem3A_229 : i32 to index
        %get3A_295 = arith.index_cast %add3A_272 : i32 to index
        %get3A_296 = arith.constant 48 : index
        %get3A_297 = tpu.vector_load %arg14[%get3A_294, %get3A_295, %get3A_296] {strides = array<i32>} : memref<7x112x128xf32, #tpu.memory_space<vmem>>, vector<16xf32>,
        %mul3A_298 = vector.broadcast %squeeze3A : f32 to vector<16xf32>
        %mul3A_299 = arith.mulf %mul3A_298, %get3A_297 : vector<16xf32>
        %add3A_300 = arith.addf %scan3A_257, %mul3A_299 : vector<16xf32>
        %get3A_301 = arith.index_cast %rem3A_229 : i32 to index
        %get3A_302 = arith.index_cast %add3A_272 : i32 to index
        %get3A_303 = arith.constant 64 : index
        %get3A_304 = tpu.vector_load %arg14[%get3A_301, %get3A_302, %get3A_303] {strides = array<i32>} : memref<7x112x128xf32, #tpu.memory_space<vmem>>, vector<16xf32>,
        %mul3A_305 = vector.broadcast %squeeze3A : f32 to vector<16xf32>
        %mul3A_306 = arith.mulf %mul3A_305, %get3A_304 : vector<16xf32>
        %add3A_307 = arith.addf %scan3A_258, %mul3A_306 : vector<16xf32>
        %get3A_308 = arith.index_cast %rem3A_229 : i32 to index
        %get3A_309 = arith.index_cast %add3A_272 : i32 to index
        %get3A_310 = arith.constant 80 : index
        %get3A_311 = tpu.vector_load %arg14[%get3A_308, %get3A_309, %get3A_310] {strides = array<i32>} : memref<7x112x128xf32, #tpu.memory_space<vmem>>, vector<16xf32>,
        %mul3A_312 = vector.broadcast %squeeze3A : f32 to vector<16xf32>
        %mul3A_313 = arith.mulf %mul3A_312, %get3A_311 : vector<16xf32>
        %add3A_314 = arith.addf %scan3A_259, %mul3A_313 : vector<16xf32>
        %get3A_315 = arith.index_cast %rem3A_229 : i32 to index
        %get3A_316 = arith.index_cast %add3A_272 : i32 to index
        %get3A_317 = arith.constant 96 : index
        %get3A_318 = tpu.vector_load %arg14[%get3A_315, %get3A_316, %get3A_317] {strides = array<i32>} : memref<7x112x128xf32, #tpu.memory_space<vmem>>, vector<16xf32>,
        %mul3A_319 = vector.broadcast %squeeze3A : f32 to vector<16xf32>
        %mul3A_320 = arith.mulf %mul3A_319, %get3A_318 : vector<16xf32>
        %add3A_321 = arith.addf %scan3A_260, %mul3A_320 : vector<16xf32>
        %get3A_322 = arith.index_cast %rem3A_229 : i32 to index
        %get3A_323 = arith.index_cast %add3A_272 : i32 to index
        %get3A_324 = arith.constant 112 : index
        %get3A_325 = tpu.vector_load %arg14[%get3A_322, %get3A_323, %get3A_324] {strides = array<i32>} : memref<7x112x128xf32, #tpu.memory_space<vmem>>, vector<16xf32>,
        %mul3A_326 = vector.broadcast %squeeze3A : f32 to vector<16xf32>
        %mul3A_327 = arith.mulf %mul3A_326, %get3A_325 : vector<16xf32>
        %add3A_328 = arith.addf %scan3A_261, %mul3A_327 : vector<16xf32>
        %slice3A_329 = vector.extract_strided_slice %get3A_268 {offsets = [1], sizes = [1], strides = [1]} : vector<16xf32> to vector<1xf32>
        %squeeze3A_330 = vector.extract %slice3A_329[0] : f32 from vector<1xf32>
        %mul3A_331 = arith.constant 16 : i32
        %mul3A_332 = arith.muli %scan3A_253, %mul3A_331 : i32
        %add3A_333 = arith.constant 1 : i32
        %add3A_334 = arith.addi %mul3A_332, %add3A_333 : i32
        %get3A_335 = arith.index_cast %rem3A_229 : i32 to index
        %get3A_336 = arith.index_cast %add3A_334 : i32 to index
        %get3A_337 = arith.constant 0 : index
        %get3A_338 = tpu.vector_load %arg14[%get3A_335, %get3A_336, %get3A_337] {strides = array<i32>} : memref<7x112x128xf32, #tpu.memory_space<vmem>>, vector<16xf32>,
        %mul3A_339 = vector.broadcast %squeeze3A_330 : f32 to vector<16xf32>
        %mul3A_340 = arith.mulf %mul3A_339, %get3A_338 : vector<16xf32>
        %add3A_341 = arith.addf %add3A_279, %mul3A_340 : vector<16xf32>
        %get3A_342 = arith.index_cast %rem3A_229 : i32 to index
        %get3A_343 = arith.index_cast %add3A_334 : i32 to index
        %get3A_344 = arith.constant 16 : index
        %get3A_345 = tpu.vector_load %arg14[%get3A_342, %get3A_343, %get3A_344] {strides = array<i32>} : memref<7x112x128xf32, #tpu.memory_space<vmem>>, vector<16xf32>,
        %mul3A_346 = vector.broadcast %squeeze3A_330 : f32 to vector<16xf32>
        %mul3A_347 = arith.mulf %mul3A_346, %get3A_345 : vector<16xf32>
        %add3A_348 = arith.addf %add3A_286, %mul3A_347 : vector<16xf32>
        %get3A_349 = arith.index_cast %rem3A_229 : i32 to index
        %get3A_350 = arith.index_cast %add3A_334 : i32 to index
        %get3A_351 = arith.constant 32 : index
        %get3A_352 = tpu.vector_load %arg14[%get3A_349, %get3A_350, %get3A_351] {strides = array<i32>} : memref<7x112x128xf32, #tpu.memory_space<vmem>>, vector<16xf32>,
        %mul3A_353 = vector.broadcast %squeeze3A_330 : f32 to vector<16xf32>
        %mul3A_354 = arith.mulf %mul3A_353, %get3A_352 : vector<16xf32>
        %add3A_355 = arith.addf %add3A_293, %mul3A_354 : vector<16xf32>
        %get3A_356 = arith.index_cast %rem3A_229 : i32 to index
        %get3A_357 = arith.index_cast %add3A_334 : i32 to index
        %get3A_358 = arith.constant 48 : index
        %get3A_359 = tpu.vector_load %arg14[%get3A_356, %get3A_357, %get3A_358] {strides = array<i32>} : memref<7x112x128xf32, #tpu.memory_space<vmem>>, vector<16xf32>,
        %mul3A_360 = vector.broadcast %squeeze3A_330 : f32 to vector<16xf32>
        %mul3A_361 = arith.mulf %mul3A_360, %get3A_359 : vector<16xf32>
        %add3A_362 = arith.addf %add3A_300, %mul3A_361 : vector<16xf32>
        %get3A_363 = arith.index_cast %rem3A_229 : i32 to index
        %get3A_364 = arith.index_cast %add3A_334 : i32 to index
        %get3A_365 = arith.constant 64 : index
        %get3A_366 = tpu.vector_load %arg14[%get3A_363, %get3A_364, %get3A_365] {strides = array<i32>} : memref<7x112x128xf32, #tpu.memory_space<vmem>>, vector<16xf32>,
        %mul3A_367 = vector.broadcast %squeeze3A_330 : f32 to vector<16xf32>
        %mul3A_368 = arith.mulf %mul3A_367, %get3A_366 : vector<16xf32>
        %add3A_369 = arith.addf %add3A_307, %mul3A_368 : vector<16xf32>
        %get3A_370 = arith.index_cast %rem3A_229 : i32 to index
        %get3A_371 = arith.index_cast %add3A_334 : i32 to index
        %get3A_372 = arith.constant 80 : index
        %get3A_373 = tpu.vector_load %arg14[%get3A_370, %get3A_371, %get3A_372] {strides = array<i32>} : memref<7x112x128xf32, #tpu.memory_space<vmem>>, vector<16xf32>,
        %mul3A_374 = vector.broadcast %squeeze3A_330 : f32 to vector<16xf32>
        %mul3A_375 = arith.mulf %mul3A_374, %get3A_373 : vector<16xf32>
        %add3A_376 = arith.addf %add3A_314, %mul3A_375 : vector<16xf32>
        %get3A_377 = arith.index_cast %rem3A_229 : i32 to index
        %get3A_378 = arith.index_cast %add3A_334 : i32 to index
        %get3A_379 = arith.constant 96 : index
        %get3A_380 = tpu.vector_load %arg14[%get3A_377, %get3A_378, %get3A_379] {strides = array<i32>} : memref<7x112x128xf32, #tpu.memory_space<vmem>>, vector<16xf32>,
        %mul3A_381 = vector.broadcast %squeeze3A_330 : f32 to vector<16xf32>
        %mul3A_382 = arith.mulf %mul3A_381, %get3A_380 : vector<16xf32>
        %add3A_383 = arith.addf %add3A_321, %mul3A_382 : vector<16xf32>
        %get3A_384 = arith.index_cast %rem3A_229 : i32 to index
        %get3A_385 = arith.index_cast %add3A_334 : i32 to index
        %get3A_386 = arith.constant 112 : index
        %get3A_387 = tpu.vector_load %arg14[%get3A_384, %get3A_385, %get3A_386] {strides = array<i32>} : memref<7x112x128xf32, #tpu.memory_space<vmem>>, vector<16xf32>,
        %mul3A_388 = vector.broadcast %squeeze3A_330 : f32 to vector<16xf32>
        %mul3A_389 = arith.mulf %mul3A_388, %get3A_387 : vector<16xf32>
        %add3A_390 = arith.addf %add3A_328, %mul3A_389 : vector<16xf32>
        %slice3A_391 = vector.extract_strided_slice %get3A_268 {offsets = [2], sizes = [1], strides = [1]} : vector<16xf32> to vector<1xf32>
        %squeeze3A_392 = vector.extract %slice3A_391[0] : f32 from vector<1xf32>
        %mul3A_393 = arith.constant 16 : i32
        %mul3A_394 = arith.muli %scan3A_253, %mul3A_393 : i32
        %add3A_395 = arith.constant 2 : i32
        %add3A_396 = arith.addi %mul3A_394, %add3A_395 : i32
        %get3A_397 = arith.index_cast %rem3A_229 : i32 to index
        %get3A_398 = arith.index_cast %add3A_396 : i32 to index
        %get3A_399 = arith.constant 0 : index
        %get3A_400 = tpu.vector_load %arg14[%get3A_397, %get3A_398, %get3A_399] {strides = array<i32>} : memref<7x112x128xf32, #tpu.memory_space<vmem>>, vector<16xf32>,
        %mul3A_401 = vector.broadcast %squeeze3A_392 : f32 to vector<16xf32>
        %mul3A_402 = arith.mulf %mul3A_401, %get3A_400 : vector<16xf32>
        %add3A_403 = arith.addf %add3A_341, %mul3A_402 : vector<16xf32>
        %get3A_404 = arith.index_cast %rem3A_229 : i32 to index
        %get3A_405 = arith.index_cast %add3A_396 : i32 to index
        %get3A_406 = arith.constant 16 : index
        %get3A_407 = tpu.vector_load %arg14[%get3A_404, %get3A_405, %get3A_406] {strides = array<i32>} : memref<7x112x128xf32, #tpu.memory_space<vmem>>, vector<16xf32>,
        %mul3A_408 = vector.broadcast %squeeze3A_392 : f32 to vector<16xf32>
        %mul3A_409 = arith.mulf %mul3A_408, %get3A_407 : vector<16xf32>
        %add3A_410 = arith.addf %add3A_348, %mul3A_409 : vector<16xf32>
        %get3A_411 = arith.index_cast %rem3A_229 : i32 to index
        %get3A_412 = arith.index_cast %add3A_396 : i32 to index
        %get3A_413 = arith.constant 32 : index
        %get3A_414 = tpu.vector_load %arg14[%get3A_411, %get3A_412, %get3A_413] {strides = array<i32>} : memref<7x112x128xf32, #tpu.memory_space<vmem>>, vector<16xf32>,
        %mul3A_415 = vector.broadcast %squeeze3A_392 : f32 to vector<16xf32>
        %mul3A_416 = arith.mulf %mul3A_415, %get3A_414 : vector<16xf32>
        %add3A_417 = arith.addf %add3A_355, %mul3A_416 : vector<16xf32>
        %get3A_418 = arith.index_cast %rem3A_229 : i32 to index
        %get3A_419 = arith.index_cast %add3A_396 : i32 to index
        %get3A_420 = arith.constant 48 : index
        %get3A_421 = tpu.vector_load %arg14[%get3A_418, %get3A_419, %get3A_420] {strides = array<i32>} : memref<7x112x128xf32, #tpu.memory_space<vmem>>, vector<16xf32>,
        %mul3A_422 = vector.broadcast %squeeze3A_392 : f32 to vector<16xf32>
        %mul3A_423 = arith.mulf %mul3A_422, %get3A_421 : vector<16xf32>
        %add3A_424 = arith.addf %add3A_362, %mul3A_423 : vector<16xf32>
        %get3A_425 = arith.index_cast %rem3A_229 : i32 to index
        %get3A_426 = arith.index_cast %add3A_396 : i32 to index
        %get3A_427 = arith.constant 64 : index
        %get3A_428 = tpu.vector_load %arg14[%get3A_425, %get3A_426, %get3A_427] {strides = array<i32>} : memref<7x112x128xf32, #tpu.memory_space<vmem>>, vector<16xf32>,
        %mul3A_429 = vector.broadcast %squeeze3A_392 : f32 to vector<16xf32>
        %mul3A_430 = arith.mulf %mul3A_429, %get3A_428 : vector<16xf32>
        %add3A_431 = arith.addf %add3A_369, %mul3A_430 : vector<16xf32>
        %get3A_432 = arith.index_cast %rem3A_229 : i32 to index
        %get3A_433 = arith.index_cast %add3A_396 : i32 to index
        %get3A_434 = arith.constant 80 : index
        %get3A_435 = tpu.vector_load %arg14[%get3A_432, %get3A_433, %get3A_434] {strides = array<i32>} : memref<7x112x128xf32, #tpu.memory_space<vmem>>, vector<16xf32>,
        %mul3A_436 = vector.broadcast %squeeze3A_392 : f32 to vector<16xf32>
        %mul3A_437 = arith.mulf %mul3A_436, %get3A_435 : vector<16xf32>
        %add3A_438 = arith.addf %add3A_376, %mul3A_437 : vector<16xf32>
        %get3A_439 = arith.index_cast %rem3A_229 : i32 to index
        %get3A_440 = arith.index_cast %add3A_396 : i32 to index
        %get3A_441 = arith.constant 96 : index
        %get3A_442 = tpu.vector_load %arg14[%get3A_439, %get3A_440, %get3A_441] {strides = array<i32>} : memref<7x112x128xf32, #tpu.memory_space<vmem>>, vector<16xf32>,
        %mul3A_443 = vector.broadcast %squeeze3A_392 : f32 to vector<16xf32>
        %mul3A_444 = arith.mulf %mul3A_443, %get3A_442 : vector<16xf32>
        %add3A_445 = arith.addf %add3A_383, %mul3A_444 : vector<16xf32>
        %get3A_446 = arith.index_cast %rem3A_229 : i32 to index
        %get3A_447 = arith.index_cast %add3A_396 : i32 to index
        %get3A_448 = arith.constant 112 : index
        %get3A_449 = tpu.vector_load %arg14[%get3A_446, %get3A_447, %get3A_448] {strides = array<i32>} : memref<7x112x128xf32, #tpu.memory_space<vmem>>, vector<16xf32>,
        %mul3A_450 = vector.broadcast %squeeze3A_392 : f32 to vector<16xf32>
        %mul3A_451 = arith.mulf %mul3A_450, %get3A_449 : vector<16xf32>
        %add3A_452 = arith.addf %add3A_390, %mul3A_451 : vector<16xf32>
        %slice3A_453 = vector.extract_strided_slice %get3A_268 {offsets = [3], sizes = [1], strides = [1]} : vector<16xf32> to vector<1xf32>
        %squeeze3A_454 = vector.extract %slice3A_453[0] : f32 from vector<1xf32>
        %mul3A_455 = arith.constant 16 : i32
        %mul3A_456 = arith.muli %scan3A_253, %mul3A_455 : i32
        %add3A_457 = arith.constant 3 : i32
        %add3A_458 = arith.addi %mul3A_456, %add3A_457 : i32
        %get3A_459 = arith.index_cast %rem3A_229 : i32 to index
        %get3A_460 = arith.index_cast %add3A_458 : i32 to index
        %get3A_461 = arith.constant 0 : index
        %get3A_462 = tpu.vector_load %arg14[%get3A_459, %get3A_460, %get3A_461] {strides = array<i32>} : memref<7x112x128xf32, #tpu.memory_space<vmem>>, vector<16xf32>,
        %mul3A_463 = vector.broadcast %squeeze3A_454 : f32 to vector<16xf32>
        %mul3A_464 = arith.mulf %mul3A_463, %get3A_462 : vector<16xf32>
        %add3A_465 = arith.addf %add3A_403, %mul3A_464 : vector<16xf32>
        %get3A_466 = arith.index_cast %rem3A_229 : i32 to index
        %get3A_467 = arith.index_cast %add3A_458 : i32 to index
        %get3A_468 = arith.constant 16 : index
        %get3A_469 = tpu.vector_load %arg14[%get3A_466, %get3A_467, %get3A_468] {strides = array<i32>} : memref<7x112x128xf32, #tpu.memory_space<vmem>>, vector<16xf32>,
        %mul3A_470 = vector.broadcast %squeeze3A_454 : f32 to vector<16xf32>
        %mul3A_471 = arith.mulf %mul3A_470, %get3A_469 : vector<16xf32>
        %add3A_472 = arith.addf %add3A_410, %mul3A_471 : vector<16xf32>
        %get3A_473 = arith.index_cast %rem3A_229 : i32 to index
        %get3A_474 = arith.index_cast %add3A_458 : i32 to index
        %get3A_475 = arith.constant 32 : index
        %get3A_476 = tpu.vector_load %arg14[%get3A_473, %get3A_474, %get3A_475] {strides = array<i32>} : memref<7x112x128xf32, #tpu.memory_space<vmem>>, vector<16xf32>,
        %mul3A_477 = vector.broadcast %squeeze3A_454 : f32 to vector<16xf32>
        %mul3A_478 = arith.mulf %mul3A_477, %get3A_476 : vector<16xf32>
        %add3A_479 = arith.addf %add3A_417, %mul3A_478 : vector<16xf32>
        %get3A_480 = arith.index_cast %rem3A_229 : i32 to index
        %get3A_481 = arith.index_cast %add3A_458 : i32 to index
        %get3A_482 = arith.constant 48 : index
        %get3A_483 = tpu.vector_load %arg14[%get3A_480, %get3A_481, %get3A_482] {strides = array<i32>} : memref<7x112x128xf32, #tpu.memory_space<vmem>>, vector<16xf32>,
        %mul3A_484 = vector.broadcast %squeeze3A_454 : f32 to vector<16xf32>
        %mul3A_485 = arith.mulf %mul3A_484, %get3A_483 : vector<16xf32>
        %add3A_486 = arith.addf %add3A_424, %mul3A_485 : vector<16xf32>
        %get3A_487 = arith.index_cast %rem3A_229 : i32 to index
        %get3A_488 = arith.index_cast %add3A_458 : i32 to index
        %get3A_489 = arith.constant 64 : index
        %get3A_490 = tpu.vector_load %arg14[%get3A_487, %get3A_488, %get3A_489] {strides = array<i32>} : memref<7x112x128xf32, #tpu.memory_space<vmem>>, vector<16xf32>,
        %mul3A_491 = vector.broadcast %squeeze3A_454 : f32 to vector<16xf32>
        %mul3A_492 = arith.mulf %mul3A_491, %get3A_490 : vector<16xf32>
        %add3A_493 = arith.addf %add3A_431, %mul3A_492 : vector<16xf32>
        %get3A_494 = arith.index_cast %rem3A_229 : i32 to index
        %get3A_495 = arith.index_cast %add3A_458 : i32 to index
        %get3A_496 = arith.constant 80 : index
        %get3A_497 = tpu.vector_load %arg14[%get3A_494, %get3A_495, %get3A_496] {strides = array<i32>} : memref<7x112x128xf32, #tpu.memory_space<vmem>>, vector<16xf32>,
        %mul3A_498 = vector.broadcast %squeeze3A_454 : f32 to vector<16xf32>
        %mul3A_499 = arith.mulf %mul3A_498, %get3A_497 : vector<16xf32>
        %add3A_500 = arith.addf %add3A_438, %mul3A_499 : vector<16xf32>
        %get3A_501 = arith.index_cast %rem3A_229 : i32 to index
        %get3A_502 = arith.index_cast %add3A_458 : i32 to index
        %get3A_503 = arith.constant 96 : index
        %get3A_504 = tpu.vector_load %arg14[%get3A_501, %get3A_502, %get3A_503] {strides = array<i32>} : memref<7x112x128xf32, #tpu.memory_space<vmem>>, vector<16xf32>,
        %mul3A_505 = vector.broadcast %squeeze3A_454 : f32 to vector<16xf32>
        %mul3A_506 = arith.mulf %mul3A_505, %get3A_504 : vector<16xf32>
        %add3A_507 = arith.addf %add3A_445, %mul3A_506 : vector<16xf32>
        %get3A_508 = arith.index_cast %rem3A_229 : i32 to index
        %get3A_509 = arith.index_cast %add3A_458 : i32 to index
        %get3A_510 = arith.constant 112 : index
        %get3A_511 = tpu.vector_load %arg14[%get3A_508, %get3A_509, %get3A_510] {strides = array<i32>} : memref<7x112x128xf32, #tpu.memory_space<vmem>>, vector<16xf32>,
        %mul3A_512 = vector.broadcast %squeeze3A_454 : f32 to vector<16xf32>
        %mul3A_513 = arith.mulf %mul3A_512, %get3A_511 : vector<16xf32>
        %add3A_514 = arith.addf %add3A_452, %mul3A_513 : vector<16xf32>
        %slice3A_515 = vector.extract_strided_slice %get3A_268 {offsets = [4], sizes = [1], strides = [1]} : vector<16xf32> to vector<1xf32>
        %squeeze3A_516 = vector.extract %slice3A_515[0] : f32 from vector<1xf32>
        %mul3A_517 = arith.constant 16 : i32
        %mul3A_518 = arith.muli %scan3A_253, %mul3A_517 : i32
        %add3A_519 = arith.constant 4 : i32
        %add3A_520 = arith.addi %mul3A_518, %add3A_519 : i32
        %get3A_521 = arith.index_cast %rem3A_229 : i32 to index
        %get3A_522 = arith.index_cast %add3A_520 : i32 to index
        %get3A_523 = arith.constant 0 : index
        %get3A_524 = tpu.vector_load %arg14[%get3A_521, %get3A_522, %get3A_523] {strides = array<i32>} : memref<7x112x128xf32, #tpu.memory_space<vmem>>, vector<16xf32>,
        %mul3A_525 = vector.broadcast %squeeze3A_516 : f32 to vector<16xf32>
        %mul3A_526 = arith.mulf %mul3A_525, %get3A_524 : vector<16xf32>
        %add3A_527 = arith.addf %add3A_465, %mul3A_526 : vector<16xf32>
        %get3A_528 = arith.index_cast %rem3A_229 : i32 to index
        %get3A_529 = arith.index_cast %add3A_520 : i32 to index
        %get3A_530 = arith.constant 16 : index
        %get3A_531 = tpu.vector_load %arg14[%get3A_528, %get3A_529, %get3A_530] {strides = array<i32>} : memref<7x112x128xf32, #tpu.memory_space<vmem>>, vector<16xf32>,
        %mul3A_532 = vector.broadcast %squeeze3A_516 : f32 to vector<16xf32>
        %mul3A_533 = arith.mulf %mul3A_532, %get3A_531 : vector<16xf32>
        %add3A_534 = arith.addf %add3A_472, %mul3A_533 : vector<16xf32>
        %get3A_535 = arith.index_cast %rem3A_229 : i32 to index
        %get3A_536 = arith.index_cast %add3A_520 : i32 to index
        %get3A_537 = arith.constant 32 : index
        %get3A_538 = tpu.vector_load %arg14[%get3A_535, %get3A_536, %get3A_537] {strides = array<i32>} : memref<7x112x128xf32, #tpu.memory_space<vmem>>, vector<16xf32>,
        %mul3A_539 = vector.broadcast %squeeze3A_516 : f32 to vector<16xf32>
        %mul3A_540 = arith.mulf %mul3A_539, %get3A_538 : vector<16xf32>
        %add3A_541 = arith.addf %add3A_479, %mul3A_540 : vector<16xf32>
        %get3A_542 = arith.index_cast %rem3A_229 : i32 to index
        %get3A_543 = arith.index_cast %add3A_520 : i32 to index
        %get3A_544 = arith.constant 48 : index
        %get3A_545 = tpu.vector_load %arg14[%get3A_542, %get3A_543, %get3A_544] {strides = array<i32>} : memref<7x112x128xf32, #tpu.memory_space<vmem>>, vector<16xf32>,
        %mul3A_546 = vector.broadcast %squeeze3A_516 : f32 to vector<16xf32>
        %mul3A_547 = arith.mulf %mul3A_546, %get3A_545 : vector<16xf32>
        %add3A_548 = arith.addf %add3A_486, %mul3A_547 : vector<16xf32>
        %get3A_549 = arith.index_cast %rem3A_229 : i32 to index
        %get3A_550 = arith.index_cast %add3A_520 : i32 to index
        %get3A_551 = arith.constant 64 : index
        %get3A_552 = tpu.vector_load %arg14[%get3A_549, %get3A_550, %get3A_551] {strides = array<i32>} : memref<7x112x128xf32, #tpu.memory_space<vmem>>, vector<16xf32>,
        %mul3A_553 = vector.broadcast %squeeze3A_516 : f32 to vector<16xf32>
        %mul3A_554 = arith.mulf %mul3A_553, %get3A_552 : vector<16xf32>
        %add3A_555 = arith.addf %add3A_493, %mul3A_554 : vector<16xf32>
        %get3A_556 = arith.index_cast %rem3A_229 : i32 to index
        %get3A_557 = arith.index_cast %add3A_520 : i32 to index
        %get3A_558 = arith.constant 80 : index
        %get3A_559 = tpu.vector_load %arg14[%get3A_556, %get3A_557, %get3A_558] {strides = array<i32>} : memref<7x112x128xf32, #tpu.memory_space<vmem>>, vector<16xf32>,
        %mul3A_560 = vector.broadcast %squeeze3A_516 : f32 to vector<16xf32>
        %mul3A_561 = arith.mulf %mul3A_560, %get3A_559 : vector<16xf32>
        %add3A_562 = arith.addf %add3A_500, %mul3A_561 : vector<16xf32>
        %get3A_563 = arith.index_cast %rem3A_229 : i32 to index
        %get3A_564 = arith.index_cast %add3A_520 : i32 to index
        %get3A_565 = arith.constant 96 : index
        %get3A_566 = tpu.vector_load %arg14[%get3A_563, %get3A_564, %get3A_565] {strides = array<i32>} : memref<7x112x128xf32, #tpu.memory_space<vmem>>, vector<16xf32>,
        %mul3A_567 = vector.broadcast %squeeze3A_516 : f32 to vector<16xf32>
        %mul3A_568 = arith.mulf %mul3A_567, %get3A_566 : vector<16xf32>
        %add3A_569 = arith.addf %add3A_507, %mul3A_568 : vector<16xf32>
        %get3A_570 = arith.index_cast %rem3A_229 : i32 to index
        %get3A_571 = arith.index_cast %add3A_520 : i32 to index
        %get3A_572 = arith.constant 112 : index
        %get3A_573 = tpu.vector_load %arg14[%get3A_570, %get3A_571, %get3A_572] {strides = array<i32>} : memref<7x112x128xf32, #tpu.memory_space<vmem>>, vector<16xf32>,
        %mul3A_574 = vector.broadcast %squeeze3A_516 : f32 to vector<16xf32>
        %mul3A_575 = arith.mulf %mul3A_574, %get3A_573 : vector<16xf32>
        %add3A_576 = arith.addf %add3A_514, %mul3A_575 : vector<16xf32>
        %slice3A_577 = vector.extract_strided_slice %get3A_268 {offsets = [5], sizes = [1], strides = [1]} : vector<16xf32> to vector<1xf32>
        %squeeze3A_578 = vector.extract %slice3A_577[0] : f32 from vector<1xf32>
        %mul3A_579 = arith.constant 16 : i32
        %mul3A_580 = arith.muli %scan3A_253, %mul3A_579 : i32
        %add3A_581 = arith.constant 5 : i32
        %add3A_582 = arith.addi %mul3A_580, %add3A_581 : i32
        %get3A_583 = arith.index_cast %rem3A_229 : i32 to index
        %get3A_584 = arith.index_cast %add3A_582 : i32 to index
        %get3A_585 = arith.constant 0 : index
        %get3A_586 = tpu.vector_load %arg14[%get3A_583, %get3A_584, %get3A_585] {strides = array<i32>} : memref<7x112x128xf32, #tpu.memory_space<vmem>>, vector<16xf32>,
        %mul3A_587 = vector.broadcast %squeeze3A_578 : f32 to vector<16xf32>
        %mul3A_588 = arith.mulf %mul3A_587, %get3A_586 : vector<16xf32>
        %add3A_589 = arith.addf %add3A_527, %mul3A_588 : vector<16xf32>
        %get3A_590 = arith.index_cast %rem3A_229 : i32 to index
        %get3A_591 = arith.index_cast %add3A_582 : i32 to index
        %get3A_592 = arith.constant 16 : index
        %get3A_593 = tpu.vector_load %arg14[%get3A_590, %get3A_591, %get3A_592] {strides = array<i32>} : memref<7x112x128xf32, #tpu.memory_space<vmem>>, vector<16xf32>,
        %mul3A_594 = vector.broadcast %squeeze3A_578 : f32 to vector<16xf32>
        %mul3A_595 = arith.mulf %mul3A_594, %get3A_593 : vector<16xf32>
        %add3A_596 = arith.addf %add3A_534, %mul3A_595 : vector<16xf32>
        %get3A_597 = arith.index_cast %rem3A_229 : i32 to index
        %get3A_598 = arith.index_cast %add3A_582 : i32 to index
        %get3A_599 = arith.constant 32 : index
        %get3A_600 = tpu.vector_load %arg14[%get3A_597, %get3A_598, %get3A_599] {strides = array<i32>} : memref<7x112x128xf32, #tpu.memory_space<vmem>>, vector<16xf32>,
        %mul3A_601 = vector.broadcast %squeeze3A_578 : f32 to vector<16xf32>
        %mul3A_602 = arith.mulf %mul3A_601, %get3A_600 : vector<16xf32>
        %add3A_603 = arith.addf %add3A_541, %mul3A_602 : vector<16xf32>
        %get3A_604 = arith.index_cast %rem3A_229 : i32 to index
        %get3A_605 = arith.index_cast %add3A_582 : i32 to index
        %get3A_606 = arith.constant 48 : index
        %get3A_607 = tpu.vector_load %arg14[%get3A_604, %get3A_605, %get3A_606] {strides = array<i32>} : memref<7x112x128xf32, #tpu.memory_space<vmem>>, vector<16xf32>,
        %mul3A_608 = vector.broadcast %squeeze3A_578 : f32 to vector<16xf32>
        %mul3A_609 = arith.mulf %mul3A_608, %get3A_607 : vector<16xf32>
        %add3A_610 = arith.addf %add3A_548, %mul3A_609 : vector<16xf32>
        %get3A_611 = arith.index_cast %rem3A_229 : i32 to index
        %get3A_612 = arith.index_cast %add3A_582 : i32 to index
        %get3A_613 = arith.constant 64 : index
        %get3A_614 = tpu.vector_load %arg14[%get3A_611, %get3A_612, %get3A_613] {strides = array<i32>} : memref<7x112x128xf32, #tpu.memory_space<vmem>>, vector<16xf32>,
        %mul3A_615 = vector.broadcast %squeeze3A_578 : f32 to vector<16xf32>
        %mul3A_616 = arith.mulf %mul3A_615, %get3A_614 : vector<16xf32>
        %add3A_617 = arith.addf %add3A_555, %mul3A_616 : vector<16xf32>
        %get3A_618 = arith.index_cast %rem3A_229 : i32 to index
        %get3A_619 = arith.index_cast %add3A_582 : i32 to index
        %get3A_620 = arith.constant 80 : index
        %get3A_621 = tpu.vector_load %arg14[%get3A_618, %get3A_619, %get3A_620] {strides = array<i32>} : memref<7x112x128xf32, #tpu.memory_space<vmem>>, vector<16xf32>,
        %mul3A_622 = vector.broadcast %squeeze3A_578 : f32 to vector<16xf32>
        %mul3A_623 = arith.mulf %mul3A_622, %get3A_621 : vector<16xf32>
        %add3A_624 = arith.addf %add3A_562, %mul3A_623 : vector<16xf32>
        %get3A_625 = arith.index_cast %rem3A_229 : i32 to index
        %get3A_626 = arith.index_cast %add3A_582 : i32 to index
        %get3A_627 = arith.constant 96 : index
        %get3A_628 = tpu.vector_load %arg14[%get3A_625, %get3A_626, %get3A_627] {strides = array<i32>} : memref<7x112x128xf32, #tpu.memory_space<vmem>>, vector<16xf32>,
        %mul3A_629 = vector.broadcast %squeeze3A_578 : f32 to vector<16xf32>
        %mul3A_630 = arith.mulf %mul3A_629, %get3A_628 : vector<16xf32>
        %add3A_631 = arith.addf %add3A_569, %mul3A_630 : vector<16xf32>
        %get3A_632 = arith.index_cast %rem3A_229 : i32 to index
        %get3A_633 = arith.index_cast %add3A_582 : i32 to index
        %get3A_634 = arith.constant 112 : index
        %get3A_635 = tpu.vector_load %arg14[%get3A_632, %get3A_633, %get3A_634] {strides = array<i32>} : memref<7x112x128xf32, #tpu.memory_space<vmem>>, vector<16xf32>,
        %mul3A_636 = vector.broadcast %squeeze3A_578 : f32 to vector<16xf32>
        %mul3A_637 = arith.mulf %mul3A_636, %get3A_635 : vector<16xf32>
        %add3A_638 = arith.addf %add3A_576, %mul3A_637 : vector<16xf32>
        %slice3A_639 = vector.extract_strided_slice %get3A_268 {offsets = [6], sizes = [1], strides = [1]} : vector<16xf32> to vector<1xf32>
        %squeeze3A_640 = vector.extract %slice3A_639[0] : f32 from vector<1xf32>
        %mul3A_641 = arith.constant 16 : i32
        %mul3A_642 = arith.muli %scan3A_253, %mul3A_641 : i32
        %add3A_643 = arith.constant 6 : i32
        %add3A_644 = arith.addi %mul3A_642, %add3A_643 : i32
        %get3A_645 = arith.index_cast %rem3A_229 : i32 to index
        %get3A_646 = arith.index_cast %add3A_644 : i32 to index
        %get3A_647 = arith.constant 0 : index
        %get3A_648 = tpu.vector_load %arg14[%get3A_645, %get3A_646, %get3A_647] {strides = array<i32>} : memref<7x112x128xf32, #tpu.memory_space<vmem>>, vector<16xf32>,
        %mul3A_649 = vector.broadcast %squeeze3A_640 : f32 to vector<16xf32>
        %mul3A_650 = arith.mulf %mul3A_649, %get3A_648 : vector<16xf32>
        %add3A_651 = arith.addf %add3A_589, %mul3A_650 : vector<16xf32>
        %get3A_652 = arith.index_cast %rem3A_229 : i32 to index
        %get3A_653 = arith.index_cast %add3A_644 : i32 to index
        %get3A_654 = arith.constant 16 : index
        %get3A_655 = tpu.vector_load %arg14[%get3A_652, %get3A_653, %get3A_654] {strides = array<i32>} : memref<7x112x128xf32, #tpu.memory_space<vmem>>, vector<16xf32>,
        %mul3A_656 = vector.broadcast %squeeze3A_640 : f32 to vector<16xf32>
        %mul3A_657 = arith.mulf %mul3A_656, %get3A_655 : vector<16xf32>
        %add3A_658 = arith.addf %add3A_596, %mul3A_657 : vector<16xf32>
        %get3A_659 = arith.index_cast %rem3A_229 : i32 to index
        %get3A_660 = arith.index_cast %add3A_644 : i32 to index
        %get3A_661 = arith.constant 32 : index
        %get3A_662 = tpu.vector_load %arg14[%get3A_659, %get3A_660, %get3A_661] {strides = array<i32>} : memref<7x112x128xf32, #tpu.memory_space<vmem>>, vector<16xf32>,
        %mul3A_663 = vector.broadcast %squeeze3A_640 : f32 to vector<16xf32>
        %mul3A_664 = arith.mulf %mul3A_663, %get3A_662 : vector<16xf32>
        %add3A_665 = arith.addf %add3A_603, %mul3A_664 : vector<16xf32>
        %get3A_666 = arith.index_cast %rem3A_229 : i32 to index
        %get3A_667 = arith.index_cast %add3A_644 : i32 to index
        %get3A_668 = arith.constant 48 : index
        %get3A_669 = tpu.vector_load %arg14[%get3A_666, %get3A_667, %get3A_668] {strides = array<i32>} : memref<7x112x128xf32, #tpu.memory_space<vmem>>, vector<16xf32>,
        %mul3A_670 = vector.broadcast %squeeze3A_640 : f32 to vector<16xf32>
        %mul3A_671 = arith.mulf %mul3A_670, %get3A_669 : vector<16xf32>
        %add3A_672 = arith.addf %add3A_610, %mul3A_671 : vector<16xf32>
        %get3A_673 = arith.index_cast %rem3A_229 : i32 to index
        %get3A_674 = arith.index_cast %add3A_644 : i32 to index
        %get3A_675 = arith.constant 64 : index
        %get3A_676 = tpu.vector_load %arg14[%get3A_673, %get3A_674, %get3A_675] {strides = array<i32>} : memref<7x112x128xf32, #tpu.memory_space<vmem>>, vector<16xf32>,
        %mul3A_677 = vector.broadcast %squeeze3A_640 : f32 to vector<16xf32>
        %mul3A_678 = arith.mulf %mul3A_677, %get3A_676 : vector<16xf32>
        %add3A_679 = arith.addf %add3A_617, %mul3A_678 : vector<16xf32>
        %get3A_680 = arith.index_cast %rem3A_229 : i32 to index
        %get3A_681 = arith.index_cast %add3A_644 : i32 to index
        %get3A_682 = arith.constant 80 : index
        %get3A_683 = tpu.vector_load %arg14[%get3A_680, %get3A_681, %get3A_682] {strides = array<i32>} : memref<7x112x128xf32, #tpu.memory_space<vmem>>, vector<16xf32>,
        %mul3A_684 = vector.broadcast %squeeze3A_640 : f32 to vector<16xf32>
        %mul3A_685 = arith.mulf %mul3A_684, %get3A_683 : vector<16xf32>
        %add3A_686 = arith.addf %add3A_624, %mul3A_685 : vector<16xf32>
        %get3A_687 = arith.index_cast %rem3A_229 : i32 to index
        %get3A_688 = arith.index_cast %add3A_644 : i32 to index
        %get3A_689 = arith.constant 96 : index
        %get3A_690 = tpu.vector_load %arg14[%get3A_687, %get3A_688, %get3A_689] {strides = array<i32>} : memref<7x112x128xf32, #tpu.memory_space<vmem>>, vector<16xf32>,
        %mul3A_691 = vector.broadcast %squeeze3A_640 : f32 to vector<16xf32>
        %mul3A_692 = arith.mulf %mul3A_691, %get3A_690 : vector<16xf32>
        %add3A_693 = arith.addf %add3A_631, %mul3A_692 : vector<16xf32>
        %get3A_694 = arith.index_cast %rem3A_229 : i32 to index
        %get3A_695 = arith.index_cast %add3A_644 : i32 to index
        %get3A_696 = arith.constant 112 : index
        %get3A_697 = tpu.vector_load %arg14[%get3A_694, %get3A_695, %get3A_696] {strides = array<i32>} : memref<7x112x128xf32, #tpu.memory_space<vmem>>, vector<16xf32>,
        %mul3A_698 = vector.broadcast %squeeze3A_640 : f32 to vector<16xf32>
        %mul3A_699 = arith.mulf %mul3A_698, %get3A_697 : vector<16xf32>
        %add3A_700 = arith.addf %add3A_638, %mul3A_699 : vector<16xf32>
        %slice3A_701 = vector.extract_strided_slice %get3A_268 {offsets = [7], sizes = [1], strides = [1]} : vector<16xf32> to vector<1xf32>
        %squeeze3A_702 = vector.extract %slice3A_701[0] : f32 from vector<1xf32>
        %mul3A_703 = arith.constant 16 : i32
        %mul3A_704 = arith.muli %scan3A_253, %mul3A_703 : i32
        %add3A_705 = arith.constant 7 : i32
        %add3A_706 = arith.addi %mul3A_704, %add3A_705 : i32
        %get3A_707 = arith.index_cast %rem3A_229 : i32 to index
        %get3A_708 = arith.index_cast %add3A_706 : i32 to index
        %get3A_709 = arith.constant 0 : index
        %get3A_710 = tpu.vector_load %arg14[%get3A_707, %get3A_708, %get3A_709] {strides = array<i32>} : memref<7x112x128xf32, #tpu.memory_space<vmem>>, vector<16xf32>,
        %mul3A_711 = vector.broadcast %squeeze3A_702 : f32 to vector<16xf32>
        %mul3A_712 = arith.mulf %mul3A_711, %get3A_710 : vector<16xf32>
        %add3A_713 = arith.addf %add3A_651, %mul3A_712 : vector<16xf32>
        %get3A_714 = arith.index_cast %rem3A_229 : i32 to index
        %get3A_715 = arith.index_cast %add3A_706 : i32 to index
        %get3A_716 = arith.constant 16 : index
        %get3A_717 = tpu.vector_load %arg14[%get3A_714, %get3A_715, %get3A_716] {strides = array<i32>} : memref<7x112x128xf32, #tpu.memory_space<vmem>>, vector<16xf32>,
        %mul3A_718 = vector.broadcast %squeeze3A_702 : f32 to vector<16xf32>
        %mul3A_719 = arith.mulf %mul3A_718, %get3A_717 : vector<16xf32>
        %add3A_720 = arith.addf %add3A_658, %mul3A_719 : vector<16xf32>
        %get3A_721 = arith.index_cast %rem3A_229 : i32 to index
        %get3A_722 = arith.index_cast %add3A_706 : i32 to index
        %get3A_723 = arith.constant 32 : index
        %get3A_724 = tpu.vector_load %arg14[%get3A_721, %get3A_722, %get3A_723] {strides = array<i32>} : memref<7x112x128xf32, #tpu.memory_space<vmem>>, vector<16xf32>,
        %mul3A_725 = vector.broadcast %squeeze3A_702 : f32 to vector<16xf32>
        %mul3A_726 = arith.mulf %mul3A_725, %get3A_724 : vector<16xf32>
        %add3A_727 = arith.addf %add3A_665, %mul3A_726 : vector<16xf32>
        %get3A_728 = arith.index_cast %rem3A_229 : i32 to index
        %get3A_729 = arith.index_cast %add3A_706 : i32 to index
        %get3A_730 = arith.constant 48 : index
        %get3A_731 = tpu.vector_load %arg14[%get3A_728, %get3A_729, %get3A_730] {strides = array<i32>} : memref<7x112x128xf32, #tpu.memory_space<vmem>>, vector<16xf32>,
        %mul3A_732 = vector.broadcast %squeeze3A_702 : f32 to vector<16xf32>
        %mul3A_733 = arith.mulf %mul3A_732, %get3A_731 : vector<16xf32>
        %add3A_734 = arith.addf %add3A_672, %mul3A_733 : vector<16xf32>
        %get3A_735 = arith.index_cast %rem3A_229 : i32 to index
        %get3A_736 = arith.index_cast %add3A_706 : i32 to index
        %get3A_737 = arith.constant 64 : index
        %get3A_738 = tpu.vector_load %arg14[%get3A_735, %get3A_736, %get3A_737] {strides = array<i32>} : memref<7x112x128xf32, #tpu.memory_space<vmem>>, vector<16xf32>,
        %mul3A_739 = vector.broadcast %squeeze3A_702 : f32 to vector<16xf32>
        %mul3A_740 = arith.mulf %mul3A_739, %get3A_738 : vector<16xf32>
        %add3A_741 = arith.addf %add3A_679, %mul3A_740 : vector<16xf32>
        %get3A_742 = arith.index_cast %rem3A_229 : i32 to index
        %get3A_743 = arith.index_cast %add3A_706 : i32 to index
        %get3A_744 = arith.constant 80 : index
        %get3A_745 = tpu.vector_load %arg14[%get3A_742, %get3A_743, %get3A_744] {strides = array<i32>} : memref<7x112x128xf32, #tpu.memory_space<vmem>>, vector<16xf32>,
        %mul3A_746 = vector.broadcast %squeeze3A_702 : f32 to vector<16xf32>
        %mul3A_747 = arith.mulf %mul3A_746, %get3A_745 : vector<16xf32>
        %add3A_748 = arith.addf %add3A_686, %mul3A_747 : vector<16xf32>
        %get3A_749 = arith.index_cast %rem3A_229 : i32 to index
        %get3A_750 = arith.index_cast %add3A_706 : i32 to index
        %get3A_751 = arith.constant 96 : index
        %get3A_752 = tpu.vector_load %arg14[%get3A_749, %get3A_750, %get3A_751] {strides = array<i32>} : memref<7x112x128xf32, #tpu.memory_space<vmem>>, vector<16xf32>,
        %mul3A_753 = vector.broadcast %squeeze3A_702 : f32 to vector<16xf32>
        %mul3A_754 = arith.mulf %mul3A_753, %get3A_752 : vector<16xf32>
        %add3A_755 = arith.addf %add3A_693, %mul3A_754 : vector<16xf32>
        %get3A_756 = arith.index_cast %rem3A_229 : i32 to index
        %get3A_757 = arith.index_cast %add3A_706 : i32 to index
        %get3A_758 = arith.constant 112 : index
        %get3A_759 = tpu.vector_load %arg14[%get3A_756, %get3A_757, %get3A_758] {strides = array<i32>} : memref<7x112x128xf32, #tpu.memory_space<vmem>>, vector<16xf32>,
        %mul3A_760 = vector.broadcast %squeeze3A_702 : f32 to vector<16xf32>
        %mul3A_761 = arith.mulf %mul3A_760, %get3A_759 : vector<16xf32>
        %add3A_762 = arith.addf %add3A_700, %mul3A_761 : vector<16xf32>
        %slice3A_763 = vector.extract_strided_slice %get3A_268 {offsets = [8], sizes = [1], strides = [1]} : vector<16xf32> to vector<1xf32>
        %squeeze3A_764 = vector.extract %slice3A_763[0] : f32 from vector<1xf32>
        %mul3A_765 = arith.constant 16 : i32
        %mul3A_766 = arith.muli %scan3A_253, %mul3A_765 : i32
        %add3A_767 = arith.constant 8 : i32
        %add3A_768 = arith.addi %mul3A_766, %add3A_767 : i32
        %get3A_769 = arith.index_cast %rem3A_229 : i32 to index
        %get3A_770 = arith.index_cast %add3A_768 : i32 to index
        %get3A_771 = arith.constant 0 : index
        %get3A_772 = tpu.vector_load %arg14[%get3A_769, %get3A_770, %get3A_771] {strides = array<i32>} : memref<7x112x128xf32, #tpu.memory_space<vmem>>, vector<16xf32>,
        %mul3A_773 = vector.broadcast %squeeze3A_764 : f32 to vector<16xf32>
        %mul3A_774 = arith.mulf %mul3A_773, %get3A_772 : vector<16xf32>
        %add3A_775 = arith.addf %add3A_713, %mul3A_774 : vector<16xf32>
        %get3A_776 = arith.index_cast %rem3A_229 : i32 to index
        %get3A_777 = arith.index_cast %add3A_768 : i32 to index
        %get3A_778 = arith.constant 16 : index
        %get3A_779 = tpu.vector_load %arg14[%get3A_776, %get3A_777, %get3A_778] {strides = array<i32>} : memref<7x112x128xf32, #tpu.memory_space<vmem>>, vector<16xf32>,
        %mul3A_780 = vector.broadcast %squeeze3A_764 : f32 to vector<16xf32>
        %mul3A_781 = arith.mulf %mul3A_780, %get3A_779 : vector<16xf32>
        %add3A_782 = arith.addf %add3A_720, %mul3A_781 : vector<16xf32>
        %get3A_783 = arith.index_cast %rem3A_229 : i32 to index
        %get3A_784 = arith.index_cast %add3A_768 : i32 to index
        %get3A_785 = arith.constant 32 : index
        %get3A_786 = tpu.vector_load %arg14[%get3A_783, %get3A_784, %get3A_785] {strides = array<i32>} : memref<7x112x128xf32, #tpu.memory_space<vmem>>, vector<16xf32>,
        %mul3A_787 = vector.broadcast %squeeze3A_764 : f32 to vector<16xf32>
        %mul3A_788 = arith.mulf %mul3A_787, %get3A_786 : vector<16xf32>
        %add3A_789 = arith.addf %add3A_727, %mul3A_788 : vector<16xf32>
        %get3A_790 = arith.index_cast %rem3A_229 : i32 to index
        %get3A_791 = arith.index_cast %add3A_768 : i32 to index
        %get3A_792 = arith.constant 48 : index
        %get3A_793 = tpu.vector_load %arg14[%get3A_790, %get3A_791, %get3A_792] {strides = array<i32>} : memref<7x112x128xf32, #tpu.memory_space<vmem>>, vector<16xf32>,
        %mul3A_794 = vector.broadcast %squeeze3A_764 : f32 to vector<16xf32>
        %mul3A_795 = arith.mulf %mul3A_794, %get3A_793 : vector<16xf32>
        %add3A_796 = arith.addf %add3A_734, %mul3A_795 : vector<16xf32>
        %get3A_797 = arith.index_cast %rem3A_229 : i32 to index
        %get3A_798 = arith.index_cast %add3A_768 : i32 to index
        %get3A_799 = arith.constant 64 : index
        %get3A_800 = tpu.vector_load %arg14[%get3A_797, %get3A_798, %get3A_799] {strides = array<i32>} : memref<7x112x128xf32, #tpu.memory_space<vmem>>, vector<16xf32>,
        %mul3A_801 = vector.broadcast %squeeze3A_764 : f32 to vector<16xf32>
        %mul3A_802 = arith.mulf %mul3A_801, %get3A_800 : vector<16xf32>
        %add3A_803 = arith.addf %add3A_741, %mul3A_802 : vector<16xf32>
        %get3A_804 = arith.index_cast %rem3A_229 : i32 to index
        %get3A_805 = arith.index_cast %add3A_768 : i32 to index
        %get3A_806 = arith.constant 80 : index
        %get3A_807 = tpu.vector_load %arg14[%get3A_804, %get3A_805, %get3A_806] {strides = array<i32>} : memref<7x112x128xf32, #tpu.memory_space<vmem>>, vector<16xf32>,
        %mul3A_808 = vector.broadcast %squeeze3A_764 : f32 to vector<16xf32>
        %mul3A_809 = arith.mulf %mul3A_808, %get3A_807 : vector<16xf32>
        %add3A_810 = arith.addf %add3A_748, %mul3A_809 : vector<16xf32>
        %get3A_811 = arith.index_cast %rem3A_229 : i32 to index
        %get3A_812 = arith.index_cast %add3A_768 : i32 to index
        %get3A_813 = arith.constant 96 : index
        %get3A_814 = tpu.vector_load %arg14[%get3A_811, %get3A_812, %get3A_813] {strides = array<i32>} : memref<7x112x128xf32, #tpu.memory_space<vmem>>, vector<16xf32>,
        %mul3A_815 = vector.broadcast %squeeze3A_764 : f32 to vector<16xf32>
        %mul3A_816 = arith.mulf %mul3A_815, %get3A_814 : vector<16xf32>
        %add3A_817 = arith.addf %add3A_755, %mul3A_816 : vector<16xf32>
        %get3A_818 = arith.index_cast %rem3A_229 : i32 to index
        %get3A_819 = arith.index_cast %add3A_768 : i32 to index
        %get3A_820 = arith.constant 112 : index
        %get3A_821 = tpu.vector_load %arg14[%get3A_818, %get3A_819, %get3A_820] {strides = array<i32>} : memref<7x112x128xf32, #tpu.memory_space<vmem>>, vector<16xf32>,
        %mul3A_822 = vector.broadcast %squeeze3A_764 : f32 to vector<16xf32>
        %mul3A_823 = arith.mulf %mul3A_822, %get3A_821 : vector<16xf32>
        %add3A_824 = arith.addf %add3A_762, %mul3A_823 : vector<16xf32>
        %slice3A_825 = vector.extract_strided_slice %get3A_268 {offsets = [9], sizes = [1], strides = [1]} : vector<16xf32> to vector<1xf32>
        %squeeze3A_826 = vector.extract %slice3A_825[0] : f32 from vector<1xf32>
        %mul3A_827 = arith.constant 16 : i32
        %mul3A_828 = arith.muli %scan3A_253, %mul3A_827 : i32
        %add3A_829 = arith.constant 9 : i32
        %add3A_830 = arith.addi %mul3A_828, %add3A_829 : i32
        %get3A_831 = arith.index_cast %rem3A_229 : i32 to index
        %get3A_832 = arith.index_cast %add3A_830 : i32 to index
        %get3A_833 = arith.constant 0 : index
        %get3A_834 = tpu.vector_load %arg14[%get3A_831, %get3A_832, %get3A_833] {strides = array<i32>} : memref<7x112x128xf32, #tpu.memory_space<vmem>>, vector<16xf32>,
        %mul3A_835 = vector.broadcast %squeeze3A_826 : f32 to vector<16xf32>
        %mul3A_836 = arith.mulf %mul3A_835, %get3A_834 : vector<16xf32>
        %add3A_837 = arith.addf %add3A_775, %mul3A_836 : vector<16xf32>
        %get3A_838 = arith.index_cast %rem3A_229 : i32 to index
        %get3A_839 = arith.index_cast %add3A_830 : i32 to index
        %get3A_840 = arith.constant 16 : index
        %get3A_841 = tpu.vector_load %arg14[%get3A_838, %get3A_839, %get3A_840] {strides = array<i32>} : memref<7x112x128xf32, #tpu.memory_space<vmem>>, vector<16xf32>,
        %mul3A_842 = vector.broadcast %squeeze3A_826 : f32 to vector<16xf32>
        %mul3A_843 = arith.mulf %mul3A_842, %get3A_841 : vector<16xf32>
        %add3A_844 = arith.addf %add3A_782, %mul3A_843 : vector<16xf32>
        %get3A_845 = arith.index_cast %rem3A_229 : i32 to index
        %get3A_846 = arith.index_cast %add3A_830 : i32 to index
        %get3A_847 = arith.constant 32 : index
        %get3A_848 = tpu.vector_load %arg14[%get3A_845, %get3A_846, %get3A_847] {strides = array<i32>} : memref<7x112x128xf32, #tpu.memory_space<vmem>>, vector<16xf32>,
        %mul3A_849 = vector.broadcast %squeeze3A_826 : f32 to vector<16xf32>
        %mul3A_850 = arith.mulf %mul3A_849, %get3A_848 : vector<16xf32>
        %add3A_851 = arith.addf %add3A_789, %mul3A_850 : vector<16xf32>
        %get3A_852 = arith.index_cast %rem3A_229 : i32 to index
        %get3A_853 = arith.index_cast %add3A_830 : i32 to index
        %get3A_854 = arith.constant 48 : index
        %get3A_855 = tpu.vector_load %arg14[%get3A_852, %get3A_853, %get3A_854] {strides = array<i32>} : memref<7x112x128xf32, #tpu.memory_space<vmem>>, vector<16xf32>,
        %mul3A_856 = vector.broadcast %squeeze3A_826 : f32 to vector<16xf32>
        %mul3A_857 = arith.mulf %mul3A_856, %get3A_855 : vector<16xf32>
        %add3A_858 = arith.addf %add3A_796, %mul3A_857 : vector<16xf32>
        %get3A_859 = arith.index_cast %rem3A_229 : i32 to index
        %get3A_860 = arith.index_cast %add3A_830 : i32 to index
        %get3A_861 = arith.constant 64 : index
        %get3A_862 = tpu.vector_load %arg14[%get3A_859, %get3A_860, %get3A_861] {strides = array<i32>} : memref<7x112x128xf32, #tpu.memory_space<vmem>>, vector<16xf32>,
        %mul3A_863 = vector.broadcast %squeeze3A_826 : f32 to vector<16xf32>
        %mul3A_864 = arith.mulf %mul3A_863, %get3A_862 : vector<16xf32>
        %add3A_865 = arith.addf %add3A_803, %mul3A_864 : vector<16xf32>
        %get3A_866 = arith.index_cast %rem3A_229 : i32 to index
        %get3A_867 = arith.index_cast %add3A_830 : i32 to index
        %get3A_868 = arith.constant 80 : index
        %get3A_869 = tpu.vector_load %arg14[%get3A_866, %get3A_867, %get3A_868] {strides = array<i32>} : memref<7x112x128xf32, #tpu.memory_space<vmem>>, vector<16xf32>,
        %mul3A_870 = vector.broadcast %squeeze3A_826 : f32 to vector<16xf32>
        %mul3A_871 = arith.mulf %mul3A_870, %get3A_869 : vector<16xf32>
        %add3A_872 = arith.addf %add3A_810, %mul3A_871 : vector<16xf32>
        %get3A_873 = arith.index_cast %rem3A_229 : i32 to index
        %get3A_874 = arith.index_cast %add3A_830 : i32 to index
        %get3A_875 = arith.constant 96 : index
        %get3A_876 = tpu.vector_load %arg14[%get3A_873, %get3A_874, %get3A_875] {strides = array<i32>} : memref<7x112x128xf32, #tpu.memory_space<vmem>>, vector<16xf32>,
        %mul3A_877 = vector.broadcast %squeeze3A_826 : f32 to vector<16xf32>
        %mul3A_878 = arith.mulf %mul3A_877, %get3A_876 : vector<16xf32>
        %add3A_879 = arith.addf %add3A_817, %mul3A_878 : vector<16xf32>
        %get3A_880 = arith.index_cast %rem3A_229 : i32 to index
        %get3A_881 = arith.index_cast %add3A_830 : i32 to index
        %get3A_882 = arith.constant 112 : index
        %get3A_883 = tpu.vector_load %arg14[%get3A_880, %get3A_881, %get3A_882] {strides = array<i32>} : memref<7x112x128xf32, #tpu.memory_space<vmem>>, vector<16xf32>,
        %mul3A_884 = vector.broadcast %squeeze3A_826 : f32 to vector<16xf32>
        %mul3A_885 = arith.mulf %mul3A_884, %get3A_883 : vector<16xf32>
        %add3A_886 = arith.addf %add3A_824, %mul3A_885 : vector<16xf32>
        %slice3A_887 = vector.extract_strided_slice %get3A_268 {offsets = [10], sizes = [1], strides = [1]} : vector<16xf32> to vector<1xf32>
        %squeeze3A_888 = vector.extract %slice3A_887[0] : f32 from vector<1xf32>
        %mul3A_889 = arith.constant 16 : i32
        %mul3A_890 = arith.muli %scan3A_253, %mul3A_889 : i32
        %add3A_891 = arith.constant 10 : i32
        %add3A_892 = arith.addi %mul3A_890, %add3A_891 : i32
        %get3A_893 = arith.index_cast %rem3A_229 : i32 to index
        %get3A_894 = arith.index_cast %add3A_892 : i32 to index
        %get3A_895 = arith.constant 0 : index
        %get3A_896 = tpu.vector_load %arg14[%get3A_893, %get3A_894, %get3A_895] {strides = array<i32>} : memref<7x112x128xf32, #tpu.memory_space<vmem>>, vector<16xf32>,
        %mul3A_897 = vector.broadcast %squeeze3A_888 : f32 to vector<16xf32>
        %mul3A_898 = arith.mulf %mul3A_897, %get3A_896 : vector<16xf32>
        %add3A_899 = arith.addf %add3A_837, %mul3A_898 : vector<16xf32>
        %get3A_900 = arith.index_cast %rem3A_229 : i32 to index
        %get3A_901 = arith.index_cast %add3A_892 : i32 to index
        %get3A_902 = arith.constant 16 : index
        %get3A_903 = tpu.vector_load %arg14[%get3A_900, %get3A_901, %get3A_902] {strides = array<i32>} : memref<7x112x128xf32, #tpu.memory_space<vmem>>, vector<16xf32>,
        %mul3A_904 = vector.broadcast %squeeze3A_888 : f32 to vector<16xf32>
        %mul3A_905 = arith.mulf %mul3A_904, %get3A_903 : vector<16xf32>
        %add3A_906 = arith.addf %add3A_844, %mul3A_905 : vector<16xf32>
        %get3A_907 = arith.index_cast %rem3A_229 : i32 to index
        %get3A_908 = arith.index_cast %add3A_892 : i32 to index
        %get3A_909 = arith.constant 32 : index
        %get3A_910 = tpu.vector_load %arg14[%get3A_907, %get3A_908, %get3A_909] {strides = array<i32>} : memref<7x112x128xf32, #tpu.memory_space<vmem>>, vector<16xf32>,
        %mul3A_911 = vector.broadcast %squeeze3A_888 : f32 to vector<16xf32>
        %mul3A_912 = arith.mulf %mul3A_911, %get3A_910 : vector<16xf32>
        %add3A_913 = arith.addf %add3A_851, %mul3A_912 : vector<16xf32>
        %get3A_914 = arith.index_cast %rem3A_229 : i32 to index
        %get3A_915 = arith.index_cast %add3A_892 : i32 to index
        %get3A_916 = arith.constant 48 : index
        %get3A_917 = tpu.vector_load %arg14[%get3A_914, %get3A_915, %get3A_916] {strides = array<i32>} : memref<7x112x128xf32, #tpu.memory_space<vmem>>, vector<16xf32>,
        %mul3A_918 = vector.broadcast %squeeze3A_888 : f32 to vector<16xf32>
        %mul3A_919 = arith.mulf %mul3A_918, %get3A_917 : vector<16xf32>
        %add3A_920 = arith.addf %add3A_858, %mul3A_919 : vector<16xf32>
        %get3A_921 = arith.index_cast %rem3A_229 : i32 to index
        %get3A_922 = arith.index_cast %add3A_892 : i32 to index
        %get3A_923 = arith.constant 64 : index
        %get3A_924 = tpu.vector_load %arg14[%get3A_921, %get3A_922, %get3A_923] {strides = array<i32>} : memref<7x112x128xf32, #tpu.memory_space<vmem>>, vector<16xf32>,
        %mul3A_925 = vector.broadcast %squeeze3A_888 : f32 to vector<16xf32>
        %mul3A_926 = arith.mulf %mul3A_925, %get3A_924 : vector<16xf32>
        %add3A_927 = arith.addf %add3A_865, %mul3A_926 : vector<16xf32>
        %get3A_928 = arith.index_cast %rem3A_229 : i32 to index
        %get3A_929 = arith.index_cast %add3A_892 : i32 to index
        %get3A_930 = arith.constant 80 : index
        %get3A_931 = tpu.vector_load %arg14[%get3A_928, %get3A_929, %get3A_930] {strides = array<i32>} : memref<7x112x128xf32, #tpu.memory_space<vmem>>, vector<16xf32>,
        %mul3A_932 = vector.broadcast %squeeze3A_888 : f32 to vector<16xf32>
        %mul3A_933 = arith.mulf %mul3A_932, %get3A_931 : vector<16xf32>
        %add3A_934 = arith.addf %add3A_872, %mul3A_933 : vector<16xf32>
        %get3A_935 = arith.index_cast %rem3A_229 : i32 to index
        %get3A_936 = arith.index_cast %add3A_892 : i32 to index
        %get3A_937 = arith.constant 96 : index
        %get3A_938 = tpu.vector_load %arg14[%get3A_935, %get3A_936, %get3A_937] {strides = array<i32>} : memref<7x112x128xf32, #tpu.memory_space<vmem>>, vector<16xf32>,
        %mul3A_939 = vector.broadcast %squeeze3A_888 : f32 to vector<16xf32>
        %mul3A_940 = arith.mulf %mul3A_939, %get3A_938 : vector<16xf32>
        %add3A_941 = arith.addf %add3A_879, %mul3A_940 : vector<16xf32>
        %get3A_942 = arith.index_cast %rem3A_229 : i32 to index
        %get3A_943 = arith.index_cast %add3A_892 : i32 to index
        %get3A_944 = arith.constant 112 : index
        %get3A_945 = tpu.vector_load %arg14[%get3A_942, %get3A_943, %get3A_944] {strides = array<i32>} : memref<7x112x128xf32, #tpu.memory_space<vmem>>, vector<16xf32>,
        %mul3A_946 = vector.broadcast %squeeze3A_888 : f32 to vector<16xf32>
        %mul3A_947 = arith.mulf %mul3A_946, %get3A_945 : vector<16xf32>
        %add3A_948 = arith.addf %add3A_886, %mul3A_947 : vector<16xf32>
        %slice3A_949 = vector.extract_strided_slice %get3A_268 {offsets = [11], sizes = [1], strides = [1]} : vector<16xf32> to vector<1xf32>
        %squeeze3A_950 = vector.extract %slice3A_949[0] : f32 from vector<1xf32>
        %mul3A_951 = arith.constant 16 : i32
        %mul3A_952 = arith.muli %scan3A_253, %mul3A_951 : i32
        %add3A_953 = arith.constant 11 : i32
        %add3A_954 = arith.addi %mul3A_952, %add3A_953 : i32
        %get3A_955 = arith.index_cast %rem3A_229 : i32 to index
        %get3A_956 = arith.index_cast %add3A_954 : i32 to index
        %get3A_957 = arith.constant 0 : index
        %get3A_958 = tpu.vector_load %arg14[%get3A_955, %get3A_956, %get3A_957] {strides = array<i32>} : memref<7x112x128xf32, #tpu.memory_space<vmem>>, vector<16xf32>,
        %mul3A_959 = vector.broadcast %squeeze3A_950 : f32 to vector<16xf32>
        %mul3A_960 = arith.mulf %mul3A_959, %get3A_958 : vector<16xf32>
        %add3A_961 = arith.addf %add3A_899, %mul3A_960 : vector<16xf32>
        %get3A_962 = arith.index_cast %rem3A_229 : i32 to index
        %get3A_963 = arith.index_cast %add3A_954 : i32 to index
        %get3A_964 = arith.constant 16 : index
        %get3A_965 = tpu.vector_load %arg14[%get3A_962, %get3A_963, %get3A_964] {strides = array<i32>} : memref<7x112x128xf32, #tpu.memory_space<vmem>>, vector<16xf32>,
        %mul3A_966 = vector.broadcast %squeeze3A_950 : f32 to vector<16xf32>
        %mul3A_967 = arith.mulf %mul3A_966, %get3A_965 : vector<16xf32>
        %add3A_968 = arith.addf %add3A_906, %mul3A_967 : vector<16xf32>
        %get3A_969 = arith.index_cast %rem3A_229 : i32 to index
        %get3A_970 = arith.index_cast %add3A_954 : i32 to index
        %get3A_971 = arith.constant 32 : index
        %get3A_972 = tpu.vector_load %arg14[%get3A_969, %get3A_970, %get3A_971] {strides = array<i32>} : memref<7x112x128xf32, #tpu.memory_space<vmem>>, vector<16xf32>,
        %mul3A_973 = vector.broadcast %squeeze3A_950 : f32 to vector<16xf32>
        %mul3A_974 = arith.mulf %mul3A_973, %get3A_972 : vector<16xf32>
        %add3A_975 = arith.addf %add3A_913, %mul3A_974 : vector<16xf32>
        %get3A_976 = arith.index_cast %rem3A_229 : i32 to index
        %get3A_977 = arith.index_cast %add3A_954 : i32 to index
        %get3A_978 = arith.constant 48 : index
        %get3A_979 = tpu.vector_load %arg14[%get3A_976, %get3A_977, %get3A_978] {strides = array<i32>} : memref<7x112x128xf32, #tpu.memory_space<vmem>>, vector<16xf32>,
        %mul3A_980 = vector.broadcast %squeeze3A_950 : f32 to vector<16xf32>
        %mul3A_981 = arith.mulf %mul3A_980, %get3A_979 : vector<16xf32>
        %add3A_982 = arith.addf %add3A_920, %mul3A_981 : vector<16xf32>
        %get3A_983 = arith.index_cast %rem3A_229 : i32 to index
        %get3A_984 = arith.index_cast %add3A_954 : i32 to index
        %get3A_985 = arith.constant 64 : index
        %get3A_986 = tpu.vector_load %arg14[%get3A_983, %get3A_984, %get3A_985] {strides = array<i32>} : memref<7x112x128xf32, #tpu.memory_space<vmem>>, vector<16xf32>,
        %mul3A_987 = vector.broadcast %squeeze3A_950 : f32 to vector<16xf32>
        %mul3A_988 = arith.mulf %mul3A_987, %get3A_986 : vector<16xf32>
        %add3A_989 = arith.addf %add3A_927, %mul3A_988 : vector<16xf32>
        %get3A_990 = arith.index_cast %rem3A_229 : i32 to index
        %get3A_991 = arith.index_cast %add3A_954 : i32 to index
        %get3A_992 = arith.constant 80 : index
        %get3A_993 = tpu.vector_load %arg14[%get3A_990, %get3A_991, %get3A_992] {strides = array<i32>} : memref<7x112x128xf32, #tpu.memory_space<vmem>>, vector<16xf32>,
        %mul3A_994 = vector.broadcast %squeeze3A_950 : f32 to vector<16xf32>
        %mul3A_995 = arith.mulf %mul3A_994, %get3A_993 : vector<16xf32>
        %add3A_996 = arith.addf %add3A_934, %mul3A_995 : vector<16xf32>
        %get3A_997 = arith.index_cast %rem3A_229 : i32 to index
        %get3A_998 = arith.index_cast %add3A_954 : i32 to index
        %get3A_999 = arith.constant 96 : index
        %get3A_1000 = tpu.vector_load %arg14[%get3A_997, %get3A_998, %get3A_999] {strides = array<i32>} : memref<7x112x128xf32, #tpu.memory_space<vmem>>, vector<16xf32>,
        %mul3A_1001 = vector.broadcast %squeeze3A_950 : f32 to vector<16xf32>
        %mul3A_1002 = arith.mulf %mul3A_1001, %get3A_1000 : vector<16xf32>
        %add3A_1003 = arith.addf %add3A_941, %mul3A_1002 : vector<16xf32>
        %get3A_1004 = arith.index_cast %rem3A_229 : i32 to index
        %get3A_1005 = arith.index_cast %add3A_954 : i32 to index
        %get3A_1006 = arith.constant 112 : index
        %get3A_1007 = tpu.vector_load %arg14[%get3A_1004, %get3A_1005, %get3A_1006] {strides = array<i32>} : memref<7x112x128xf32, #tpu.memory_space<vmem>>, vector<16xf32>,
        %mul3A_1008 = vector.broadcast %squeeze3A_950 : f32 to vector<16xf32>
        %mul3A_1009 = arith.mulf %mul3A_1008, %get3A_1007 : vector<16xf32>
        %add3A_1010 = arith.addf %add3A_948, %mul3A_1009 : vector<16xf32>
        %slice3A_1011 = vector.extract_strided_slice %get3A_268 {offsets = [12], sizes = [1], strides = [1]} : vector<16xf32> to vector<1xf32>
        %squeeze3A_1012 = vector.extract %slice3A_1011[0] : f32 from vector<1xf32>
        %mul3A_1013 = arith.constant 16 : i32
        %mul3A_1014 = arith.muli %scan3A_253, %mul3A_1013 : i32
        %add3A_1015 = arith.constant 12 : i32
        %add3A_1016 = arith.addi %mul3A_1014, %add3A_1015 : i32
        %get3A_1017 = arith.index_cast %rem3A_229 : i32 to index
        %get3A_1018 = arith.index_cast %add3A_1016 : i32 to index
        %get3A_1019 = arith.constant 0 : index
        %get3A_1020 = tpu.vector_load %arg14[%get3A_1017, %get3A_1018, %get3A_1019] {strides = array<i32>} : memref<7x112x128xf32, #tpu.memory_space<vmem>>, vector<16xf32>,
        %mul3A_1021 = vector.broadcast %squeeze3A_1012 : f32 to vector<16xf32>
        %mul3A_1022 = arith.mulf %mul3A_1021, %get3A_1020 : vector<16xf32>
        %add3A_1023 = arith.addf %add3A_961, %mul3A_1022 : vector<16xf32>
        %get3A_1024 = arith.index_cast %rem3A_229 : i32 to index
        %get3A_1025 = arith.index_cast %add3A_1016 : i32 to index
        %get3A_1026 = arith.constant 16 : index
        %get3A_1027 = tpu.vector_load %arg14[%get3A_1024, %get3A_1025, %get3A_1026] {strides = array<i32>} : memref<7x112x128xf32, #tpu.memory_space<vmem>>, vector<16xf32>,
        %mul3A_1028 = vector.broadcast %squeeze3A_1012 : f32 to vector<16xf32>
        %mul3A_1029 = arith.mulf %mul3A_1028, %get3A_1027 : vector<16xf32>
        %add3A_1030 = arith.addf %add3A_968, %mul3A_1029 : vector<16xf32>
        %get3A_1031 = arith.index_cast %rem3A_229 : i32 to index
        %get3A_1032 = arith.index_cast %add3A_1016 : i32 to index
        %get3A_1033 = arith.constant 32 : index
        %get3A_1034 = tpu.vector_load %arg14[%get3A_1031, %get3A_1032, %get3A_1033] {strides = array<i32>} : memref<7x112x128xf32, #tpu.memory_space<vmem>>, vector<16xf32>,
        %mul3A_1035 = vector.broadcast %squeeze3A_1012 : f32 to vector<16xf32>
        %mul3A_1036 = arith.mulf %mul3A_1035, %get3A_1034 : vector<16xf32>
        %add3A_1037 = arith.addf %add3A_975, %mul3A_1036 : vector<16xf32>
        %get3A_1038 = arith.index_cast %rem3A_229 : i32 to index
        %get3A_1039 = arith.index_cast %add3A_1016 : i32 to index
        %get3A_1040 = arith.constant 48 : index
        %get3A_1041 = tpu.vector_load %arg14[%get3A_1038, %get3A_1039, %get3A_1040] {strides = array<i32>} : memref<7x112x128xf32, #tpu.memory_space<vmem>>, vector<16xf32>,
        %mul3A_1042 = vector.broadcast %squeeze3A_1012 : f32 to vector<16xf32>
        %mul3A_1043 = arith.mulf %mul3A_1042, %get3A_1041 : vector<16xf32>
        %add3A_1044 = arith.addf %add3A_982, %mul3A_1043 : vector<16xf32>
        %get3A_1045 = arith.index_cast %rem3A_229 : i32 to index
        %get3A_1046 = arith.index_cast %add3A_1016 : i32 to index
        %get3A_1047 = arith.constant 64 : index
        %get3A_1048 = tpu.vector_load %arg14[%get3A_1045, %get3A_1046, %get3A_1047] {strides = array<i32>} : memref<7x112x128xf32, #tpu.memory_space<vmem>>, vector<16xf32>,
        %mul3A_1049 = vector.broadcast %squeeze3A_1012 : f32 to vector<16xf32>
        %mul3A_1050 = arith.mulf %mul3A_1049, %get3A_1048 : vector<16xf32>
        %add3A_1051 = arith.addf %add3A_989, %mul3A_1050 : vector<16xf32>
        %get3A_1052 = arith.index_cast %rem3A_229 : i32 to index
        %get3A_1053 = arith.index_cast %add3A_1016 : i32 to index
        %get3A_1054 = arith.constant 80 : index
        %get3A_1055 = tpu.vector_load %arg14[%get3A_1052, %get3A_1053, %get3A_1054] {strides = array<i32>} : memref<7x112x128xf32, #tpu.memory_space<vmem>>, vector<16xf32>,
        %mul3A_1056 = vector.broadcast %squeeze3A_1012 : f32 to vector<16xf32>
        %mul3A_1057 = arith.mulf %mul3A_1056, %get3A_1055 : vector<16xf32>
        %add3A_1058 = arith.addf %add3A_996, %mul3A_1057 : vector<16xf32>
        %get3A_1059 = arith.index_cast %rem3A_229 : i32 to index
        %get3A_1060 = arith.index_cast %add3A_1016 : i32 to index
        %get3A_1061 = arith.constant 96 : index
        %get3A_1062 = tpu.vector_load %arg14[%get3A_1059, %get3A_1060, %get3A_1061] {strides = array<i32>} : memref<7x112x128xf32, #tpu.memory_space<vmem>>, vector<16xf32>,
        %mul3A_1063 = vector.broadcast %squeeze3A_1012 : f32 to vector<16xf32>
        %mul3A_1064 = arith.mulf %mul3A_1063, %get3A_1062 : vector<16xf32>
        %add3A_1065 = arith.addf %add3A_1003, %mul3A_1064 : vector<16xf32>
        %get3A_1066 = arith.index_cast %rem3A_229 : i32 to index
        %get3A_1067 = arith.index_cast %add3A_1016 : i32 to index
        %get3A_1068 = arith.constant 112 : index
        %get3A_1069 = tpu.vector_load %arg14[%get3A_1066, %get3A_1067, %get3A_1068] {strides = array<i32>} : memref<7x112x128xf32, #tpu.memory_space<vmem>>, vector<16xf32>,
        %mul3A_1070 = vector.broadcast %squeeze3A_1012 : f32 to vector<16xf32>
        %mul3A_1071 = arith.mulf %mul3A_1070, %get3A_1069 : vector<16xf32>
        %add3A_1072 = arith.addf %add3A_1010, %mul3A_1071 : vector<16xf32>
        %slice3A_1073 = vector.extract_strided_slice %get3A_268 {offsets = [13], sizes = [1], strides = [1]} : vector<16xf32> to vector<1xf32>
        %squeeze3A_1074 = vector.extract %slice3A_1073[0] : f32 from vector<1xf32>
        %mul3A_1075 = arith.constant 16 : i32
        %mul3A_1076 = arith.muli %scan3A_253, %mul3A_1075 : i32
        %add3A_1077 = arith.constant 13 : i32
        %add3A_1078 = arith.addi %mul3A_1076, %add3A_1077 : i32
        %get3A_1079 = arith.index_cast %rem3A_229 : i32 to index
        %get3A_1080 = arith.index_cast %add3A_1078 : i32 to index
        %get3A_1081 = arith.constant 0 : index
        %get3A_1082 = tpu.vector_load %arg14[%get3A_1079, %get3A_1080, %get3A_1081] {strides = array<i32>} : memref<7x112x128xf32, #tpu.memory_space<vmem>>, vector<16xf32>,
        %mul3A_1083 = vector.broadcast %squeeze3A_1074 : f32 to vector<16xf32>
        %mul3A_1084 = arith.mulf %mul3A_1083, %get3A_1082 : vector<16xf32>
        %add3A_1085 = arith.addf %add3A_1023, %mul3A_1084 : vector<16xf32>
        %get3A_1086 = arith.index_cast %rem3A_229 : i32 to index
        %get3A_1087 = arith.index_cast %add3A_1078 : i32 to index
        %get3A_1088 = arith.constant 16 : index
        %get3A_1089 = tpu.vector_load %arg14[%get3A_1086, %get3A_1087, %get3A_1088] {strides = array<i32>} : memref<7x112x128xf32, #tpu.memory_space<vmem>>, vector<16xf32>,
        %mul3A_1090 = vector.broadcast %squeeze3A_1074 : f32 to vector<16xf32>
        %mul3A_1091 = arith.mulf %mul3A_1090, %get3A_1089 : vector<16xf32>
        %add3A_1092 = arith.addf %add3A_1030, %mul3A_1091 : vector<16xf32>
        %get3A_1093 = arith.index_cast %rem3A_229 : i32 to index
        %get3A_1094 = arith.index_cast %add3A_1078 : i32 to index
        %get3A_1095 = arith.constant 32 : index
        %get3A_1096 = tpu.vector_load %arg14[%get3A_1093, %get3A_1094, %get3A_1095] {strides = array<i32>} : memref<7x112x128xf32, #tpu.memory_space<vmem>>, vector<16xf32>,
        %mul3A_1097 = vector.broadcast %squeeze3A_1074 : f32 to vector<16xf32>
        %mul3A_1098 = arith.mulf %mul3A_1097, %get3A_1096 : vector<16xf32>
        %add3A_1099 = arith.addf %add3A_1037, %mul3A_1098 : vector<16xf32>
        %get3A_1100 = arith.index_cast %rem3A_229 : i32 to index
        %get3A_1101 = arith.index_cast %add3A_1078 : i32 to index
        %get3A_1102 = arith.constant 48 : index
        %get3A_1103 = tpu.vector_load %arg14[%get3A_1100, %get3A_1101, %get3A_1102] {strides = array<i32>} : memref<7x112x128xf32, #tpu.memory_space<vmem>>, vector<16xf32>,
        %mul3A_1104 = vector.broadcast %squeeze3A_1074 : f32 to vector<16xf32>
        %mul3A_1105 = arith.mulf %mul3A_1104, %get3A_1103 : vector<16xf32>
        %add3A_1106 = arith.addf %add3A_1044, %mul3A_1105 : vector<16xf32>
        %get3A_1107 = arith.index_cast %rem3A_229 : i32 to index
        %get3A_1108 = arith.index_cast %add3A_1078 : i32 to index
        %get3A_1109 = arith.constant 64 : index
        %get3A_1110 = tpu.vector_load %arg14[%get3A_1107, %get3A_1108, %get3A_1109] {strides = array<i32>} : memref<7x112x128xf32, #tpu.memory_space<vmem>>, vector<16xf32>,
        %mul3A_1111 = vector.broadcast %squeeze3A_1074 : f32 to vector<16xf32>
        %mul3A_1112 = arith.mulf %mul3A_1111, %get3A_1110 : vector<16xf32>
        %add3A_1113 = arith.addf %add3A_1051, %mul3A_1112 : vector<16xf32>
        %get3A_1114 = arith.index_cast %rem3A_229 : i32 to index
        %get3A_1115 = arith.index_cast %add3A_1078 : i32 to index
        %get3A_1116 = arith.constant 80 : index
        %get3A_1117 = tpu.vector_load %arg14[%get3A_1114, %get3A_1115, %get3A_1116] {strides = array<i32>} : memref<7x112x128xf32, #tpu.memory_space<vmem>>, vector<16xf32>,
        %mul3A_1118 = vector.broadcast %squeeze3A_1074 : f32 to vector<16xf32>
        %mul3A_1119 = arith.mulf %mul3A_1118, %get3A_1117 : vector<16xf32>
        %add3A_1120 = arith.addf %add3A_1058, %mul3A_1119 : vector<16xf32>
        %get3A_1121 = arith.index_cast %rem3A_229 : i32 to index
        %get3A_1122 = arith.index_cast %add3A_1078 : i32 to index
        %get3A_1123 = arith.constant 96 : index
        %get3A_1124 = tpu.vector_load %arg14[%get3A_1121, %get3A_1122, %get3A_1123] {strides = array<i32>} : memref<7x112x128xf32, #tpu.memory_space<vmem>>, vector<16xf32>,
        %mul3A_1125 = vector.broadcast %squeeze3A_1074 : f32 to vector<16xf32>
        %mul3A_1126 = arith.mulf %mul3A_1125, %get3A_1124 : vector<16xf32>
        %add3A_1127 = arith.addf %add3A_1065, %mul3A_1126 : vector<16xf32>
        %get3A_1128 = arith.index_cast %rem3A_229 : i32 to index
        %get3A_1129 = arith.index_cast %add3A_1078 : i32 to index
        %get3A_1130 = arith.constant 112 : index
        %get3A_1131 = tpu.vector_load %arg14[%get3A_1128, %get3A_1129, %get3A_1130] {strides = array<i32>} : memref<7x112x128xf32, #tpu.memory_space<vmem>>, vector<16xf32>,
        %mul3A_1132 = vector.broadcast %squeeze3A_1074 : f32 to vector<16xf32>
        %mul3A_1133 = arith.mulf %mul3A_1132, %get3A_1131 : vector<16xf32>
        %add3A_1134 = arith.addf %add3A_1072, %mul3A_1133 : vector<16xf32>
        %slice3A_1135 = vector.extract_strided_slice %get3A_268 {offsets = [14], sizes = [1], strides = [1]} : vector<16xf32> to vector<1xf32>
        %squeeze3A_1136 = vector.extract %slice3A_1135[0] : f32 from vector<1xf32>
        %mul3A_1137 = arith.constant 16 : i32
        %mul3A_1138 = arith.muli %scan3A_253, %mul3A_1137 : i32
        %add3A_1139 = arith.constant 14 : i32
        %add3A_1140 = arith.addi %mul3A_1138, %add3A_1139 : i32
        %get3A_1141 = arith.index_cast %rem3A_229 : i32 to index
        %get3A_1142 = arith.index_cast %add3A_1140 : i32 to index
        %get3A_1143 = arith.constant 0 : index
        %get3A_1144 = tpu.vector_load %arg14[%get3A_1141, %get3A_1142, %get3A_1143] {strides = array<i32>} : memref<7x112x128xf32, #tpu.memory_space<vmem>>, vector<16xf32>,
        %mul3A_1145 = vector.broadcast %squeeze3A_1136 : f32 to vector<16xf32>
        %mul3A_1146 = arith.mulf %mul3A_1145, %get3A_1144 : vector<16xf32>
        %add3A_1147 = arith.addf %add3A_1085, %mul3A_1146 : vector<16xf32>
        %get3A_1148 = arith.index_cast %rem3A_229 : i32 to index
        %get3A_1149 = arith.index_cast %add3A_1140 : i32 to index
        %get3A_1150 = arith.constant 16 : index
        %get3A_1151 = tpu.vector_load %arg14[%get3A_1148, %get3A_1149, %get3A_1150] {strides = array<i32>} : memref<7x112x128xf32, #tpu.memory_space<vmem>>, vector<16xf32>,
        %mul3A_1152 = vector.broadcast %squeeze3A_1136 : f32 to vector<16xf32>
        %mul3A_1153 = arith.mulf %mul3A_1152, %get3A_1151 : vector<16xf32>
        %add3A_1154 = arith.addf %add3A_1092, %mul3A_1153 : vector<16xf32>
        %get3A_1155 = arith.index_cast %rem3A_229 : i32 to index
        %get3A_1156 = arith.index_cast %add3A_1140 : i32 to index
        %get3A_1157 = arith.constant 32 : index
        %get3A_1158 = tpu.vector_load %arg14[%get3A_1155, %get3A_1156, %get3A_1157] {strides = array<i32>} : memref<7x112x128xf32, #tpu.memory_space<vmem>>, vector<16xf32>,
        %mul3A_1159 = vector.broadcast %squeeze3A_1136 : f32 to vector<16xf32>
        %mul3A_1160 = arith.mulf %mul3A_1159, %get3A_1158 : vector<16xf32>
        %add3A_1161 = arith.addf %add3A_1099, %mul3A_1160 : vector<16xf32>
        %get3A_1162 = arith.index_cast %rem3A_229 : i32 to index
        %get3A_1163 = arith.index_cast %add3A_1140 : i32 to index
        %get3A_1164 = arith.constant 48 : index
        %get3A_1165 = tpu.vector_load %arg14[%get3A_1162, %get3A_1163, %get3A_1164] {strides = array<i32>} : memref<7x112x128xf32, #tpu.memory_space<vmem>>, vector<16xf32>,
        %mul3A_1166 = vector.broadcast %squeeze3A_1136 : f32 to vector<16xf32>
        %mul3A_1167 = arith.mulf %mul3A_1166, %get3A_1165 : vector<16xf32>
        %add3A_1168 = arith.addf %add3A_1106, %mul3A_1167 : vector<16xf32>
        %get3A_1169 = arith.index_cast %rem3A_229 : i32 to index
        %get3A_1170 = arith.index_cast %add3A_1140 : i32 to index
        %get3A_1171 = arith.constant 64 : index
        %get3A_1172 = tpu.vector_load %arg14[%get3A_1169, %get3A_1170, %get3A_1171] {strides = array<i32>} : memref<7x112x128xf32, #tpu.memory_space<vmem>>, vector<16xf32>,
        %mul3A_1173 = vector.broadcast %squeeze3A_1136 : f32 to vector<16xf32>
        %mul3A_1174 = arith.mulf %mul3A_1173, %get3A_1172 : vector<16xf32>
        %add3A_1175 = arith.addf %add3A_1113, %mul3A_1174 : vector<16xf32>
        %get3A_1176 = arith.index_cast %rem3A_229 : i32 to index
        %get3A_1177 = arith.index_cast %add3A_1140 : i32 to index
        %get3A_1178 = arith.constant 80 : index
        %get3A_1179 = tpu.vector_load %arg14[%get3A_1176, %get3A_1177, %get3A_1178] {strides = array<i32>} : memref<7x112x128xf32, #tpu.memory_space<vmem>>, vector<16xf32>,
        %mul3A_1180 = vector.broadcast %squeeze3A_1136 : f32 to vector<16xf32>
        %mul3A_1181 = arith.mulf %mul3A_1180, %get3A_1179 : vector<16xf32>
        %add3A_1182 = arith.addf %add3A_1120, %mul3A_1181 : vector<16xf32>
        %get3A_1183 = arith.index_cast %rem3A_229 : i32 to index
        %get3A_1184 = arith.index_cast %add3A_1140 : i32 to index
        %get3A_1185 = arith.constant 96 : index
        %get3A_1186 = tpu.vector_load %arg14[%get3A_1183, %get3A_1184, %get3A_1185] {strides = array<i32>} : memref<7x112x128xf32, #tpu.memory_space<vmem>>, vector<16xf32>,
        %mul3A_1187 = vector.broadcast %squeeze3A_1136 : f32 to vector<16xf32>
        %mul3A_1188 = arith.mulf %mul3A_1187, %get3A_1186 : vector<16xf32>
        %add3A_1189 = arith.addf %add3A_1127, %mul3A_1188 : vector<16xf32>
        %get3A_1190 = arith.index_cast %rem3A_229 : i32 to index
        %get3A_1191 = arith.index_cast %add3A_1140 : i32 to index
        %get3A_1192 = arith.constant 112 : index
        %get3A_1193 = tpu.vector_load %arg14[%get3A_1190, %get3A_1191, %get3A_1192] {strides = array<i32>} : memref<7x112x128xf32, #tpu.memory_space<vmem>>, vector<16xf32>,
        %mul3A_1194 = vector.broadcast %squeeze3A_1136 : f32 to vector<16xf32>
        %mul3A_1195 = arith.mulf %mul3A_1194, %get3A_1193 : vector<16xf32>
        %add3A_1196 = arith.addf %add3A_1134, %mul3A_1195 : vector<16xf32>
        %slice3A_1197 = vector.extract_strided_slice %get3A_268 {offsets = [15], sizes = [1], strides = [1]} : vector<16xf32> to vector<1xf32>
        %squeeze3A_1198 = vector.extract %slice3A_1197[0] : f32 from vector<1xf32>
        %mul3A_1199 = arith.constant 16 : i32
        %mul3A_1200 = arith.muli %scan3A_253, %mul3A_1199 : i32
        %add3A_1201 = arith.constant 15 : i32
        %add3A_1202 = arith.addi %mul3A_1200, %add3A_1201 : i32
        %get3A_1203 = arith.index_cast %rem3A_229 : i32 to index
        %get3A_1204 = arith.index_cast %add3A_1202 : i32 to index
        %get3A_1205 = arith.constant 0 : index
        %get3A_1206 = tpu.vector_load %arg14[%get3A_1203, %get3A_1204, %get3A_1205] {strides = array<i32>} : memref<7x112x128xf32, #tpu.memory_space<vmem>>, vector<16xf32>,
        %mul3A_1207 = vector.broadcast %squeeze3A_1198 : f32 to vector<16xf32>
        %mul3A_1208 = arith.mulf %mul3A_1207, %get3A_1206 : vector<16xf32>
        %add3A_1209 = arith.addf %add3A_1147, %mul3A_1208 : vector<16xf32>
        %get3A_1210 = arith.index_cast %rem3A_229 : i32 to index
        %get3A_1211 = arith.index_cast %add3A_1202 : i32 to index
        %get3A_1212 = arith.constant 16 : index
        %get3A_1213 = tpu.vector_load %arg14[%get3A_1210, %get3A_1211, %get3A_1212] {strides = array<i32>} : memref<7x112x128xf32, #tpu.memory_space<vmem>>, vector<16xf32>,
        %mul3A_1214 = vector.broadcast %squeeze3A_1198 : f32 to vector<16xf32>
        %mul3A_1215 = arith.mulf %mul3A_1214, %get3A_1213 : vector<16xf32>
        %add3A_1216 = arith.addf %add3A_1154, %mul3A_1215 : vector<16xf32>
        %get3A_1217 = arith.index_cast %rem3A_229 : i32 to index
        %get3A_1218 = arith.index_cast %add3A_1202 : i32 to index
        %get3A_1219 = arith.constant 32 : index
        %get3A_1220 = tpu.vector_load %arg14[%get3A_1217, %get3A_1218, %get3A_1219] {strides = array<i32>} : memref<7x112x128xf32, #tpu.memory_space<vmem>>, vector<16xf32>,
        %mul3A_1221 = vector.broadcast %squeeze3A_1198 : f32 to vector<16xf32>
        %mul3A_1222 = arith.mulf %mul3A_1221, %get3A_1220 : vector<16xf32>
        %add3A_1223 = arith.addf %add3A_1161, %mul3A_1222 : vector<16xf32>
        %get3A_1224 = arith.index_cast %rem3A_229 : i32 to index
        %get3A_1225 = arith.index_cast %add3A_1202 : i32 to index
        %get3A_1226 = arith.constant 48 : index
        %get3A_1227 = tpu.vector_load %arg14[%get3A_1224, %get3A_1225, %get3A_1226] {strides = array<i32>} : memref<7x112x128xf32, #tpu.memory_space<vmem>>, vector<16xf32>,
        %mul3A_1228 = vector.broadcast %squeeze3A_1198 : f32 to vector<16xf32>
        %mul3A_1229 = arith.mulf %mul3A_1228, %get3A_1227 : vector<16xf32>
        %add3A_1230 = arith.addf %add3A_1168, %mul3A_1229 : vector<16xf32>
        %get3A_1231 = arith.index_cast %rem3A_229 : i32 to index
        %get3A_1232 = arith.index_cast %add3A_1202 : i32 to index
        %get3A_1233 = arith.constant 64 : index
        %get3A_1234 = tpu.vector_load %arg14[%get3A_1231, %get3A_1232, %get3A_1233] {strides = array<i32>} : memref<7x112x128xf32, #tpu.memory_space<vmem>>, vector<16xf32>,
        %mul3A_1235 = vector.broadcast %squeeze3A_1198 : f32 to vector<16xf32>
        %mul3A_1236 = arith.mulf %mul3A_1235, %get3A_1234 : vector<16xf32>
        %add3A_1237 = arith.addf %add3A_1175, %mul3A_1236 : vector<16xf32>
        %get3A_1238 = arith.index_cast %rem3A_229 : i32 to index
        %get3A_1239 = arith.index_cast %add3A_1202 : i32 to index
        %get3A_1240 = arith.constant 80 : index
        %get3A_1241 = tpu.vector_load %arg14[%get3A_1238, %get3A_1239, %get3A_1240] {strides = array<i32>} : memref<7x112x128xf32, #tpu.memory_space<vmem>>, vector<16xf32>,
        %mul3A_1242 = vector.broadcast %squeeze3A_1198 : f32 to vector<16xf32>
        %mul3A_1243 = arith.mulf %mul3A_1242, %get3A_1241 : vector<16xf32>
        %add3A_1244 = arith.addf %add3A_1182, %mul3A_1243 : vector<16xf32>
        %get3A_1245 = arith.index_cast %rem3A_229 : i32 to index
        %get3A_1246 = arith.index_cast %add3A_1202 : i32 to index
        %get3A_1247 = arith.constant 96 : index
        %get3A_1248 = tpu.vector_load %arg14[%get3A_1245, %get3A_1246, %get3A_1247] {strides = array<i32>} : memref<7x112x128xf32, #tpu.memory_space<vmem>>, vector<16xf32>,
        %mul3A_1249 = vector.broadcast %squeeze3A_1198 : f32 to vector<16xf32>
        %mul3A_1250 = arith.mulf %mul3A_1249, %get3A_1248 : vector<16xf32>
        %add3A_1251 = arith.addf %add3A_1189, %mul3A_1250 : vector<16xf32>
        %get3A_1252 = arith.index_cast %rem3A_229 : i32 to index
        %get3A_1253 = arith.index_cast %add3A_1202 : i32 to index
        %get3A_1254 = arith.constant 112 : index
        %get3A_1255 = tpu.vector_load %arg14[%get3A_1252, %get3A_1253, %get3A_1254] {strides = array<i32>} : memref<7x112x128xf32, #tpu.memory_space<vmem>>, vector<16xf32>,
        %mul3A_1256 = vector.broadcast %squeeze3A_1198 : f32 to vector<16xf32>
        %mul3A_1257 = arith.mulf %mul3A_1256, %get3A_1255 : vector<16xf32>
        %add3A_1258 = arith.addf %add3A_1196, %mul3A_1257 : vector<16xf32>
        scf.yield %add3A_1209, %add3A_1216, %add3A_1223, %add3A_1230, %add3A_1237, %add3A_1244, %add3A_1251, %add3A_1258 : vector<16xf32>, vector<16xf32>, vector<16xf32>, vector<16xf32>, vector<16xf32>, vector<16xf32>, vector<16xf32>, vector<16xf32>
      }
      %scan3A_246 = arith.constant 7 : i32
      %add3A_247 = arith.constant 7 : i32
      %add3A_248 = arith.addi %while3A_220, %add3A_247 : i32
      %lt3A_249 = arith.cmpi slt, %add3A_248, %select_n3A_28 : i32
      %convert_element_type3A_250 = arith.extui %lt3A_249 : i1 to i32
      %cond3A_251 = arith.constant 0 : i32
      %cond3A_252 = arith.cmpi ne, %convert_element_type3A_250, %cond3A_251 : i32
      scf.if %cond3A_252 {
        %add3A_253 = arith.constant 7 : i32
        %add3A_254 = arith.addi %while3A_220, %add3A_253 : i32
        %mul3A_255 = arith.constant 112 : i32
        %mul3A_256 = arith.muli %add3A_254, %mul3A_255 : i32
        %multiple_of3A_257 = tpu.assume_multiple %mul3A_256, 8 : i32
        %dma_start3A_258 = arith.constant 0 : i32
        %dma_start3A_259 = arith.constant 0 : i32
        %dma_start3A_260 = tpu.memref_slice %arg14[%rem3A_229, %dma_start3A_258, %dma_start3A_259] : memref<7x112x128xf32, #tpu.memory_space<vmem>> -> memref<1x112x128xf32, #tpu.memory_space<vmem>>
        %dma_start3A_261 = tpu.memref_squeeze %dma_start3A_260 : memref<1x112x128xf32, #tpu.memory_space<vmem>> -> memref<112x128xf32, #tpu.memory_space<vmem>>
        %dma_start3A_262 = tpu.memref_slice %arg11[%multiple_of3A_257] : memref<2016xi32, #tpu.memory_space<vmem>> -> memref<112xi32, #tpu.memory_space<vmem>>
        %dma_start3A_263 = arith.constant 0 : i32
        %dma_start3A_264 = arith.constant 0 : i32
        %dma_start3A_265 = tpu.memref_slice %arg2[%dma_start3A_263, %dma_start3A_264] : memref<100000x128xf32, #tpu.memory_space<hbm>> -> memref<100000x128xf32, #tpu.memory_space<hbm>>
        %dma_start3A_266 = tpu.memref_slice %arg23[%rem3A_229] : memref<7x!tpu.dma_semaphore, #tpu.memory_space<semaphore_mem>> -> memref<1x!tpu.dma_semaphore, #tpu.memory_space<semaphore_mem>>
        %dma_start3A_267 = tpu.memref_squeeze %dma_start3A_266 : memref<1x!tpu.dma_semaphore, #tpu.memory_space<semaphore_mem>> -> memref<!tpu.dma_semaphore, #tpu.memory_space<semaphore_mem>>
        tpu.enqueue_indirect_dma source(%dma_start3A_265 : memref<100000x128xf32, #tpu.memory_space<hbm>>) target(%dma_start3A_261 : memref<112x128xf32, #tpu.memory_space<vmem>>) offsets(%dma_start3A_262 : memref<112xi32, #tpu.memory_space<vmem>>) semaphore(%dma_start3A_267 : memref<!tpu.dma_semaphore, #tpu.memory_space<semaphore_mem>>)
      } else {
      }
      scf.yield %scan3A_245#0, %scan3A_245#1, %scan3A_245#2, %scan3A_245#3, %scan3A_245#4, %scan3A_245#5, %scan3A_245#6, %scan3A_245#7 : vector<16xf32>, vector<16xf32>, vector<16xf32>, vector<16xf32>, vector<16xf32>, vector<16xf32>, vector<16xf32>, vector<16xf32>
    }
    %dma_wait3A = arith.constant 0 : i32
    %dma_wait3A_182 = arith.constant 0 : i32
    %dma_wait3A_183 = tpu.memref_slice %arg2[%dma_wait3A, %dma_wait3A_182] : memref<100000x128xf32, #tpu.memory_space<hbm>> -> memref<100000x128xf32, #tpu.memory_space<hbm>>
    tpu.wait_indirect_dma semaphore(%arg24 : memref<!tpu.dma_semaphore, #tpu.memory_space<semaphore_mem>>) src(%dma_wait3A_183 : memref<100000x128xf32, #tpu.memory_space<hbm>>) dst(%arg10 : memref<64x128xf32, #tpu.memory_space<vmem>>)
    %mul3A_184 = arith.constant 64 : i32
    %mul3A_185 = arith.muli %add3A, %mul3A_184 : i32
    "tpu.region"() ({
      %run_scoped3A = tpu.sem_alloc : memref<!tpu.dma_semaphore, #tpu.memory_space<semaphore_mem>>
      %dma_start3A_220 = arith.constant 0 : i32
      %dma_start3A_221 = tpu.memref_slice %arg6[%mul3A_185, %dma_start3A_220] : memref<2048x128xf32, #tpu.memory_space<hbm>> -> memref<64x128xf32, #tpu.memory_space<hbm>>
      %dma_start3A_222 = arith.constant 0 : i32
      %dma_start3A_223 = tpu.memref_slice %arg6[%mul3A_185, %dma_start3A_222] : memref<2048x128xf32, #tpu.memory_space<hbm>> -> memref<64x128xf32, #tpu.memory_space<hbm>>
      tpu.enqueue_dma source(%arg10 : memref<64x128xf32, #tpu.memory_space<vmem>>) target(%dma_start3A_223 : memref<64x128xf32, #tpu.memory_space<hbm>>) target_semaphore(%run_scoped3A : memref<!tpu.dma_semaphore, #tpu.memory_space<semaphore_mem>>)
      %dma_wait3A_224 = arith.constant 0 : i32
      %dma_wait3A_225 = tpu.memref_slice %arg6[%mul3A_185, %dma_wait3A_224] : memref<2048x128xf32, #tpu.memory_space<hbm>> -> memref<64x128xf32, #tpu.memory_space<hbm>>
      %dma_wait3A_226 = arith.constant 0 : i32
      %dma_wait3A_227 = tpu.memref_slice %arg6[%mul3A_185, %dma_wait3A_226] : memref<2048x128xf32, #tpu.memory_space<hbm>> -> memref<64x128xf32, #tpu.memory_space<hbm>>
      tpu.wait_dma2 semaphore(%run_scoped3A : memref<!tpu.dma_semaphore, #tpu.memory_space<semaphore_mem>>) src(%arg10 : memref<64x128xf32, #tpu.memory_space<vmem>>) dst(%dma_wait3A_227 : memref<64x128xf32, #tpu.memory_space<hbm>>)
      tpu.yield
    }) : () -> ()
    %swap3A = arith.constant 0 : index
    %swap3A_186 = tpu.vector_load %arg15[%swap3A] {strides = array<i32>} : memref<128xf32, #tpu.memory_space<vmem>>, vector<16xf32>,
    tpu.vector_store %arg15[%swap3A], %while3A_181#0 {strides = array<i32>} : memref<128xf32, #tpu.memory_space<vmem>>, vector<16xf32>,
    %swap3A_187 = arith.constant 16 : index
    %swap3A_188 = tpu.vector_load %arg15[%swap3A_187] {strides = array<i32>} : memref<128xf32, #tpu.memory_space<vmem>>, vector<16xf32>,
    tpu.vector_store %arg15[%swap3A_187], %while3A_181#1 {strides = array<i32>} : memref<128xf32, #tpu.memory_space<vmem>>, vector<16xf32>,
    %swap3A_189 = arith.constant 32 : index
    %swap3A_190 = tpu.vector_load %arg15[%swap3A_189] {strides = array<i32>} : memref<128xf32, #tpu.memory_space<vmem>>, vector<16xf32>,
    tpu.vector_store %arg15[%swap3A_189], %while3A_181#2 {strides = array<i32>} : memref<128xf32, #tpu.memory_space<vmem>>, vector<16xf32>,
    %swap3A_191 = arith.constant 48 : index
    %swap3A_192 = tpu.vector_load %arg15[%swap3A_191] {strides = array<i32>} : memref<128xf32, #tpu.memory_space<vmem>>, vector<16xf32>,
    tpu.vector_store %arg15[%swap3A_191], %while3A_181#3 {strides = array<i32>} : memref<128xf32, #tpu.memory_space<vmem>>, vector<16xf32>,
    %swap3A_193 = arith.constant 64 : index
    %swap3A_194 = tpu.vector_load %arg15[%swap3A_193] {strides = array<i32>} : memref<128xf32, #tpu.memory_space<vmem>>, vector<16xf32>,
    tpu.vector_store %arg15[%swap3A_193], %while3A_181#4 {strides = array<i32>} : memref<128xf32, #tpu.memory_space<vmem>>, vector<16xf32>,
    %swap3A_195 = arith.constant 80 : index
    %swap3A_196 = tpu.vector_load %arg15[%swap3A_195] {strides = array<i32>} : memref<128xf32, #tpu.memory_space<vmem>>, vector<16xf32>,
    tpu.vector_store %arg15[%swap3A_195], %while3A_181#5 {strides = array<i32>} : memref<128xf32, #tpu.memory_space<vmem>>, vector<16xf32>,
    %swap3A_197 = arith.constant 96 : index
    %swap3A_198 = tpu.vector_load %arg15[%swap3A_197] {strides = array<i32>} : memref<128xf32, #tpu.memory_space<vmem>>, vector<16xf32>,
    tpu.vector_store %arg15[%swap3A_197], %while3A_181#6 {strides = array<i32>} : memref<128xf32, #tpu.memory_space<vmem>>, vector<16xf32>,
    %swap3A_199 = arith.constant 112 : index
    %swap3A_200 = tpu.vector_load %arg15[%swap3A_199] {strides = array<i32>} : memref<128xf32, #tpu.memory_space<vmem>>, vector<16xf32>,
    tpu.vector_store %arg15[%swap3A_199], %while3A_181#7 {strides = array<i32>} : memref<128xf32, #tpu.memory_space<vmem>>, vector<16xf32>,
    %iota3A = tpu.iota {dimensions = array<i32: 0>} : vector<16xi32>
    %eq3A_201 = arith.constant 0 : i32
    %eq3A_202 = vector.broadcast %eq3A_201 : i32 to vector<16xi32>
    %eq3A_203 = arith.cmpi eq, %iota3A, %eq3A_202 : vector<16xi32>
    %eq3A_204 = arith.constant 1 : i32
    %eq3A_205 = vector.broadcast %eq3A_204 : i32 to vector<16xi32>
    %eq3A_206 = arith.cmpi eq, %iota3A, %eq3A_205 : vector<16xi32>
    %jit3A_207 = arith.constant 0.000000e+00 : f32
    %broadcast_in_dim3A_208 = vector.broadcast %reduce_max3A_139 : f32 to vector<16xf32>
    %broadcast_in_dim3A_209 = vector.broadcast %jit3A_207 : f32 to vector<16xf32>
    %select_n3A_210 = arith.select %eq3A_206, %broadcast_in_dim3A_208, %broadcast_in_dim3A_209 : vector<16xi1>, vector<16xf32>
    %broadcast_in_dim3A_211 = vector.broadcast %reduce_sum3A_154 : f32 to vector<16xf32>
    %select_n3A_212 = arith.select %eq3A_203, %broadcast_in_dim3A_211, %select_n3A_210 : vector<16xi1>, vector<16xf32>
    %swap3A_213 = arith.constant 0 : index
    %swap3A_214 = tpu.vector_load %arg16[%swap3A_213] {strides = array<i32>} : memref<16xf32, #tpu.memory_space<vmem>>, vector<16xf32>,
    tpu.vector_store %arg16[%swap3A_213], %select_n3A_212 {strides = array<i32>} : memref<16xf32, #tpu.memory_space<vmem>>, vector<16xf32>,
    "tpu.region"() ({
      %run_scoped3A = tpu.sem_alloc : memref<!tpu.dma_semaphore, #tpu.memory_space<semaphore_mem>>
      %dma_start3A_220 = arith.constant 0 : i32
      %dma_start3A_221 = tpu.memref_slice %arg21[%arg1, %dma_start3A_220] : memref<16x128xf32, #tpu.memory_space<vmem_shared>> -> memref<1x128xf32, #tpu.memory_space<vmem_shared>>
      %dma_start3A_222 = tpu.memref_squeeze %dma_start3A_221 : memref<1x128xf32, #tpu.memory_space<vmem_shared>> -> memref<128xf32, #tpu.memory_space<vmem_shared>>
      %dma_start3A_223 = arith.constant 0 : i32
      %dma_start3A_224 = tpu.memref_slice %arg21[%arg1, %dma_start3A_223] : memref<16x128xf32, #tpu.memory_space<vmem_shared>> -> memref<1x128xf32, #tpu.memory_space<vmem_shared>>
      %dma_start3A_225 = tpu.memref_squeeze %dma_start3A_224 : memref<1x128xf32, #tpu.memory_space<vmem_shared>> -> memref<128xf32, #tpu.memory_space<vmem_shared>>
      tpu.enqueue_dma source(%arg15 : memref<128xf32, #tpu.memory_space<vmem>>) target(%dma_start3A_225 : memref<128xf32, #tpu.memory_space<vmem_shared>>) target_semaphore(%run_scoped3A : memref<!tpu.dma_semaphore, #tpu.memory_space<semaphore_mem>>)
      %dma_wait3A_226 = arith.constant 0 : i32
      %dma_wait3A_227 = tpu.memref_slice %arg21[%arg1, %dma_wait3A_226] : memref<16x128xf32, #tpu.memory_space<vmem_shared>> -> memref<1x128xf32, #tpu.memory_space<vmem_shared>>
      %dma_wait3A_228 = tpu.memref_squeeze %dma_wait3A_227 : memref<1x128xf32, #tpu.memory_space<vmem_shared>> -> memref<128xf32, #tpu.memory_space<vmem_shared>>
      %dma_wait3A_229 = arith.constant 0 : i32
      %dma_wait3A_230 = tpu.memref_slice %arg21[%arg1, %dma_wait3A_229] : memref<16x128xf32, #tpu.memory_space<vmem_shared>> -> memref<1x128xf32, #tpu.memory_space<vmem_shared>>
      %dma_wait3A_231 = tpu.memref_squeeze %dma_wait3A_230 : memref<1x128xf32, #tpu.memory_space<vmem_shared>> -> memref<128xf32, #tpu.memory_space<vmem_shared>>
      tpu.wait_dma2 semaphore(%run_scoped3A : memref<!tpu.dma_semaphore, #tpu.memory_space<semaphore_mem>>) src(%arg15 : memref<128xf32, #tpu.memory_space<vmem>>) dst(%dma_wait3A_231 : memref<128xf32, #tpu.memory_space<vmem_shared>>)
      tpu.yield
    }) : () -> ()
    "tpu.region"() ({
      %run_scoped3A = tpu.sem_alloc : memref<!tpu.dma_semaphore, #tpu.memory_space<semaphore_mem>>
      %dma_start3A_220 = arith.constant 0 : i32
      %dma_start3A_221 = tpu.memref_slice %arg22[%arg1, %dma_start3A_220] : memref<16x16xf32, #tpu.memory_space<vmem_shared>> -> memref<1x16xf32, #tpu.memory_space<vmem_shared>>
      %dma_start3A_222 = tpu.memref_squeeze %dma_start3A_221 : memref<1x16xf32, #tpu.memory_space<vmem_shared>> -> memref<16xf32, #tpu.memory_space<vmem_shared>>
      %dma_start3A_223 = arith.constant 0 : i32
      %dma_start3A_224 = tpu.memref_slice %arg22[%arg1, %dma_start3A_223] : memref<16x16xf32, #tpu.memory_space<vmem_shared>> -> memref<1x16xf32, #tpu.memory_space<vmem_shared>>
      %dma_start3A_225 = tpu.memref_squeeze %dma_start3A_224 : memref<1x16xf32, #tpu.memory_space<vmem_shared>> -> memref<16xf32, #tpu.memory_space<vmem_shared>>
      tpu.enqueue_dma source(%arg16 : memref<16xf32, #tpu.memory_space<vmem>>) target(%dma_start3A_225 : memref<16xf32, #tpu.memory_space<vmem_shared>>) target_semaphore(%run_scoped3A : memref<!tpu.dma_semaphore, #tpu.memory_space<semaphore_mem>>)
      %dma_wait3A_226 = arith.constant 0 : i32
      %dma_wait3A_227 = tpu.memref_slice %arg22[%arg1, %dma_wait3A_226] : memref<16x16xf32, #tpu.memory_space<vmem_shared>> -> memref<1x16xf32, #tpu.memory_space<vmem_shared>>
      %dma_wait3A_228 = tpu.memref_squeeze %dma_wait3A_227 : memref<1x16xf32, #tpu.memory_space<vmem_shared>> -> memref<16xf32, #tpu.memory_space<vmem_shared>>
      %dma_wait3A_229 = arith.constant 0 : i32
      %dma_wait3A_230 = tpu.memref_slice %arg22[%arg1, %dma_wait3A_229] : memref<16x16xf32, #tpu.memory_space<vmem_shared>> -> memref<1x16xf32, #tpu.memory_space<vmem_shared>>
      %dma_wait3A_231 = tpu.memref_squeeze %dma_wait3A_230 : memref<1x16xf32, #tpu.memory_space<vmem_shared>> -> memref<16xf32, #tpu.memory_space<vmem_shared>>
      tpu.wait_dma2 semaphore(%run_scoped3A : memref<!tpu.dma_semaphore, #tpu.memory_space<semaphore_mem>>) src(%arg16 : memref<16xf32, #tpu.memory_space<vmem>>) dst(%dma_wait3A_231 : memref<16xf32, #tpu.memory_space<vmem_shared>>)
      tpu.yield
    }) : () -> ()
    %barrier3A = arith.constant 0 : index
    tpu.barrier barrier_id(%barrier3A)
    %eq3A_215 = arith.constant 0 : i32
    %eq3A_216 = arith.cmpi eq, %arg1, %eq3A_215 : i32
    %convert_element_type3A_217 = arith.extui %eq3A_216 : i1 to i32
    %cond3A_218 = arith.constant 0 : i32
    %cond3A_219 = arith.cmpi ne, %convert_element_type3A_217, %cond3A_218 : i32
    scf.if %cond3A_219 {
      "tpu.region"() ({
        %run_scoped3A = tpu.sem_alloc : memref<!tpu.dma_semaphore, #tpu.memory_space<semaphore_mem>>
        tpu.enqueue_dma source(%arg21 : memref<16x128xf32, #tpu.memory_space<vmem_shared>>) target(%arg18 : memref<16x128xf32, #tpu.memory_space<vmem>>) target_semaphore(%run_scoped3A : memref<!tpu.dma_semaphore, #tpu.memory_space<semaphore_mem>>)
        tpu.wait_dma2 semaphore(%run_scoped3A : memref<!tpu.dma_semaphore, #tpu.memory_space<semaphore_mem>>) src(%arg21 : memref<16x128xf32, #tpu.memory_space<vmem_shared>>) dst(%arg18 : memref<16x128xf32, #tpu.memory_space<vmem>>)
        tpu.yield
      }) : () -> ()
      "tpu.region"() ({
        %run_scoped3A = tpu.sem_alloc : memref<!tpu.dma_semaphore, #tpu.memory_space<semaphore_mem>>
        tpu.enqueue_dma source(%arg22 : memref<16x16xf32, #tpu.memory_space<vmem_shared>>) target(%arg19 : memref<16x16xf32, #tpu.memory_space<vmem>>) target_semaphore(%run_scoped3A : memref<!tpu.dma_semaphore, #tpu.memory_space<semaphore_mem>>)
        tpu.wait_dma2 semaphore(%run_scoped3A : memref<!tpu.dma_semaphore, #tpu.memory_space<semaphore_mem>>) src(%arg22 : memref<16x16xf32, #tpu.memory_space<vmem_shared>>) dst(%arg19 : memref<16x16xf32, #tpu.memory_space<vmem>>)
        tpu.yield
      }) : () -> ()
      %iota3A_220 = tpu.iota {dimensions = array<i32: 0>} : vector<16xi32>
      %broadcast_in_dim3A_221 = arith.constant 1 : i32
      %broadcast_in_dim3A_222 = vector.broadcast %broadcast_in_dim3A_221 : i32 to vector<16xi32>
      %broadcast_in_dim3A_223 = arith.constant 0 : i32
      %broadcast_in_dim3A_224 = vector.broadcast %broadcast_in_dim3A_223 : i32 to vector<16xi32>
      %gather3A = tpu.vector_load_idx %arg19[%iota3A_220, %broadcast_in_dim3A_222] : memref<16x16xf32, #tpu.memory_space<vmem>>[vector<16xi32>, vector<16xi32>], vector<16xf32>,
      %gather3A_225 = tpu.vector_load_idx %arg19[%iota3A_220, %broadcast_in_dim3A_224] : memref<16x16xf32, #tpu.memory_space<vmem>>[vector<16xi32>, vector<16xi32>], vector<16xf32>,
      %reduce_max3A_226 = arith.constant true
      %reduce_max3A_227 = vector.broadcast %reduce_max3A_226 : i1 to vector<16xi1>
      %reduce_max3A_228 = tpu.scan <max>, %gather3A masked %reduce_max3A_227 : vector<16xf32>, vector<16xi1> -> vector<16xf32>
      %reduce_max3A_229 = vector.extract %reduce_max3A_228[15] : f32 from vector<16xf32>
      %sub3A = vector.broadcast %reduce_max3A_229 : f32 to vector<16xf32>
      %sub3A_230 = arith.subf %gather3A, %sub3A : vector<16xf32>
      %exp3A = math.exp %sub3A_230 : vector<16xf32>
      %mul3A_231 = arith.mulf %exp3A, %gather3A_225 : vector<16xf32>
      %reduce_sum3A_232 = arith.constant true
      %reduce_sum3A_233 = vector.broadcast %reduce_sum3A_232 : i1 to vector<16xi1>
      %reduce_sum3A_234 = tpu.scan <sum>, %mul3A_231 masked %reduce_sum3A_233 : vector<16xf32>, vector<16xi1> -> vector<16xf32>
      %reduce_sum3A_235 = vector.extract %reduce_sum3A_234[15] : f32 from vector<16xf32>
      %swap3A_236 = arith.constant 0 : index
      %swap3A_237 = tpu.vector_load %arg17[%swap3A_236] {strides = array<i32>} : memref<16xf32, #tpu.memory_space<vmem>>, vector<16xf32>,
      tpu.vector_store %arg17[%swap3A_236], %exp3A {strides = array<i32>} : memref<16xf32, #tpu.memory_space<vmem>>, vector<16xf32>,
      %broadcast_in_dim3A_238 = arith.constant 0.000000e+00 : f32
      %broadcast_in_dim3A_239 = vector.broadcast %broadcast_in_dim3A_238 : f32 to vector<16xf32>
      %broadcast_in_dim3A_240 = arith.constant 0.000000e+00 : f32
      %broadcast_in_dim3A_241 = vector.broadcast %broadcast_in_dim3A_240 : f32 to vector<16xf32>
      %broadcast_in_dim3A_242 = arith.constant 0.000000e+00 : f32
      %broadcast_in_dim3A_243 = vector.broadcast %broadcast_in_dim3A_242 : f32 to vector<16xf32>
      %broadcast_in_dim3A_244 = arith.constant 0.000000e+00 : f32
      %broadcast_in_dim3A_245 = vector.broadcast %broadcast_in_dim3A_244 : f32 to vector<16xf32>
      %broadcast_in_dim3A_246 = arith.constant 0.000000e+00 : f32
      %broadcast_in_dim3A_247 = vector.broadcast %broadcast_in_dim3A_246 : f32 to vector<16xf32>
      %broadcast_in_dim3A_248 = arith.constant 0.000000e+00 : f32
      %broadcast_in_dim3A_249 = vector.broadcast %broadcast_in_dim3A_248 : f32 to vector<16xf32>
      %broadcast_in_dim3A_250 = arith.constant 0.000000e+00 : f32
      %broadcast_in_dim3A_251 = vector.broadcast %broadcast_in_dim3A_250 : f32 to vector<16xf32>
      %broadcast_in_dim3A_252 = arith.constant 0.000000e+00 : f32
      %broadcast_in_dim3A_253 = vector.broadcast %broadcast_in_dim3A_252 : f32 to vector<16xf32>
      %scan3A = arith.constant 0 : i32
      %scan3A_254 = arith.constant 16 : i32
      %scan3A_255 = arith.addi %scan3A, %scan3A_254 : i32
      %scan3A_256 = arith.constant 1 : i32
      %scan3A_257:8 = scf.for %scan3A_289 = %scan3A to %scan3A_255 step %scan3A_256 iter_args(%scan3A_290 = %broadcast_in_dim3A_239, %scan3A_291 = %broadcast_in_dim3A_241, %scan3A_292 = %broadcast_in_dim3A_243, %scan3A_293 = %broadcast_in_dim3A_245, %scan3A_294 = %broadcast_in_dim3A_247, %scan3A_295 = %broadcast_in_dim3A_249, %scan3A_296 = %broadcast_in_dim3A_251, %scan3A_297 = %broadcast_in_dim3A_253) -> (vector<16xf32>, vector<16xf32>, vector<16xf32>, vector<16xf32>, vector<16xf32>, vector<16xf32>, vector<16xf32>, vector<16xf32>)  : i32 {
        %broadcast_in_dim3A_298 = vector.broadcast %scan3A_289 : i32 to vector<16xi32>
        %gather3A_299 = tpu.vector_load_idx %arg17[%broadcast_in_dim3A_298] : memref<16xf32, #tpu.memory_space<vmem>>[vector<16xi32>], vector<16xf32>,
        %get3A_300 = arith.index_cast %scan3A_289 : i32 to index
        %get3A_301 = arith.constant 0 : index
        %get3A_302 = tpu.vector_load %arg18[%get3A_300, %get3A_301] {strides = array<i32>} : memref<16x128xf32, #tpu.memory_space<vmem>>, vector<16xf32>,
        %mul3A_303 = arith.mulf %gather3A_299, %get3A_302 : vector<16xf32>
        %add3A_304 = arith.addf %scan3A_290, %mul3A_303 : vector<16xf32>
        %get3A_305 = arith.index_cast %scan3A_289 : i32 to index
        %get3A_306 = arith.constant 16 : index
        %get3A_307 = tpu.vector_load %arg18[%get3A_305, %get3A_306] {strides = array<i32>} : memref<16x128xf32, #tpu.memory_space<vmem>>, vector<16xf32>,
        %mul3A_308 = arith.mulf %gather3A_299, %get3A_307 : vector<16xf32>
        %add3A_309 = arith.addf %scan3A_291, %mul3A_308 : vector<16xf32>
        %get3A_310 = arith.index_cast %scan3A_289 : i32 to index
        %get3A_311 = arith.constant 32 : index
        %get3A_312 = tpu.vector_load %arg18[%get3A_310, %get3A_311] {strides = array<i32>} : memref<16x128xf32, #tpu.memory_space<vmem>>, vector<16xf32>,
        %mul3A_313 = arith.mulf %gather3A_299, %get3A_312 : vector<16xf32>
        %add3A_314 = arith.addf %scan3A_292, %mul3A_313 : vector<16xf32>
        %get3A_315 = arith.index_cast %scan3A_289 : i32 to index
        %get3A_316 = arith.constant 48 : index
        %get3A_317 = tpu.vector_load %arg18[%get3A_315, %get3A_316] {strides = array<i32>} : memref<16x128xf32, #tpu.memory_space<vmem>>, vector<16xf32>,
        %mul3A_318 = arith.mulf %gather3A_299, %get3A_317 : vector<16xf32>
        %add3A_319 = arith.addf %scan3A_293, %mul3A_318 : vector<16xf32>
        %get3A_320 = arith.index_cast %scan3A_289 : i32 to index
        %get3A_321 = arith.constant 64 : index
        %get3A_322 = tpu.vector_load %arg18[%get3A_320, %get3A_321] {strides = array<i32>} : memref<16x128xf32, #tpu.memory_space<vmem>>, vector<16xf32>,
        %mul3A_323 = arith.mulf %gather3A_299, %get3A_322 : vector<16xf32>
        %add3A_324 = arith.addf %scan3A_294, %mul3A_323 : vector<16xf32>
        %get3A_325 = arith.index_cast %scan3A_289 : i32 to index
        %get3A_326 = arith.constant 80 : index
        %get3A_327 = tpu.vector_load %arg18[%get3A_325, %get3A_326] {strides = array<i32>} : memref<16x128xf32, #tpu.memory_space<vmem>>, vector<16xf32>,
        %mul3A_328 = arith.mulf %gather3A_299, %get3A_327 : vector<16xf32>
        %add3A_329 = arith.addf %scan3A_295, %mul3A_328 : vector<16xf32>
        %get3A_330 = arith.index_cast %scan3A_289 : i32 to index
        %get3A_331 = arith.constant 96 : index
        %get3A_332 = tpu.vector_load %arg18[%get3A_330, %get3A_331] {strides = array<i32>} : memref<16x128xf32, #tpu.memory_space<vmem>>, vector<16xf32>,
        %mul3A_333 = arith.mulf %gather3A_299, %get3A_332 : vector<16xf32>
        %add3A_334 = arith.addf %scan3A_296, %mul3A_333 : vector<16xf32>
        %get3A_335 = arith.index_cast %scan3A_289 : i32 to index
        %get3A_336 = arith.constant 112 : index
        %get3A_337 = tpu.vector_load %arg18[%get3A_335, %get3A_336] {strides = array<i32>} : memref<16x128xf32, #tpu.memory_space<vmem>>, vector<16xf32>,
        %mul3A_338 = arith.mulf %gather3A_299, %get3A_337 : vector<16xf32>
        %add3A_339 = arith.addf %scan3A_297, %mul3A_338 : vector<16xf32>
        scf.yield %add3A_304, %add3A_309, %add3A_314, %add3A_319, %add3A_324, %add3A_329, %add3A_334, %add3A_339 : vector<16xf32>, vector<16xf32>, vector<16xf32>, vector<16xf32>, vector<16xf32>, vector<16xf32>, vector<16xf32>, vector<16xf32>
      }
      %scan3A_258 = arith.constant 16 : i32
      %swap3A_259 = arith.constant 0 : index
      %swap3A_260 = tpu.vector_load %arg20[%swap3A_259] {strides = array<i32>} : memref<128xf32, #tpu.memory_space<vmem>>, vector<16xf32>,
      tpu.vector_store %arg20[%swap3A_259], %scan3A_257#0 {strides = array<i32>} : memref<128xf32, #tpu.memory_space<vmem>>, vector<16xf32>,
      %swap3A_261 = arith.constant 16 : index
      %swap3A_262 = tpu.vector_load %arg20[%swap3A_261] {strides = array<i32>} : memref<128xf32, #tpu.memory_space<vmem>>, vector<16xf32>,
      tpu.vector_store %arg20[%swap3A_261], %scan3A_257#1 {strides = array<i32>} : memref<128xf32, #tpu.memory_space<vmem>>, vector<16xf32>,
      %swap3A_263 = arith.constant 32 : index
      %swap3A_264 = tpu.vector_load %arg20[%swap3A_263] {strides = array<i32>} : memref<128xf32, #tpu.memory_space<vmem>>, vector<16xf32>,
      tpu.vector_store %arg20[%swap3A_263], %scan3A_257#2 {strides = array<i32>} : memref<128xf32, #tpu.memory_space<vmem>>, vector<16xf32>,
      %swap3A_265 = arith.constant 48 : index
      %swap3A_266 = tpu.vector_load %arg20[%swap3A_265] {strides = array<i32>} : memref<128xf32, #tpu.memory_space<vmem>>, vector<16xf32>,
      tpu.vector_store %arg20[%swap3A_265], %scan3A_257#3 {strides = array<i32>} : memref<128xf32, #tpu.memory_space<vmem>>, vector<16xf32>,
      %swap3A_267 = arith.constant 64 : index
      %swap3A_268 = tpu.vector_load %arg20[%swap3A_267] {strides = array<i32>} : memref<128xf32, #tpu.memory_space<vmem>>, vector<16xf32>,
      tpu.vector_store %arg20[%swap3A_267], %scan3A_257#4 {strides = array<i32>} : memref<128xf32, #tpu.memory_space<vmem>>, vector<16xf32>,
      %swap3A_269 = arith.constant 80 : index
      %swap3A_270 = tpu.vector_load %arg20[%swap3A_269] {strides = array<i32>} : memref<128xf32, #tpu.memory_space<vmem>>, vector<16xf32>,
      tpu.vector_store %arg20[%swap3A_269], %scan3A_257#5 {strides = array<i32>} : memref<128xf32, #tpu.memory_space<vmem>>, vector<16xf32>,
      %swap3A_271 = arith.constant 96 : index
      %swap3A_272 = tpu.vector_load %arg20[%swap3A_271] {strides = array<i32>} : memref<128xf32, #tpu.memory_space<vmem>>, vector<16xf32>,
      tpu.vector_store %arg20[%swap3A_271], %scan3A_257#6 {strides = array<i32>} : memref<128xf32, #tpu.memory_space<vmem>>, vector<16xf32>,
      %swap3A_273 = arith.constant 112 : index
      %swap3A_274 = tpu.vector_load %arg20[%swap3A_273] {strides = array<i32>} : memref<128xf32, #tpu.memory_space<vmem>>, vector<16xf32>,
      tpu.vector_store %arg20[%swap3A_273], %scan3A_257#7 {strides = array<i32>} : memref<128xf32, #tpu.memory_space<vmem>>, vector<16xf32>,
      %eq3A_275 = arith.constant 0 : i32
      %eq3A_276 = vector.broadcast %eq3A_275 : i32 to vector<16xi32>
      %eq3A_277 = arith.cmpi eq, %iota3A, %eq3A_276 : vector<16xi32>
      %eq3A_278 = arith.constant 1 : i32
      %eq3A_279 = vector.broadcast %eq3A_278 : i32 to vector<16xi32>
      %eq3A_280 = arith.cmpi eq, %iota3A, %eq3A_279 : vector<16xi32>
      %jit3A_281 = arith.constant 0.000000e+00 : f32
      %broadcast_in_dim3A_282 = vector.broadcast %reduce_max3A_229 : f32 to vector<16xf32>
      %broadcast_in_dim3A_283 = vector.broadcast %jit3A_281 : f32 to vector<16xf32>
      %select_n3A_284 = arith.select %eq3A_280, %broadcast_in_dim3A_282, %broadcast_in_dim3A_283 : vector<16xi1>, vector<16xf32>
      %broadcast_in_dim3A_285 = vector.broadcast %reduce_sum3A_235 : f32 to vector<16xf32>
      %select_n3A_286 = arith.select %eq3A_277, %broadcast_in_dim3A_285, %select_n3A_284 : vector<16xi1>, vector<16xf32>
      %swap3A_287 = arith.constant 0 : index
      %swap3A_288 = tpu.vector_load %arg16[%swap3A_287] {strides = array<i32>} : memref<16xf32, #tpu.memory_space<vmem>>, vector<16xf32>,
      tpu.vector_store %arg16[%swap3A_287], %select_n3A_286 {strides = array<i32>} : memref<16xf32, #tpu.memory_space<vmem>>, vector<16xf32>,
      "tpu.region"() ({
        %run_scoped3A = tpu.sem_alloc : memref<!tpu.dma_semaphore, #tpu.memory_space<semaphore_mem>>
        %dma_start3A_289 = arith.constant 0 : i32
        %dma_start3A_290 = tpu.memref_slice %arg7[%arg0, %dma_start3A_289] : memref<2x128xf32, #tpu.memory_space<hbm>> -> memref<1x128xf32, #tpu.memory_space<hbm>>
        %dma_start3A_291 = tpu.memref_squeeze %dma_start3A_290 : memref<1x128xf32, #tpu.memory_space<hbm>> -> memref<128xf32, #tpu.memory_space<hbm>>
        %dma_start3A_292 = arith.constant 0 : i32
        %dma_start3A_293 = tpu.memref_slice %arg7[%arg0, %dma_start3A_292] : memref<2x128xf32, #tpu.memory_space<hbm>> -> memref<1x128xf32, #tpu.memory_space<hbm>>
        %dma_start3A_294 = tpu.memref_squeeze %dma_start3A_293 : memref<1x128xf32, #tpu.memory_space<hbm>> -> memref<128xf32, #tpu.memory_space<hbm>>
        tpu.enqueue_dma source(%arg20 : memref<128xf32, #tpu.memory_space<vmem>>) target(%dma_start3A_294 : memref<128xf32, #tpu.memory_space<hbm>>) target_semaphore(%run_scoped3A : memref<!tpu.dma_semaphore, #tpu.memory_space<semaphore_mem>>)
        %dma_wait3A_295 = arith.constant 0 : i32
        %dma_wait3A_296 = tpu.memref_slice %arg7[%arg0, %dma_wait3A_295] : memref<2x128xf32, #tpu.memory_space<hbm>> -> memref<1x128xf32, #tpu.memory_space<hbm>>
        %dma_wait3A_297 = tpu.memref_squeeze %dma_wait3A_296 : memref<1x128xf32, #tpu.memory_space<hbm>> -> memref<128xf32, #tpu.memory_space<hbm>>
        %dma_wait3A_298 = arith.constant 0 : i32
        %dma_wait3A_299 = tpu.memref_slice %arg7[%arg0, %dma_wait3A_298] : memref<2x128xf32, #tpu.memory_space<hbm>> -> memref<1x128xf32, #tpu.memory_space<hbm>>
        %dma_wait3A_300 = tpu.memref_squeeze %dma_wait3A_299 : memref<1x128xf32, #tpu.memory_space<hbm>> -> memref<128xf32, #tpu.memory_space<hbm>>
        tpu.wait_dma2 semaphore(%run_scoped3A : memref<!tpu.dma_semaphore, #tpu.memory_space<semaphore_mem>>) src(%arg20 : memref<128xf32, #tpu.memory_space<vmem>>) dst(%dma_wait3A_300 : memref<128xf32, #tpu.memory_space<hbm>>)
        tpu.yield
      }) : () -> ()
      "tpu.region"() ({
        %run_scoped3A = tpu.sem_alloc : memref<!tpu.dma_semaphore, #tpu.memory_space<semaphore_mem>>
        %dma_start3A_289 = arith.constant 0 : i32
        %dma_start3A_290 = tpu.memref_slice %arg8[%arg0, %dma_start3A_289] : memref<2x16xf32, #tpu.memory_space<hbm>> -> memref<1x16xf32, #tpu.memory_space<hbm>>
        %dma_start3A_291 = tpu.memref_squeeze %dma_start3A_290 : memref<1x16xf32, #tpu.memory_space<hbm>> -> memref<16xf32, #tpu.memory_space<hbm>>
        %dma_start3A_292 = arith.constant 0 : i32
        %dma_start3A_293 = tpu.memref_slice %arg8[%arg0, %dma_start3A_292] : memref<2x16xf32, #tpu.memory_space<hbm>> -> memref<1x16xf32, #tpu.memory_space<hbm>>
        %dma_start3A_294 = tpu.memref_squeeze %dma_start3A_293 : memref<1x16xf32, #tpu.memory_space<hbm>> -> memref<16xf32, #tpu.memory_space<hbm>>
        tpu.enqueue_dma source(%arg16 : memref<16xf32, #tpu.memory_space<vmem>>) target(%dma_start3A_294 : memref<16xf32, #tpu.memory_space<hbm>>) target_semaphore(%run_scoped3A : memref<!tpu.dma_semaphore, #tpu.memory_space<semaphore_mem>>)
        %dma_wait3A_295 = arith.constant 0 : i32
        %dma_wait3A_296 = tpu.memref_slice %arg8[%arg0, %dma_wait3A_295] : memref<2x16xf32, #tpu.memory_space<hbm>> -> memref<1x16xf32, #tpu.memory_space<hbm>>
        %dma_wait3A_297 = tpu.memref_squeeze %dma_wait3A_296 : memref<1x16xf32, #tpu.memory_space<hbm>> -> memref<16xf32, #tpu.memory_space<hbm>>
        %dma_wait3A_298 = arith.constant 0 : i32
        %dma_wait3A_299 = tpu.memref_slice %arg8[%arg0, %dma_wait3A_298] : memref<2x16xf32, #tpu.memory_space<hbm>> -> memref<1x16xf32, #tpu.memory_space<hbm>>
        %dma_wait3A_300 = tpu.memref_squeeze %dma_wait3A_299 : memref<1x16xf32, #tpu.memory_space<hbm>> -> memref<16xf32, #tpu.memory_space<hbm>>
        tpu.wait_dma2 semaphore(%run_scoped3A : memref<!tpu.dma_semaphore, #tpu.memory_space<semaphore_mem>>) src(%arg16 : memref<16xf32, #tpu.memory_space<vmem>>) dst(%dma_wait3A_300 : memref<16xf32, #tpu.memory_space<hbm>>)
        tpu.yield
      }) : () -> ()
    } else {
    }
    return
  }
}

module attributes {stable_mosaic.version = 14 : i64} {
  func.func @_combine_body(%arg0: memref<2048x128xf32, #tpu.memory_space<any>>, %arg1: memref<2x128xf32, #tpu.memory_space<vmem>>, %arg2: memref<2x16xf32, #tpu.memory_space<vmem>>, %arg3: memref<1xi32, #tpu.memory_space<smem>>, %arg4: memref<2048x128xf32, #tpu.memory_space<any>>, %arg5: memref<1x128xf32, #tpu.memory_space<vmem>>, %arg6: memref<!tpu.dma_semaphore, #tpu.memory_space<semaphore_mem>>) attributes {dimension_semantics = [], scalar_prefetch = 0 : i64, scratch_operands = 2 : i64, tpu.core_type = #tpu.core_type<tc>} {
    %get3A = arith.constant 0 : index
    %get3A_0 = arith.constant 0 : index
    %get3A_1 = vector.load %arg2[%get3A, %get3A_0] : memref<2x16xf32, #tpu.memory_space<vmem>>, vector<1x1xf32>
    %get3A_2 = vector.extract %get3A_1[0, 0] : f32 from vector<1x1xf32>
    %get3A_3 = arith.constant 0 : index
    %get3A_4 = arith.constant 1 : index
    %get3A_5 = vector.load %arg2[%get3A_3, %get3A_4] : memref<2x16xf32, #tpu.memory_space<vmem>>, vector<1x1xf32>
    %get3A_6 = vector.extract %get3A_5[0, 0] : f32 from vector<1x1xf32>
    %get3A_7 = arith.constant 1 : index
    %get3A_8 = arith.constant 0 : index
    %get3A_9 = vector.load %arg2[%get3A_7, %get3A_8] : memref<2x16xf32, #tpu.memory_space<vmem>>, vector<1x1xf32>
    %get3A_10 = vector.extract %get3A_9[0, 0] : f32 from vector<1x1xf32>
    %get3A_11 = arith.constant 1 : index
    %get3A_12 = arith.constant 1 : index
    %get3A_13 = vector.load %arg2[%get3A_11, %get3A_12] : memref<2x16xf32, #tpu.memory_space<vmem>>, vector<1x1xf32>
    %get3A_14 = vector.extract %get3A_13[0, 0] : f32 from vector<1x1xf32>
    %max3A = arith.maximumf %get3A_6, %get3A_14 : f32
    %sub3A = arith.subf %get3A_6, %max3A : f32
    %exp3A = math.exp %sub3A : f32
    %sub3A_15 = arith.subf %get3A_14, %max3A : f32
    %exp3A_16 = math.exp %sub3A_15 : f32
    %mul3A = arith.mulf %exp3A, %get3A_2 : f32
    %mul3A_17 = arith.mulf %exp3A_16, %get3A_10 : f32
    %add3A = arith.addf %mul3A, %mul3A_17 : f32
    %get3A_18 = arith.constant 0 : index
    %get3A_19 = arith.constant 0 : index
    %get3A_20 = vector.load %arg1[%get3A_18, %get3A_19] : memref<2x128xf32, #tpu.memory_space<vmem>>, vector<1x128xf32>
    %mul3A_21 = vector.broadcast %exp3A : f32 to vector<1x128xf32>
    %mul3A_22 = arith.mulf %mul3A_21, %get3A_20 : vector<1x128xf32>
    %get3A_23 = arith.constant 1 : index
    %get3A_24 = arith.constant 0 : index
    %get3A_25 = vector.load %arg1[%get3A_23, %get3A_24] : memref<2x128xf32, #tpu.memory_space<vmem>>, vector<1x128xf32>
    %mul3A_26 = vector.broadcast %exp3A_16 : f32 to vector<1x128xf32>
    %mul3A_27 = arith.mulf %mul3A_26, %get3A_25 : vector<1x128xf32>
    %add3A_28 = arith.addf %mul3A_22, %mul3A_27 : vector<1x128xf32>
    %div3A = vector.broadcast %add3A : f32 to vector<1x128xf32>
    %div3A_29 = arith.divf %add3A_28, %div3A : vector<1x128xf32>
    %swap3A = arith.constant 0 : index
    %swap3A_30 = arith.constant 0 : index
    %swap3A_31 = vector.load %arg5[%swap3A, %swap3A_30] : memref<1x128xf32, #tpu.memory_space<vmem>>, vector<1x128xf32>
    tpu.vector_store %arg5[%swap3A, %swap3A_30], %div3A_29 {strides = array<i32>} : memref<1x128xf32, #tpu.memory_space<vmem>>, vector<1x128xf32>,
    %get3A_32 = arith.constant 0 : index
    %get3A_33 = memref.load %arg3[%get3A_32] : memref<1xi32, #tpu.memory_space<smem>>
    %dma_start3A = arith.constant 0 : i32
    %dma_start3A_34 = tpu.memref_slice %arg4[%get3A_33, %dma_start3A] : memref<2048x128xf32, #tpu.memory_space<any>> -> memref<1x128xf32, #tpu.memory_space<any>>
    tpu.enqueue_dma source(%arg5 : memref<1x128xf32, #tpu.memory_space<vmem>>) target(%dma_start3A_34 : memref<1x128xf32, #tpu.memory_space<any>>) target_semaphore(%arg6 : memref<!tpu.dma_semaphore, #tpu.memory_space<semaphore_mem>>)
    %dma_wait3A = arith.constant 0 : i32
    %dma_wait3A_35 = tpu.memref_slice %arg4[%get3A_33, %dma_wait3A] : memref<2048x128xf32, #tpu.memory_space<any>> -> memref<1x128xf32, #tpu.memory_space<any>>
    tpu.wait_dma2 semaphore(%arg6 : memref<!tpu.dma_semaphore, #tpu.memory_space<semaphore_mem>>) src(%arg5 : memref<1x128xf32, #tpu.memory_space<vmem>>) dst(%dma_wait3A_35 : memref<1x128xf32, #tpu.memory_space<any>>)
    return
  }
}

</mosaic_0001>

<sc_bundles>
// kernel: kernel.4.cloned.1.call-start
scs
__scs_entry_jumppad:
0x0: {  	(pc) =	sbr.rel $0x88, $3  }
0x1: {  	(tag) =	ssettag $0x0;
	lr =	simm.s32 $0x1  }
0x2: {  	[smem:$0x3F9A] =	sst lr;
	_ =	strace $0xD0000000  }
0x3: {  	_ = 	snop  }
0x4: {  	_ = 	snop  }
0x5: {  	_ = 	snop  }
0x6: {  	_ = 	snop  }
0x7: {  	_ = 	snop  }
__scs_overlays_trampoline_lowered:
0x8: {  	[smem:$0x3FA9] =	sst s0  }
0x9: {  	[smem:$0x3FAA] =	sst s1  }
0xa: {  	[smem:$0x3FAB] =	sst s2  }
0xb: {  	[smem:$0x3FAC] =	sst s3  }
0xc: {  	[smem:$0x3FAD] =	sst s4  }
0xd: {  	[smem:$0x3FAE] =	sst s5  }
0xe: {  	[smem:$0x3FAF] =	sst s6  }
0xf: {  	[smem:$0x3FB0] =	sst s7  }
0x10: {  	[smem:$0x3FB1] =	sst s8  }
0x11: {  	[smem:$0x3FB2] =	sst s9;
	s0 =	simm.s32 @!p0 $0x0  }
0x12: {  	s1 =	sld [smem:$0x3F98];
	s0 =	simm.s32 @p0 $0x1  }
0x13: {  	[smem:$0x3FB3] =	sst s0;
	s0 =	simm.s32 @!p1 $0x0  }
0x14: {  	s2 =	sld [smem:$0x3F97];
	s0 =	simm.s32 @p1 $0x1  }
0x15: {  	[smem:$0x3FB4] =	sst s0;
	s0 =	simm.s32 @!p2 $0x0  }
0x16: {  	s3 =	sld [smem:$0x3FDB];
	s0 =	simm.s32 @p2 $0x1  }
0x17: {  	s4 =	simm.s32 $0x1BF5;
	[smem:$0x3FB6] =	sst s0  }
0x18: {  	s0 =	sld [smem:$0x3F99];
	_ =	swait.ge [sflag:s4], $0x0  }
0x19: {  	s7 =	sld [smem:$0x3F9A]  }
0x1a: {  	s8 =	sadd.s32 $0xFFFFE003, lr  }
0x1b: {  	s9 =	sadd.s32 $0xFFFFFEF7, lr;
	s5 =	simm.s32 $0xFFFFFFFF;
	p2 =	slt.u32 s8, $0xFFFFF086  }
0x1c: {  	p1 =	slt.u32 s9, $0xF7A;
	s5 =	simm.s32 @!p2 $0x0  }
0x1d: {  	s5 =	simm.s32 @p1 $0x1;
	p0 =	seq.s32 s7, s2  }
0x1e: {  	s7 =	smul.u32 @!p0 $0xF7A, s2;
	p2 =	seq.s32 @!p0 s5, $0x0  }
0x1f: {  	s9 =	smul.u32 $0xF7A, s1;
	s8 =	simm.s32 @!p0 $0x1BF5;
	p2 =	por !p2, p0  }
0x20: {  	[sflag:s8] =	ssyncset.s32 @!p0 $0xFFFFF086;
	s6 =	sadd.s32 @!p0 s3, s7;
	s7 =	simm.s32 @!p0 $0x108  }
0x21: {  	s3 =	sadd.s32 s3, s9;
	s6 =	sadd.s32 @!p0 $0x88, s6;
	s7 =	simm.s32 @p2 $0x1082  }
0x22: {  	[simem:s7], [sflag:s8] =	dma.local @!p0 [hbm:s6], $0xF7A  }
0x23: {  	s9 =	sor.u32 $0xD0000000, s2;
	s6 =	simm.s32 $0x108;
	_ =	swait.ge @!p0 [sflag:s8], $0x0  }
0x24: {  	s3 =	sadd.s32 $0x88, s3;
	s6 =	simm.s32 @!p1 $0x1082;
	[sflag:s4] =	ssyncset.s32 $0xFFFFF086  }
0x25: {  	[simem:s6], [sflag:s4] =	dma.local [hbm:s3], $0xF7A  }
0x26: {  	[smem:$0x3F9A] =	sst s1;
	(tag) =	ssettag s2;
	_ =	strace s9  }
0x27: {  	s1 =	sld [smem:$0x3FAA]  }
0x28: {  	s2 =	sld [smem:$0x3FAB]  }
0x29: {  	s4 =	sld [smem:$0x3FAD]  }
0x2a: {  	p0 =	seq.s32 s5, $0x0;
	s5 =	sld [smem:$0x3FAE]  }
0x2b: {  	s6 =	sld [smem:$0x3FAF]  }
0x2c: {  	s7 =	sld [smem:$0x3FB0]  }
0x2d: {  	s3 =	simm.s32 $0x108;
	s8 =	sld [smem:$0x3FB1]  }
0x2e: {  	s3 =	simm.s32 @!p0 $0x1082;
	s9 =	sld [smem:$0x3FB2]  }
0x2f: {  	lr =	sadd.s32 s0, s3;
	s0 =	sld [smem:$0x3FA9]  }
0x30: {  	s3 =	sld [smem:$0x3FAC]  }
0x31: {  	[smem:$0x3FB5] =	sst s10  }
0x32: {  	s10 =	sld [smem:$0x3FB3];
	_ =	sdelay $0x3  }
0x33: {  	p0 =	seq.s32 s10, $0x1;
	s10 =	sld [smem:$0x3FB5];
	_ =	sdelay $0x3  }
0x34: {  	[smem:$0x3FB5] =	sst s10  }
0x35: {  	s10 =	sld [smem:$0x3FB4];
	_ =	sdelay $0x3  }
0x36: {  	p1 =	seq.s32 s10, $0x1;
	s10 =	sld [smem:$0x3FB5];
	_ =	sdelay $0x3  }
0x37: {  	[smem:$0x3FB5] =	sst s10  }
0x38: {  	s10 =	sld [smem:$0x3FB6]  }
0x39: {  	_ = 	snop;
	(pc) =	sbr.ind lr, $3  }
0x3a: {  	_ = 	snop  }
0x3b: {  	_ = 	snop  }
0x3c: {  	p2 =	seq.s32 s10, $0x1;
	s10 =	sld [smem:$0x3FB5]  }
0x3d: {  	_ =	shalt  }
0x3e: {  	_ =	shalt  }
0x3f: {  	_ =	shalt  }
0x40: {  	_ =	shalt  }
0x41: {  	_ =	shalt  }
0x42: {  	_ =	shalt  }
0x43: {  	_ =	shalt  }
0x44: {  	_ =	shalt  }
0x45: {  	_ =	shalt  }
0x46: {  	_ =	shalt  }
0x47: {  	_ =	shalt  }
0x48: {  	_ =	shalt  }
0x49: {  	_ =	shalt  }
0x4a: {  	_ =	shalt  }
0x4b: {  	_ =	shalt  }
0x4c: {  	_ =	shalt  }
0x4d: {  	_ =	shalt  }
0x4e: {  	_ =	shalt  }
0x4f: {  	_ =	shalt  }
0x50: {  	_ =	shalt  }
0x51: {  	_ =	shalt  }
0x52: {  	_ =	shalt  }
0x53: {  	_ =	shalt  }
0x54: {  	_ =	shalt  }
0x55: {  	_ =	shalt  }
0x56: {  	_ =	shalt  }
0x57: {  	_ =	shalt  }
0x58: {  	_ =	shalt  }
0x59: {  	_ =	shalt  }
0x5a: {  	_ =	shalt  }
0x5b: {  	_ =	shalt  }
0x5c: {  	_ =	shalt  }
0x5d: {  	_ =	shalt  }
0x5e: {  	_ =	shalt  }
0x5f: {  	_ =	shalt  }
0x60: {  	_ =	shalt  }
0x61: {  	_ =	shalt  }
0x62: {  	_ =	shalt  }
0x63: {  	_ =	shalt  }
0x64: {  	_ =	shalt  }
0x65: {  	_ =	shalt  }
0x66: {  	_ =	shalt  }
0x67: {  	_ =	shalt  }
0x68: {  	_ =	shalt  }
0x69: {  	_ =	shalt  }
0x6a: {  	_ =	shalt  }
0x6b: {  	_ =	shalt  }
0x6c: {  	_ =	shalt  }
0x6d: {  	_ =	shalt  }
0x6e: {  	_ =	shalt  }
0x6f: {  	_ =	shalt  }
0x70: {  	_ =	shalt  }
0x71: {  	_ =	shalt  }
0x72: {  	_ =	shalt  }
0x73: {  	_ =	shalt  }
0x74: {  	_ =	shalt  }
0x75: {  	_ =	shalt  }
0x76: {  	_ =	shalt  }
0x77: {  	_ =	shalt  }
0x78: {  	_ =	shalt  }
0x79: {  	_ =	shalt  }
0x7a: {  	_ =	shalt  }
0x7b: {  	_ =	shalt  }
0x7c: {  	_ =	shalt  }
0x7d: {  	_ =	shalt  }
0x7e: {  	_ =	shalt  }
0x7f: {  	_ =	shalt  }
0x80: {  	_ =	shalt  }
0x81: {  	_ =	shalt  }
0x82: {  	_ =	shalt  }
0x83: {  	_ =	shalt  }
0x84: {  	_ =	shalt  }
0x85: {  	_ =	shalt  }
0x86: {  	_ =	shalt  }
0x87: {  	_ =	shalt  }
.Lfunc_end0:
.L_simem_size_0:
called_computation_lowered:
.L_overlay_start_0:
0x88: {  	s2 =	sld [smem:$0x3FD9]  }
0x89: {  	s3 =	sld [smem:$0x3FFE];
	_ =	sdelay $0x1  }
0x8a: {  	s1 =	srdreg.scid  }
0x8b: {  	s0 =	sand.u32 $0x1, s1  }
0x8c: {  	s14 =	sshll.u32 s0, $0xA;
	s2 =	sadd.s32 s3, s2  }
0x8d: {  	s2 =	sadd.s32 s2, s14  }
0x8e: {  	[smem:$0x3FC1] =	sst s2  }
0x8f: {  	_ = 	snop  }
0x90: {  	s2 =	sld [smem:$0x3FC9]  }
0x91: {  	s15 =	sld [smem:$0x3FD0]  }
0x92: {  	s4 =	sld [smem:$0x3FC6]  }
0x93: {  	s5 =	sld [smem:$0x3FC5]  }
0x94: {  	s7 =	simm.s32 $0xA;
	s8 =	simm.s32 $0x10;
	s6 =	sld [smem:$0x3FC4]  }
0x95: {  	[smem:s8], [sflag:s7] =	dma.local [hbm:s15], $0x1  }
0x96: {  	_ =	swait.eq [sflag:s7], $0x1  }
0x97: {  	[sflag:s7] =	ssyncset.done $0x0  }
0x98: {  	s16 =	sld [smem:$0x10];
	[sflag:s7] =	ssyncadd.s32 $0xFFFFFFFF  }
0x99: {  	s17 =	sld [smem:$0x11];
	(tm) =	ssettm $0x1  }
0x9a: {  	s18 =	sld [smem:$0x3FFB];
	_ =	sdelay $0x3  }
0x9b: {  	_ =	strace s18  }
0x9c: {  	s8 =	sld [smem:$0x3FFC];
	_ =	sdelay $0x3  }
0x9d: {  	_ =	strace s8  }
0x9e: {  	s8 =	sld [smem:$0x3FFD];
	_ =	sdelay $0x3  }
0x9f: {  	_ =	strace s8  }
0xa0: {  	_ =	strace $0x8FFFFFFF  }
0xa1: {  	s19 =	sld [smem:$0x3FDB];
	_ =	sdelay $0x1  }
0xa2: {  	s9 =	simm.s32 $_scs_section_size  }
0xa3: {  	s10 =	simm.s32 $_size__tile_overlayer_lowered;
	s11 =	simm.s32 $_tile_overlayer_lowered  }
0xa4: {  	s22 =	simm.s32 $0x1BFF;
	s21 =	sshll.u32 s11, $0x1;
	s8 =	sadd.s32 s9, s19  }
0xa5: {  	s12 =	simm.s32 $0x0;
	s20 =	sshll.u32 s10, $0x1;
	s10 =	sadd.s32 s21, s8  }
0xa6: {  	[timem:s12], [sflag:s22] =	dma.local [hbm:s10], s20  }
0xa7: {  	_ =	swait.ge [sflag:s22], s20  }
0xa8: {  	s9 =	ssub.s32 $0x0, s20;
	[sflag:s22] =	ssyncset.done $0x0  }
0xa9: {  	[sflag:s22] =	ssyncadd.s32 s9;
	_ =	sdelay $0x1  }
0xaa: {  	s23 =	simm.s32 $0x1B8B  }
0xab: {  	_ =	swait.ge [sflag:s23], $0x1  }
0xac: {  	[sflag:s23] =	ssyncset.done $0x0  }
0xad: {  	s25 =	simm.s32 $0x1B8E;
	s24 =	sld [smem:$0x3FFE];
	[sflag:s23] =	ssyncadd.s32 $0xFFFFFFFF  }
0xae: {  	s26 =	simm.s32 $execute0_lowered;
	[smem:$0x3FD2] =	sst s25  }
0xaf: {  	s10 =	sshll.u32 s26, $0x1;
	_ =	strace $0x80000046;
	[dreg:$0x1] =	wrdreg $0xFFFFFFFF  }
0xb0: {  	s28 =	simm.s32 $_size_execute0_lowered;
	s8 =	sadd.s32 s8, s10;
	[dreg:$0x0] =	wrdreg $0x0  }
0xb1: {  	s10 =	sshll.u32 s28, $0x1;
	[dreg:$0x2] =	wrdreg s8  }
0xb2: {  	[dreg:$0x3] =	wrdreg s10  }
0xb3: {  	[dreg:$0x4] =	wrdreg $0xC0  }
0xb4: {  	_ =	task [dreg:s12], $0x5FFFF  }
0xb5: {  	[dreg:$0x1] =	wrdreg $0xFFFFFFFF  }
0xb6: {  	[dreg:$0x0] =	wrdreg $0x60  }
0xb7: {  	[dreg:$0x2] =	wrdreg s4  }
0xb8: {  	[dreg:$0x3] =	wrdreg s2  }
0xb9: {  	[dreg:$0x4] =	wrdreg s5  }
0xba: {  	[dreg:$0x5] =	wrdreg s6  }
0xbb: {  	[dreg:$0x6] =	wrdreg s16  }
0xbc: {  	[dreg:$0x7] =	wrdreg s17  }
0xbd: {  	[dreg:$0x8] =	wrdreg s24  }
0xbe: {  	[dreg:$0x9] =	wrdreg $0x1D2800  }
0xbf: {  	[dreg:$0xa] =	wrdreg $0x1D3000  }
0xc0: {  	[dreg:$0xb] =	wrdreg $0x9  }
0xc1: {  	_ =	task.clear_ibuf [dreg:s12], $0xCFFFF;
	_ =	strace $0x90000046  }
0xc2: {  	s29 =	simm.s32 $0x9;
	_ =	strace $0x80000048  }
0xc3: {  	_ =	swait.ge [sflag:s29], $0x1  }
0xc4: {  	[sflag:s29] =	ssyncadd.s32 $0xFFFFFFFF  }
0xc5: {  	_ =	strace $0x90000048  }
0xc6: {  	_ =	sfence  }
0xc7: {  	s30 =	sld [smem:$0x0];
	_ =	sdelay $0x2  }
0xc8: {  	s31 =	sshll.u32 s1, $0xD;
	s1 =	sshrl.u32 s1, $0x2  }
0xc9: {  	s3 =	sand.u32 $0x4000, s31;
	s1 =	sadd.s32 s1, s30  }
0xca: {  	s0 =	sor.u32 s3, s0;
	s1 =	sshll.u32 s1, $0x11  }
0xcb: {  	s0 =	sor.u32 s1, s0  }
0xcc: {  	s0 =	sadd.s32 $0x8F2B, s0  }
0xcd: {  	[sflag:s0] =	ssyncadd.remote.s32 $0x1  }
0xce: {  	_ =	sfence.sel $0xFFFF  }
0xcf: {  	[dreg:$0x0] =	wrdreg $0xFFFFFFFF;
	(pc) =	sbr.abs _section_cstart, $3  }
0xd0: {  	[dreg:$0x1] =	wrdreg $0xFFFFFFFF  }
0xd1: {  	_ =	task.clear_ibuf [dreg:s12], $0x2FFFF;
	_ =	strace $0x9FFFFFFF  }
0xd2: {  	(tm) =	ssettm $0x7FFFFFFF  }
0xd3: {  	_ =	shalt  }
tec
execute0_lowered:
.L_overlay_start_1:
0x0: {  	(tag) =	ssettag $0x1  }
0x1: {  	s0 =	rddreg [dreg:$0x0]  }
0x2: {  	s1 =	rddreg [dreg:$0x1]  }
0x3: {  	s2 =	rddreg [dreg:$0x2]  }
0x4: {  	s3 =	rddreg [dreg:$0x3]  }
0x5: {  	s14 =	rddreg [dreg:$0x4]  }
0x6: {  	s17 =	rddreg [dreg:$0x5]  }
0x7: {  	s5 =	rddreg [dreg:$0x6]  }
0x8: {  	s16 =	rddreg [dreg:$0x7]  }
0x9: {  	s23 =	rddreg [dreg:$0x8]  }
0xa: {  	s4 =	simm.s32 $0x0;
	s6 =	srdreg.scid;
	s22 =	stileid.u32  }
0xb: {  	s11 =	simm.s32 $0x7E;
	s28 =	simm.s32 $0x8;
	s30 =	simm.s32 $0x1C100  }
0xc: {  	[smem:$0x7FF] =	sst s4;
	s18 =	sand.u32 $0x1, s6;
	s12 =	smul.u32 $0xFC, s22  }
0xd: {  	s8 =	sshll.u32 s22, $0x6;
	p0 =	sne.s32 s22, $0xF;
	s24 =	smul.u32 $0x460, s22  }
0xe: {  	p3 =	seq.s32 s22, $0xF;
	s26 =	sshll.u32 s22, $0x7;
	_ =	strace $0x80000047  }
0xf: {  	s19 =	sshll.u32 s18, $0x4;
	s6 =	ssub.s32 $0x2, s18;
	s7 =	sshll.u32 s18, $0xA  }
0x10: {  	p2 =	seq.s32 s18, $0x0;
	p1 =	seq.s32 s18, $0x1;
	s9 =	sshrl.u32 s6, $0x1  }
0x11: {  	s15 =	sor.u32 s8, s7;
	s20 =	sadd.s32 s19, s5;
	s7 =	sadd.s32 s3, s12  }
0x12: {  	p0 =	por !p0, !p1;
	p1 =	por !p3, !p1;
	s8 =	sadd.s32 $0x17F4, s2  }
0x13: {  	s11 =	simm.s32 @!p2 $0x46;
	s29 =	sadd.s32 s17, s19;
	s21 =	ssub.s32 s6, s9  }
0x14: {  	s13 =	sshrl.u32 s15, $0x3;
	s6 =	sadd.s32 s2, s12;
	p0 =	por !p0, !p0  }
0x15: {  	p1 =	por !p1, !p1;
	s9 =	sadd.s32 $0x17F4, s3;
	s25 =	sshll.u32 s15, $0x4  }
0x16: {  	s15 =	sadd.s32 s26, s16;
	s16 =	sadd.s32 s26, s23;
	[dreg:$0xa] =	wrdreg s29  }
0x17: {  	s31 =	sadd.s32 $0xE00, s20;
	s20 =	sadd.s32 $0xFFFFFFFF, s11;
	s23 =	simm.s32 $0x80  }
0x18: {  	s5 =	sadd.s32 s1, s13;
	s1 =	sshrl.u32 s24, $0x3;
	s13 =	simm.s32 $0x12  }
.Ltmp0:
0x19: {  	v0 =	vlaneseq.u32;
	s14 =	sadd.s32 s14, s25;
	[dreg:$0xb] =	wrdreg s31;
	(pc) =	sbr.rel .LBB2_1-.Ltmp0, $4  }
0x1a: {  	v0 =	vmul.u32 $0x80, v0;
	s19 =	smax.u32 s21, $0x1;
	s21 =	simm.s32 $0x9;
	p3 =	por !p1, p0  }
0x1b: {  	s24 =	simm.s32 $0x70;
	p1 =	sne.s32 s22, $0x0;
	s1 =	sadd.s32 $0xFC0, s1  }
0x1c: {  	[tilespmem:$0x1FFE0] =	vst v0;
	v0 =	vor.u32 $0x1, v0;
	s13 =	simm.s32 @!p2 $0xA;
	p2 =	sne.s32 s18, $0x0;
	s10 =	sadd.s32 s2, s1  }
0x1d: {  	vm0 =	vcmask $0x704;
	vm1 =	vcmask $0x3F04;
	vm2 =	vcmask $0x3F08;
	[tilespmem:$0x1FFF0] =	vst v0;
	s12 =	sadd.s32 s3, s1;
	s1 =	simm.s32 $0x1C180;
	s2 =	simm.s32 $0x0  }
.LBB2_16:
0x1e: {  	s2 =	sadd.s32 $0x1, s2  }
0x1f: {  	p4 =	sne.s32 s2, s19  }
.Ltmp1:
0x20: {  	_ = 	snop;
	(pc) =	sbr.rel @!p4 .LBB2_17-.Ltmp1, $1  }
0x21: {  	_ =	sdelay $0x3  }
.LBB2_1:
0x22: {  	[tilespmem:s4], [sflag:$0x9] =	stream.linear.gather [hbm4b:s5+s4], $0x40, $0x38;
	[tilespmem:$0x1D310] =	vst v63  }
0x23: {  	_ =	swait.ge [sflag:s21], $0x40  }
0x24: {  	[sflag:s21] =	ssyncset.done $0x0  }
0x25: {  	s3 =	simm.s32 $0x40;
	[sflag:s21] =	ssyncadd.s32 $0xFFFFFFC0  }
0x26: {  	[tilespmem:s23], [sflag:$0x8] =	stream.indirect.gather [hbm4b:s0+s3], $0x80, s4, s3, $0xb8;
	[tilespmem:$0x1D310] =	vst v63  }
0x27: {  	s17 =	simm.s32 @!p2 $0x2080;
	s3 =	simm.s32 @!p2 $0x0  }
0x28: {  	[tilespmem:s17], [sflag:$0x9] =	stream.linear.gather @!p2 [hbm4b:s6+s3], $0x7E0, $0x38;
	[tilespmem:$0x1D310] =	vst v63  }
0x29: {  	s17 =	simm.s32 @!p2 $0x9  }
0x2a: {  	_ =	swait.ge @!p2 [sflag:s17], $0x7E0  }
0x2b: {  	[sflag:s17] =	ssyncset.done @!p2 $0x0  }
0x2c: {  	s18 =	simm.s32 @!p2 $0x2880;
	[sflag:s17] =	ssyncadd.s32 @!p2 $0xFFFFF820  }
0x2d: {  	[tilespmem:s18], [sflag:$0x9] =	stream.linear.gather @!p2 [hbm4b:s7+s3], $0x7E0, $0x38;
	[tilespmem:$0x1D310] =	vst v63  }
0x2e: {  	_ =	swait.ge @!p2 [sflag:s17], $0x7E0  }
0x2f: {  	[sflag:s17] =	ssyncset.done @!p2 $0x0  }
0x30: {  	s3 =	simm.s32 @!p3 $0x0;
	[sflag:s17] =	ssyncadd.s32 @!p2 $0xFFFFF820;
	s17 =	simm.s32 @!p3 $0x2080  }
0x31: {  	[tilespmem:s17], [sflag:$0x9] =	stream.linear.gather @!p3 [hbm4b:s8+s3], $0x3B0, $0x38;
	[tilespmem:$0x1D310] =	vst v63  }
0x32: {  	s17 =	simm.s32 @!p3 $0x9  }
0x33: {  	_ =	swait.ge @!p3 [sflag:s17], $0x3B0  }
0x34: {  	[sflag:s17] =	ssyncset.done @!p3 $0x0  }
0x35: {  	s18 =	simm.s32 @!p3 $0x2880;
	[sflag:s17] =	ssyncadd.s32 @!p3 $0xFFFFFC50  }
0x36: {  	[tilespmem:s18], [sflag:$0x9] =	stream.linear.gather @!p3 [hbm4b:s9+s3], $0x3B0, $0x38;
	[tilespmem:$0x1D310] =	vst v63  }
0x37: {  	_ =	swait.ge @!p3 [sflag:s17], $0x3B0  }
0x38: {  	[sflag:s17] =	ssyncset.done @!p3 $0x0  }
0x39: {  	v0 =	vimm.s32 @!p3 $0x0;
	[sflag:s17] =	ssyncadd.s32 @!p3 $0xFFFFFC50  }
0x3a: {  	v1 =	vimm.f32 @!p3 $-1.000000020e+30;
	[tilespmem:$0x2430] =	vst @!p3 v0  }
0x3b: {  	[tilespmem:$0x2C30] =	vst @!p3 v1  }
0x3c: {  	[tilespmem:$0x2440] =	vst @!p3 v0  }
0x3d: {  	[tilespmem:$0x2C40] =	vst @!p3 v1  }
0x3e: {  	[tilespmem:$0x2450] =	vst @!p3 v0  }
0x3f: {  	[tilespmem:$0x2C50] =	vst @!p3 v1  }
0x40: {  	[tilespmem:$0x2460] =	vst @!p3 v0  }
0x41: {  	[tilespmem:$0x2C60] =	vst @!p3 v1  }
0x42: {  	[tilespmem:$0x2470] =	vst @!p3 v0  }
0x43: {  	[tilespmem:$0x2C70] =	vst @!p3 v1  }
0x44: {  	[tilespmem:$0x2480] =	vst @!p3 v0  }
0x45: {  	[tilespmem:$0x2C80] =	vst @!p3 v1  }
0x46: {  	[tilespmem:$0x2490] =	vst @!p3 v0  }
0x47: {  	[tilespmem:$0x2C90] =	vst @!p3 v1  }
0x48: {  	[tilespmem:$0x24A0] =	vst @!p3 v0  }
0x49: {  	[tilespmem:$0x2CA0] =	vst @!p3 v1  }
0x4a: {  	[tilespmem:$0x24B0] =	vst @!p3 v0  }
0x4b: {  	[tilespmem:$0x2CB0] =	vst @!p3 v1  }
0x4c: {  	[tilespmem:$0x24C0] =	vst @!p3 v0  }
0x4d: {  	[tilespmem:$0x2CC0] =	vst @!p3 v1  }
0x4e: {  	[tilespmem:$0x24D0] =	vst @!p3 v0  }
0x4f: {  	s3 =	simm.s32 @p0 $0x0;
	s17 =	simm.s32 @p0 $0x2080;
	[tilespmem:$0x2CD0] =	vst @!p3 v1  }
0x50: {  	[tilespmem:s17], [sflag:$0x9] =	stream.linear.gather @p0 [hbm4b:s10+s3], $0x460, $0x38;
	[tilespmem:$0x1D310] =	vst v63  }
0x51: {  	s17 =	simm.s32 @p0 $0x9  }
0x52: {  	_ =	swait.ge @p0 [sflag:s17], $0x460  }
0x53: {  	[sflag:s17] =	ssyncset.done @p0 $0x0  }
0x54: {  	s18 =	simm.s32 @p0 $0x2880;
	[sflag:s17] =	ssyncadd.s32 @p0 $0xFFFFFBA0  }
0x55: {  	[tilespmem:s18], [sflag:$0x9] =	stream.linear.gather @p0 [hbm4b:s12+s3], $0x460, $0x38;
	[tilespmem:$0x1D310] =	vst v63  }
0x56: {  	_ =	swait.ge @p0 [sflag:s17], $0x460  }
0x57: {  	[sflag:s17] =	ssyncset.done @p0 $0x0  }
0x58: {  	s29 =	simm.s32 $0x2080;
	s31 =	simm.s32 $0x3880;
	[sflag:s17] =	ssyncadd.s32 @p0 $0xFFFFFBA0  }
0x59: {  	[tilespmem:s31], [sflag:$0x1] =	stream.indirect.gather [hbm4b:s0+s24], $0x80, s29, s24, $0xb8;
	[tilespmem:$0x1D310] =	vst v63  }
0x5a: {  	s22 =	simm.s32 $0x7080;
	s18 =	simm.s32 $0x20F0  }
0x5b: {  	[tilespmem:s22], [sflag:$0x2] =	stream.indirect.gather [hbm4b:s0+s24], $0x80, s18, s24, $0xb8;
	[tilespmem:$0x1D310] =	vst v63  }
0x5c: {  	s25 =	simm.s32 $0x2160;
	s26 =	simm.s32 $0xA880  }
0x5d: {  	[tilespmem:s26], [sflag:$0x3] =	stream.indirect.gather [hbm4b:s0+s24], $0x80, s25, s24, $0xb8;
	[tilespmem:$0x1D310] =	vst v63  }
0x5e: {  	s29 =	simm.s32 $0x21D0;
	s31 =	simm.s32 $0xE080  }
0x5f: {  	[tilespmem:s31], [sflag:$0x4] =	stream.indirect.gather [hbm4b:s0+s24], $0x80, s29, s24, $0xb8;
	[tilespmem:$0x1D310] =	vst v63  }
0x60: {  	s18 =	simm.s32 $0x2240;
	s22 =	simm.s32 $0x11880  }
0x61: {  	[tilespmem:s22], [sflag:$0x5] =	stream.indirect.gather [hbm4b:s0+s24], $0x80, s18, s24, $0xb8;
	[tilespmem:$0x1D310] =	vst v63  }
0x62: {  	p5 =	sne.s32 s20, $0x1;
	s25 =	simm.s32 $0x22B0;
	s26 =	simm.s32 $0x15080  }
0x63: {  	[tilespmem:s26], [sflag:$0x6] =	stream.indirect.gather [hbm4b:s0+s24], $0x80, s25, s24, $0xb8;
	[tilespmem:$0x1D310] =	vst v63  }
.Ltmp2:
0x64: {  	_ = 	snop;
	(pc) =	sbr.rel @!p5 .LBB2_3-.Ltmp2, $4  }
0x65: {  	s29 =	simm.s32 $0x2320;
	s31 =	simm.s32 $0x18880  }
0x66: {  	[tilespmem:s31], [sflag:$0x7] =	stream.indirect.gather [hbm4b:s0+s24], $0x80, s29, s24, $0xb8;
	[tilespmem:$0x1D310] =	vst v63  }
0x67: {  	s3 =	simm.s32 $0x2890;
	v0 =	vld [tilespmem:$0x2880]  }
0x68: {  	s17 =	sadd.s32 $0xFFFFFFFF, s20;
	v1 =	vld [tilespmem:s3+$0x0]  }
.LBB2_2:
0x69: {  	p4 =	sne.s32 s17, $0x1  }
.Ltmp3:
0x6a: {  	_ = 	snop;
	(pc) =	sbr.rel @p4 .LBB2_2-.Ltmp3, $3  }
0x6b: {  	_ =	sdelay $0x1  }
0x6c: {  	s17 =	sadd.s32 $0xFFFFFFFF, s17;
	s3 =	sadd.s32 $0x10, s3;
	v0 =	vmax.f32 v0, v1  }
0x6d: {  	v1 =	vld [tilespmem:s3+$0x0]  }
.LBB2_3:
0x6e: {  	_ =	sdelay $0x3  }
0x6f: {  	v0 =	vmax.f32 v0, v1  }
0x70: {  	(xrf0) =	vmax.scan.msk.f32 $0xffff, v0;
	_ =	sdelay $0x1  }
0x71: {  	p6 =	sne.s32 s11, $0x1  }
.Ltmp4:
0x72: {  	_ = 	snop;
	(pc) =	sbr.rel @!p6 .LBB2_4-.Ltmp4, $3  }
0x73: {  	_ =	sdelay $0x1  }
0x74: {  	s17 =	simm.s32 $0x2880;
	v0, _, _ =	vpop (xrf0)  }
0x75: {  	v3 =	vimm.f32 $0.0e+00;
	s3 =	simm.s32 $0x3080;
	p4 =	por $0x0, $0x0;
	v1 =	vld [tilespmem:s17+$0x0];
	v2 =	vbroadcast v0, $0xF  }
0x76: {  	_ =	sdelay $0x3  }
0x77: {  	v0 =	vsub.f32 v1, v2;
	_ =	sdelay $0x1  }
0x78: {  	v0 =	vmul.f32 $1.442695020e+00, v0;
	_ =	sdelay $0x1  }
0x79: {  	(erf) = vpow2.f32 v0;
	_ =	sdelay $0x6  }
.Ltmp5:
0x7a: {  	_ = 	snop;
	(pc) =	sbr.rel @!p5 .LBB2_6-.Ltmp5, $4  }
0x7b: {  	_ = 	snop  }
0x7c: {  	v0 =	vpop (erf)  }
0x7d: {  	s18 =	simm.s32 $0x2890;
	[tilespmem:s3+$0x0] =	vst v0  }
0x7e: {  	s22 =	sadd.s32 $0xFFFFFFFF, s20;
	p4 =	por $0x1, $0x1;
	s17 =	simm.s32 $0x3080;
	v0 =	vadd.f32 v0, v3;
	v1 =	vld [tilespmem:s18+$0x0]  }
.LBB2_7:
0x7f: {  	p5 =	sne.s32 s22, $0x1;
	_ =	sdelay $0x3  }
0x80: {  	v1 =	vsub.f32 v1, v2;
	_ =	sdelay $0x1  }
0x81: {  	v1 =	vmul.f32 $1.442695020e+00, v1;
	_ =	sdelay $0x1  }
0x82: {  	(erf) = vpow2.f32 v1;
	_ =	sdelay $0x6  }
.Ltmp6:
0x83: {  	(pc) =	sbr.rel @p5 .LBB2_7-.Ltmp6, $4  }
0x84: {  	_ = 	snop  }
0x85: {  	s17 =	sadd.s32 $0x10, s17;
	v1 =	vpop (erf)  }
0x86: {  	s18 =	sadd.s32 $0x10, s18;
	[tilespmem:s17+$0x0] =	vst v1;
	v0 =	vadd.f32 v1, v0  }
0x87: {  	s22 =	sadd.s32 $0xFFFFFFFF, s22;
	v1 =	vld [tilespmem:s18+$0x0]  }
.LBB2_8:
0x88: {  	_ =	sdelay $0x3  }
0x89: {  	v1 =	vsub.f32 v1, v2;
	_ =	sdelay $0x1  }
0x8a: {  	v1 =	vmul.f32 $1.442695020e+00, v1;
	_ =	sdelay $0x1  }
0x8b: {  	(erf) = vpow2.f32 v1;
	_ =	sdelay $0x8  }
0x8c: {  	[tilespmem:$0x1FFC0] =	vst v2;
	s17 =	sadd.s32 @p4 $0x10, s17;
	s18 =	simm.s32 $0x3080;
	v2 =	vpop (erf)  }
0x8d: {  	v6 =	vimm.f32 $0.0e+00;
	s18 =	smov.u32 @p4 s17;
	v0 =	vadd.f32 v2, v0  }
0x8e: {  	v7 =	vimm.f32 $0.0e+00;
	v10 =	vimm.f32 $0.0e+00;
	v37 =	vimm.f32 $0.0e+00;
	[tilespmem:s18+$0x0] =	vst v2  }
0x8f: {  	v39 =	vimm.f32 $0.0e+00;
	v43 =	vimm.f32 $0.0e+00;
	s17 =	simm.s32 $0x0;
	v1 =	vimm.f32 $0.0e+00;
	s18 =	simm.s32 $0x3880;
	[tilespmem:$0x1FFD0] =	vst v0  }
.LBB2_9:
0x90: {  	s22 =	smulhi.u32 $0x24924925, s17;
	_ =	sdelay $0x1  }
0x91: {  	s25 =	ssub.s32 s17, s22  }
0x92: {  	s25 =	sshrl.u32 s25, $0x1  }
0x93: {  	s22 =	sadd.s32 s22, s25  }
0x94: {  	s22 =	sshrl.u32 s22, $0x2  }
0x95: {  	[tilespmem:$0x1FE80] =	vst v7;
	s26 =	smul.u32 $0x7, s22  }
0x96: {  	[tilespmem:$0x1FE90] =	vst v3  }
0x97: {  	[tilespmem:$0x1FEA0] =	vst v1;
	s26 =	ssub.s32 s17, s26  }
0x98: {  	[tilespmem:$0x1FEB0] =	vst v6;
	s31 =	smul.u32 $0xFFF9E000, s22;
	s22 =	sadd.s32 $0x1, s26  }
0x99: {  	_ =	swait.ge [sflag:s22], $0x3800  }
0x9a: {  	s25 =	sshra.s32 s31, $0x2;
	[sflag:s22] =	ssyncset.done $0x0  }
0x9b: {  	s25 =	sadd.s32 s25, s18;
	[sflag:s22] =	ssyncadd.s32 $0xFFFFC800  }
0x9c: {  	v18 =	vld [tilespmem:s25+$0x780]  }
0x9d: {  	v19 =	vld [tilespmem:s25+$0x790]  }
0x9e: {  	v38 =	vld [tilespmem:s25+$0x7A0]  }
0x9f: {  	v40 =	vld [tilespmem:s25+$0x7B0]  }
0xa0: {  	v44 =	vld [tilespmem:s25+$0x7C0]  }
0xa1: {  	v45 =	vld [tilespmem:s25+$0x7D0]  }
0xa2: {  	v0 =	vmov s3;
	v46 =	vld [tilespmem:s25+$0x700]  }
0xa3: {  	v53 =	vld [tilespmem:s25+$0x710]  }
0xa4: {  	v54 =	vld [tilespmem:s25+$0x720]  }
0xa5: {  	v55 =	vld [tilespmem:s25+$0x730]  }
0xa6: {  	s29 =	simm.s32 $0x0;
	v56 =	vld [tilespmem:s25+$0x740]  }
0xa7: {  	v29 =	vld.idx.msk [tilespmem:v0+s29+$0x0 ss:$0x1], $0xffff  }
0xa8: {  	[tilespmem:$0x1FEC0] =	vst v0;
	v0 =	vld [tilespmem:s25+$0x510]  }
0xa9: {  	v57 =	vld [tilespmem:s25+$0x750]  }
0xaa: {  	v58 =	vld [tilespmem:s25+$0x680]  }
0xab: {  	v59 =	vld [tilespmem:s25+$0x690]  }
0xac: {  	v60 =	vld [tilespmem:s25+$0x6A0]  }
0xad: {  	[tilespmem:$0x1FF70] =	vst v0;
	v0 =	vld [tilespmem:s25+$0x520]  }
0xae: {  	v16 =	vld [tilespmem:s25+$0x6B0]  }
0xaf: {  	v23 =	vld [tilespmem:s25+$0x6C0]  }
0xb0: {  	v24 =	vld [tilespmem:s25+$0x6D0]  }
0xb1: {  	v52 =	vld [tilespmem:s25+$0x600]  }
0xb2: {  	[tilespmem:$0x1FF90] =	vst v0;
	v0 =	vld [tilespmem:s25+$0x530]  }
0xb3: {  	v51 =	vld [tilespmem:s25+$0x610]  }
0xb4: {  	v27 =	vld [tilespmem:s25+$0x620]  }
0xb5: {  	v15 =	vld [tilespmem:s25+$0x630]  }
0xb6: {  	v14 =	vld [tilespmem:s25+$0x640]  }
0xb7: {  	[tilespmem:$0x1FFA0] =	vst v0;
	v0 =	vld [tilespmem:s25+$0x540]  }
0xb8: {  	v21 =	vld [tilespmem:s25+$0x80]  }
0xb9: {  	v25 =	vld [tilespmem:s25+$0x90]  }
0xba: {  	v22 =	vld [tilespmem:s25+$0x0]  }
0xbb: {  	v26 =	vld [tilespmem:s25+$0x10];
	v5 =	vbroadcast v29, $0xE  }
0xbc: {  	v4 =	vbroadcast v29, $0xF;
	v8 =	vbroadcast v29, $0xC;
	[tilespmem:$0x1FFB0] =	vst v0;
	v0 =	vld [tilespmem:s25+$0x4A0]  }
0xbd: {  	v61 =	vld [tilespmem:s25+$0x30];
	v6 =	vbroadcast v29, $0xD;
	v13 =	vbroadcast v29, $0xA  }
0xbe: {  	v30 =	vld [tilespmem:s25+$0x20];
	v11 =	vbroadcast v29, $0xB;
	v34 =	vbroadcast v29, $0x0  }
0xbf: {  	v28 =	vld [tilespmem:s25+$0x650];
	v20 =	vbroadcast v29, $0x8;
	v17 =	vbroadcast v29, $0x9  }
0xc0: {  	v63 =	vld [tilespmem:s25+$0xA0];
	v31 =	vbroadcast v29, $0x1;
	v62 =	vmul.f32 v22, v34  }
0xc1: {  	v22 =	vbroadcast v29, $0x6;
	v26 =	vmul.f32 v26, v34;
	[tilespmem:$0x1FF80] =	vst v0;
	v0 =	vld [tilespmem:s25+$0xB0]  }
0xc2: {  	v1 =	vmul.f32 v25, v31;
	v25 =	vmul.f32 v61, v34;
	v61 =	vld [tilespmem:s25+$0x100]  }
0xc3: {  	v2 =	vld [tilespmem:s25+$0x110];
	v43 =	vadd.f32 v62, v43;
	v62 =	vmul.f32 v21, v31;
	v21 =	vmul.f32 v30, v34  }
0xc4: {  	v3 =	vld [tilespmem:s25+$0x120];
	v39 =	vadd.f32 v26, v39;
	v26 =	vbroadcast v29, $0x4;
	v10 =	vadd.f32 v25, v10  }
0xc5: {  	v30 =	vbroadcast v29, $0x2;
	v43 =	vadd.f32 v62, v43;
	v62 =	vmul.f32 v63, v31;
	v63 =	vld [tilespmem:s25+$0x130]  }
0xc6: {  	v7 =	vadd.f32 v21, v37;
	v37 =	vmul.f32 v18, v4;
	v18 =	vld [tilespmem:s25+$0x180];
	v0 =	vmul.f32 v0, v31  }
0xc7: {  	v1 =	vadd.f32 v1, v39;
	v39 =	vmul.f32 v19, v4;
	v19 =	vmul.f32 v61, v30;
	v61 =	vld [tilespmem:s25+$0x190]  }
0xc8: {  	v25 =	vbroadcast v29, $0x5;
	v2 =	vmul.f32 v2, v30;
	v0 =	vadd.f32 v0, v10;
	v10 =	vld [tilespmem:s25+$0x1A0]  }
0xc9: {  	v21 =	vbroadcast v29, $0x7;
	v3 =	vmul.f32 v3, v30;
	v7 =	vadd.f32 v62, v7;
	v62 =	vld [tilespmem:s25+$0x1B0]  }
0xca: {  	v29 =	vbroadcast v29, $0x3;
	v1 =	vadd.f32 v2, v1;
	v2 =	vmul.f32 v63, v30;
	v63 =	vld [tilespmem:s25+$0x200]  }
0xcb: {  	v50 =	vld [tilespmem:s25+$0x580];
	v3 =	vadd.f32 v3, v7;
	v7 =	vmul.f32 v45, v4  }
0xcc: {  	v48 =	vld [tilespmem:s25+$0x590];
	v0 =	vadd.f32 v2, v0;
	v2 =	vmul.f32 v61, v29  }
0xcd: {  	v19 =	vadd.f32 v19, v43;
	[tilespmem:$0x1FEE0] =	vst v7;
	v7 =	vmul.f32 v18, v29;
	v18 =	vld [tilespmem:s25+$0x210];
	v10 =	vmul.f32 v10, v29  }
0xce: {  	v61 =	vld [tilespmem:s25+$0x220];
	v1 =	vadd.f32 v2, v1;
	v2 =	vmul.f32 v62, v29  }
0xcf: {  	v47 =	vld [tilespmem:s25+$0x5A0];
	v7 =	vadd.f32 v7, v19;
	v3 =	vadd.f32 v10, v3;
	v10 =	vmul.f32 v63, v26  }
0xd0: {  	v62 =	vld [tilespmem:s25+$0x280];
	v0 =	vadd.f32 v2, v0;
	v2 =	vmul.f32 v56, v5  }
0xd1: {  	v19 =	vld [tilespmem:s25+$0x230];
	v7 =	vadd.f32 v10, v7;
	v10 =	vmul.f32 v57, v5  }
0xd2: {  	[tilespmem:$0x1FEF0] =	vst v2;
	v2 =	vmul.f32 v18, v26;
	v18 =	vld [tilespmem:s25+$0x2A0]  }
0xd3: {  	v63 =	vld [tilespmem:s25+$0x290];
	[tilespmem:$0x1FF00] =	vst v10;
	v10 =	vmul.f32 v61, v26  }
0xd4: {  	v33 =	vld [tilespmem:s25+$0x5B0]  }
0xd5: {  	v32 =	vld [tilespmem:s25+$0x5C0];
	v3 =	vadd.f32 v10, v3;
	v10 =	vmul.f32 v62, v25  }
0xd6: {  	v1 =	vadd.f32 v2, v1;
	v2 =	vmul.f32 v19, v26;
	v19 =	vld [tilespmem:s25+$0x300]  }
0xd7: {  	v61 =	vld [tilespmem:s25+$0x2B0];
	v7 =	vadd.f32 v10, v7;
	v10 =	vmul.f32 v18, v25  }
0xd8: {  	v0 =	vadd.f32 v2, v0;
	v2 =	vmul.f32 v63, v25;
	v63 =	vld [tilespmem:s25+$0x320]  }
0xd9: {  	v62 =	vld [tilespmem:s25+$0x310];
	v3 =	vadd.f32 v10, v3;
	v10 =	vmul.f32 v24, v6  }
0xda: {  	v1 =	vadd.f32 v2, v1;
	v2 =	vmul.f32 v23, v6;
	v18 =	vld [tilespmem:s25+$0x380]  }
0xdb: {  	v56 =	vmul.f32 v16, v6;
	v16 =	vld [tilespmem:s25+$0x330];
	[tilespmem:$0x1FF20] =	vst v10;
	v10 =	vmul.f32 v19, v22  }
0xdc: {  	v12 =	vld [tilespmem:s25+$0x5D0];
	[tilespmem:$0x1FF10] =	vst v2;
	v2 =	vmul.f32 v61, v25  }
0xdd: {  	v9 =	vld [tilespmem:s25+$0x500];
	v7 =	vadd.f32 v10, v7;
	v10 =	vmul.f32 v63, v22  }
0xde: {  	v24 =	vmul.f32 v52, v8;
	v52 =	vld [tilespmem:s25+$0x3A0];
	v0 =	vadd.f32 v2, v0;
	v2 =	vmul.f32 v62, v22  }
0xdf: {  	v49 =	vld [tilespmem:s25+$0x550];
	v40 =	vmul.f32 v40, v4;
	v3 =	vadd.f32 v10, v3;
	v10 =	vmul.f32 v18, v21  }
0xe0: {  	v1 =	vadd.f32 v2, v1;
	v2 =	vmul.f32 v16, v22;
	v16 =	vld [tilespmem:s25+$0x400]  }
0xe1: {  	v41 =	vld [tilespmem:s25+$0x480];
	[tilespmem:$0x1FED0] =	vst v40;
	v40 =	vmul.f32 v44, v4;
	v7 =	vadd.f32 v10, v7;
	v10 =	vmul.f32 v28, v8  }
0xe2: {  	v35 =	vld [tilespmem:s25+$0x490];
	v44 =	vmul.f32 v53, v5;
	v53 =	vmul.f32 v58, v6  }
0xe3: {  	v36 =	vld [tilespmem:s25+$0x4B0];
	v45 =	vmul.f32 v54, v5;
	[tilespmem:$0x1FF40] =	vst v10;
	v10 =	vmul.f32 v52, v21  }
0xe4: {  	v54 =	vmul.f32 v59, v6;
	v59 =	vmul.f32 v9, v13;
	v9 =	vld [tilespmem:$0x1FF70]  }
0xe5: {  	v42 =	vld [tilespmem:s25+$0x4C0];
	v16 =	vmul.f32 v16, v20;
	v3 =	vadd.f32 v10, v3;
	v10 =	vmul.f32 v32, v11  }
0xe6: {  	v43 =	vmul.f32 v46, v5;
	v46 =	vmul.f32 v55, v5;
	v19 =	vld [tilespmem:s25+$0x390]  }
0xe7: {  	v58 =	vld [tilespmem:s25+$0x3B0];
	v7 =	vadd.f32 v16, v7;
	[tilespmem:$0x1FF50] =	vst v10;
	v10 =	vmul.f32 v12, v11;
	v12 =	vmul.f32 v41, v17  }
0xe8: {  	v55 =	vmul.f32 v60, v6;
	v60 =	vmul.f32 v15, v8;
	v15 =	vld [tilespmem:s25+$0x410];
	v0 =	vadd.f32 v2, v0  }
0xe9: {  	v2 =	vmul.f32 v14, v8;
	v7 =	vadd.f32 v12, v7;
	v12 =	vmul.f32 v9, v13;
	v9 =	vld [tilespmem:$0x1FF80]  }
0xea: {  	v18 =	vld [tilespmem:s25+$0x430]  }
0xeb: {  	v23 =	vmul.f32 v48, v11;
	v48 =	vld [tilespmem:s25+$0x440];
	[tilespmem:$0x1FF30] =	vst v2;
	v2 =	vmul.f32 v19, v21  }
0xec: {  	v61 =	vld [tilespmem:s25+$0x450]  }
0xed: {  	v15 =	vmul.f32 v15, v20;
	v62 =	vld [tilespmem:s25+$0x3D0];
	v2 =	vadd.f32 v2, v1;
	v1 =	vmul.f32 v58, v21  }
0xee: {  	v52 =	vmul.f32 v9, v17;
	v9 =	vld [tilespmem:$0x1FF90]  }
0xef: {  	v14 =	vld [tilespmem:s25+$0x420];
	v0 =	vadd.f32 v1, v0;
	v2 =	vadd.f32 v15, v2;
	v15 =	vmul.f32 v18, v20  }
0xf0: {  	v19 =	vld [tilespmem:s25+$0x4D0]  }
0xf1: {  	v28 =	vmul.f32 v50, v11;
	v50 =	vld [tilespmem:s25+$0x350];
	v0 =	vadd.f32 v15, v0;
	v15 =	vmul.f32 v35, v17  }
0xf2: {  	v58 =	vld [tilespmem:s25+$0x250]  }
0xf3: {  	v2 =	vadd.f32 v15, v2;
	v15 =	vmul.f32 v9, v13;
	v9 =	vld [tilespmem:$0x1FFA0]  }
0xf4: {  	v38 =	vmul.f32 v38, v4;
	v14 =	vmul.f32 v14, v20;
	v16 =	vld [tilespmem:s25+$0x3C0]  }
0xf5: {  	v27 =	vmul.f32 v27, v8;
	v36 =	vmul.f32 v36, v17;
	v18 =	vld [tilespmem:s25+$0x2D0]  }
0xf6: {  	v57 =	vmul.f32 v51, v8;
	v63 =	vmul.f32 v47, v11;
	v3 =	vadd.f32 v14, v3;
	v14 =	vld [tilespmem:s25+$0x2C0]  }
0xf7: {  	v47 =	vmul.f32 v48, v20;
	v48 =	vmul.f32 v61, v20;
	[tilespmem:$0x1FF60] =	vst v10;
	v10 =	vld [tilespmem:s25+$0x240]  }
0xf8: {  	v62 =	vmul.f32 v62, v21;
	v51 =	vmul.f32 v9, v13;
	v9 =	vld [tilespmem:$0x1FFB0]  }
0xf9: {  	v1 =	vmul.f32 v33, v11;
	v41 =	vmul.f32 v42, v17;
	v7 =	vadd.f32 v59, v7;
	v59 =	vld [tilespmem:s25+$0x1C0]  }
0xfa: {  	v32 =	vld [tilespmem:s25+$0x340];
	v42 =	vmul.f32 v19, v17;
	v61 =	vmul.f32 v16, v21;
	v3 =	vadd.f32 v52, v3  }
0xfb: {  	v16 =	vld [tilespmem:s25+$0x1D0];
	v12 =	vadd.f32 v12, v2;
	v2 =	vmul.f32 v14, v25;
	v7 =	vadd.f32 v28, v7  }
0xfc: {  	s26 =	smul.u32 $0xE000, s26;
	v14 =	vld [tilespmem:s25+$0x150];
	v52 =	vmul.f32 v58, v26;
	v19 =	vadd.f32 v15, v3;
	v3 =	vmul.f32 v50, v22  }
0xfd: {  	v15 =	vld [tilespmem:s25+$0x140];
	v50 =	vmul.f32 v10, v26;
	v35 =	vmul.f32 v9, v13;
	v9 =	vadd.f32 v36, v0  }
0xfe: {  	s26 =	sshrl.u32 s26, $0x2;
	v10 =	vadd.f32 v23, v12;
	v12 =	vmul.f32 v59, v29;
	v36 =	vmul.f32 v49, v13;
	v49 =	vld [tilespmem:s25+$0xD0]  }
0xff: {  	s26 =	sadd.s32 $0x3880, s26;
	s29 =	simm.s32 $0x40;
	v0 =	vmul.f32 v32, v22;
	v51 =	vadd.f32 v51, v9;
	v9 =	vmul.f32 v18, v25;
	v18 =	vld [tilespmem:s25+$0xC0]  }
.LBB2_10:
0x100: {  	_ =	sdelay $0x1  }
0x101: {  	v19 =	vadd.f32 v63, v19;
	_ =	sdelay $0x1  }
0x102: {  	v19 =	vadd.f32 v27, v19;
	_ =	sdelay $0x1  }
0x103: {  	v19 =	vadd.f32 v55, v19;
	_ =	sdelay $0x1  }
0x104: {  	v19 =	vadd.f32 v45, v19  }
0x105: {  	v1 =	vadd.f32 v1, v51  }
0x106: {  	v19 =	vadd.f32 v38, v19  }
0x107: {  	v1 =	vadd.f32 v60, v1  }
0x108: {  	[tilespmem:$0x1FD70] =	vst v19;
	v19 =	vld [tilespmem:$0x1FED0]  }
0x109: {  	v1 =	vadd.f32 v56, v1;
	_ =	sdelay $0x1  }
0x10a: {  	v23 =	vld [tilespmem:s25+$0x40];
	v1 =	vadd.f32 v46, v1  }
0x10b: {  	v32 =	vld [tilespmem:s25+$0x60]  }
0x10c: {  	v33 =	vld [tilespmem:s25+$0xE0];
	v7 =	vadd.f32 v24, v7;
	v1 =	vadd.f32 v19, v1  }
0x10d: {  	v24 =	vld [tilespmem:$0x1FEA0]  }
0x10e: {  	v10 =	vadd.f32 v57, v10;
	v7 =	vadd.f32 v53, v7;
	[tilespmem:$0x1FD80] =	vst v1;
	v1 =	vld [tilespmem:$0x1FE80]  }
0x10f: {  	v63 =	vld [tilespmem:s25+$0x50]  }
0x110: {  	v58 =	vld [tilespmem:s25+$0x70];
	v10 =	vadd.f32 v54, v10;
	v7 =	vadd.f32 v43, v7  }
0x111: {  	v54 =	vld [tilespmem:s25+$0xF0];
	v23 =	vmul.f32 v23, v34;
	v59 =	vmul.f32 v32, v34  }
0x112: {  	v10 =	vadd.f32 v44, v10;
	v7 =	vadd.f32 v37, v7;
	v19 =	vld [tilespmem:$0x1FEB0]  }
0x113: {  	v1 =	vadd.f32 v23, v1;
	v23 =	vmul.f32 v33, v31;
	v33 =	vadd.f32 v59, v24;
	v24 =	vld [tilespmem:$0x1FE90]  }
0x114: {  	v16 =	vmul.f32 v16, v29;
	v56 =	vld [tilespmem:s25+$0x160];
	[tilespmem:$0x1FD50] =	vst v7;
	v7 =	vadd.f32 v39, v10  }
0x115: {  	v60 =	vld [tilespmem:s25+$0x170];
	v15 =	vmul.f32 v15, v30;
	v55 =	vmul.f32 v63, v34  }
0x116: {  	v18 =	vmul.f32 v18, v31;
	v10 =	vld [tilespmem:s25+$0x1E0];
	[tilespmem:$0x1FD60] =	vst v7;
	v7 =	vmul.f32 v58, v34  }
0x117: {  	v14 =	vmul.f32 v14, v30;
	v49 =	vmul.f32 v49, v31;
	v63 =	vld [tilespmem:s25+$0x1F0];
	v19 =	vadd.f32 v55, v19  }
0x118: {  	v43 =	vld [tilespmem:s25+$0x260];
	v31 =	vmul.f32 v54, v31;
	v1 =	vadd.f32 v18, v1;
	v7 =	vadd.f32 v7, v24  }
0x119: {  	v45 =	vld [tilespmem:s25+$0x270];
	v18 =	vadd.f32 v49, v19;
	v19 =	vmul.f32 v56, v30;
	v23 =	vadd.f32 v23, v33  }
0x11a: {  	v30 =	vmul.f32 v60, v30;
	v1 =	vadd.f32 v15, v1;
	v7 =	vadd.f32 v31, v7;
	v31 =	vld [tilespmem:s25+$0x2E0]  }
0x11b: {  	v10 =	vmul.f32 v10, v29;
	v14 =	vadd.f32 v14, v18;
	v15 =	vld [tilespmem:s25+$0x2F0];
	v18 =	vadd.f32 v19, v23  }
0x11c: {  	v19 =	vmul.f32 v63, v29;
	v23 =	vld [tilespmem:s25+$0x360];
	v1 =	vadd.f32 v12, v1;
	v7 =	vadd.f32 v30, v7  }
0x11d: {  	v12 =	vadd.f32 v16, v14;
	v14 =	vmul.f32 v43, v26;
	v16 =	vld [tilespmem:s25+$0x370];
	v10 =	vadd.f32 v10, v18  }
0x11e: {  	v18 =	vmul.f32 v45, v26;
	v1 =	vadd.f32 v50, v1;
	v7 =	vadd.f32 v19, v7;
	v19 =	vld [tilespmem:s25+$0x3E0]  }
0x11f: {  	v29 =	vld [tilespmem:s25+$0x3F0];
	v12 =	vadd.f32 v52, v12;
	v10 =	vadd.f32 v14, v10;
	v26 =	vmul.f32 v31, v25  }
0x120: {  	v14 =	vmul.f32 v15, v25;
	v15 =	vld [tilespmem:s25+$0x460];
	v1 =	vadd.f32 v2, v1;
	v7 =	vadd.f32 v18, v7  }
0x121: {  	v2 =	vadd.f32 v9, v12;
	v9 =	vmul.f32 v23, v22;
	v12 =	vld [tilespmem:s25+$0x470];
	v10 =	vadd.f32 v26, v10  }
0x122: {  	v0 =	vadd.f32 v0, v1;
	v7 =	vadd.f32 v14, v7;
	v14 =	vmul.f32 v16, v22;
	v16 =	vld [tilespmem:s25+$0x4E0]  }
0x123: {  	v1 =	vadd.f32 v3, v2;
	v2 =	vmul.f32 v19, v21;
	v9 =	vadd.f32 v9, v10  }
0x124: {  	v10 =	vmul.f32 v29, v21;
	v7 =	vadd.f32 v14, v7;
	v14 =	vld [tilespmem:s25+$0x560]  }
0x125: {  	v15 =	vmul.f32 v15, v20;
	v2 =	vadd.f32 v2, v9  }
0x126: {  	v9 =	vmul.f32 v12, v20;
	v7 =	vadd.f32 v10, v7;
	v10 =	vld [tilespmem:s25+$0x5E0]  }
0x127: {  	v3 =	vld [tilespmem:s25+$0x4F0];
	v12 =	vmul.f32 v16, v17;
	v2 =	vadd.f32 v15, v2  }
0x128: {  	v0 =	vadd.f32 v61, v0;
	v7 =	vadd.f32 v9, v7;
	v9 =	vld [tilespmem:s25+$0x660]  }
0x129: {  	v18 =	vld [tilespmem:s25+$0x570];
	v14 =	vmul.f32 v14, v13;
	v2 =	vadd.f32 v12, v2  }
0x12a: {  	v0 =	vadd.f32 v47, v0;
	v16 =	vld [tilespmem:s25+$0x5F0]  }
0x12b: {  	v10 =	vmul.f32 v10, v11;
	v2 =	vadd.f32 v14, v2;
	v14 =	vld [tilespmem:$0x1FF50]  }
0x12c: {  	v0 =	vadd.f32 v41, v0;
	v15 =	vld [tilespmem:s25+$0x670]  }
0x12d: {  	v1 =	vadd.f32 v62, v1;
	v9 =	vmul.f32 v9, v8;
	v2 =	vadd.f32 v10, v2;
	v10 =	vld [tilespmem:$0x1FF30]  }
0x12e: {  	v3 =	vmul.f32 v3, v17;
	v0 =	vadd.f32 v35, v0;
	v12 =	vld [tilespmem:s25+$0x6E0]  }
0x12f: {  	v1 =	vadd.f32 v48, v1;
	v2 =	vadd.f32 v9, v2;
	v9 =	vld [tilespmem:$0x1FF10]  }
0x130: {  	v3 =	vadd.f32 v3, v7;
	v7 =	vmul.f32 v18, v13;
	v0 =	vadd.f32 v14, v0;
	v14 =	vld [tilespmem:$0x1FF60]  }
0x131: {  	v1 =	vadd.f32 v42, v1;
	v13 =	vld [tilespmem:s25+$0x6F0]  }
0x132: {  	v3 =	vadd.f32 v7, v3;
	v7 =	vmul.f32 v16, v11;
	v0 =	vadd.f32 v10, v0;
	v10 =	vld [tilespmem:$0x1FF40]  }
0x133: {  	v1 =	vadd.f32 v36, v1;
	v11 =	vld [tilespmem:s25+$0x760]  }
0x134: {  	v3 =	vadd.f32 v7, v3;
	v7 =	vmul.f32 v15, v8;
	v8 =	vld [tilespmem:s25+$0x7E0]  }
0x135: {  	v0 =	vadd.f32 v9, v0;
	v9 =	vld [tilespmem:$0x1FF20];
	v1 =	vadd.f32 v14, v1  }
0x136: {  	v14 =	vld [tilespmem:s25+$0x770]  }
0x137: {  	v1 =	vadd.f32 v10, v1;
	v10 =	vmul.f32 v12, v6;
	v12 =	vld [tilespmem:s25+$0x7F0];
	s25 =	sadd.s32 $0x800, s25  }
0x138: {  	v15 =	vld [tilespmem:s25+$0x780]  }
0x139: {  	v3 =	vadd.f32 v7, v3;
	v7 =	vld [tilespmem:s25+$0x790]  }
0x13a: {  	v16 =	vld [tilespmem:s25+$0x7A0]  }
0x13b: {  	v6 =	vmul.f32 v13, v6;
	v18 =	vld [tilespmem:s25+$0x750]  }
0x13c: {  	v19 =	vld [tilespmem:s25+$0x680]  }
0x13d: {  	v3 =	vadd.f32 v6, v3;
	v6 =	vld [tilespmem:$0x1FEF0]  }
0x13e: {  	v23 =	vld [tilespmem:s25+$0x690]  }
0x13f: {  	v24 =	vld [tilespmem:s25+$0x6A0]  }
0x140: {  	v27 =	vld [tilespmem:s25+$0x6B0]  }
0x141: {  	v28 =	vld [tilespmem:s25+$0x6C0]  }
0x142: {  	v32 =	vld [tilespmem:s25+$0x6D0];
	v0 =	vadd.f32 v6, v0  }
0x143: {  	v33 =	vld [tilespmem:s25+$0x600]  }
0x144: {  	v6 =	vld [tilespmem:$0x1FF00];
	v0 =	vadd.f32 v40, v0  }
0x145: {  	v35 =	vld [tilespmem:s25+$0x610]  }
0x146: {  	[tilespmem:$0x1FE80] =	vst v0;
	v0 =	vld [tilespmem:$0x1FEE0]  }
0x147: {  	v36 =	vld [tilespmem:s25+$0x620];
	v1 =	vadd.f32 v9, v1;
	v9 =	vmul.f32 v11, v5;
	v2 =	vadd.f32 v10, v2  }
0x148: {  	v41 =	vld [tilespmem:s25+$0x630];
	v5 =	vmul.f32 v14, v5  }
0x149: {  	v42 =	vld [tilespmem:s25+$0x640];
	v2 =	vadd.f32 v9, v2;
	v1 =	vadd.f32 v6, v1;
	v6 =	vmul.f32 v8, v4  }
0x14a: {  	v47 =	vld [tilespmem:s25+$0x650];
	v3 =	vadd.f32 v5, v3  }
0x14b: {  	v48 =	vld [tilespmem:s25+$0x580];
	v4 =	vmul.f32 v12, v4;
	v0 =	vadd.f32 v0, v1;
	v1 =	vadd.f32 v6, v2  }
0x14c: {  	v49 =	vld [tilespmem:s25+$0x590]  }
0x14d: {  	[tilespmem:$0x1FEA0] =	vst v1;
	v1 =	vadd.f32 v4, v3;
	v4 =	vld [tilespmem:$0x1FEC0]  }
0x14e: {  	v50 =	vld [tilespmem:s25+$0x5A0]  }
0x14f: {  	v51 =	vld [tilespmem:s25+$0x5B0]  }
0x150: {  	v52 =	vld [tilespmem:s25+$0x5C0]  }
0x151: {  	v61 =	vld [tilespmem:s25+$0x5D0]  }
0x152: {  	v62 =	vld [tilespmem:s25+$0x500]  }
0x153: {  	v37 =	vld [tilespmem:s25+$0x510]  }
0x154: {  	s31 =	sshra.s32 s29, $0x2;
	v38 =	vld [tilespmem:s25+$0x520]  }
0x155: {  	v31 =	vld.idx.msk [tilespmem:v4+s31+$0x0 ss:$0x1], $0xffff  }
0x156: {  	v39 =	vld [tilespmem:s25+$0x530]  }
0x157: {  	v9 =	vld [tilespmem:s25+$0x7D0]  }
0x158: {  	v2 =	vld [tilespmem:s25+$0x720]  }
0x159: {  	[tilespmem:$0x1FE90] =	vst v1;
	v1 =	vld [tilespmem:s25+$0x710]  }
0x15a: {  	v43 =	vld [tilespmem:s25+$0x550];
	v4 =	vbroadcast v31, $0xF  }
0x15b: {  	v3 =	vld [tilespmem:s25+$0x730]  }
0x15c: {  	v44 =	vld [tilespmem:s25+$0x480];
	v5 =	vbroadcast v31, $0xE;
	v9 =	vmul.f32 v9, v4  }
0x15d: {  	v12 =	vld [tilespmem:s25+$0x740]  }
0x15e: {  	v45 =	vld [tilespmem:s25+$0x490];
	[tilespmem:$0x1FEE0] =	vst v9;
	v9 =	vmul.f32 v1, v5;
	v1 =	vmul.f32 v2, v5  }
0x15f: {  	v46 =	vld [tilespmem:s25+$0x4A0]  }
0x160: {  	v53 =	vld [tilespmem:s25+$0x4D0];
	[tilespmem:$0x1FDA0] =	vst v1;
	v1 =	vmul.f32 v3, v5  }
0x161: {  	v10 =	vld [tilespmem:s25+$0x7B0];
	[tilespmem:$0x1FEB0] =	vst v0  }
0x162: {  	v0 =	vld [tilespmem:s25+$0x700];
	v8 =	vbroadcast v31, $0xC;
	[tilespmem:$0x1FD90] =	vst v1;
	v1 =	vmul.f32 v12, v5  }
0x163: {  	v14 =	vld [tilespmem:s25+$0x7C0];
	v6 =	vbroadcast v31, $0xD;
	v15 =	vmul.f32 v15, v4  }
0x164: {  	v40 =	vld [tilespmem:s25+$0x540];
	v13 =	vbroadcast v31, $0xA;
	[tilespmem:$0x1FEF0] =	vst v1;
	v1 =	vmul.f32 v18, v5  }
0x165: {  	v7 =	vmul.f32 v7, v4;
	v56 =	vmul.f32 v27, v6;
	v27 =	vld [tilespmem:s25+$0x450];
	[tilespmem:$0x1FE10] =	vst v15  }
0x166: {  	v59 =	vmul.f32 v35, v8;
	v35 =	vld [tilespmem:s25+$0x310];
	[tilespmem:$0x1FF00] =	vst v1;
	v1 =	vmul.f32 v23, v6  }
0x167: {  	v0 =	vmul.f32 v0, v5;
	v60 =	vmul.f32 v41, v8;
	v41 =	vld [tilespmem:s25+$0x130];
	[tilespmem:$0x1FDD0] =	vst v7  }
0x168: {  	v11 =	vbroadcast v31, $0xB;
	v7 =	vld [tilespmem:s25+$0x4B0];
	[tilespmem:$0x1FDE0] =	vst v1;
	v1 =	vmul.f32 v28, v6  }
0x169: {  	v10 =	vmul.f32 v10, v4;
	v15 =	vmul.f32 v16, v4;
	v16 =	vld [tilespmem:s25+$0x4C0];
	[tilespmem:$0x1FDB0] =	vst v0  }
0x16a: {  	v20 =	vbroadcast v31, $0x8;
	v0 =	vld [tilespmem:s25+$0x400];
	[tilespmem:$0x1FF10] =	vst v1;
	v1 =	vmul.f32 v32, v6  }
0x16b: {  	v17 =	vbroadcast v31, $0x9;
	[tilespmem:$0x1FED0] =	vst v10;
	v10 =	vmul.f32 v14, v4;
	v2 =	vld [tilespmem:s25+$0x410]  }
0x16c: {  	v14 =	vmul.f32 v24, v6;
	v24 =	vld [tilespmem:s25+$0x440];
	[tilespmem:$0x1FF20] =	vst v1;
	v1 =	vmul.f32 v33, v8  }
0x16d: {  	[tilespmem:$0x1FDC0] =	vst v10;
	v10 =	vmul.f32 v19, v6;
	v19 =	vld [tilespmem:s25+$0x430];
	v3 =	vmul.f32 v52, v11  }
0x16e: {  	v52 =	vmul.f32 v62, v13;
	v62 =	vld [tilespmem:s25+$0x200];
	[tilespmem:$0x1FE40] =	vst v1;
	v1 =	vmul.f32 v36, v8  }
0x16f: {  	v26 =	vbroadcast v31, $0x4;
	v12 =	vld [tilespmem:s25+$0x420];
	[tilespmem:$0x1FF50] =	vst v3;
	v3 =	vmul.f32 v61, v11  }
0x170: {  	v61 =	vld [tilespmem:s25+$0x290];
	v54 =	vmul.f32 v16, v17;
	[tilespmem:$0x1FE60] =	vst v1;
	v1 =	vmul.f32 v42, v8  }
0x171: {  	[tilespmem:$0x1FF60] =	vst v3;
	v3 =	vmul.f32 v37, v13;
	v37 =	vmul.f32 v7, v17;
	v7 =	vld [tilespmem:s25+$0x100]  }
0x172: {  	v16 =	vmul.f32 v19, v20;
	v19 =	vld [tilespmem:s25+$0x0];
	[tilespmem:$0x1FF30] =	vst v1;
	v1 =	vmul.f32 v47, v8  }
0x173: {  	v55 =	vmul.f32 v53, v17;
	v53 =	vmul.f32 v62, v26;
	v62 =	vld [tilespmem:s25+$0xB0]  }
0x174: {  	[tilespmem:$0x1FF40] =	vst v1;
	v1 =	vmul.f32 v48, v11;
	v48 =	vld [tilespmem:s25+$0x30]  }
0x175: {  	v22 =	vbroadcast v31, $0x6;
	[tilespmem:$0x1FE00] =	vst v3;
	v3 =	vmul.f32 v38, v13;
	v38 =	vld [tilespmem:s25+$0x210]  }
0x176: {  	v21 =	vbroadcast v31, $0x7;
	v23 =	vmul.f32 v44, v17;
	v44 =	vld [tilespmem:s25+$0x110]  }
0x177: {  	v34 =	vbroadcast v31, $0x0;
	v63 =	vmul.f32 v50, v11;
	v28 =	vld [tilespmem:s25+$0x380]  }
0x178: {  	v18 =	vmul.f32 v2, v20;
	v2 =	vmul.f32 v12, v20;
	v12 =	vld [tilespmem:s25+$0x90]  }
0x179: {  	v50 =	vmul.f32 v46, v17;
	v46 =	vmul.f32 v48, v34;
	v48 =	vld [tilespmem:$0x1FD50]  }
0x17a: {  	v25 =	vbroadcast v31, $0x5;
	v30 =	vbroadcast v31, $0x2;
	v32 =	vld [tilespmem:s25+$0x390]  }
0x17b: {  	v57 =	vmul.f32 v24, v20;
	[tilespmem:$0x1FE20] =	vst v3;
	v3 =	vmul.f32 v39, v13;
	v33 =	vld [tilespmem:s25+$0x300]  }
0x17c: {  	v19 =	vmul.f32 v19, v34;
	v24 =	vmul.f32 v28, v21;
	v28 =	vld [tilespmem:s25+$0x10]  }
0x17d: {  	v29 =	vbroadcast v31, $0x3;
	[tilespmem:$0x1FE30] =	vst v3;
	v3 =	vmul.f32 v0, v20;
	v0 =	vld [tilespmem:s25+$0x80]  }
0x17e: {  	[tilespmem:$0x1FDF0] =	vst v15;
	v15 =	vmul.f32 v45, v17;
	v58 =	vmul.f32 v27, v20;
	v19 =	vadd.f32 v19, v48;
	v48 =	vld [tilespmem:$0x1FD60]  }
0x17f: {  	v45 =	vmul.f32 v61, v25;
	v61 =	vld [tilespmem:s25+$0xA0];
	v27 =	vmul.f32 v32, v21  }
0x180: {  	v32 =	vmul.f32 v33, v22;
	v33 =	vmul.f32 v35, v22;
	v35 =	vld [tilespmem:s25+$0x20]  }
0x181: {  	v31 =	vbroadcast v31, $0x1;
	v39 =	vld [tilespmem:s25+$0x180];
	v28 =	vmul.f32 v28, v34  }
0x182: {  	v36 =	vld [tilespmem:s25+$0x280]  }
0x183: {  	v0 =	vmul.f32 v0, v31;
	v28 =	vadd.f32 v28, v48;
	v48 =	vld [tilespmem:$0x1FD70]  }
0x184: {  	[tilespmem:$0x1FE50] =	vst v1;
	v1 =	vmul.f32 v49, v11;
	v49 =	vmul.f32 v40, v13;
	v40 =	vld [tilespmem:s25+$0x120]  }
0x185: {  	v7 =	vmul.f32 v7, v30;
	v42 =	vld [tilespmem:s25+$0x1A0];
	v35 =	vmul.f32 v35, v34  }
0x186: {  	[tilespmem:$0x1FE70] =	vst v1;
	v1 =	vmul.f32 v51, v11;
	v51 =	vmul.f32 v43, v13;
	v43 =	vld [tilespmem:s25+$0x190];
	v0 =	vadd.f32 v0, v19  }
0x187: {  	v12 =	vmul.f32 v12, v31;
	v47 =	vld [tilespmem:s25+$0x1B0]  }
0x188: {  	v39 =	vmul.f32 v39, v29;
	v0 =	vadd.f32 v7, v0;
	v35 =	vadd.f32 v35, v48;
	v48 =	vld [tilespmem:$0x1FD80]  }
0x189: {  	v44 =	vmul.f32 v44, v30;
	v19 =	vmul.f32 v40, v30;
	v40 =	vld [tilespmem:$0x1FDC0];
	v12 =	vadd.f32 v12, v28  }
0x18a: {  	v0 =	vadd.f32 v39, v0;
	v39 =	vld [tilespmem:$0x1FDD0]  }
0x18b: {  	v62 =	vmul.f32 v62, v31;
	v43 =	vmul.f32 v43, v29;
	v28 =	vld [tilespmem:s25+$0x230];
	v7 =	vadd.f32 v44, v12  }
0x18c: {  	v38 =	vmul.f32 v38, v26;
	v61 =	vmul.f32 v61, v31;
	v0 =	vadd.f32 v53, v0;
	v53 =	vmovc v10;
	v10 =	vld [tilespmem:$0x1FE00]  }
0x18d: {  	v12 =	vmul.f32 v42, v29;
	v42 =	vld [tilespmem:s25+$0x2B0];
	v7 =	vadd.f32 v43, v7;
	v46 =	vadd.f32 v46, v48  }
0x18e: {  	v36 =	vmul.f32 v36, v25;
	v43 =	vld [tilespmem:s25+$0x330];
	v35 =	vadd.f32 v61, v35  }
0x18f: {  	v41 =	vmul.f32 v41, v30;
	v7 =	vadd.f32 v38, v7;
	v38 =	vld [tilespmem:s25+$0x340];
	v62 =	vadd.f32 v62, v46  }
0x190: {  	v0 =	vadd.f32 v36, v0;
	v48 =	vld [tilespmem:s25+$0x220]  }
0x191: {  	v61 =	vmul.f32 v47, v29;
	v19 =	vadd.f32 v19, v35;
	v46 =	vld [tilespmem:s25+$0x2A0];
	v35 =	vadd.f32 v41, v62  }
0x192: {  	v47 =	vmov v57;
	v57 =	vmov v59;
	v59 =	vld [tilespmem:s25+$0x3B0];
	v0 =	vadd.f32 v32, v0  }
0x193: {  	v28 =	vmul.f32 v28, v26;
	v12 =	vadd.f32 v12, v19;
	v41 =	vld [tilespmem:s25+$0x320];
	v19 =	vadd.f32 v61, v35  }
0x194: {  	v32 =	vld [tilespmem:s25+$0x350];
	v24 =	vadd.f32 v24, v0;
	v7 =	vadd.f32 v45, v7  }
0x195: {  	v45 =	vld [tilespmem:$0x1FDA0];
	v62 =	vmul.f32 v48, v26;
	v19 =	vadd.f32 v28, v19;
	v28 =	vmul.f32 v42, v25  }
0x196: {  	v7 =	vadd.f32 v33, v7;
	v0 =	vmul.f32 v38, v22;
	v48 =	vmovc v58;
	v35 =	vld [tilespmem:s25+$0x3A0];
	v58 =	vmul.f32 v46, v25  }
0x197: {  	v38 =	vld [tilespmem:$0x1FDF0];
	v12 =	vadd.f32 v62, v12;
	v19 =	vadd.f32 v28, v19;
	v28 =	vmul.f32 v43, v22  }
0x198: {  	v7 =	vadd.f32 v27, v7;
	v27 =	vld [tilespmem:s25+$0x240];
	v62 =	vmul.f32 v41, v22  }
0x199: {  	v12 =	vadd.f32 v58, v12;
	v19 =	vadd.f32 v28, v19;
	v28 =	vmul.f32 v59, v21;
	v59 =	vld [tilespmem:s25+$0x2D0]  }
0x19a: {  	v61 =	vld [tilespmem:s25+$0x3C0];
	v7 =	vadd.f32 v18, v7  }
0x19b: {  	v46 =	vld [tilespmem:$0x1FD90];
	v58 =	vmul.f32 v35, v21;
	v12 =	vadd.f32 v62, v12  }
0x19c: {  	v7 =	vadd.f32 v15, v7;
	v15 =	vld [tilespmem:s25+$0x140]  }
0x19d: {  	v42 =	vmov v55;
	v55 =	vmov v14;
	v14 =	vld [tilespmem:s25+$0x150];
	v12 =	vadd.f32 v58, v12  }
0x19e: {  	v44 =	vmovc v9;
	v19 =	vadd.f32 v28, v19;
	v9 =	vmul.f32 v59, v25;
	v59 =	vadd.f32 v10, v7;
	v7 =	vld [tilespmem:$0x1FE20]  }
0x19f: {  	v24 =	vadd.f32 v3, v24;
	v41 =	vld [tilespmem:s25+$0x3D0];
	v12 =	vadd.f32 v2, v12  }
0x1a0: {  	v43 =	vld [tilespmem:$0x1FDB0];
	v18 =	vadd.f32 v16, v19  }
0x1a1: {  	v35 =	vld [tilespmem:s25+$0x2C0];
	v19 =	vadd.f32 v23, v24;
	v12 =	vadd.f32 v50, v12  }
0x1a2: {  	v58 =	vld [tilespmem:s25+$0x1C0]  }
0x1a3: {  	v50 =	vmul.f32 v27, v26;
	v27 =	vadd.f32 v52, v19;
	v19 =	vadd.f32 v7, v12;
	v7 =	vld [tilespmem:$0x1FE30]  }
0x1a4: {  	v62 =	vmul.f32 v41, v21;
	v41 =	vmov v54;
	v54 =	vld [tilespmem:$0x1FDE0]  }
0x1a5: {  	v28 =	vld [tilespmem:s25+$0x250]  }
0x1a6: {  	v16 =	vld [tilespmem:s25+$0x1D0];
	v24 =	vadd.f32 v37, v18  }
0x1a7: {  	v10 =	vld [tilespmem:$0x1FE70]  }
0x1a8: {  	p4 =	sne.s32 s29, $0x180;
	v36 =	vmov v51;
	v51 =	vadd.f32 v7, v24;
	v7 =	vld [tilespmem:$0x1FE50]  }
.Ltmp7:
0x1a9: {  	v2 =	vmul.f32 v35, v25;
	v35 =	vmov v49;
	v49 =	vld [tilespmem:s25+$0xD0];
	(pc) =	sbr.rel @p4 .LBB2_10-.Ltmp7, $4  }
0x1aa: {  	v37 =	vld [tilespmem:$0x1FE10]  }
0x1ab: {  	v3 =	vmul.f32 v32, v22;
	v18 =	vld [tilespmem:s25+$0xC0]  }
0x1ac: {  	v61 =	vmul.f32 v61, v21;
	v52 =	vmul.f32 v28, v26;
	v24 =	vld [tilespmem:$0x1FE40]  }
0x1ad: {  	s29 =	sadd.s32 $0x40, s29;
	v12 =	vmul.f32 v58, v29;
	v10 =	vadd.f32 v10, v59;
	v7 =	vadd.f32 v7, v27;
	v27 =	vld [tilespmem:$0x1FE60]  }
0x1ae: {  	_ = 	snop  }
0x1af: {  	v23 =	vld [tilespmem:s25+$0x40];
	v10 =	vadd.f32 v57, v10  }
0x1b0: {  	v59 =	vld [tilespmem:s25+$0x50]  }
0x1b1: {  	v19 =	vadd.f32 v63, v19;
	v63 =	vld [tilespmem:s25+$0x60];
	v10 =	vadd.f32 v54, v10  }
0x1b2: {  	v1 =	vadd.f32 v1, v51;
	v28 =	vld [tilespmem:s25+$0x70];
	v7 =	vadd.f32 v24, v7  }
0x1b3: {  	v32 =	vld [tilespmem:s25+$0xE0];
	v19 =	vadd.f32 v27, v19;
	v10 =	vadd.f32 v44, v10  }
0x1b4: {  	v33 =	vld [tilespmem:$0x1FEA0];
	v1 =	vadd.f32 v60, v1;
	v7 =	vadd.f32 v53, v7  }
0x1b5: {  	v19 =	vadd.f32 v55, v19;
	v39 =	vadd.f32 v39, v10;
	v10 =	vld [tilespmem:$0x1FED0]  }
0x1b6: {  	v54 =	vld [tilespmem:$0x1FE90];
	v1 =	vadd.f32 v56, v1  }
0x1b7: {  	v7 =	vadd.f32 v43, v7;
	v19 =	vadd.f32 v45, v19;
	v45 =	vld [tilespmem:$0x1FE80]  }
0x1b8: {  	v15 =	vmul.f32 v15, v30;
	v14 =	vmul.f32 v14, v30;
	v1 =	vadd.f32 v46, v1;
	v46 =	vld [tilespmem:$0x1FEB0]  }
0x1b9: {  	v16 =	vmul.f32 v16, v29;
	v18 =	vmul.f32 v18, v31;
	v43 =	vadd.f32 v37, v7;
	v7 =	vld [tilespmem:s25+$0xF0]  }
0x1ba: {  	v23 =	vmul.f32 v23, v34;
	v24 =	vmul.f32 v59, v34;
	v10 =	vadd.f32 v10, v1;
	v1 =	vld [tilespmem:s25+$0x160]  }
0x1bb: {  	v51 =	vld [tilespmem:s25+$0x170];
	v27 =	vmul.f32 v63, v34;
	v28 =	vmul.f32 v28, v34  }
0x1bc: {  	v53 =	vmul.f32 v49, v31;
	v55 =	vld [tilespmem:s25+$0x1E0];
	v37 =	vadd.f32 v38, v19;
	v19 =	vadd.f32 v23, v45  }
0x1bd: {  	v56 =	vld [tilespmem:s25+$0x1F0];
	v32 =	vmul.f32 v32, v31;
	v27 =	vadd.f32 v27, v33;
	v23 =	vadd.f32 v24, v46  }
0x1be: {  	v57 =	vld [tilespmem:s25+$0x260];
	v28 =	vadd.f32 v28, v54;
	v7 =	vmul.f32 v7, v31;
	v18 =	vadd.f32 v18, v19  }
0x1bf: {  	v58 =	vld [tilespmem:s25+$0x270];
	v27 =	vadd.f32 v32, v27;
	v23 =	vadd.f32 v53, v23;
	v1 =	vmul.f32 v1, v30  }
0x1c0: {  	v59 =	vld [tilespmem:s25+$0x2E0];
	v24 =	vmul.f32 v51, v30;
	v7 =	vadd.f32 v7, v28;
	v15 =	vadd.f32 v15, v18  }
0x1c1: {  	v63 =	vld [tilespmem:s25+$0x2F0];
	v60 =	vmul.f32 v55, v29;
	v14 =	vadd.f32 v14, v23;
	v1 =	vadd.f32 v1, v27  }
0x1c2: {  	v19 =	vmul.f32 v56, v29;
	v30 =	vld [tilespmem:s25+$0x360];
	v7 =	vadd.f32 v24, v7;
	v12 =	vadd.f32 v12, v15  }
0x1c3: {  	v32 =	vld [tilespmem:s25+$0x370];
	v31 =	vmul.f32 v57, v26;
	v14 =	vadd.f32 v16, v14;
	v1 =	vadd.f32 v60, v1  }
0x1c4: {  	v34 =	vld [tilespmem:s25+$0x3E0];
	v33 =	vmul.f32 v58, v26;
	v7 =	vadd.f32 v19, v7;
	v12 =	vadd.f32 v50, v12  }
0x1c5: {  	v38 =	vld [tilespmem:s25+$0x3F0];
	v18 =	vmul.f32 v59, v25;
	v14 =	vadd.f32 v52, v14;
	v1 =	vadd.f32 v31, v1  }
0x1c6: {  	v44 =	vmul.f32 v63, v25;
	v45 =	vld [tilespmem:s25+$0x460];
	v7 =	vadd.f32 v33, v7;
	v2 =	vadd.f32 v2, v12  }
0x1c7: {  	v49 =	vld [tilespmem:s25+$0x470];
	v46 =	vmul.f32 v30, v22;
	v9 =	vadd.f32 v9, v14;
	v1 =	vadd.f32 v18, v1  }
0x1c8: {  	v50 =	vmul.f32 v32, v22;
	v7 =	vadd.f32 v44, v7;
	v0 =	vadd.f32 v0, v2;
	v2 =	vld [tilespmem:s25+$0x4E0]  }
0x1c9: {  	v51 =	vld [tilespmem:s25+$0x4F0];
	v3 =	vadd.f32 v3, v9;
	v9 =	vmul.f32 v34, v21;
	v1 =	vadd.f32 v46, v1  }
0x1ca: {  	v54 =	vld [tilespmem:s25+$0x5F0];
	v16 =	vmul.f32 v38, v21;
	v7 =	vadd.f32 v50, v7  }
0x1cb: {  	v12 =	vmul.f32 v45, v20;
	v1 =	vadd.f32 v9, v1;
	v9 =	vld [tilespmem:s25+$0x570]  }
0x1cc: {  	v53 =	vld [tilespmem:s25+$0x5E0];
	v15 =	vmul.f32 v49, v20;
	v7 =	vadd.f32 v16, v7  }
0x1cd: {  	v55 =	vld [tilespmem:s25+$0x660];
	v2 =	vmul.f32 v2, v17;
	v1 =	vadd.f32 v12, v1  }
0x1ce: {  	v57 =	vld [tilespmem:s25+$0x6E0];
	v14 =	vmul.f32 v51, v17;
	v7 =	vadd.f32 v15, v7  }
0x1cf: {  	v0 =	vadd.f32 v61, v0;
	v1 =	vadd.f32 v2, v1;
	v2 =	vld [tilespmem:s25+$0x670]  }
0x1d0: {  	v59 =	vld [tilespmem:s25+$0x6F0];
	v3 =	vadd.f32 v62, v3;
	v7 =	vadd.f32 v14, v7;
	v9 =	vmul.f32 v9, v13  }
0x1d1: {  	v58 =	vmul.f32 v53, v11;
	v52 =	vld [tilespmem:s25+$0x560];
	v0 =	vadd.f32 v47, v0  }
0x1d2: {  	v3 =	vadd.f32 v48, v3;
	v7 =	vadd.f32 v9, v7;
	v9 =	vmul.f32 v54, v11;
	v11 =	vld [tilespmem:$0x1FF50]  }
0x1d3: {  	v60 =	vld [tilespmem:$0x1FF60];
	v61 =	vmul.f32 v55, v8;
	v0 =	vadd.f32 v41, v0  }
0x1d4: {  	v3 =	vadd.f32 v42, v3;
	v7 =	vadd.f32 v9, v7;
	v2 =	vmul.f32 v2, v8;
	v8 =	vld [tilespmem:$0x1FF30]  }
0x1d5: {  	v0 =	vadd.f32 v35, v0;
	v9 =	vld [tilespmem:$0x1FF40]  }
0x1d6: {  	v3 =	vadd.f32 v36, v3;
	v2 =	vadd.f32 v2, v7;
	v7 =	vld [tilespmem:$0x1FF10]  }
0x1d7: {  	v56 =	vmul.f32 v52, v13;
	v0 =	vadd.f32 v11, v0  }
0x1d8: {  	v3 =	vadd.f32 v60, v3  }
0x1d9: {  	v63 =	vld [tilespmem:s25+$0x7F0];
	v1 =	vadd.f32 v56, v1;
	v0 =	vadd.f32 v8, v0  }
0x1da: {  	v11 =	vld [tilespmem:s25+$0x760];
	v3 =	vadd.f32 v9, v3;
	v9 =	vmul.f32 v57, v6;
	v6 =	vmul.f32 v59, v6  }
0x1db: {  	v0 =	vadd.f32 v7, v0;
	v7 =	vld [tilespmem:$0x1FF20]  }
0x1dc: {  	s29 =	sadd.s32 $0x7, s17;
	v1 =	vadd.f32 v58, v1;
	v2 =	vadd.f32 v6, v2;
	v6 =	vld [tilespmem:$0x1FEF0]  }
0x1dd: {  	p4 =	sge.u32 s29, s13;
	v62 =	vld [tilespmem:s25+$0x770]  }
0x1de: {  	v1 =	vadd.f32 v61, v1;
	v8 =	vld [tilespmem:s25+$0x7E0];
	s25 =	smul.u32 @!p4 $0x1C0, s29;
	_ =	sdelay $0x1  }
0x1df: {  	v1 =	vadd.f32 v9, v1;
	s25 =	sshra.s32 @!p4 s25, $0x2  }
0x1e0: {  	s17 =	sadd.s32 $0x1, s17;
	s29 =	simm.s32 @!p4 $0x70;
	s25 =	sadd.s32 @!p4 $0x2080, s25;
	v3 =	vadd.f32 v7, v3;
	v7 =	vmul.f32 v11, v5;
	v0 =	vadd.f32 v6, v0;
	v6 =	vld [tilespmem:$0x1FF00]  }
0x1e1: {  	[tilespmem:s26], [sflag:s22] =	stream.indirect.gather @!p4 [hbm4b:s0+s29], $0x80, s25, s29, $0xb8;
	[tilespmem:$0x1D310] =	vst v63  }
0x1e2: {  	p4 =	sne.s32 s17, s13;
	v5 =	vmul.f32 v62, v5;
	v1 =	vadd.f32 v7, v1;
	v7 =	vadd.f32 v40, v0;
	v0 =	vld [tilespmem:$0x1FEE0]  }
.Ltmp8:
0x1e3: {  	_ = 	snop;
	(pc) =	sbr.rel @p4 .LBB2_9-.Ltmp8, $4  }
0x1e4: {  	v2 =	vadd.f32 v5, v2;
	v5 =	vmul.f32 v8, v4  }
0x1e5: {  	v4 =	vmul.f32 v63, v4;
	v3 =	vadd.f32 v6, v3  }
0x1e6: {  	v1 =	vadd.f32 v5, v1  }
0x1e7: {  	s3 =	sadd.s32 $0x70, s3;
	s18 =	sadd.s32 $0x3800, s18;
	v6 =	vadd.f32 v0, v3;
	v3 =	vadd.f32 v4, v2  }
0x1e8: {  	v0 =	vld [tilespmem:$0x1FFD0];
	_ =	sdelay $0x4  }
0x1e9: {  	(xrf2) =	vadd.scan.msk.f32 $0xffff, v0;
	_ =	sdelay $0x9  }
0x1ea: {  	v0, _, _ =	vpop (xrf2)  }
0x1eb: {  	_ =	swait.ge [sflag:s28], $0x2000  }
0x1ec: {  	[sflag:s28] =	ssyncset.done $0x0  }
0x1ed: {  	[sflag:s28] =	ssyncadd.s32 $0xFFFFE000  }
0x1ee: {  	[hbm4b:s14+s4] =	stream.linear.scatter [tilespmem:s23], [sflag:$0x9], $0x2000, $0x38;
	[tilespmem:$0x1D310] =	vst v63  }
0x1ef: {  	_ =	swait.ge [sflag:s21], $0x2000  }
0x1f0: {  	[sflag:s21] =	ssyncset.done $0x0  }
0x1f1: {  	[sflag:s21] =	ssyncadd.s32 $0xFFFFE000  }
0x1f2: {  	[tilespmem:$0x1C080] =	vst v43  }
0x1f3: {  	v63 =	vld [tilespmem:$0x1FFC0];
	[tilespmem:$0x1C090] =	vst v39  }
0x1f4: {  	[tilespmem:$0x1C0A0] =	vst v37  }
0x1f5: {  	[tilespmem:$0x1C0B0] =	vst v10  }
0x1f6: {  	[tilespmem:$0x1C0C0] =	vst v7  }
0x1f7: {  	v0 =	vbroadcast v0, $0xF;
	[tilespmem:$0x1C0D0] =	vst v6  }
0x1f8: {  	[tilespmem:$0x1C0E0] =	vst v1;
	v1 =	vnsel vm0, $0x0, v63  }
0x1f9: {  	[tilespmem:$0x1C0F0] =	vst v3;
	v0 =	vsel vm1, v1, v0  }
0x1fa: {  	s3 =	simm.s32 $0x1C080;
	[tilespmem:$0x1C100] =	vst v0  }
0x1fb: {  	[spmem:s15] =	stream.linear.scatter [tilespmem:s3], [sflag:$0x9], $0x80, $0x38;
	[tilespmem:$0x1D310] =	vst v63  }
0x1fc: {  	_ =	swait.ge [sflag:s21], $0x80  }
0x1fd: {  	[sflag:s21] =	ssyncset.done $0x0  }
0x1fe: {  	[sflag:s21] =	ssyncadd.s32 $0xFFFFFF80  }
0x1ff: {  	[spmem:s16] =	stream.linear.scatter [tilespmem:s30], [sflag:$0x9], $0x80, $0x38;
	[tilespmem:$0x1D310] =	vst v63  }
.Ltmp9:
0x200: {  	_ =	swait.ge [sflag:s21], $0x80;
	(pc) =	sbr.rel @p1 .LBB2_16-.Ltmp9, $3  }
0x201: {  	[sflag:s21] =	ssyncset.done $0x0  }
0x202: {  	[sflag:s21] =	ssyncadd.s32 $0xFFFFFF80  }
0x203: {  	[bflag:$0x0] =	sbarrier.arrive $0xFFFF;
	_ =	sdelay $0x1  }
0x204: {  	s3 =	rddreg [dreg:$0x7];
	s17 =	simm.s32 $0x1C200  }
0x205: {  	[tilespmem:s17], [sflag:$0x9] =	stream.linear.gather [spmem:s3], $0x800, $0x38;
	[tilespmem:$0x1D310] =	vst v63  }
0x206: {  	_ =	swait.ge [sflag:s21], $0x800  }
0x207: {  	[sflag:s21] =	ssyncset.done $0x0  }
0x208: {  	[sflag:s21] =	ssyncadd.s32 $0xFFFFF800  }
0x209: {  	s22 =	simm.s32 $0x1CA00;
	s18 =	rddreg [dreg:$0x8]  }
0x20a: {  	[tilespmem:s22], [sflag:$0x9] =	stream.linear.gather [spmem:s18], $0x800, $0x38;
	[tilespmem:$0x1D310] =	vst v63  }
0x20b: {  	_ =	swait.ge [sflag:s21], $0x800  }
0x20c: {  	v0 =	vld [tilespmem:$0x1FFF0];
	_ =	sdelay $0x5  }
0x20d: {  	[sflag:s21] =	ssyncset.done $0x0  }
0x20e: {  	[sflag:s21] =	ssyncadd.s32 $0xFFFFF800  }
0x20f: {  	v1 =	vld.idx.msk [tilespmem:v0+s22+$0x0], $0xffff;
	_ =	sdelay $0x4  }
0x210: {  	(xrf0) =	vmax.scan.msk.f32 $0xffff, v1;
	_ =	sdelay $0x5  }
0x211: {  	v0, _, _ =	vpop (xrf0)  }
0x212: {  	v0 =	vbroadcast v0, $0xF;
	_ =	sdelay $0x1  }
0x213: {  	v1 =	vsub.f32 v1, v0;
	_ =	sdelay $0x1  }
0x214: {  	v1 =	vmul.f32 $1.442695020e+00, v1;
	_ =	sdelay $0x1  }
0x215: {  	(erf) = vpow2.f32 v1;
	_ =	sdelay $0x1  }
0x216: {  	v2 =	vld [tilespmem:$0x1FFE0];
	_ =	sdelay $0x2  }
0x217: {  	s25 =	simm.s32 $0x0  }
0x218: {  	v1 =	vmov s25;
	_ =	sdelay $0x2  }
0x219: {  	v4 =	vpop (erf)  }
0x21a: {  	v3 =	vld.idx.msk [tilespmem:v2+s22+$0x0], $0xffff;
	[tilespmem:$0x1C180] =	vst v4  }
0x21b: {  	s26 =	simm.s32 $0x1C240;
	v12 =	vld.idx.msk [tilespmem:v1+s1+$0x0], $0xffff  }
0x21c: {  	v1 =	vld [tilespmem:s26+$0x30]  }
0x21d: {  	v2 =	vld [tilespmem:s26+$0xFFFFFFC0]  }
0x21e: {  	v5 =	vld [tilespmem:s26+$0xFFFFFFD0]  }
0x21f: {  	s29 =	simm.s32 $0x1;
	v7 =	vld [tilespmem:s26+$0xFFFFFFE0]  }
0x220: {  	v6 =	vmov s29;
	v8 =	vld [tilespmem:s26+$0xFFFFFFF0]  }
0x221: {  	v11 =	vld [tilespmem:s26+$0x0]  }
0x222: {  	v15 =	vld [tilespmem:s26+$0x10]  }
0x223: {  	v18 =	vld [tilespmem:s26+$0x20]  }
0x224: {  	v9 =	vimm.f32 $0.0e+00;
	s31 =	simm.s32 $0x2;
	v10 =	vmul.f32 v2, v12  }
0x225: {  	s3 =	simm.s32 $0x1C2C0;
	v16 =	vmov s31;
	v1 =	vmul.f32 v1, v12;
	v13 =	vmul.f32 v5, v12;
	v2 =	vld.idx.msk [tilespmem:v6+s1+$0x0], $0xffff  }
0x226: {  	v7 =	vmul.f32 v7, v12;
	v8 =	vmul.f32 v8, v12;
	v5 =	vadd.f32 v10, v9;
	v10 =	vld [tilespmem:s3+$0x30]  }
0x227: {  	v11 =	vmul.f32 v11, v12;
	v17 =	vmul.f32 v15, v12;
	v6 =	vadd.f32 v13, v9;
	v13 =	vld [tilespmem:s3+$0xFFFFFFC0]  }
0x228: {  	v14 =	vld [tilespmem:s3+$0xFFFFFFD0];
	v18 =	vmul.f32 v18, v12;
	v1 =	vadd.f32 v1, v9;
	v7 =	vadd.f32 v7, v9  }
0x229: {  	s17 =	simm.s32 $0x3;
	v15 =	vld [tilespmem:s3+$0xFFFFFFE0];
	v12 =	vimm.f32 $0.0e+00;
	v8 =	vadd.f32 v8, v9;
	v11 =	vadd.f32 v11, v9  }
.LBB2_14:
0x22a: {  	p4 =	sne.s32 s17, $0xF;
	v19 =	vld [tilespmem:s3+$0xFFFFFFF0];
	v9 =	vadd.f32 v17, v9  }
0x22b: {  	v17 =	vld [tilespmem:s3+$0x0];
	v10 =	vmul.f32 v10, v2;
	v12 =	vadd.f32 v18, v12;
	v18 =	vmov v2  }
0x22c: {  	v13 =	vmul.f32 v13, v18;
	v20 =	vld [tilespmem:s3+$0x10]  }
0x22d: {  	v14 =	vmul.f32 v14, v18;
	v21 =	vld [tilespmem:s3+$0x20];
	v1 =	vadd.f32 v10, v1  }
.Ltmp10:
0x22e: {  	s3 =	sadd.s32 $0x80, s3;
	v2 =	vld.idx.msk [tilespmem:v16+s1+$0x0], $0xffff;
	v5 =	vadd.f32 v13, v5;
	v15 =	vmul.f32 v15, v18;
	(pc) =	sbr.rel @p4 .LBB2_14-.Ltmp10, $4  }
0x22f: {  	v10 =	vld [tilespmem:s3+$0x30];
	v6 =	vadd.f32 v14, v6;
	v16 =	vmul.f32 v19, v18  }
0x230: {  	v13 =	vld [tilespmem:s3+$0xFFFFFFC0];
	v7 =	vadd.f32 v15, v7;
	v19 =	vmul.f32 v17, v18  }
0x231: {  	v14 =	vld [tilespmem:s3+$0xFFFFFFD0];
	v8 =	vadd.f32 v16, v8;
	v17 =	vmul.f32 v20, v18  }
0x232: {  	v16 =	vmov s17;
	s17 =	sadd.s32 $0x1, s17;
	v15 =	vld [tilespmem:s3+$0xFFFFFFE0];
	v11 =	vadd.f32 v19, v11;
	v18 =	vmul.f32 v21, v18  }
0x233: {  	v19 =	vld [tilespmem:s3+$0xFFFFFFF0]  }
0x234: {  	v20 =	vld [tilespmem:s3+$0x0]  }
0x235: {  	v21 =	vld [tilespmem:s3+$0x10]  }
0x236: {  	v22 =	vld [tilespmem:s3+$0x20]  }
0x237: {  	v16 =	vld.idx.msk [tilespmem:v16+s1+$0x0], $0xffff;
	s26 =	sadd.s32 $0x80, s3  }
0x238: {  	v23 =	vld [tilespmem:s26+$0xFFFFFFC0]  }
0x239: {  	v3 =	vmul.f32 v4, v3;
	v44 =	vld [tilespmem:s26+$0xFFFFFFD0]  }
0x23a: {  	v9 =	vadd.f32 v17, v9;
	v45 =	vld [tilespmem:s26+$0xFFFFFFE0];
	v10 =	vmul.f32 v10, v2  }
0x23b: {  	v12 =	vadd.f32 v18, v12;
	v53 =	vld [tilespmem:s26+$0x30];
	v13 =	vmul.f32 v13, v2;
	(xrf2) =	vadd.scan.msk.f32 $0xffff, v3;
	v14 =	vmul.f32 v14, v2  }
0x23c: {  	v46 =	vld [tilespmem:s26+$0xFFFFFFF0];
	v1 =	vadd.f32 v10, v1;
	v15 =	vmul.f32 v15, v2;
	v47 =	vmul.f32 v19, v2  }
0x23d: {  	v49 =	vld [tilespmem:s26+$0x0];
	v5 =	vadd.f32 v13, v5;
	v48 =	vmul.f32 v20, v2;
	v50 =	vmul.f32 v23, v16  }
0x23e: {  	v52 =	vld [tilespmem:s26+$0x20];
	v6 =	vadd.f32 v14, v6;
	v54 =	vmul.f32 v21, v2;
	v4 =	vmul.f32 v44, v16  }
0x23f: {  	v51 =	vld [tilespmem:s26+$0x10];
	v7 =	vadd.f32 v15, v7;
	v17 =	vmul.f32 v45, v16;
	v5 =	vadd.f32 v50, v5  }
0x240: {  	v55 =	vmul.f32 v22, v2;
	v62 =	vmul.f32 v53, v16;
	v4 =	vadd.f32 v4, v6  }
0x241: {  	v3 =	vmul.f32 v46, v16;
	v8 =	vadd.f32 v47, v8;
	v56 =	vadd.f32 v17, v7;
	[tilespmem:$0x1D200] =	vst v5  }
0x242: {  	v57 =	vmul.f32 v49, v16;
	v11 =	vadd.f32 v48, v11;
	v1 =	vadd.f32 v62, v1;
	[tilespmem:$0x1D210] =	vst v4  }
0x243: {  	v61 =	vmul.f32 v52, v16;
	v2 =	vadd.f32 v55, v12;
	v3 =	vadd.f32 v3, v8;
	[tilespmem:$0x1D220] =	vst v56  }
0x244: {  	v59 =	vmul.f32 v51, v16;
	v58 =	vadd.f32 v54, v9;
	v60 =	vadd.f32 v57, v11;
	[tilespmem:$0x1D270] =	vst v1  }
0x245: {  	v2 =	vadd.f32 v61, v2;
	[tilespmem:$0x1D230] =	vst v3;
	v63, _, _ =	vpop (xrf2)  }
0x246: {  	v5 =	vadd.f32 v59, v58;
	[tilespmem:$0x1D240] =	vst v60;
	v3 =	vbroadcast v63, $0xF  }
0x247: {  	v0 =	vsel vm2, $0x0, v0;
	[tilespmem:$0x1D260] =	vst v2  }
0x248: {  	[tilespmem:$0x1D250] =	vst v5;
	v0 =	vsel vm1, v0, v3  }
0x249: {  	s29 =	rddreg [dreg:$0xa];
	s17 =	simm.s32 $0x1D200;
	[tilespmem:$0x1C100] =	vst v0  }
0x24a: {  	[hbm4b:s29+s4] =	stream.linear.scatter [tilespmem:s17], [sflag:$0x9], $0x80, $0x38;
	[tilespmem:$0x1D310] =	vst v63  }
0x24b: {  	_ =	swait.ge [sflag:s21], $0x80  }
0x24c: {  	[sflag:s21] =	ssyncset.done $0x0  }
.Ltmp11:
0x24d: {  	s31 =	rddreg [dreg:$0xb];
	[sflag:s21] =	ssyncadd.s32 $0xFFFFFF80;
	(pc) =	sbr.rel .LBB2_16-.Ltmp11, $4  }
0x24e: {  	[hbm4b:s31+s4] =	stream.linear.scatter [tilespmem:s30], [sflag:$0x9], $0x80, $0x38;
	[tilespmem:$0x1D310] =	vst v63  }
0x24f: {  	_ =	swait.ge [sflag:s21], $0x80  }
0x250: {  	[sflag:s21] =	ssyncset.done $0x0  }
0x251: {  	[sflag:s21] =	ssyncadd.s32 $0xFFFFFF80  }
.LBB2_4:
.Ltmp12:
0x252: {  	(pc) =	sbr.rel .LBB2_8-.Ltmp12, $2  }
0x253: {  	_ =	sdelay $0x2  }
0x254: {  	s17 =	simm.s32 $0x3080;
	v0 =	vimm.f32 $0.0e+00  }
.LBB2_6:
.Ltmp13:
0x255: {  	(pc) =	sbr.rel .LBB2_8-.Ltmp13, $2  }
0x256: {  	_ =	sdelay $0x2  }
0x257: {  	s17 =	simm.s32 $0x3080  }
.LBB2_17:
0x258: {  	_ =	sfence.sel $0x180000  }
0x259: {  	[bflag:$0x0] =	sbarrier.arrive $0xFFFF  }
0x25a: {  	_ =	strace $0x90000047  }
0x25b: {  	[bflag:$0x2] =	sbarrier.arrive $0xFFFF  }
0x25c: {  	s0 =	rddreg [dreg:$0x9]  }
0x25d: {  	s0 =	sadd.s32 @!p1 $0x100000, s0  }
0x25e: {  	[sflag:s0] =	ssyncadd.tile.s32 @!p1 $0x1;
	_ =	shalt  }
.Lfunc_end2:
_tile_overlayer_lowered:
.L_overlay_start_2:
0x25f: {  	(tag) =	ssettag $0x2  }
0x260: {  	s0 =	rddreg [dreg:$0x0];
	s2 =	stileid.u32  }
0x261: {  	s1 =	rddreg [dreg:$0x1];
	p0 =	sne.s32 s2, $0x0  }
0x262: {  	s3 =	rddreg [dreg:$0x2];
	[bflag:$0x3] =	sbarrier.arrive $0xFFFF;
	s2 =	simm.s32 @!p0 $0x1C09  }
0x263: {  	[timem:s3], [sflag:s2] =	dma.local @!p0 [hbm:s0], s1  }
0x264: {  	s0 =	simm.s32 @!p0 $0x9  }
0x265: {  	_ =	swait.ge @!p0 [sflag:s0], s1  }
0x266: {  	s1 =	ssub.s32 @!p0 $0x0, s1;
	[sflag:s0] =	ssyncset.done @!p0 $0x0  }
0x267: {  	[sflag:s0] =	ssyncadd.s32 @!p0 s1  }
0x268: {  	[bflag:$0x3] =	sbarrier.arrive $0xFFFF  }
0x269: {  	_ =	shalt  }

</sc_bundles>
